<compile_context>
chip_gen: v7x
topology: tpu7x:2x2x1
jax: 0.10.2.dev20260603
libtpu: 0.0.44.dev20260713+nightly
codegen_flags: <defaults>
</compile_context>

<pallas_src>
import functools

import jax
import jax.numpy as jnp
from jax import lax
from jax.experimental import pallas as pl
from jax.experimental.pallas import tpu as pltpu
from jax.experimental.pallas import tpu_sc as plsc

B = 4096
CTX = 20
D = 64
VOCAB = 1_000_000
LEC = 100_000
NS = 5

NB = 16_384
BW = 64
PAD = NB * BW
L = 16

_COMPILER_PARAMS = pltpu.CompilerParams(
    needs_layout_passes=False, use_tc_tiling_on_sc=False)


def _mesh(num_cores, num_subcores):
  return plsc.VectorSubcoreMesh(
      core_axis_name="c", subcore_axis_name="s",
      num_cores=num_cores, num_subcores=num_subcores)


def _build_pool_call(num_cores: int, num_subcores: int):
  nw = num_cores * num_subcores
  b_per = B // nw
  b_sub = b_per // 4
  rows_c = b_sub * CTX
  w = CTX + 1

  @functools.partial(
      pl.kernel,
      out_type=[
          jax.ShapeDtypeStruct((B, D), jnp.float32),
          jax.ShapeDtypeStruct((B, D), jnp.float32),
      ],
      mesh=_mesh(num_cores, num_subcores),
      compiler_params=_COMPILER_PARAMS,
      scratch_types=[
          pltpu.VMEM((b_per * w,), jnp.int32),
          pltpu.VMEM((rows_c, D), jnp.float32),
          pltpu.VMEM((rows_c, D), jnp.float32),
          pltpu.VMEM((b_per, D), jnp.float32),
          pltpu.VMEM((b_per, D), jnp.float32),
          pltpu.VMEM((b_per, D), jnp.float32),
          pltpu.VMEM((b_per,), jnp.int32),
          pltpu.VMEM((b_per,), jnp.int32),
          pltpu.VMEM((b_per * CTX,), jnp.int32),
          pltpu.SemaphoreType.DMA,
          pltpu.SemaphoreType.DMA,
          pltpu.SemaphoreType.DMA,
      ],
  )
  def pool_call(inputs_hbm, target_hbm, lecture_hbm, wemb_hbm,
                dvec_hbm, tgt_hbm,
                inputs_v, rows_a, rows_b, tgt_v, lec_v, dvec_v,
                doc_v, tgt_iv, ctx_iv, sem_a, sem_b, sem_m):
    c = lax.axis_index("c")
    s = lax.axis_index("s")
    wid = s * num_cores + c
    base_b = wid * b_per

    pltpu.sync_copy(inputs_hbm.at[pl.ds(base_b * w, b_per * w)], inputs_v)
    pltpu.sync_copy(target_hbm.at[pl.ds(base_b, b_per)], tgt_iv)

    def doc_loop(g, _):
      rows = lax.iota(jnp.int32, L) + g * L
      doc_v[pl.ds(g * L, L)] = plsc.load_gather(inputs_v, [rows * w])
      return 0
    lax.fori_loop(0, b_per // L, doc_loop, 0)

    def ctx_loop(g, _):
      p = lax.iota(jnp.int32, L) + g * L
      r = p // CTX
      cc = p - r * CTX + 1
      ctx_iv[pl.ds(g * L, L)] = plsc.load_gather(inputs_v, [r * w + cc])
      return 0
    lax.fori_loop(0, (b_per * CTX) // L, ctx_loop, 0)

    tgt_cp = pltpu.make_async_copy(wemb_hbm.at[tgt_iv], tgt_v, sem_m)
    lec_cp = pltpu.make_async_copy(lecture_hbm.at[doc_v], lec_v, sem_m)
    tgt_cp.start()
    lec_cp.start()

    bufs = (rows_a, rows_b)
    sems = (sem_a, sem_b)

    def fire(sub):
      buf, sem = bufs[sub % 2], sems[sub % 2]
      cps = [
          pltpu.make_async_copy(
              wemb_hbm.at[ctx_iv.at[pl.ds(sub * rows_c + j * 128, 128)]],
              buf.at[pl.ds(j * 128, 128)], sem)
          for j in range(rows_c // 128)
      ]
      for cp in cps:
        cp.start()
      return cps

    inflight = fire(0)
    lec_cp.wait()
    tgt_cp.wait()

    for sub in range(4):
      for cp in inflight:
        cp.wait()
      cur = bufs[sub % 2]
      if sub < 3:
        inflight = fire(sub + 1)

      def acc_loop(i, _, cur=cur, sub=sub):
        b_local = sub * b_sub + i
        for q in range(D // L):
          acc = lec_v[b_local, pl.ds(q * L, L)]
          for j in range(CTX):
            acc = acc + cur[i * CTX + j, pl.ds(q * L, L)]
          dvec_v[b_local, pl.ds(q * L, L)] = acc * (1.0 / 21.0)
        return 0
      lax.fori_loop(0, b_sub, acc_loop, 0)

    pltpu.sync_copy(dvec_v, dvec_hbm.at[pl.ds(base_b, b_per)])
    pltpu.sync_copy(tgt_v, tgt_hbm.at[pl.ds(base_b, b_per)])

  return pool_call


def _build_sample_call(num_cores: int, num_subcores: int):
  nw = num_cores * num_subcores
  b_per = B // nw
  samp = b_per * NS
  cb = NB // num_subcores
  st = cb // 2

  @functools.partial(
      pl.kernel,
      out_type=jax.ShapeDtypeStruct((B * NS, D), jnp.float32),
      mesh=_mesh(num_cores, num_subcores),
      compiler_params=_COMPILER_PARAMS,
      scratch_types=[
          pltpu.VMEM((st, BW), jnp.float32),
          pltpu.VMEM((st, BW), jnp.float32),
          pltpu.VMEM((cb,), jnp.float32),
          pltpu.VMEM((NB,), jnp.float32),
          pltpu.VMEM_SHARED((NB,), jnp.float32),
          pltpu.VMEM((samp, D), jnp.float32),
          pltpu.VMEM((samp,), jnp.float32),
          pltpu.VMEM((samp,), jnp.int32),
          pltpu.VMEM((samp,), jnp.int32),
          pltpu.SemaphoreType.DMA,
          pltpu.SemaphoreType.DMA,
      ],
  )
  def sample_call(cdf2d_hbm, u_hbm, wemb_hbm, nvec_hbm,
                  stage_a, stage_b, cc_v, coarse_v, shared_coarse,
                  rows_v, u_v, bucket_v, nw_v, sem_a, sem_b):
    c = lax.axis_index("c")
    s = lax.axis_index("s")
    wid = s * num_cores + c

    cp_a = pltpu.make_async_copy(
        cdf2d_hbm.at[pl.ds(s * cb, st)], stage_a, sem_a)
    cp_b = pltpu.make_async_copy(
        cdf2d_hbm.at[pl.ds(s * cb + st, st)], stage_b, sem_b)
    cp_a.start()
    cp_b.start()
    pltpu.sync_copy(u_hbm.at[pl.ds(wid * samp, samp)], u_v)

    for h, (cp, stage) in enumerate(((cp_a, stage_a), (cp_b, stage_b))):
      cp.wait()

      def ext_loop(g, _, h=h, stage=stage):
        rows = lax.iota(jnp.int32, L) + g * L
        cols = jnp.full((L,), BW - 1, jnp.int32)
        cc_v[pl.ds(h * st + g * L, L)] = plsc.load_gather(stage, [rows, cols])
        return 0
      lax.fori_loop(0, st // L, ext_loop, 0)

    pltpu.sync_copy(cc_v, shared_coarse.at[pl.ds(s * cb, cb)])
    plsc.subcore_barrier()
    pltpu.sync_copy(shared_coarse, coarse_v)

    def coarse_search(g, _):
      u = u_v[pl.ds(g * L, L)]
      lo = jnp.zeros((L,), jnp.int32)
      hi = jnp.full((L,), NB - 1, jnp.int32)
      for _ in range(14):
        mid = (lo + hi) >> 1
        vals = plsc.load_gather(coarse_v, [mid])
        pred = vals < u
        lo = jnp.where(pred, mid + 1, lo)
        hi = jnp.where(pred, hi, mid)
      bucket_v[pl.ds(g * L, L)] = lo
      return 0
    lax.fori_loop(0, samp // L, coarse_search, 0)

    win = [
        pltpu.make_async_copy(
            cdf2d_hbm.at[bucket_v.at[pl.ds(j * 128, 128)]],
            rows_v.at[pl.ds(j * 128, 128)], sem_a)
        for j in range(samp // 128)
    ]
    for cp in win:
      cp.start()
    for cp in win:
      cp.wait()

    def fine_search(g, _):
      u = u_v[pl.ds(g * L, L)]
      rows = lax.iota(jnp.int32, L) + g * L
      lo = jnp.zeros((L,), jnp.int32)
      hi = jnp.full((L,), BW - 1, jnp.int32)
      for _ in range(6):
        mid = (lo + hi) >> 1
        vals = plsc.load_gather(rows_v, [rows, mid])
        pred = vals < u
        lo = jnp.where(pred, mid + 1, lo)
        hi = jnp.where(pred, hi, mid)
      bucket = bucket_v[pl.ds(g * L, L)]
      word = jnp.minimum(bucket * BW + lo,
                         jnp.full((L,), VOCAB - 1, jnp.int32))
      nw_v[pl.ds(g * L, L)] = word
      return 0
    lax.fori_loop(0, samp // L, fine_search, 0)

    neg = [
        pltpu.make_async_copy(
            wemb_hbm.at[nw_v.at[pl.ds(j * 128, 128)]],
            rows_v.at[pl.ds(j * 128, 128)], sem_b)
        for j in range(samp // 128)
    ]
    for cp in neg:
      cp.start()
    for cp in neg:
      cp.wait()

    def neg_loop(r, _):
      for q in range(D // L):
        rows_v[r, pl.ds(q * L, L)] = -rows_v[r, pl.ds(q * L, L)]
      return 0
    lax.fori_loop(0, samp, neg_loop, 0)
    pltpu.sync_copy(rows_v, nvec_hbm.at[pl.ds(wid * samp, samp)])

  return sample_call


def kernel(inputs, target, lecture, word_emb, freq_dic):
  inputs = inputs.astype(jnp.int32)
  target = target.astype(jnp.int32)

  cdf = jnp.cumsum(freq_dic)
  total = cdf[-1]
  u = jax.random.uniform(jax.random.key(42), (B * NS,), dtype=jnp.float32) * total
  cdf2d = jnp.concatenate(
      [cdf, jnp.full((PAD - VOCAB,), total, jnp.float32)]).reshape(NB, BW)

  info = plsc.get_sparse_core_info()
  nc, ns = info.num_cores, info.num_subcores
  dvec, tgt = _build_pool_call(nc, ns)(
      inputs.reshape(-1), target, lecture, word_emb)
  nvec = _build_sample_call(nc, ns)(cdf2d, u, word_emb)

  return (dvec.reshape(B, 1, D), tgt.reshape(B, 1, D), nvec.reshape(B, D, NS))

# --- scband reference (transcript-rebuilt; emitter-appended) ---
"""Pipeline reference for scband-doc2vec-8435315769580 (READ-ONLY COPY).

The authoritative reference and input builder live on the scoring server;
editing this copy changes nothing except your own understanding.
"""

import jax, jax.numpy as jnp
import numpy as np

B = 4096
CTX = 20
D = 64
VOCAB = 1000000
LEC = 100000
NS = 5


def _multinomial(key, freq, num):
    # torch.multinomial(freq, num, replacement) equivalent: inverse-CDF sampling
    cdf = jnp.cumsum(freq)
    u = jax.random.uniform(key, (num,), dtype=jnp.float32) * cdf[-1]
    return jnp.clip(jnp.searchsorted(cdf, u), 0, freq.shape[0] - 1)


def setup_inputs(seed: int = 0) -> dict:
    key = jax.random.key(seed)
    k1, k2, k3, k4, k5 = jax.random.split(key, 5)
    inputs = jax.random.randint(k1, (B, CTX + 1), 0, LEC)
    target = jax.random.randint(k2, (B,), 0, VOCAB)
    lecture = jax.random.normal(k3, (LEC, D), dtype=jnp.float32) * 0.02
    word_emb = jax.random.normal(k4, (VOCAB, D), dtype=jnp.float32) * 0.02
    freq_dic = jax.random.uniform(k5, (VOCAB,), dtype=jnp.float32) + 1e-3
    return {"inputs": inputs, "target": target, "lecture": lecture, "word_emb": word_emb, "freq_dic": freq_dic}


def reference(inputs, target, lecture, word_emb, freq_dic):
    bsz = target.shape[0]
    doc_id = inputs[:, 0:1]
    context = inputs[:, 1:]
    lec_vec = jnp.take(lecture, doc_id, axis=0)          # [B, 1, D]
    context_vec = jnp.take(word_emb, context, axis=0)    # [B, CTX, D]
    target_vec = jnp.take(word_emb, target, axis=0)[:, None, :]  # [B, 1, D]
    nwords = _multinomial(jax.random.key(42), freq_dic, bsz * NS).reshape(bsz, NS)
    # torch: word_emb[nwords].neg().view(B, -1, NS) -> row-major reshape [B,NS,D] -> [B,D,NS]
    n_vec = (-jnp.take(word_emb, nwords, axis=0)).reshape(bsz, -1, NS)
    d_vec = jnp.concatenate((lec_vec, context_vec), axis=1).mean(axis=1)[:, None, :]  # [B, 1, D]
    return (d_vec, target_vec, n_vec)

if __name__ == "__main__":
    import jax
    _d = setup_inputs()
    print(jax.jit(kernel)(*tuple(_d.values())))

</pallas_src>

<mosaic_0001>
#map = affine_map<(d0, d1) -> (0, 0)>
#map1 = affine_map<(d0, d1) -> (0)>
module attributes {stable_mosaic.version = 14 : i64} {
  func.func @sample_call(%arg0: i32, %arg1: i32, %arg2: memref<16384x64xf32, #tpu.memory_space<hbm>>, %arg3: memref<20480xf32, #tpu.memory_space<hbm>>, %arg4: memref<1000000x64xf32, #tpu.memory_space<hbm>>, %arg5: memref<20480x64xf32, #tpu.memory_space<hbm>>, %arg6: memref<512x64xf32, #tpu.memory_space<vmem>>, %arg7: memref<512x64xf32, #tpu.memory_space<vmem>>, %arg8: memref<1024xf32, #tpu.memory_space<vmem>>, %arg9: memref<16384xf32, #tpu.memory_space<vmem>>, %arg10: memref<16384xf32, #tpu.memory_space<vmem_shared>>, %arg11: memref<640x64xf32, #tpu.memory_space<vmem>>, %arg12: memref<640xf32, #tpu.memory_space<vmem>>, %arg13: memref<640xi32, #tpu.memory_space<vmem>>, %arg14: memref<640xi32, #tpu.memory_space<vmem>>, %arg15: memref<!tpu.dma_semaphore, #tpu.memory_space<semaphore_mem>>, %arg16: memref<!tpu.dma_semaphore, #tpu.memory_space<semaphore_mem>>) attributes {dimension_semantics = [#tpu.dimension_semantics<core_parallel>, #tpu.dimension_semantics<subcore_parallel>], iteration_bounds = array<i64: 2, 16>, scalar_prefetch = 0 : i64, scratch_operands = 11 : i64, tpu.core_type = #tpu.core_type<sc_vector_subcore>, window_params = [{transform_indices = #map}, {transform_indices = #map1}, {transform_indices = #map}, {transform_indices = #map}]} {
    %mul3A = arith.constant 2 : i32
    %mul3A_0 = arith.muli %arg1, %mul3A : i32
    %add3A = arith.addi %mul3A_0, %arg0 : i32
    %mul3A_1 = arith.constant 1024 : i32
    %mul3A_2 = arith.muli %arg1, %mul3A_1 : i32
    %mul3A_3 = arith.constant 1024 : i32
    %mul3A_4 = arith.muli %arg1, %mul3A_3 : i32
    %add3A_5 = arith.constant 512 : i32
    %add3A_6 = arith.addi %mul3A_4, %add3A_5 : i32
    %dma_start3A = arith.constant 0 : i32
    %dma_start3A_7 = tpu.memref_slice %arg2[%mul3A_2, %dma_start3A] : memref<16384x64xf32, #tpu.memory_space<hbm>> -> memref<512x64xf32, #tpu.memory_space<hbm>>
    %dma_start3A_8 = arith.constant 0 : i32
    %dma_start3A_9 = tpu.memref_slice %arg2[%mul3A_2, %dma_start3A_8] : memref<16384x64xf32, #tpu.memory_space<hbm>> -> memref<512x64xf32, #tpu.memory_space<hbm>>
    tpu.enqueue_dma source(%dma_start3A_9 : memref<512x64xf32, #tpu.memory_space<hbm>>) target(%arg6 : memref<512x64xf32, #tpu.memory_space<vmem>>) target_semaphore(%arg15 : memref<!tpu.dma_semaphore, #tpu.memory_space<semaphore_mem>>)
    %dma_start3A_10 = arith.constant 0 : i32
    %dma_start3A_11 = tpu.memref_slice %arg2[%add3A_6, %dma_start3A_10] : memref<16384x64xf32, #tpu.memory_space<hbm>> -> memref<512x64xf32, #tpu.memory_space<hbm>>
    %dma_start3A_12 = arith.constant 0 : i32
    %dma_start3A_13 = tpu.memref_slice %arg2[%add3A_6, %dma_start3A_12] : memref<16384x64xf32, #tpu.memory_space<hbm>> -> memref<512x64xf32, #tpu.memory_space<hbm>>
    tpu.enqueue_dma source(%dma_start3A_13 : memref<512x64xf32, #tpu.memory_space<hbm>>) target(%arg7 : memref<512x64xf32, #tpu.memory_space<vmem>>) target_semaphore(%arg16 : memref<!tpu.dma_semaphore, #tpu.memory_space<semaphore_mem>>)
    %mul3A_14 = arith.constant 640 : i32
    %mul3A_15 = arith.muli %add3A, %mul3A_14 : i32
    "tpu.region"() ({
      %run_scoped3A = tpu.sem_alloc : memref<!tpu.dma_semaphore, #tpu.memory_space<semaphore_mem>>
      %dma_start3A_221 = tpu.memref_slice %arg3[%mul3A_15] : memref<20480xf32, #tpu.memory_space<hbm>> -> memref<640xf32, #tpu.memory_space<hbm>>
      %dma_start3A_222 = tpu.memref_slice %arg3[%mul3A_15] : memref<20480xf32, #tpu.memory_space<hbm>> -> memref<640xf32, #tpu.memory_space<hbm>>
      tpu.enqueue_dma source(%dma_start3A_222 : memref<640xf32, #tpu.memory_space<hbm>>) target(%arg12 : memref<640xf32, #tpu.memory_space<vmem>>) target_semaphore(%run_scoped3A : memref<!tpu.dma_semaphore, #tpu.memory_space<semaphore_mem>>)
      %dma_wait3A_223 = tpu.memref_slice %arg3[%mul3A_15] : memref<20480xf32, #tpu.memory_space<hbm>> -> memref<640xf32, #tpu.memory_space<hbm>>
      %dma_wait3A_224 = tpu.memref_slice %arg3[%mul3A_15] : memref<20480xf32, #tpu.memory_space<hbm>> -> memref<640xf32, #tpu.memory_space<hbm>>
      tpu.wait_dma2 semaphore(%run_scoped3A : memref<!tpu.dma_semaphore, #tpu.memory_space<semaphore_mem>>) src(%dma_wait3A_224 : memref<640xf32, #tpu.memory_space<hbm>>) dst(%arg12 : memref<640xf32, #tpu.memory_space<vmem>>)
      tpu.yield
    }) : () -> ()
    %dma_wait3A = arith.constant 0 : i32
    %dma_wait3A_16 = tpu.memref_slice %arg2[%mul3A_2, %dma_wait3A] : memref<16384x64xf32, #tpu.memory_space<hbm>> -> memref<512x64xf32, #tpu.memory_space<hbm>>
    %dma_wait3A_17 = arith.constant 0 : i32
    %dma_wait3A_18 = tpu.memref_slice %arg2[%mul3A_2, %dma_wait3A_17] : memref<16384x64xf32, #tpu.memory_space<hbm>> -> memref<512x64xf32, #tpu.memory_space<hbm>>
    tpu.wait_dma2 semaphore(%arg15 : memref<!tpu.dma_semaphore, #tpu.memory_space<semaphore_mem>>) src(%dma_wait3A_18 : memref<512x64xf32, #tpu.memory_space<hbm>>) dst(%arg6 : memref<512x64xf32, #tpu.memory_space<vmem>>)
    %scan3A = arith.constant 0 : i32
    %scan3A_19 = arith.constant 0 : i32
    %scan3A_20 = arith.constant 32 : i32
    %scan3A_21 = arith.addi %scan3A_19, %scan3A_20 : i32
    %scan3A_22 = arith.constant 1 : i32
    %scan3A_23 = scf.for %scan3A_221 = %scan3A_19 to %scan3A_21 step %scan3A_22 iter_args(%scan3A_222 = %scan3A) -> (i32)  : i32 {
      %iota3A = tpu.iota {dimensions = array<i32: 0>} : vector<16xi32>
      %mul3A_223 = arith.constant 16 : i32
      %mul3A_224 = arith.muli %scan3A_221, %mul3A_223 : i32
      %add3A_225 = vector.broadcast %mul3A_224 : i32 to vector<16xi32>
      %add3A_226 = arith.addi %iota3A, %add3A_225 : vector<16xi32>
      %broadcast_in_dim3A = arith.constant 63 : i32
      %broadcast_in_dim3A_227 = vector.broadcast %broadcast_in_dim3A : i32 to vector<16xi32>
      %gather3A = tpu.vector_load_idx %arg6[%add3A_226, %broadcast_in_dim3A_227] : memref<512x64xf32, #tpu.memory_space<vmem>>[vector<16xi32>, vector<16xi32>], vector<16xf32>,
      %mul3A_228 = arith.constant 16 : i32
      %mul3A_229 = arith.muli %scan3A_221, %mul3A_228 : i32
      %add3A_230 = arith.constant 0 : i32
      %add3A_231 = arith.addi %add3A_230, %mul3A_229 : i32
      %swap3A = arith.index_cast %add3A_231 : i32 to index
      %swap3A_232 = tpu.vector_load %arg8[%swap3A] {strides = array<i32>} : memref<1024xf32, #tpu.memory_space<vmem>>, vector<16xf32>,
      tpu.vector_store %arg8[%swap3A], %gather3A {strides = array<i32>} : memref<1024xf32, #tpu.memory_space<vmem>>, vector<16xf32>,
      %scan3A_233 = arith.constant 0 : i32
      scf.yield %scan3A_233 : i32
    }
    %scan3A_24 = arith.constant 32 : i32
    %dma_wait3A_25 = arith.constant 0 : i32
    %dma_wait3A_26 = tpu.memref_slice %arg2[%add3A_6, %dma_wait3A_25] : memref<16384x64xf32, #tpu.memory_space<hbm>> -> memref<512x64xf32, #tpu.memory_space<hbm>>
    %dma_wait3A_27 = arith.constant 0 : i32
    %dma_wait3A_28 = tpu.memref_slice %arg2[%add3A_6, %dma_wait3A_27] : memref<16384x64xf32, #tpu.memory_space<hbm>> -> memref<512x64xf32, #tpu.memory_space<hbm>>
    tpu.wait_dma2 semaphore(%arg16 : memref<!tpu.dma_semaphore, #tpu.memory_space<semaphore_mem>>) src(%dma_wait3A_28 : memref<512x64xf32, #tpu.memory_space<hbm>>) dst(%arg7 : memref<512x64xf32, #tpu.memory_space<vmem>>)
    %scan3A_29 = arith.constant 0 : i32
    %scan3A_30 = arith.constant 0 : i32
    %scan3A_31 = arith.constant 32 : i32
    %scan3A_32 = arith.addi %scan3A_30, %scan3A_31 : i32
    %scan3A_33 = arith.constant 1 : i32
    %scan3A_34 = scf.for %scan3A_221 = %scan3A_30 to %scan3A_32 step %scan3A_33 iter_args(%scan3A_222 = %scan3A_29) -> (i32)  : i32 {
      %iota3A = tpu.iota {dimensions = array<i32: 0>} : vector<16xi32>
      %mul3A_223 = arith.constant 16 : i32
      %mul3A_224 = arith.muli %scan3A_221, %mul3A_223 : i32
      %add3A_225 = vector.broadcast %mul3A_224 : i32 to vector<16xi32>
      %add3A_226 = arith.addi %iota3A, %add3A_225 : vector<16xi32>
      %broadcast_in_dim3A = arith.constant 63 : i32
      %broadcast_in_dim3A_227 = vector.broadcast %broadcast_in_dim3A : i32 to vector<16xi32>
      %gather3A = tpu.vector_load_idx %arg7[%add3A_226, %broadcast_in_dim3A_227] : memref<512x64xf32, #tpu.memory_space<vmem>>[vector<16xi32>, vector<16xi32>], vector<16xf32>,
      %mul3A_228 = arith.constant 16 : i32
      %mul3A_229 = arith.muli %scan3A_221, %mul3A_228 : i32
      %add3A_230 = arith.constant 512 : i32
      %add3A_231 = arith.addi %add3A_230, %mul3A_229 : i32
      %swap3A = arith.index_cast %add3A_231 : i32 to index
      %swap3A_232 = tpu.vector_load %arg8[%swap3A] {strides = array<i32>} : memref<1024xf32, #tpu.memory_space<vmem>>, vector<16xf32>,
      tpu.vector_store %arg8[%swap3A], %gather3A {strides = array<i32>} : memref<1024xf32, #tpu.memory_space<vmem>>, vector<16xf32>,
      %scan3A_233 = arith.constant 0 : i32
      scf.yield %scan3A_233 : i32
    }
    %scan3A_35 = arith.constant 32 : i32
    %mul3A_36 = arith.constant 1024 : i32
    %mul3A_37 = arith.muli %arg1, %mul3A_36 : i32
    "tpu.region"() ({
      %run_scoped3A = tpu.sem_alloc : memref<!tpu.dma_semaphore, #tpu.memory_space<semaphore_mem>>
      %dma_start3A_221 = tpu.memref_slice %arg10[%mul3A_37] : memref<16384xf32, #tpu.memory_space<vmem_shared>> -> memref<1024xf32, #tpu.memory_space<vmem_shared>>
      %dma_start3A_222 = tpu.memref_slice %arg10[%mul3A_37] : memref<16384xf32, #tpu.memory_space<vmem_shared>> -> memref<1024xf32, #tpu.memory_space<vmem_shared>>
      tpu.enqueue_dma source(%arg8 : memref<1024xf32, #tpu.memory_space<vmem>>) target(%dma_start3A_222 : memref<1024xf32, #tpu.memory_space<vmem_shared>>) target_semaphore(%run_scoped3A : memref<!tpu.dma_semaphore, #tpu.memory_space<semaphore_mem>>)
      %dma_wait3A_223 = tpu.memref_slice %arg10[%mul3A_37] : memref<16384xf32, #tpu.memory_space<vmem_shared>> -> memref<1024xf32, #tpu.memory_space<vmem_shared>>
      %dma_wait3A_224 = tpu.memref_slice %arg10[%mul3A_37] : memref<16384xf32, #tpu.memory_space<vmem_shared>> -> memref<1024xf32, #tpu.memory_space<vmem_shared>>
      tpu.wait_dma2 semaphore(%run_scoped3A : memref<!tpu.dma_semaphore, #tpu.memory_space<semaphore_mem>>) src(%arg8 : memref<1024xf32, #tpu.memory_space<vmem>>) dst(%dma_wait3A_224 : memref<1024xf32, #tpu.memory_space<vmem_shared>>)
      tpu.yield
    }) : () -> ()
    %barrier3A = arith.constant 0 : index
    tpu.barrier barrier_id(%barrier3A)
    "tpu.region"() ({
      %run_scoped3A = tpu.sem_alloc : memref<!tpu.dma_semaphore, #tpu.memory_space<semaphore_mem>>
      tpu.enqueue_dma source(%arg10 : memref<16384xf32, #tpu.memory_space<vmem_shared>>) target(%arg9 : memref<16384xf32, #tpu.memory_space<vmem>>) target_semaphore(%run_scoped3A : memref<!tpu.dma_semaphore, #tpu.memory_space<semaphore_mem>>)
      tpu.wait_dma2 semaphore(%run_scoped3A : memref<!tpu.dma_semaphore, #tpu.memory_space<semaphore_mem>>) src(%arg10 : memref<16384xf32, #tpu.memory_space<vmem_shared>>) dst(%arg9 : memref<16384xf32, #tpu.memory_space<vmem>>)
      tpu.yield
    }) : () -> ()
    %scan3A_38 = arith.constant 0 : i32
    %scan3A_39 = arith.constant 0 : i32
    %scan3A_40 = arith.constant 40 : i32
    %scan3A_41 = arith.addi %scan3A_39, %scan3A_40 : i32
    %scan3A_42 = arith.constant 1 : i32
    %scan3A_43 = scf.for %scan3A_221 = %scan3A_39 to %scan3A_41 step %scan3A_42 iter_args(%scan3A_222 = %scan3A_38) -> (i32)  : i32 {
      %mul3A_223 = arith.constant 16 : i32
      %mul3A_224 = arith.muli %scan3A_221, %mul3A_223 : i32
      %get3A = arith.index_cast %mul3A_224 : i32 to index
      %get3A_225 = tpu.vector_load %arg12[%get3A] {strides = array<i32>} : memref<640xf32, #tpu.memory_space<vmem>>, vector<16xf32>,
      %broadcast_in_dim3A = arith.constant 0 : i32
      %broadcast_in_dim3A_226 = vector.broadcast %broadcast_in_dim3A : i32 to vector<16xi32>
      %broadcast_in_dim3A_227 = arith.constant 16383 : i32
      %broadcast_in_dim3A_228 = vector.broadcast %broadcast_in_dim3A_227 : i32 to vector<16xi32>
      %add3A_229 = arith.addi %broadcast_in_dim3A_226, %broadcast_in_dim3A_228 : vector<16xi32>
      %shift_right_arithmetic3A = arith.constant 1 : i32
      %shift_right_arithmetic3A_230 = vector.broadcast %shift_right_arithmetic3A : i32 to vector<16xi32>
      %shift_right_arithmetic3A_231 = arith.shrsi %add3A_229, %shift_right_arithmetic3A_230 : vector<16xi32>
      %gather3A = tpu.vector_load_idx %arg9[%shift_right_arithmetic3A_231] : memref<16384xf32, #tpu.memory_space<vmem>>[vector<16xi32>], vector<16xf32>,
      %lt3A = arith.cmpf olt, %gather3A, %get3A_225 : vector<16xf32>
      %add3A_232 = arith.constant 1 : i32
      %add3A_233 = vector.broadcast %add3A_232 : i32 to vector<16xi32>
      %add3A_234 = arith.addi %shift_right_arithmetic3A_231, %add3A_233 : vector<16xi32>
      %select_n3A = arith.select %lt3A, %add3A_234, %broadcast_in_dim3A_226 : vector<16xi1>, vector<16xi32>
      %select_n3A_235 = arith.select %lt3A, %broadcast_in_dim3A_228, %shift_right_arithmetic3A_231 : vector<16xi1>, vector<16xi32>
      %add3A_236 = arith.addi %select_n3A, %select_n3A_235 : vector<16xi32>
      %shift_right_arithmetic3A_237 = arith.constant 1 : i32
      %shift_right_arithmetic3A_238 = vector.broadcast %shift_right_arithmetic3A_237 : i32 to vector<16xi32>
      %shift_right_arithmetic3A_239 = arith.shrsi %add3A_236, %shift_right_arithmetic3A_238 : vector<16xi32>
      %gather3A_240 = tpu.vector_load_idx %arg9[%shift_right_arithmetic3A_239] : memref<16384xf32, #tpu.memory_space<vmem>>[vector<16xi32>], vector<16xf32>,
      %lt3A_241 = arith.cmpf olt, %gather3A_240, %get3A_225 : vector<16xf32>
      %add3A_242 = arith.constant 1 : i32
      %add3A_243 = vector.broadcast %add3A_242 : i32 to vector<16xi32>
      %add3A_244 = arith.addi %shift_right_arithmetic3A_239, %add3A_243 : vector<16xi32>
      %select_n3A_245 = arith.select %lt3A_241, %add3A_244, %select_n3A : vector<16xi1>, vector<16xi32>
      %select_n3A_246 = arith.select %lt3A_241, %select_n3A_235, %shift_right_arithmetic3A_239 : vector<16xi1>, vector<16xi32>
      %add3A_247 = arith.addi %select_n3A_245, %select_n3A_246 : vector<16xi32>
      %shift_right_arithmetic3A_248 = arith.constant 1 : i32
      %shift_right_arithmetic3A_249 = vector.broadcast %shift_right_arithmetic3A_248 : i32 to vector<16xi32>
      %shift_right_arithmetic3A_250 = arith.shrsi %add3A_247, %shift_right_arithmetic3A_249 : vector<16xi32>
      %gather3A_251 = tpu.vector_load_idx %arg9[%shift_right_arithmetic3A_250] : memref<16384xf32, #tpu.memory_space<vmem>>[vector<16xi32>], vector<16xf32>,
      %lt3A_252 = arith.cmpf olt, %gather3A_251, %get3A_225 : vector<16xf32>
      %add3A_253 = arith.constant 1 : i32
      %add3A_254 = vector.broadcast %add3A_253 : i32 to vector<16xi32>
      %add3A_255 = arith.addi %shift_right_arithmetic3A_250, %add3A_254 : vector<16xi32>
      %select_n3A_256 = arith.select %lt3A_252, %add3A_255, %select_n3A_245 : vector<16xi1>, vector<16xi32>
      %select_n3A_257 = arith.select %lt3A_252, %select_n3A_246, %shift_right_arithmetic3A_250 : vector<16xi1>, vector<16xi32>
      %add3A_258 = arith.addi %select_n3A_256, %select_n3A_257 : vector<16xi32>
      %shift_right_arithmetic3A_259 = arith.constant 1 : i32
      %shift_right_arithmetic3A_260 = vector.broadcast %shift_right_arithmetic3A_259 : i32 to vector<16xi32>
      %shift_right_arithmetic3A_261 = arith.shrsi %add3A_258, %shift_right_arithmetic3A_260 : vector<16xi32>
      %gather3A_262 = tpu.vector_load_idx %arg9[%shift_right_arithmetic3A_261] : memref<16384xf32, #tpu.memory_space<vmem>>[vector<16xi32>], vector<16xf32>,
      %lt3A_263 = arith.cmpf olt, %gather3A_262, %get3A_225 : vector<16xf32>
      %add3A_264 = arith.constant 1 : i32
      %add3A_265 = vector.broadcast %add3A_264 : i32 to vector<16xi32>
      %add3A_266 = arith.addi %shift_right_arithmetic3A_261, %add3A_265 : vector<16xi32>
      %select_n3A_267 = arith.select %lt3A_263, %add3A_266, %select_n3A_256 : vector<16xi1>, vector<16xi32>
      %select_n3A_268 = arith.select %lt3A_263, %select_n3A_257, %shift_right_arithmetic3A_261 : vector<16xi1>, vector<16xi32>
      %add3A_269 = arith.addi %select_n3A_267, %select_n3A_268 : vector<16xi32>
      %shift_right_arithmetic3A_270 = arith.constant 1 : i32
      %shift_right_arithmetic3A_271 = vector.broadcast %shift_right_arithmetic3A_270 : i32 to vector<16xi32>
      %shift_right_arithmetic3A_272 = arith.shrsi %add3A_269, %shift_right_arithmetic3A_271 : vector<16xi32>
      %gather3A_273 = tpu.vector_load_idx %arg9[%shift_right_arithmetic3A_272] : memref<16384xf32, #tpu.memory_space<vmem>>[vector<16xi32>], vector<16xf32>,
      %lt3A_274 = arith.cmpf olt, %gather3A_273, %get3A_225 : vector<16xf32>
      %add3A_275 = arith.constant 1 : i32
      %add3A_276 = vector.broadcast %add3A_275 : i32 to vector<16xi32>
      %add3A_277 = arith.addi %shift_right_arithmetic3A_272, %add3A_276 : vector<16xi32>
      %select_n3A_278 = arith.select %lt3A_274, %add3A_277, %select_n3A_267 : vector<16xi1>, vector<16xi32>
      %select_n3A_279 = arith.select %lt3A_274, %select_n3A_268, %shift_right_arithmetic3A_272 : vector<16xi1>, vector<16xi32>
      %add3A_280 = arith.addi %select_n3A_278, %select_n3A_279 : vector<16xi32>
      %shift_right_arithmetic3A_281 = arith.constant 1 : i32
      %shift_right_arithmetic3A_282 = vector.broadcast %shift_right_arithmetic3A_281 : i32 to vector<16xi32>
      %shift_right_arithmetic3A_283 = arith.shrsi %add3A_280, %shift_right_arithmetic3A_282 : vector<16xi32>
      %gather3A_284 = tpu.vector_load_idx %arg9[%shift_right_arithmetic3A_283] : memref<16384xf32, #tpu.memory_space<vmem>>[vector<16xi32>], vector<16xf32>,
      %lt3A_285 = arith.cmpf olt, %gather3A_284, %get3A_225 : vector<16xf32>
      %add3A_286 = arith.constant 1 : i32
      %add3A_287 = vector.broadcast %add3A_286 : i32 to vector<16xi32>
      %add3A_288 = arith.addi %shift_right_arithmetic3A_283, %add3A_287 : vector<16xi32>
      %select_n3A_289 = arith.select %lt3A_285, %add3A_288, %select_n3A_278 : vector<16xi1>, vector<16xi32>
      %select_n3A_290 = arith.select %lt3A_285, %select_n3A_279, %shift_right_arithmetic3A_283 : vector<16xi1>, vector<16xi32>
      %add3A_291 = arith.addi %select_n3A_289, %select_n3A_290 : vector<16xi32>
      %shift_right_arithmetic3A_292 = arith.constant 1 : i32
      %shift_right_arithmetic3A_293 = vector.broadcast %shift_right_arithmetic3A_292 : i32 to vector<16xi32>
      %shift_right_arithmetic3A_294 = arith.shrsi %add3A_291, %shift_right_arithmetic3A_293 : vector<16xi32>
      %gather3A_295 = tpu.vector_load_idx %arg9[%shift_right_arithmetic3A_294] : memref<16384xf32, #tpu.memory_space<vmem>>[vector<16xi32>], vector<16xf32>,
      %lt3A_296 = arith.cmpf olt, %gather3A_295, %get3A_225 : vector<16xf32>
      %add3A_297 = arith.constant 1 : i32
      %add3A_298 = vector.broadcast %add3A_297 : i32 to vector<16xi32>
      %add3A_299 = arith.addi %shift_right_arithmetic3A_294, %add3A_298 : vector<16xi32>
      %select_n3A_300 = arith.select %lt3A_296, %add3A_299, %select_n3A_289 : vector<16xi1>, vector<16xi32>
      %select_n3A_301 = arith.select %lt3A_296, %select_n3A_290, %shift_right_arithmetic3A_294 : vector<16xi1>, vector<16xi32>
      %add3A_302 = arith.addi %select_n3A_300, %select_n3A_301 : vector<16xi32>
      %shift_right_arithmetic3A_303 = arith.constant 1 : i32
      %shift_right_arithmetic3A_304 = vector.broadcast %shift_right_arithmetic3A_303 : i32 to vector<16xi32>
      %shift_right_arithmetic3A_305 = arith.shrsi %add3A_302, %shift_right_arithmetic3A_304 : vector<16xi32>
      %gather3A_306 = tpu.vector_load_idx %arg9[%shift_right_arithmetic3A_305] : memref<16384xf32, #tpu.memory_space<vmem>>[vector<16xi32>], vector<16xf32>,
      %lt3A_307 = arith.cmpf olt, %gather3A_306, %get3A_225 : vector<16xf32>
      %add3A_308 = arith.constant 1 : i32
      %add3A_309 = vector.broadcast %add3A_308 : i32 to vector<16xi32>
      %add3A_310 = arith.addi %shift_right_arithmetic3A_305, %add3A_309 : vector<16xi32>
      %select_n3A_311 = arith.select %lt3A_307, %add3A_310, %select_n3A_300 : vector<16xi1>, vector<16xi32>
      %select_n3A_312 = arith.select %lt3A_307, %select_n3A_301, %shift_right_arithmetic3A_305 : vector<16xi1>, vector<16xi32>
      %add3A_313 = arith.addi %select_n3A_311, %select_n3A_312 : vector<16xi32>
      %shift_right_arithmetic3A_314 = arith.constant 1 : i32
      %shift_right_arithmetic3A_315 = vector.broadcast %shift_right_arithmetic3A_314 : i32 to vector<16xi32>
      %shift_right_arithmetic3A_316 = arith.shrsi %add3A_313, %shift_right_arithmetic3A_315 : vector<16xi32>
      %gather3A_317 = tpu.vector_load_idx %arg9[%shift_right_arithmetic3A_316] : memref<16384xf32, #tpu.memory_space<vmem>>[vector<16xi32>], vector<16xf32>,
      %lt3A_318 = arith.cmpf olt, %gather3A_317, %get3A_225 : vector<16xf32>
      %add3A_319 = arith.constant 1 : i32
      %add3A_320 = vector.broadcast %add3A_319 : i32 to vector<16xi32>
      %add3A_321 = arith.addi %shift_right_arithmetic3A_316, %add3A_320 : vector<16xi32>
      %select_n3A_322 = arith.select %lt3A_318, %add3A_321, %select_n3A_311 : vector<16xi1>, vector<16xi32>
      %select_n3A_323 = arith.select %lt3A_318, %select_n3A_312, %shift_right_arithmetic3A_316 : vector<16xi1>, vector<16xi32>
      %add3A_324 = arith.addi %select_n3A_322, %select_n3A_323 : vector<16xi32>
      %shift_right_arithmetic3A_325 = arith.constant 1 : i32
      %shift_right_arithmetic3A_326 = vector.broadcast %shift_right_arithmetic3A_325 : i32 to vector<16xi32>
      %shift_right_arithmetic3A_327 = arith.shrsi %add3A_324, %shift_right_arithmetic3A_326 : vector<16xi32>
      %gather3A_328 = tpu.vector_load_idx %arg9[%shift_right_arithmetic3A_327] : memref<16384xf32, #tpu.memory_space<vmem>>[vector<16xi32>], vector<16xf32>,
      %lt3A_329 = arith.cmpf olt, %gather3A_328, %get3A_225 : vector<16xf32>
      %add3A_330 = arith.constant 1 : i32
      %add3A_331 = vector.broadcast %add3A_330 : i32 to vector<16xi32>
      %add3A_332 = arith.addi %shift_right_arithmetic3A_327, %add3A_331 : vector<16xi32>
      %select_n3A_333 = arith.select %lt3A_329, %add3A_332, %select_n3A_322 : vector<16xi1>, vector<16xi32>
      %select_n3A_334 = arith.select %lt3A_329, %select_n3A_323, %shift_right_arithmetic3A_327 : vector<16xi1>, vector<16xi32>
      %add3A_335 = arith.addi %select_n3A_333, %select_n3A_334 : vector<16xi32>
      %shift_right_arithmetic3A_336 = arith.constant 1 : i32
      %shift_right_arithmetic3A_337 = vector.broadcast %shift_right_arithmetic3A_336 : i32 to vector<16xi32>
      %shift_right_arithmetic3A_338 = arith.shrsi %add3A_335, %shift_right_arithmetic3A_337 : vector<16xi32>
      %gather3A_339 = tpu.vector_load_idx %arg9[%shift_right_arithmetic3A_338] : memref<16384xf32, #tpu.memory_space<vmem>>[vector<16xi32>], vector<16xf32>,
      %lt3A_340 = arith.cmpf olt, %gather3A_339, %get3A_225 : vector<16xf32>
      %add3A_341 = arith.constant 1 : i32
      %add3A_342 = vector.broadcast %add3A_341 : i32 to vector<16xi32>
      %add3A_343 = arith.addi %shift_right_arithmetic3A_338, %add3A_342 : vector<16xi32>
      %select_n3A_344 = arith.select %lt3A_340, %add3A_343, %select_n3A_333 : vector<16xi1>, vector<16xi32>
      %select_n3A_345 = arith.select %lt3A_340, %select_n3A_334, %shift_right_arithmetic3A_338 : vector<16xi1>, vector<16xi32>
      %add3A_346 = arith.addi %select_n3A_344, %select_n3A_345 : vector<16xi32>
      %shift_right_arithmetic3A_347 = arith.constant 1 : i32
      %shift_right_arithmetic3A_348 = vector.broadcast %shift_right_arithmetic3A_347 : i32 to vector<16xi32>
      %shift_right_arithmetic3A_349 = arith.shrsi %add3A_346, %shift_right_arithmetic3A_348 : vector<16xi32>
      %gather3A_350 = tpu.vector_load_idx %arg9[%shift_right_arithmetic3A_349] : memref<16384xf32, #tpu.memory_space<vmem>>[vector<16xi32>], vector<16xf32>,
      %lt3A_351 = arith.cmpf olt, %gather3A_350, %get3A_225 : vector<16xf32>
      %add3A_352 = arith.constant 1 : i32
      %add3A_353 = vector.broadcast %add3A_352 : i32 to vector<16xi32>
      %add3A_354 = arith.addi %shift_right_arithmetic3A_349, %add3A_353 : vector<16xi32>
      %select_n3A_355 = arith.select %lt3A_351, %add3A_354, %select_n3A_344 : vector<16xi1>, vector<16xi32>
      %select_n3A_356 = arith.select %lt3A_351, %select_n3A_345, %shift_right_arithmetic3A_349 : vector<16xi1>, vector<16xi32>
      %add3A_357 = arith.addi %select_n3A_355, %select_n3A_356 : vector<16xi32>
      %shift_right_arithmetic3A_358 = arith.constant 1 : i32
      %shift_right_arithmetic3A_359 = vector.broadcast %shift_right_arithmetic3A_358 : i32 to vector<16xi32>
      %shift_right_arithmetic3A_360 = arith.shrsi %add3A_357, %shift_right_arithmetic3A_359 : vector<16xi32>
      %gather3A_361 = tpu.vector_load_idx %arg9[%shift_right_arithmetic3A_360] : memref<16384xf32, #tpu.memory_space<vmem>>[vector<16xi32>], vector<16xf32>,
      %lt3A_362 = arith.cmpf olt, %gather3A_361, %get3A_225 : vector<16xf32>
      %add3A_363 = arith.constant 1 : i32
      %add3A_364 = vector.broadcast %add3A_363 : i32 to vector<16xi32>
      %add3A_365 = arith.addi %shift_right_arithmetic3A_360, %add3A_364 : vector<16xi32>
      %select_n3A_366 = arith.select %lt3A_362, %add3A_365, %select_n3A_355 : vector<16xi1>, vector<16xi32>
      %select_n3A_367 = arith.select %lt3A_362, %select_n3A_356, %shift_right_arithmetic3A_360 : vector<16xi1>, vector<16xi32>
      %add3A_368 = arith.addi %select_n3A_366, %select_n3A_367 : vector<16xi32>
      %shift_right_arithmetic3A_369 = arith.constant 1 : i32
      %shift_right_arithmetic3A_370 = vector.broadcast %shift_right_arithmetic3A_369 : i32 to vector<16xi32>
      %shift_right_arithmetic3A_371 = arith.shrsi %add3A_368, %shift_right_arithmetic3A_370 : vector<16xi32>
      %gather3A_372 = tpu.vector_load_idx %arg9[%shift_right_arithmetic3A_371] : memref<16384xf32, #tpu.memory_space<vmem>>[vector<16xi32>], vector<16xf32>,
      %lt3A_373 = arith.cmpf olt, %gather3A_372, %get3A_225 : vector<16xf32>
      %add3A_374 = arith.constant 1 : i32
      %add3A_375 = vector.broadcast %add3A_374 : i32 to vector<16xi32>
      %add3A_376 = arith.addi %shift_right_arithmetic3A_371, %add3A_375 : vector<16xi32>
      %select_n3A_377 = arith.select %lt3A_373, %add3A_376, %select_n3A_366 : vector<16xi1>, vector<16xi32>
      %select_n3A_378 = arith.select %lt3A_373, %select_n3A_367, %shift_right_arithmetic3A_371 : vector<16xi1>, vector<16xi32>
      %mul3A_379 = arith.constant 16 : i32
      %mul3A_380 = arith.muli %scan3A_221, %mul3A_379 : i32
      %swap3A = arith.index_cast %mul3A_380 : i32 to index
      %swap3A_381 = tpu.vector_load %arg13[%swap3A] {strides = array<i32>} : memref<640xi32, #tpu.memory_space<vmem>>, vector<16xi32>,
      tpu.vector_store %arg13[%swap3A], %select_n3A_377 {strides = array<i32>} : memref<640xi32, #tpu.memory_space<vmem>>, vector<16xi32>,
      %scan3A_382 = arith.constant 0 : i32
      scf.yield %scan3A_382 : i32
    }
    %scan3A_44 = arith.constant 40 : i32
    %dma_start3A_45 = arith.constant 0 : i32
    %dma_start3A_46 = arith.constant 0 : i32
    %dma_start3A_47 = tpu.memref_slice %arg11[%dma_start3A_45, %dma_start3A_46] : memref<640x64xf32, #tpu.memory_space<vmem>> -> memref<128x64xf32, #tpu.memory_space<vmem>>
    %dma_start3A_48 = arith.constant 0 : i32
    %dma_start3A_49 = tpu.memref_slice %arg13[%dma_start3A_48] : memref<640xi32, #tpu.memory_space<vmem>> -> memref<128xi32, #tpu.memory_space<vmem>>
    %dma_start3A_50 = arith.constant 0 : i32
    %dma_start3A_51 = arith.constant 0 : i32
    %dma_start3A_52 = tpu.memref_slice %arg2[%dma_start3A_50, %dma_start3A_51] : memref<16384x64xf32, #tpu.memory_space<hbm>> -> memref<16384x64xf32, #tpu.memory_space<hbm>>
    tpu.enqueue_indirect_dma source(%dma_start3A_52 : memref<16384x64xf32, #tpu.memory_space<hbm>>) target(%dma_start3A_47 : memref<128x64xf32, #tpu.memory_space<vmem>>) offsets(%dma_start3A_49 : memref<128xi32, #tpu.memory_space<vmem>>) semaphore(%arg15 : memref<!tpu.dma_semaphore, #tpu.memory_space<semaphore_mem>>)
    %dma_start3A_53 = arith.constant 128 : i32
    %dma_start3A_54 = arith.constant 0 : i32
    %dma_start3A_55 = tpu.memref_slice %arg11[%dma_start3A_53, %dma_start3A_54] : memref<640x64xf32, #tpu.memory_space<vmem>> -> memref<128x64xf32, #tpu.memory_space<vmem>>
    %dma_start3A_56 = arith.constant 128 : i32
    %dma_start3A_57 = tpu.memref_slice %arg13[%dma_start3A_56] : memref<640xi32, #tpu.memory_space<vmem>> -> memref<128xi32, #tpu.memory_space<vmem>>
    %dma_start3A_58 = arith.constant 0 : i32
    %dma_start3A_59 = arith.constant 0 : i32
    %dma_start3A_60 = tpu.memref_slice %arg2[%dma_start3A_58, %dma_start3A_59] : memref<16384x64xf32, #tpu.memory_space<hbm>> -> memref<16384x64xf32, #tpu.memory_space<hbm>>
    tpu.enqueue_indirect_dma source(%dma_start3A_60 : memref<16384x64xf32, #tpu.memory_space<hbm>>) target(%dma_start3A_55 : memref<128x64xf32, #tpu.memory_space<vmem>>) offsets(%dma_start3A_57 : memref<128xi32, #tpu.memory_space<vmem>>) semaphore(%arg15 : memref<!tpu.dma_semaphore, #tpu.memory_space<semaphore_mem>>)
    %dma_start3A_61 = arith.constant 256 : i32
    %dma_start3A_62 = arith.constant 0 : i32
    %dma_start3A_63 = tpu.memref_slice %arg11[%dma_start3A_61, %dma_start3A_62] : memref<640x64xf32, #tpu.memory_space<vmem>> -> memref<128x64xf32, #tpu.memory_space<vmem>>
    %dma_start3A_64 = arith.constant 256 : i32
    %dma_start3A_65 = tpu.memref_slice %arg13[%dma_start3A_64] : memref<640xi32, #tpu.memory_space<vmem>> -> memref<128xi32, #tpu.memory_space<vmem>>
    %dma_start3A_66 = arith.constant 0 : i32
    %dma_start3A_67 = arith.constant 0 : i32
    %dma_start3A_68 = tpu.memref_slice %arg2[%dma_start3A_66, %dma_start3A_67] : memref<16384x64xf32, #tpu.memory_space<hbm>> -> memref<16384x64xf32, #tpu.memory_space<hbm>>
    tpu.enqueue_indirect_dma source(%dma_start3A_68 : memref<16384x64xf32, #tpu.memory_space<hbm>>) target(%dma_start3A_63 : memref<128x64xf32, #tpu.memory_space<vmem>>) offsets(%dma_start3A_65 : memref<128xi32, #tpu.memory_space<vmem>>) semaphore(%arg15 : memref<!tpu.dma_semaphore, #tpu.memory_space<semaphore_mem>>)
    %dma_start3A_69 = arith.constant 384 : i32
    %dma_start3A_70 = arith.constant 0 : i32
    %dma_start3A_71 = tpu.memref_slice %arg11[%dma_start3A_69, %dma_start3A_70] : memref<640x64xf32, #tpu.memory_space<vmem>> -> memref<128x64xf32, #tpu.memory_space<vmem>>
    %dma_start3A_72 = arith.constant 384 : i32
    %dma_start3A_73 = tpu.memref_slice %arg13[%dma_start3A_72] : memref<640xi32, #tpu.memory_space<vmem>> -> memref<128xi32, #tpu.memory_space<vmem>>
    %dma_start3A_74 = arith.constant 0 : i32
    %dma_start3A_75 = arith.constant 0 : i32
    %dma_start3A_76 = tpu.memref_slice %arg2[%dma_start3A_74, %dma_start3A_75] : memref<16384x64xf32, #tpu.memory_space<hbm>> -> memref<16384x64xf32, #tpu.memory_space<hbm>>
    tpu.enqueue_indirect_dma source(%dma_start3A_76 : memref<16384x64xf32, #tpu.memory_space<hbm>>) target(%dma_start3A_71 : memref<128x64xf32, #tpu.memory_space<vmem>>) offsets(%dma_start3A_73 : memref<128xi32, #tpu.memory_space<vmem>>) semaphore(%arg15 : memref<!tpu.dma_semaphore, #tpu.memory_space<semaphore_mem>>)
    %dma_start3A_77 = arith.constant 512 : i32
    %dma_start3A_78 = arith.constant 0 : i32
    %dma_start3A_79 = tpu.memref_slice %arg11[%dma_start3A_77, %dma_start3A_78] : memref<640x64xf32, #tpu.memory_space<vmem>> -> memref<128x64xf32, #tpu.memory_space<vmem>>
    %dma_start3A_80 = arith.constant 512 : i32
    %dma_start3A_81 = tpu.memref_slice %arg13[%dma_start3A_80] : memref<640xi32, #tpu.memory_space<vmem>> -> memref<128xi32, #tpu.memory_space<vmem>>
    %dma_start3A_82 = arith.constant 0 : i32
    %dma_start3A_83 = arith.constant 0 : i32
    %dma_start3A_84 = tpu.memref_slice %arg2[%dma_start3A_82, %dma_start3A_83] : memref<16384x64xf32, #tpu.memory_space<hbm>> -> memref<16384x64xf32, #tpu.memory_space<hbm>>
    tpu.enqueue_indirect_dma source(%dma_start3A_84 : memref<16384x64xf32, #tpu.memory_space<hbm>>) target(%dma_start3A_79 : memref<128x64xf32, #tpu.memory_space<vmem>>) offsets(%dma_start3A_81 : memref<128xi32, #tpu.memory_space<vmem>>) semaphore(%arg15 : memref<!tpu.dma_semaphore, #tpu.memory_space<semaphore_mem>>)
    %dma_wait3A_85 = arith.constant 0 : i32
    %dma_wait3A_86 = arith.constant 0 : i32
    %dma_wait3A_87 = tpu.memref_slice %arg11[%dma_wait3A_85, %dma_wait3A_86] : memref<640x64xf32, #tpu.memory_space<vmem>> -> memref<128x64xf32, #tpu.memory_space<vmem>>
    %dma_wait3A_88 = arith.constant 0 : i32
    %dma_wait3A_89 = tpu.memref_slice %arg13[%dma_wait3A_88] : memref<640xi32, #tpu.memory_space<vmem>> -> memref<128xi32, #tpu.memory_space<vmem>>
    %dma_wait3A_90 = arith.constant 0 : i32
    %dma_wait3A_91 = arith.constant 0 : i32
    %dma_wait3A_92 = tpu.memref_slice %arg2[%dma_wait3A_90, %dma_wait3A_91] : memref<16384x64xf32, #tpu.memory_space<hbm>> -> memref<16384x64xf32, #tpu.memory_space<hbm>>
    tpu.wait_indirect_dma semaphore(%arg15 : memref<!tpu.dma_semaphore, #tpu.memory_space<semaphore_mem>>) src(%dma_wait3A_92 : memref<16384x64xf32, #tpu.memory_space<hbm>>) dst(%dma_wait3A_87 : memref<128x64xf32, #tpu.memory_space<vmem>>)
    %dma_wait3A_93 = arith.constant 128 : i32
    %dma_wait3A_94 = arith.constant 0 : i32
    %dma_wait3A_95 = tpu.memref_slice %arg11[%dma_wait3A_93, %dma_wait3A_94] : memref<640x64xf32, #tpu.memory_space<vmem>> -> memref<128x64xf32, #tpu.memory_space<vmem>>
    %dma_wait3A_96 = arith.constant 128 : i32
    %dma_wait3A_97 = tpu.memref_slice %arg13[%dma_wait3A_96] : memref<640xi32, #tpu.memory_space<vmem>> -> memref<128xi32, #tpu.memory_space<vmem>>
    %dma_wait3A_98 = arith.constant 0 : i32
    %dma_wait3A_99 = arith.constant 0 : i32
    %dma_wait3A_100 = tpu.memref_slice %arg2[%dma_wait3A_98, %dma_wait3A_99] : memref<16384x64xf32, #tpu.memory_space<hbm>> -> memref<16384x64xf32, #tpu.memory_space<hbm>>
    tpu.wait_indirect_dma semaphore(%arg15 : memref<!tpu.dma_semaphore, #tpu.memory_space<semaphore_mem>>) src(%dma_wait3A_100 : memref<16384x64xf32, #tpu.memory_space<hbm>>) dst(%dma_wait3A_95 : memref<128x64xf32, #tpu.memory_space<vmem>>)
    %dma_wait3A_101 = arith.constant 256 : i32
    %dma_wait3A_102 = arith.constant 0 : i32
    %dma_wait3A_103 = tpu.memref_slice %arg11[%dma_wait3A_101, %dma_wait3A_102] : memref<640x64xf32, #tpu.memory_space<vmem>> -> memref<128x64xf32, #tpu.memory_space<vmem>>
    %dma_wait3A_104 = arith.constant 256 : i32
    %dma_wait3A_105 = tpu.memref_slice %arg13[%dma_wait3A_104] : memref<640xi32, #tpu.memory_space<vmem>> -> memref<128xi32, #tpu.memory_space<vmem>>
    %dma_wait3A_106 = arith.constant 0 : i32
    %dma_wait3A_107 = arith.constant 0 : i32
    %dma_wait3A_108 = tpu.memref_slice %arg2[%dma_wait3A_106, %dma_wait3A_107] : memref<16384x64xf32, #tpu.memory_space<hbm>> -> memref<16384x64xf32, #tpu.memory_space<hbm>>
    tpu.wait_indirect_dma semaphore(%arg15 : memref<!tpu.dma_semaphore, #tpu.memory_space<semaphore_mem>>) src(%dma_wait3A_108 : memref<16384x64xf32, #tpu.memory_space<hbm>>) dst(%dma_wait3A_103 : memref<128x64xf32, #tpu.memory_space<vmem>>)
    %dma_wait3A_109 = arith.constant 384 : i32
    %dma_wait3A_110 = arith.constant 0 : i32
    %dma_wait3A_111 = tpu.memref_slice %arg11[%dma_wait3A_109, %dma_wait3A_110] : memref<640x64xf32, #tpu.memory_space<vmem>> -> memref<128x64xf32, #tpu.memory_space<vmem>>
    %dma_wait3A_112 = arith.constant 384 : i32
    %dma_wait3A_113 = tpu.memref_slice %arg13[%dma_wait3A_112] : memref<640xi32, #tpu.memory_space<vmem>> -> memref<128xi32, #tpu.memory_space<vmem>>
    %dma_wait3A_114 = arith.constant 0 : i32
    %dma_wait3A_115 = arith.constant 0 : i32
    %dma_wait3A_116 = tpu.memref_slice %arg2[%dma_wait3A_114, %dma_wait3A_115] : memref<16384x64xf32, #tpu.memory_space<hbm>> -> memref<16384x64xf32, #tpu.memory_space<hbm>>
    tpu.wait_indirect_dma semaphore(%arg15 : memref<!tpu.dma_semaphore, #tpu.memory_space<semaphore_mem>>) src(%dma_wait3A_116 : memref<16384x64xf32, #tpu.memory_space<hbm>>) dst(%dma_wait3A_111 : memref<128x64xf32, #tpu.memory_space<vmem>>)
    %dma_wait3A_117 = arith.constant 512 : i32
    %dma_wait3A_118 = arith.constant 0 : i32
    %dma_wait3A_119 = tpu.memref_slice %arg11[%dma_wait3A_117, %dma_wait3A_118] : memref<640x64xf32, #tpu.memory_space<vmem>> -> memref<128x64xf32, #tpu.memory_space<vmem>>
    %dma_wait3A_120 = arith.constant 512 : i32
    %dma_wait3A_121 = tpu.memref_slice %arg13[%dma_wait3A_120] : memref<640xi32, #tpu.memory_space<vmem>> -> memref<128xi32, #tpu.memory_space<vmem>>
    %dma_wait3A_122 = arith.constant 0 : i32
    %dma_wait3A_123 = arith.constant 0 : i32
    %dma_wait3A_124 = tpu.memref_slice %arg2[%dma_wait3A_122, %dma_wait3A_123] : memref<16384x64xf32, #tpu.memory_space<hbm>> -> memref<16384x64xf32, #tpu.memory_space<hbm>>
    tpu.wait_indirect_dma semaphore(%arg15 : memref<!tpu.dma_semaphore, #tpu.memory_space<semaphore_mem>>) src(%dma_wait3A_124 : memref<16384x64xf32, #tpu.memory_space<hbm>>) dst(%dma_wait3A_119 : memref<128x64xf32, #tpu.memory_space<vmem>>)
    %scan3A_125 = arith.constant 0 : i32
    %scan3A_126 = arith.constant 0 : i32
    %scan3A_127 = arith.constant 40 : i32
    %scan3A_128 = arith.addi %scan3A_126, %scan3A_127 : i32
    %scan3A_129 = arith.constant 1 : i32
    %scan3A_130 = scf.for %scan3A_221 = %scan3A_126 to %scan3A_128 step %scan3A_129 iter_args(%scan3A_222 = %scan3A_125) -> (i32)  : i32 {
      %mul3A_223 = arith.constant 16 : i32
      %mul3A_224 = arith.muli %scan3A_221, %mul3A_223 : i32
      %get3A = arith.index_cast %mul3A_224 : i32 to index
      %get3A_225 = tpu.vector_load %arg12[%get3A] {strides = array<i32>} : memref<640xf32, #tpu.memory_space<vmem>>, vector<16xf32>,
      %iota3A = tpu.iota {dimensions = array<i32: 0>} : vector<16xi32>
      %mul3A_226 = arith.constant 16 : i32
      %mul3A_227 = arith.muli %scan3A_221, %mul3A_226 : i32
      %add3A_228 = vector.broadcast %mul3A_227 : i32 to vector<16xi32>
      %add3A_229 = arith.addi %iota3A, %add3A_228 : vector<16xi32>
      %broadcast_in_dim3A = arith.constant 0 : i32
      %broadcast_in_dim3A_230 = vector.broadcast %broadcast_in_dim3A : i32 to vector<16xi32>
      %broadcast_in_dim3A_231 = arith.constant 63 : i32
      %broadcast_in_dim3A_232 = vector.broadcast %broadcast_in_dim3A_231 : i32 to vector<16xi32>
      %add3A_233 = arith.addi %broadcast_in_dim3A_230, %broadcast_in_dim3A_232 : vector<16xi32>
      %shift_right_arithmetic3A = arith.constant 1 : i32
      %shift_right_arithmetic3A_234 = vector.broadcast %shift_right_arithmetic3A : i32 to vector<16xi32>
      %shift_right_arithmetic3A_235 = arith.shrsi %add3A_233, %shift_right_arithmetic3A_234 : vector<16xi32>
      %gather3A = tpu.vector_load_idx %arg11[%add3A_229, %shift_right_arithmetic3A_235] : memref<640x64xf32, #tpu.memory_space<vmem>>[vector<16xi32>, vector<16xi32>], vector<16xf32>,
      %lt3A = arith.cmpf olt, %gather3A, %get3A_225 : vector<16xf32>
      %add3A_236 = arith.constant 1 : i32
      %add3A_237 = vector.broadcast %add3A_236 : i32 to vector<16xi32>
      %add3A_238 = arith.addi %shift_right_arithmetic3A_235, %add3A_237 : vector<16xi32>
      %select_n3A = arith.select %lt3A, %add3A_238, %broadcast_in_dim3A_230 : vector<16xi1>, vector<16xi32>
      %select_n3A_239 = arith.select %lt3A, %broadcast_in_dim3A_232, %shift_right_arithmetic3A_235 : vector<16xi1>, vector<16xi32>
      %add3A_240 = arith.addi %select_n3A, %select_n3A_239 : vector<16xi32>
      %shift_right_arithmetic3A_241 = arith.constant 1 : i32
      %shift_right_arithmetic3A_242 = vector.broadcast %shift_right_arithmetic3A_241 : i32 to vector<16xi32>
      %shift_right_arithmetic3A_243 = arith.shrsi %add3A_240, %shift_right_arithmetic3A_242 : vector<16xi32>
      %gather3A_244 = tpu.vector_load_idx %arg11[%add3A_229, %shift_right_arithmetic3A_243] : memref<640x64xf32, #tpu.memory_space<vmem>>[vector<16xi32>, vector<16xi32>], vector<16xf32>,
      %lt3A_245 = arith.cmpf olt, %gather3A_244, %get3A_225 : vector<16xf32>
      %add3A_246 = arith.constant 1 : i32
      %add3A_247 = vector.broadcast %add3A_246 : i32 to vector<16xi32>
      %add3A_248 = arith.addi %shift_right_arithmetic3A_243, %add3A_247 : vector<16xi32>
      %select_n3A_249 = arith.select %lt3A_245, %add3A_248, %select_n3A : vector<16xi1>, vector<16xi32>
      %select_n3A_250 = arith.select %lt3A_245, %select_n3A_239, %shift_right_arithmetic3A_243 : vector<16xi1>, vector<16xi32>
      %add3A_251 = arith.addi %select_n3A_249, %select_n3A_250 : vector<16xi32>
      %shift_right_arithmetic3A_252 = arith.constant 1 : i32
      %shift_right_arithmetic3A_253 = vector.broadcast %shift_right_arithmetic3A_252 : i32 to vector<16xi32>
      %shift_right_arithmetic3A_254 = arith.shrsi %add3A_251, %shift_right_arithmetic3A_253 : vector<16xi32>
      %gather3A_255 = tpu.vector_load_idx %arg11[%add3A_229, %shift_right_arithmetic3A_254] : memref<640x64xf32, #tpu.memory_space<vmem>>[vector<16xi32>, vector<16xi32>], vector<16xf32>,
      %lt3A_256 = arith.cmpf olt, %gather3A_255, %get3A_225 : vector<16xf32>
      %add3A_257 = arith.constant 1 : i32
      %add3A_258 = vector.broadcast %add3A_257 : i32 to vector<16xi32>
      %add3A_259 = arith.addi %shift_right_arithmetic3A_254, %add3A_258 : vector<16xi32>
      %select_n3A_260 = arith.select %lt3A_256, %add3A_259, %select_n3A_249 : vector<16xi1>, vector<16xi32>
      %select_n3A_261 = arith.select %lt3A_256, %select_n3A_250, %shift_right_arithmetic3A_254 : vector<16xi1>, vector<16xi32>
      %add3A_262 = arith.addi %select_n3A_260, %select_n3A_261 : vector<16xi32>
      %shift_right_arithmetic3A_263 = arith.constant 1 : i32
      %shift_right_arithmetic3A_264 = vector.broadcast %shift_right_arithmetic3A_263 : i32 to vector<16xi32>
      %shift_right_arithmetic3A_265 = arith.shrsi %add3A_262, %shift_right_arithmetic3A_264 : vector<16xi32>
      %gather3A_266 = tpu.vector_load_idx %arg11[%add3A_229, %shift_right_arithmetic3A_265] : memref<640x64xf32, #tpu.memory_space<vmem>>[vector<16xi32>, vector<16xi32>], vector<16xf32>,
      %lt3A_267 = arith.cmpf olt, %gather3A_266, %get3A_225 : vector<16xf32>
      %add3A_268 = arith.constant 1 : i32
      %add3A_269 = vector.broadcast %add3A_268 : i32 to vector<16xi32>
      %add3A_270 = arith.addi %shift_right_arithmetic3A_265, %add3A_269 : vector<16xi32>
      %select_n3A_271 = arith.select %lt3A_267, %add3A_270, %select_n3A_260 : vector<16xi1>, vector<16xi32>
      %select_n3A_272 = arith.select %lt3A_267, %select_n3A_261, %shift_right_arithmetic3A_265 : vector<16xi1>, vector<16xi32>
      %add3A_273 = arith.addi %select_n3A_271, %select_n3A_272 : vector<16xi32>
      %shift_right_arithmetic3A_274 = arith.constant 1 : i32
      %shift_right_arithmetic3A_275 = vector.broadcast %shift_right_arithmetic3A_274 : i32 to vector<16xi32>
      %shift_right_arithmetic3A_276 = arith.shrsi %add3A_273, %shift_right_arithmetic3A_275 : vector<16xi32>
      %gather3A_277 = tpu.vector_load_idx %arg11[%add3A_229, %shift_right_arithmetic3A_276] : memref<640x64xf32, #tpu.memory_space<vmem>>[vector<16xi32>, vector<16xi32>], vector<16xf32>,
      %lt3A_278 = arith.cmpf olt, %gather3A_277, %get3A_225 : vector<16xf32>
      %add3A_279 = arith.constant 1 : i32
      %add3A_280 = vector.broadcast %add3A_279 : i32 to vector<16xi32>
      %add3A_281 = arith.addi %shift_right_arithmetic3A_276, %add3A_280 : vector<16xi32>
      %select_n3A_282 = arith.select %lt3A_278, %add3A_281, %select_n3A_271 : vector<16xi1>, vector<16xi32>
      %select_n3A_283 = arith.select %lt3A_278, %select_n3A_272, %shift_right_arithmetic3A_276 : vector<16xi1>, vector<16xi32>
      %add3A_284 = arith.addi %select_n3A_282, %select_n3A_283 : vector<16xi32>
      %shift_right_arithmetic3A_285 = arith.constant 1 : i32
      %shift_right_arithmetic3A_286 = vector.broadcast %shift_right_arithmetic3A_285 : i32 to vector<16xi32>
      %shift_right_arithmetic3A_287 = arith.shrsi %add3A_284, %shift_right_arithmetic3A_286 : vector<16xi32>
      %gather3A_288 = tpu.vector_load_idx %arg11[%add3A_229, %shift_right_arithmetic3A_287] : memref<640x64xf32, #tpu.memory_space<vmem>>[vector<16xi32>, vector<16xi32>], vector<16xf32>,
      %lt3A_289 = arith.cmpf olt, %gather3A_288, %get3A_225 : vector<16xf32>
      %add3A_290 = arith.constant 1 : i32
      %add3A_291 = vector.broadcast %add3A_290 : i32 to vector<16xi32>
      %add3A_292 = arith.addi %shift_right_arithmetic3A_287, %add3A_291 : vector<16xi32>
      %select_n3A_293 = arith.select %lt3A_289, %add3A_292, %select_n3A_282 : vector<16xi1>, vector<16xi32>
      %select_n3A_294 = arith.select %lt3A_289, %select_n3A_283, %shift_right_arithmetic3A_287 : vector<16xi1>, vector<16xi32>
      %mul3A_295 = arith.constant 16 : i32
      %mul3A_296 = arith.muli %scan3A_221, %mul3A_295 : i32
      %get3A_297 = arith.index_cast %mul3A_296 : i32 to index
      %get3A_298 = tpu.vector_load %arg13[%get3A_297] {strides = array<i32>} : memref<640xi32, #tpu.memory_space<vmem>>, vector<16xi32>,
      %mul3A_299 = arith.constant 64 : i32
      %mul3A_300 = vector.broadcast %mul3A_299 : i32 to vector<16xi32>
      %mul3A_301 = arith.muli %get3A_298, %mul3A_300 : vector<16xi32>
      %add3A_302 = arith.addi %mul3A_301, %select_n3A_293 : vector<16xi32>
      %broadcast_in_dim3A_303 = arith.constant 999999 : i32
      %broadcast_in_dim3A_304 = vector.broadcast %broadcast_in_dim3A_303 : i32 to vector<16xi32>
      %min3A = arith.minsi %add3A_302, %broadcast_in_dim3A_304 : vector<16xi32>
      %mul3A_305 = arith.constant 16 : i32
      %mul3A_306 = arith.muli %scan3A_221, %mul3A_305 : i32
      %swap3A = arith.index_cast %mul3A_306 : i32 to index
      %swap3A_307 = tpu.vector_load %arg14[%swap3A] {strides = array<i32>} : memref<640xi32, #tpu.memory_space<vmem>>, vector<16xi32>,
      tpu.vector_store %arg14[%swap3A], %min3A {strides = array<i32>} : memref<640xi32, #tpu.memory_space<vmem>>, vector<16xi32>,
      %scan3A_308 = arith.constant 0 : i32
      scf.yield %scan3A_308 : i32
    }
    %scan3A_131 = arith.constant 40 : i32
    %dma_start3A_132 = arith.constant 0 : i32
    %dma_start3A_133 = arith.constant 0 : i32
    %dma_start3A_134 = tpu.memref_slice %arg11[%dma_start3A_132, %dma_start3A_133] : memref<640x64xf32, #tpu.memory_space<vmem>> -> memref<128x64xf32, #tpu.memory_space<vmem>>
    %dma_start3A_135 = arith.constant 0 : i32
    %dma_start3A_136 = tpu.memref_slice %arg14[%dma_start3A_135] : memref<640xi32, #tpu.memory_space<vmem>> -> memref<128xi32, #tpu.memory_space<vmem>>
    %dma_start3A_137 = arith.constant 0 : i32
    %dma_start3A_138 = arith.constant 0 : i32
    %dma_start3A_139 = tpu.memref_slice %arg4[%dma_start3A_137, %dma_start3A_138] : memref<1000000x64xf32, #tpu.memory_space<hbm>> -> memref<1000000x64xf32, #tpu.memory_space<hbm>>
    tpu.enqueue_indirect_dma source(%dma_start3A_139 : memref<1000000x64xf32, #tpu.memory_space<hbm>>) target(%dma_start3A_134 : memref<128x64xf32, #tpu.memory_space<vmem>>) offsets(%dma_start3A_136 : memref<128xi32, #tpu.memory_space<vmem>>) semaphore(%arg16 : memref<!tpu.dma_semaphore, #tpu.memory_space<semaphore_mem>>)
    %dma_start3A_140 = arith.constant 128 : i32
    %dma_start3A_141 = arith.constant 0 : i32
    %dma_start3A_142 = tpu.memref_slice %arg11[%dma_start3A_140, %dma_start3A_141] : memref<640x64xf32, #tpu.memory_space<vmem>> -> memref<128x64xf32, #tpu.memory_space<vmem>>
    %dma_start3A_143 = arith.constant 128 : i32
    %dma_start3A_144 = tpu.memref_slice %arg14[%dma_start3A_143] : memref<640xi32, #tpu.memory_space<vmem>> -> memref<128xi32, #tpu.memory_space<vmem>>
    %dma_start3A_145 = arith.constant 0 : i32
    %dma_start3A_146 = arith.constant 0 : i32
    %dma_start3A_147 = tpu.memref_slice %arg4[%dma_start3A_145, %dma_start3A_146] : memref<1000000x64xf32, #tpu.memory_space<hbm>> -> memref<1000000x64xf32, #tpu.memory_space<hbm>>
    tpu.enqueue_indirect_dma source(%dma_start3A_147 : memref<1000000x64xf32, #tpu.memory_space<hbm>>) target(%dma_start3A_142 : memref<128x64xf32, #tpu.memory_space<vmem>>) offsets(%dma_start3A_144 : memref<128xi32, #tpu.memory_space<vmem>>) semaphore(%arg16 : memref<!tpu.dma_semaphore, #tpu.memory_space<semaphore_mem>>)
    %dma_start3A_148 = arith.constant 256 : i32
    %dma_start3A_149 = arith.constant 0 : i32
    %dma_start3A_150 = tpu.memref_slice %arg11[%dma_start3A_148, %dma_start3A_149] : memref<640x64xf32, #tpu.memory_space<vmem>> -> memref<128x64xf32, #tpu.memory_space<vmem>>
    %dma_start3A_151 = arith.constant 256 : i32
    %dma_start3A_152 = tpu.memref_slice %arg14[%dma_start3A_151] : memref<640xi32, #tpu.memory_space<vmem>> -> memref<128xi32, #tpu.memory_space<vmem>>
    %dma_start3A_153 = arith.constant 0 : i32
    %dma_start3A_154 = arith.constant 0 : i32
    %dma_start3A_155 = tpu.memref_slice %arg4[%dma_start3A_153, %dma_start3A_154] : memref<1000000x64xf32, #tpu.memory_space<hbm>> -> memref<1000000x64xf32, #tpu.memory_space<hbm>>
    tpu.enqueue_indirect_dma source(%dma_start3A_155 : memref<1000000x64xf32, #tpu.memory_space<hbm>>) target(%dma_start3A_150 : memref<128x64xf32, #tpu.memory_space<vmem>>) offsets(%dma_start3A_152 : memref<128xi32, #tpu.memory_space<vmem>>) semaphore(%arg16 : memref<!tpu.dma_semaphore, #tpu.memory_space<semaphore_mem>>)
    %dma_start3A_156 = arith.constant 384 : i32
    %dma_start3A_157 = arith.constant 0 : i32
    %dma_start3A_158 = tpu.memref_slice %arg11[%dma_start3A_156, %dma_start3A_157] : memref<640x64xf32, #tpu.memory_space<vmem>> -> memref<128x64xf32, #tpu.memory_space<vmem>>
    %dma_start3A_159 = arith.constant 384 : i32
    %dma_start3A_160 = tpu.memref_slice %arg14[%dma_start3A_159] : memref<640xi32, #tpu.memory_space<vmem>> -> memref<128xi32, #tpu.memory_space<vmem>>
    %dma_start3A_161 = arith.constant 0 : i32
    %dma_start3A_162 = arith.constant 0 : i32
    %dma_start3A_163 = tpu.memref_slice %arg4[%dma_start3A_161, %dma_start3A_162] : memref<1000000x64xf32, #tpu.memory_space<hbm>> -> memref<1000000x64xf32, #tpu.memory_space<hbm>>
    tpu.enqueue_indirect_dma source(%dma_start3A_163 : memref<1000000x64xf32, #tpu.memory_space<hbm>>) target(%dma_start3A_158 : memref<128x64xf32, #tpu.memory_space<vmem>>) offsets(%dma_start3A_160 : memref<128xi32, #tpu.memory_space<vmem>>) semaphore(%arg16 : memref<!tpu.dma_semaphore, #tpu.memory_space<semaphore_mem>>)
    %dma_start3A_164 = arith.constant 512 : i32
    %dma_start3A_165 = arith.constant 0 : i32
    %dma_start3A_166 = tpu.memref_slice %arg11[%dma_start3A_164, %dma_start3A_165] : memref<640x64xf32, #tpu.memory_space<vmem>> -> memref<128x64xf32, #tpu.memory_space<vmem>>
    %dma_start3A_167 = arith.constant 512 : i32
    %dma_start3A_168 = tpu.memref_slice %arg14[%dma_start3A_167] : memref<640xi32, #tpu.memory_space<vmem>> -> memref<128xi32, #tpu.memory_space<vmem>>
    %dma_start3A_169 = arith.constant 0 : i32
    %dma_start3A_170 = arith.constant 0 : i32
    %dma_start3A_171 = tpu.memref_slice %arg4[%dma_start3A_169, %dma_start3A_170] : memref<1000000x64xf32, #tpu.memory_space<hbm>> -> memref<1000000x64xf32, #tpu.memory_space<hbm>>
    tpu.enqueue_indirect_dma source(%dma_start3A_171 : memref<1000000x64xf32, #tpu.memory_space<hbm>>) target(%dma_start3A_166 : memref<128x64xf32, #tpu.memory_space<vmem>>) offsets(%dma_start3A_168 : memref<128xi32, #tpu.memory_space<vmem>>) semaphore(%arg16 : memref<!tpu.dma_semaphore, #tpu.memory_space<semaphore_mem>>)
    %dma_wait3A_172 = arith.constant 0 : i32
    %dma_wait3A_173 = arith.constant 0 : i32
    %dma_wait3A_174 = tpu.memref_slice %arg11[%dma_wait3A_172, %dma_wait3A_173] : memref<640x64xf32, #tpu.memory_space<vmem>> -> memref<128x64xf32, #tpu.memory_space<vmem>>
    %dma_wait3A_175 = arith.constant 0 : i32
    %dma_wait3A_176 = tpu.memref_slice %arg14[%dma_wait3A_175] : memref<640xi32, #tpu.memory_space<vmem>> -> memref<128xi32, #tpu.memory_space<vmem>>
    %dma_wait3A_177 = arith.constant 0 : i32
    %dma_wait3A_178 = arith.constant 0 : i32
    %dma_wait3A_179 = tpu.memref_slice %arg4[%dma_wait3A_177, %dma_wait3A_178] : memref<1000000x64xf32, #tpu.memory_space<hbm>> -> memref<1000000x64xf32, #tpu.memory_space<hbm>>
    tpu.wait_indirect_dma semaphore(%arg16 : memref<!tpu.dma_semaphore, #tpu.memory_space<semaphore_mem>>) src(%dma_wait3A_179 : memref<1000000x64xf32, #tpu.memory_space<hbm>>) dst(%dma_wait3A_174 : memref<128x64xf32, #tpu.memory_space<vmem>>)
    %dma_wait3A_180 = arith.constant 128 : i32
    %dma_wait3A_181 = arith.constant 0 : i32
    %dma_wait3A_182 = tpu.memref_slice %arg11[%dma_wait3A_180, %dma_wait3A_181] : memref<640x64xf32, #tpu.memory_space<vmem>> -> memref<128x64xf32, #tpu.memory_space<vmem>>
    %dma_wait3A_183 = arith.constant 128 : i32
    %dma_wait3A_184 = tpu.memref_slice %arg14[%dma_wait3A_183] : memref<640xi32, #tpu.memory_space<vmem>> -> memref<128xi32, #tpu.memory_space<vmem>>
    %dma_wait3A_185 = arith.constant 0 : i32
    %dma_wait3A_186 = arith.constant 0 : i32
    %dma_wait3A_187 = tpu.memref_slice %arg4[%dma_wait3A_185, %dma_wait3A_186] : memref<1000000x64xf32, #tpu.memory_space<hbm>> -> memref<1000000x64xf32, #tpu.memory_space<hbm>>
    tpu.wait_indirect_dma semaphore(%arg16 : memref<!tpu.dma_semaphore, #tpu.memory_space<semaphore_mem>>) src(%dma_wait3A_187 : memref<1000000x64xf32, #tpu.memory_space<hbm>>) dst(%dma_wait3A_182 : memref<128x64xf32, #tpu.memory_space<vmem>>)
    %dma_wait3A_188 = arith.constant 256 : i32
    %dma_wait3A_189 = arith.constant 0 : i32
    %dma_wait3A_190 = tpu.memref_slice %arg11[%dma_wait3A_188, %dma_wait3A_189] : memref<640x64xf32, #tpu.memory_space<vmem>> -> memref<128x64xf32, #tpu.memory_space<vmem>>
    %dma_wait3A_191 = arith.constant 256 : i32
    %dma_wait3A_192 = tpu.memref_slice %arg14[%dma_wait3A_191] : memref<640xi32, #tpu.memory_space<vmem>> -> memref<128xi32, #tpu.memory_space<vmem>>
    %dma_wait3A_193 = arith.constant 0 : i32
    %dma_wait3A_194 = arith.constant 0 : i32
    %dma_wait3A_195 = tpu.memref_slice %arg4[%dma_wait3A_193, %dma_wait3A_194] : memref<1000000x64xf32, #tpu.memory_space<hbm>> -> memref<1000000x64xf32, #tpu.memory_space<hbm>>
    tpu.wait_indirect_dma semaphore(%arg16 : memref<!tpu.dma_semaphore, #tpu.memory_space<semaphore_mem>>) src(%dma_wait3A_195 : memref<1000000x64xf32, #tpu.memory_space<hbm>>) dst(%dma_wait3A_190 : memref<128x64xf32, #tpu.memory_space<vmem>>)
    %dma_wait3A_196 = arith.constant 384 : i32
    %dma_wait3A_197 = arith.constant 0 : i32
    %dma_wait3A_198 = tpu.memref_slice %arg11[%dma_wait3A_196, %dma_wait3A_197] : memref<640x64xf32, #tpu.memory_space<vmem>> -> memref<128x64xf32, #tpu.memory_space<vmem>>
    %dma_wait3A_199 = arith.constant 384 : i32
    %dma_wait3A_200 = tpu.memref_slice %arg14[%dma_wait3A_199] : memref<640xi32, #tpu.memory_space<vmem>> -> memref<128xi32, #tpu.memory_space<vmem>>
    %dma_wait3A_201 = arith.constant 0 : i32
    %dma_wait3A_202 = arith.constant 0 : i32
    %dma_wait3A_203 = tpu.memref_slice %arg4[%dma_wait3A_201, %dma_wait3A_202] : memref<1000000x64xf32, #tpu.memory_space<hbm>> -> memref<1000000x64xf32, #tpu.memory_space<hbm>>
    tpu.wait_indirect_dma semaphore(%arg16 : memref<!tpu.dma_semaphore, #tpu.memory_space<semaphore_mem>>) src(%dma_wait3A_203 : memref<1000000x64xf32, #tpu.memory_space<hbm>>) dst(%dma_wait3A_198 : memref<128x64xf32, #tpu.memory_space<vmem>>)
    %dma_wait3A_204 = arith.constant 512 : i32
    %dma_wait3A_205 = arith.constant 0 : i32
    %dma_wait3A_206 = tpu.memref_slice %arg11[%dma_wait3A_204, %dma_wait3A_205] : memref<640x64xf32, #tpu.memory_space<vmem>> -> memref<128x64xf32, #tpu.memory_space<vmem>>
    %dma_wait3A_207 = arith.constant 512 : i32
    %dma_wait3A_208 = tpu.memref_slice %arg14[%dma_wait3A_207] : memref<640xi32, #tpu.memory_space<vmem>> -> memref<128xi32, #tpu.memory_space<vmem>>
    %dma_wait3A_209 = arith.constant 0 : i32
    %dma_wait3A_210 = arith.constant 0 : i32
    %dma_wait3A_211 = tpu.memref_slice %arg4[%dma_wait3A_209, %dma_wait3A_210] : memref<1000000x64xf32, #tpu.memory_space<hbm>> -> memref<1000000x64xf32, #tpu.memory_space<hbm>>
    tpu.wait_indirect_dma semaphore(%arg16 : memref<!tpu.dma_semaphore, #tpu.memory_space<semaphore_mem>>) src(%dma_wait3A_211 : memref<1000000x64xf32, #tpu.memory_space<hbm>>) dst(%dma_wait3A_206 : memref<128x64xf32, #tpu.memory_space<vmem>>)
    %scan3A_212 = arith.constant 0 : i32
    %scan3A_213 = arith.constant 0 : i32
    %scan3A_214 = arith.constant 640 : i32
    %scan3A_215 = arith.addi %scan3A_213, %scan3A_214 : i32
    %scan3A_216 = arith.constant 1 : i32
    %scan3A_217 = scf.for %scan3A_221 = %scan3A_213 to %scan3A_215 step %scan3A_216 iter_args(%scan3A_222 = %scan3A_212) -> (i32)  : i32 {
      %get3A = arith.index_cast %scan3A_221 : i32 to index
      %get3A_223 = arith.constant 0 : index
      %get3A_224 = tpu.vector_load %arg11[%get3A, %get3A_223] {strides = array<i32>} : memref<640x64xf32, #tpu.memory_space<vmem>>, vector<16xf32>,
      %neg3A = arith.constant 0.000000e+00 : f32
      %neg3A_225 = vector.broadcast %neg3A : f32 to vector<16xf32>
      %neg3A_226 = arith.subf %neg3A_225, %get3A_224 : vector<16xf32>
      %swap3A = arith.index_cast %scan3A_221 : i32 to index
      %swap3A_227 = arith.constant 0 : index
      %swap3A_228 = tpu.vector_load %arg11[%swap3A, %swap3A_227] {strides = array<i32>} : memref<640x64xf32, #tpu.memory_space<vmem>>, vector<16xf32>,
      tpu.vector_store %arg11[%swap3A, %swap3A_227], %neg3A_226 {strides = array<i32>} : memref<640x64xf32, #tpu.memory_space<vmem>>, vector<16xf32>,
      %get3A_229 = arith.index_cast %scan3A_221 : i32 to index
      %get3A_230 = arith.constant 16 : index
      %get3A_231 = tpu.vector_load %arg11[%get3A_229, %get3A_230] {strides = array<i32>} : memref<640x64xf32, #tpu.memory_space<vmem>>, vector<16xf32>,
      %neg3A_232 = arith.constant 0.000000e+00 : f32
      %neg3A_233 = vector.broadcast %neg3A_232 : f32 to vector<16xf32>
      %neg3A_234 = arith.subf %neg3A_233, %get3A_231 : vector<16xf32>
      %swap3A_235 = arith.index_cast %scan3A_221 : i32 to index
      %swap3A_236 = arith.constant 16 : index
      %swap3A_237 = tpu.vector_load %arg11[%swap3A_235, %swap3A_236] {strides = array<i32>} : memref<640x64xf32, #tpu.memory_space<vmem>>, vector<16xf32>,
      tpu.vector_store %arg11[%swap3A_235, %swap3A_236], %neg3A_234 {strides = array<i32>} : memref<640x64xf32, #tpu.memory_space<vmem>>, vector<16xf32>,
      %get3A_238 = arith.index_cast %scan3A_221 : i32 to index
      %get3A_239 = arith.constant 32 : index
      %get3A_240 = tpu.vector_load %arg11[%get3A_238, %get3A_239] {strides = array<i32>} : memref<640x64xf32, #tpu.memory_space<vmem>>, vector<16xf32>,
      %neg3A_241 = arith.constant 0.000000e+00 : f32
      %neg3A_242 = vector.broadcast %neg3A_241 : f32 to vector<16xf32>
      %neg3A_243 = arith.subf %neg3A_242, %get3A_240 : vector<16xf32>
      %swap3A_244 = arith.index_cast %scan3A_221 : i32 to index
      %swap3A_245 = arith.constant 32 : index
      %swap3A_246 = tpu.vector_load %arg11[%swap3A_244, %swap3A_245] {strides = array<i32>} : memref<640x64xf32, #tpu.memory_space<vmem>>, vector<16xf32>,
      tpu.vector_store %arg11[%swap3A_244, %swap3A_245], %neg3A_243 {strides = array<i32>} : memref<640x64xf32, #tpu.memory_space<vmem>>, vector<16xf32>,
      %get3A_247 = arith.index_cast %scan3A_221 : i32 to index
      %get3A_248 = arith.constant 48 : index
      %get3A_249 = tpu.vector_load %arg11[%get3A_247, %get3A_248] {strides = array<i32>} : memref<640x64xf32, #tpu.memory_space<vmem>>, vector<16xf32>,
      %neg3A_250 = arith.constant 0.000000e+00 : f32
      %neg3A_251 = vector.broadcast %neg3A_250 : f32 to vector<16xf32>
      %neg3A_252 = arith.subf %neg3A_251, %get3A_249 : vector<16xf32>
      %swap3A_253 = arith.index_cast %scan3A_221 : i32 to index
      %swap3A_254 = arith.constant 48 : index
      %swap3A_255 = tpu.vector_load %arg11[%swap3A_253, %swap3A_254] {strides = array<i32>} : memref<640x64xf32, #tpu.memory_space<vmem>>, vector<16xf32>,
      tpu.vector_store %arg11[%swap3A_253, %swap3A_254], %neg3A_252 {strides = array<i32>} : memref<640x64xf32, #tpu.memory_space<vmem>>, vector<16xf32>,
      %scan3A_256 = arith.constant 0 : i32
      scf.yield %scan3A_256 : i32
    }
    %scan3A_218 = arith.constant 640 : i32
    %mul3A_219 = arith.constant 640 : i32
    %mul3A_220 = arith.muli %add3A, %mul3A_219 : i32
    "tpu.region"() ({
      %run_scoped3A = tpu.sem_alloc : memref<!tpu.dma_semaphore, #tpu.memory_space<semaphore_mem>>
      %dma_start3A_221 = arith.constant 0 : i32
      %dma_start3A_222 = tpu.memref_slice %arg5[%mul3A_220, %dma_start3A_221] : memref<20480x64xf32, #tpu.memory_space<hbm>> -> memref<640x64xf32, #tpu.memory_space<hbm>>
      %dma_start3A_223 = arith.constant 0 : i32
      %dma_start3A_224 = tpu.memref_slice %arg5[%mul3A_220, %dma_start3A_223] : memref<20480x64xf32, #tpu.memory_space<hbm>> -> memref<640x64xf32, #tpu.memory_space<hbm>>
      tpu.enqueue_dma source(%arg11 : memref<640x64xf32, #tpu.memory_space<vmem>>) target(%dma_start3A_224 : memref<640x64xf32, #tpu.memory_space<hbm>>) target_semaphore(%run_scoped3A : memref<!tpu.dma_semaphore, #tpu.memory_space<semaphore_mem>>)
      %dma_wait3A_225 = arith.constant 0 : i32
      %dma_wait3A_226 = tpu.memref_slice %arg5[%mul3A_220, %dma_wait3A_225] : memref<20480x64xf32, #tpu.memory_space<hbm>> -> memref<640x64xf32, #tpu.memory_space<hbm>>
      %dma_wait3A_227 = arith.constant 0 : i32
      %dma_wait3A_228 = tpu.memref_slice %arg5[%mul3A_220, %dma_wait3A_227] : memref<20480x64xf32, #tpu.memory_space<hbm>> -> memref<640x64xf32, #tpu.memory_space<hbm>>
      tpu.wait_dma2 semaphore(%run_scoped3A : memref<!tpu.dma_semaphore, #tpu.memory_space<semaphore_mem>>) src(%arg11 : memref<640x64xf32, #tpu.memory_space<vmem>>) dst(%dma_wait3A_228 : memref<640x64xf32, #tpu.memory_space<hbm>>)
      tpu.yield
    }) : () -> ()
    return
  }
}

#map = affine_map<(d0, d1) -> (0)>
#map1 = affine_map<(d0, d1) -> (0, 0)>
module attributes {stable_mosaic.version = 14 : i64} {
  func.func @pool_call(%arg0: i32, %arg1: i32, %arg2: memref<86016xi32, #tpu.memory_space<hbm>>, %arg3: memref<4096xi32, #tpu.memory_space<hbm>>, %arg4: memref<100000x64xf32, #tpu.memory_space<hbm>>, %arg5: memref<1000000x64xf32, #tpu.memory_space<hbm>>, %arg6: memref<4096x64xf32, #tpu.memory_space<hbm>>, %arg7: memref<4096x64xf32, #tpu.memory_space<hbm>>, %arg8: memref<2688xi32, #tpu.memory_space<vmem>>, %arg9: memref<640x64xf32, #tpu.memory_space<vmem>>, %arg10: memref<640x64xf32, #tpu.memory_space<vmem>>, %arg11: memref<128x64xf32, #tpu.memory_space<vmem>>, %arg12: memref<128x64xf32, #tpu.memory_space<vmem>>, %arg13: memref<128x64xf32, #tpu.memory_space<vmem>>, %arg14: memref<128xi32, #tpu.memory_space<vmem>>, %arg15: memref<128xi32, #tpu.memory_space<vmem>>, %arg16: memref<2560xi32, #tpu.memory_space<vmem>>, %arg17: memref<!tpu.dma_semaphore, #tpu.memory_space<semaphore_mem>>, %arg18: memref<!tpu.dma_semaphore, #tpu.memory_space<semaphore_mem>>, %arg19: memref<!tpu.dma_semaphore, #tpu.memory_space<semaphore_mem>>) attributes {dimension_semantics = [#tpu.dimension_semantics<core_parallel>, #tpu.dimension_semantics<subcore_parallel>], iteration_bounds = array<i64: 2, 16>, scalar_prefetch = 0 : i64, scratch_operands = 12 : i64, tpu.core_type = #tpu.core_type<sc_vector_subcore>, window_params = [{transform_indices = #map}, {transform_indices = #map}, {transform_indices = #map1}, {transform_indices = #map1}, {transform_indices = #map1}, {transform_indices = #map1}]} {
    %mul3A = arith.constant 2 : i32
    %mul3A_0 = arith.muli %arg1, %mul3A : i32
    %add3A = arith.addi %mul3A_0, %arg0 : i32
    %mul3A_1 = arith.constant 128 : i32
    %mul3A_2 = arith.muli %add3A, %mul3A_1 : i32
    %mul3A_3 = arith.constant 21 : i32
    %mul3A_4 = arith.muli %mul3A_2, %mul3A_3 : i32
    "tpu.region"() ({
      %run_scoped3A = tpu.sem_alloc : memref<!tpu.dma_semaphore, #tpu.memory_space<semaphore_mem>>
      %dma_start3A_376 = tpu.memref_slice %arg2[%mul3A_4] : memref<86016xi32, #tpu.memory_space<hbm>> -> memref<2688xi32, #tpu.memory_space<hbm>>
      %dma_start3A_377 = tpu.memref_slice %arg2[%mul3A_4] : memref<86016xi32, #tpu.memory_space<hbm>> -> memref<2688xi32, #tpu.memory_space<hbm>>
      tpu.enqueue_dma source(%dma_start3A_377 : memref<2688xi32, #tpu.memory_space<hbm>>) target(%arg8 : memref<2688xi32, #tpu.memory_space<vmem>>) target_semaphore(%run_scoped3A : memref<!tpu.dma_semaphore, #tpu.memory_space<semaphore_mem>>)
      %dma_wait3A_378 = tpu.memref_slice %arg2[%mul3A_4] : memref<86016xi32, #tpu.memory_space<hbm>> -> memref<2688xi32, #tpu.memory_space<hbm>>
      %dma_wait3A_379 = tpu.memref_slice %arg2[%mul3A_4] : memref<86016xi32, #tpu.memory_space<hbm>> -> memref<2688xi32, #tpu.memory_space<hbm>>
      tpu.wait_dma2 semaphore(%run_scoped3A : memref<!tpu.dma_semaphore, #tpu.memory_space<semaphore_mem>>) src(%dma_wait3A_379 : memref<2688xi32, #tpu.memory_space<hbm>>) dst(%arg8 : memref<2688xi32, #tpu.memory_space<vmem>>)
      tpu.yield
    }) : () -> ()
    "tpu.region"() ({
      %run_scoped3A = tpu.sem_alloc : memref<!tpu.dma_semaphore, #tpu.memory_space<semaphore_mem>>
      %dma_start3A_376 = tpu.memref_slice %arg3[%mul3A_2] : memref<4096xi32, #tpu.memory_space<hbm>> -> memref<128xi32, #tpu.memory_space<hbm>>
      %dma_start3A_377 = tpu.memref_slice %arg3[%mul3A_2] : memref<4096xi32, #tpu.memory_space<hbm>> -> memref<128xi32, #tpu.memory_space<hbm>>
      tpu.enqueue_dma source(%dma_start3A_377 : memref<128xi32, #tpu.memory_space<hbm>>) target(%arg15 : memref<128xi32, #tpu.memory_space<vmem>>) target_semaphore(%run_scoped3A : memref<!tpu.dma_semaphore, #tpu.memory_space<semaphore_mem>>)
      %dma_wait3A_378 = tpu.memref_slice %arg3[%mul3A_2] : memref<4096xi32, #tpu.memory_space<hbm>> -> memref<128xi32, #tpu.memory_space<hbm>>
      %dma_wait3A_379 = tpu.memref_slice %arg3[%mul3A_2] : memref<4096xi32, #tpu.memory_space<hbm>> -> memref<128xi32, #tpu.memory_space<hbm>>
      tpu.wait_dma2 semaphore(%run_scoped3A : memref<!tpu.dma_semaphore, #tpu.memory_space<semaphore_mem>>) src(%dma_wait3A_379 : memref<128xi32, #tpu.memory_space<hbm>>) dst(%arg15 : memref<128xi32, #tpu.memory_space<vmem>>)
      tpu.yield
    }) : () -> ()
    %scan3A = arith.constant 0 : i32
    %scan3A_5 = arith.constant 0 : i32
    %scan3A_6 = arith.constant 8 : i32
    %scan3A_7 = arith.addi %scan3A_5, %scan3A_6 : i32
    %scan3A_8 = arith.constant 1 : i32
    %scan3A_9 = scf.for %scan3A_376 = %scan3A_5 to %scan3A_7 step %scan3A_8 iter_args(%scan3A_377 = %scan3A) -> (i32)  : i32 {
      %iota3A = tpu.iota {dimensions = array<i32: 0>} : vector<16xi32>
      %mul3A_378 = arith.constant 16 : i32
      %mul3A_379 = arith.muli %scan3A_376, %mul3A_378 : i32
      %add3A_380 = vector.broadcast %mul3A_379 : i32 to vector<16xi32>
      %add3A_381 = arith.addi %iota3A, %add3A_380 : vector<16xi32>
      %mul3A_382 = arith.constant 21 : i32
      %mul3A_383 = vector.broadcast %mul3A_382 : i32 to vector<16xi32>
      %mul3A_384 = arith.muli %add3A_381, %mul3A_383 : vector<16xi32>
      %gather3A = tpu.vector_load_idx %arg8[%mul3A_384] : memref<2688xi32, #tpu.memory_space<vmem>>[vector<16xi32>], vector<16xi32>,
      %mul3A_385 = arith.constant 16 : i32
      %mul3A_386 = arith.muli %scan3A_376, %mul3A_385 : i32
      %swap3A = arith.index_cast %mul3A_386 : i32 to index
      %swap3A_387 = tpu.vector_load %arg14[%swap3A] {strides = array<i32>} : memref<128xi32, #tpu.memory_space<vmem>>, vector<16xi32>,
      tpu.vector_store %arg14[%swap3A], %gather3A {strides = array<i32>} : memref<128xi32, #tpu.memory_space<vmem>>, vector<16xi32>,
      %scan3A_388 = arith.constant 0 : i32
      scf.yield %scan3A_388 : i32
    }
    %scan3A_10 = arith.constant 8 : i32
    %scan3A_11 = arith.constant 0 : i32
    %scan3A_12 = arith.constant 0 : i32
    %scan3A_13 = arith.constant 160 : i32
    %scan3A_14 = arith.addi %scan3A_12, %scan3A_13 : i32
    %scan3A_15 = arith.constant 1 : i32
    %scan3A_16 = scf.for %scan3A_376 = %scan3A_12 to %scan3A_14 step %scan3A_15 iter_args(%scan3A_377 = %scan3A_11) -> (i32)  : i32 {
      %iota3A = tpu.iota {dimensions = array<i32: 0>} : vector<16xi32>
      %mul3A_378 = arith.constant 16 : i32
      %mul3A_379 = arith.muli %scan3A_376, %mul3A_378 : i32
      %add3A_380 = vector.broadcast %mul3A_379 : i32 to vector<16xi32>
      %add3A_381 = arith.addi %iota3A, %add3A_380 : vector<16xi32>
      %jit3A = arith.constant 20 : i32
      %div3A = vector.broadcast %jit3A : i32 to vector<16xi32>
      %div3A_382 = arith.divsi %add3A_381, %div3A : vector<16xi32>
      %sign3A = arith.constant 0 : i32
      %sign3A_383 = vector.broadcast %sign3A : i32 to vector<16xi32>
      %sign3A_384 = arith.cmpi sgt, %add3A_381, %sign3A_383 : vector<16xi32>
      %sign3A_385 = arith.extui %sign3A_384 : vector<16xi1> to vector<16xi32>
      %sign3A_386 = arith.constant 0 : i32
      %sign3A_387 = vector.broadcast %sign3A_386 : i32 to vector<16xi32>
      %sign3A_388 = arith.cmpi slt, %add3A_381, %sign3A_387 : vector<16xi32>
      %sign3A_389 = arith.extui %sign3A_388 : vector<16xi1> to vector<16xi32>
      %sign3A_390 = arith.subi %sign3A_385, %sign3A_389 : vector<16xi32>
      %sign3A_391 = arith.constant 0 : i32
      %sign3A_392 = arith.cmpi sgt, %jit3A, %sign3A_391 : i32
      %sign3A_393 = arith.extui %sign3A_392 : i1 to i32
      %sign3A_394 = arith.constant 0 : i32
      %sign3A_395 = arith.cmpi slt, %jit3A, %sign3A_394 : i32
      %sign3A_396 = arith.extui %sign3A_395 : i1 to i32
      %sign3A_397 = arith.subi %sign3A_393, %sign3A_396 : i32
      %ne3A = vector.broadcast %sign3A_397 : i32 to vector<16xi32>
      %ne3A_398 = arith.cmpi ne, %sign3A_390, %ne3A : vector<16xi32>
      %rem3A = vector.broadcast %jit3A : i32 to vector<16xi32>
      %rem3A_399 = arith.remsi %add3A_381, %rem3A : vector<16xi32>
      %ne3A_400 = arith.constant 0 : i32
      %ne3A_401 = vector.broadcast %ne3A_400 : i32 to vector<16xi32>
      %ne3A_402 = arith.cmpi ne, %rem3A_399, %ne3A_401 : vector<16xi32>
      %and3A = arith.andi %ne3A_398, %ne3A_402 : vector<16xi1>
      %sub3A = arith.constant 1 : i32
      %sub3A_403 = vector.broadcast %sub3A : i32 to vector<16xi32>
      %sub3A_404 = arith.subi %div3A_382, %sub3A_403 : vector<16xi32>
      %select_n3A = arith.select %and3A, %sub3A_404, %div3A_382 : vector<16xi1>, vector<16xi32>
      %mul3A_405 = arith.constant 20 : i32
      %mul3A_406 = vector.broadcast %mul3A_405 : i32 to vector<16xi32>
      %mul3A_407 = arith.muli %select_n3A, %mul3A_406 : vector<16xi32>
      %sub3A_408 = arith.subi %add3A_381, %mul3A_407 : vector<16xi32>
      %add3A_409 = arith.constant 1 : i32
      %add3A_410 = vector.broadcast %add3A_409 : i32 to vector<16xi32>
      %add3A_411 = arith.addi %sub3A_408, %add3A_410 : vector<16xi32>
      %mul3A_412 = arith.constant 21 : i32
      %mul3A_413 = vector.broadcast %mul3A_412 : i32 to vector<16xi32>
      %mul3A_414 = arith.muli %select_n3A, %mul3A_413 : vector<16xi32>
      %add3A_415 = arith.addi %mul3A_414, %add3A_411 : vector<16xi32>
      %gather3A = tpu.vector_load_idx %arg8[%add3A_415] : memref<2688xi32, #tpu.memory_space<vmem>>[vector<16xi32>], vector<16xi32>,
      %mul3A_416 = arith.constant 16 : i32
      %mul3A_417 = arith.muli %scan3A_376, %mul3A_416 : i32
      %swap3A = arith.index_cast %mul3A_417 : i32 to index
      %swap3A_418 = tpu.vector_load %arg16[%swap3A] {strides = array<i32>} : memref<2560xi32, #tpu.memory_space<vmem>>, vector<16xi32>,
      tpu.vector_store %arg16[%swap3A], %gather3A {strides = array<i32>} : memref<2560xi32, #tpu.memory_space<vmem>>, vector<16xi32>,
      %scan3A_419 = arith.constant 0 : i32
      scf.yield %scan3A_419 : i32
    }
    %scan3A_17 = arith.constant 160 : i32
    %dma_start3A = arith.constant 0 : i32
    %dma_start3A_18 = arith.constant 0 : i32
    %dma_start3A_19 = tpu.memref_slice %arg5[%dma_start3A, %dma_start3A_18] : memref<1000000x64xf32, #tpu.memory_space<hbm>> -> memref<1000000x64xf32, #tpu.memory_space<hbm>>
    tpu.enqueue_indirect_dma source(%dma_start3A_19 : memref<1000000x64xf32, #tpu.memory_space<hbm>>) target(%arg11 : memref<128x64xf32, #tpu.memory_space<vmem>>) offsets(%arg15 : memref<128xi32, #tpu.memory_space<vmem>>) semaphore(%arg19 : memref<!tpu.dma_semaphore, #tpu.memory_space<semaphore_mem>>)
    %dma_start3A_20 = arith.constant 0 : i32
    %dma_start3A_21 = arith.constant 0 : i32
    %dma_start3A_22 = tpu.memref_slice %arg4[%dma_start3A_20, %dma_start3A_21] : memref<100000x64xf32, #tpu.memory_space<hbm>> -> memref<100000x64xf32, #tpu.memory_space<hbm>>
    tpu.enqueue_indirect_dma source(%dma_start3A_22 : memref<100000x64xf32, #tpu.memory_space<hbm>>) target(%arg12 : memref<128x64xf32, #tpu.memory_space<vmem>>) offsets(%arg14 : memref<128xi32, #tpu.memory_space<vmem>>) semaphore(%arg19 : memref<!tpu.dma_semaphore, #tpu.memory_space<semaphore_mem>>)
    %dma_start3A_23 = arith.constant 0 : i32
    %dma_start3A_24 = arith.constant 0 : i32
    %dma_start3A_25 = tpu.memref_slice %arg9[%dma_start3A_23, %dma_start3A_24] : memref<640x64xf32, #tpu.memory_space<vmem>> -> memref<128x64xf32, #tpu.memory_space<vmem>>
    %dma_start3A_26 = arith.constant 0 : i32
    %dma_start3A_27 = tpu.memref_slice %arg16[%dma_start3A_26] : memref<2560xi32, #tpu.memory_space<vmem>> -> memref<128xi32, #tpu.memory_space<vmem>>
    %dma_start3A_28 = arith.constant 0 : i32
    %dma_start3A_29 = arith.constant 0 : i32
    %dma_start3A_30 = tpu.memref_slice %arg5[%dma_start3A_28, %dma_start3A_29] : memref<1000000x64xf32, #tpu.memory_space<hbm>> -> memref<1000000x64xf32, #tpu.memory_space<hbm>>
    tpu.enqueue_indirect_dma source(%dma_start3A_30 : memref<1000000x64xf32, #tpu.memory_space<hbm>>) target(%dma_start3A_25 : memref<128x64xf32, #tpu.memory_space<vmem>>) offsets(%dma_start3A_27 : memref<128xi32, #tpu.memory_space<vmem>>) semaphore(%arg17 : memref<!tpu.dma_semaphore, #tpu.memory_space<semaphore_mem>>)
    %dma_start3A_31 = arith.constant 128 : i32
    %dma_start3A_32 = arith.constant 0 : i32
    %dma_start3A_33 = tpu.memref_slice %arg9[%dma_start3A_31, %dma_start3A_32] : memref<640x64xf32, #tpu.memory_space<vmem>> -> memref<128x64xf32, #tpu.memory_space<vmem>>
    %dma_start3A_34 = arith.constant 128 : i32
    %dma_start3A_35 = tpu.memref_slice %arg16[%dma_start3A_34] : memref<2560xi32, #tpu.memory_space<vmem>> -> memref<128xi32, #tpu.memory_space<vmem>>
    %dma_start3A_36 = arith.constant 0 : i32
    %dma_start3A_37 = arith.constant 0 : i32
    %dma_start3A_38 = tpu.memref_slice %arg5[%dma_start3A_36, %dma_start3A_37] : memref<1000000x64xf32, #tpu.memory_space<hbm>> -> memref<1000000x64xf32, #tpu.memory_space<hbm>>
    tpu.enqueue_indirect_dma source(%dma_start3A_38 : memref<1000000x64xf32, #tpu.memory_space<hbm>>) target(%dma_start3A_33 : memref<128x64xf32, #tpu.memory_space<vmem>>) offsets(%dma_start3A_35 : memref<128xi32, #tpu.memory_space<vmem>>) semaphore(%arg17 : memref<!tpu.dma_semaphore, #tpu.memory_space<semaphore_mem>>)
    %dma_start3A_39 = arith.constant 256 : i32
    %dma_start3A_40 = arith.constant 0 : i32
    %dma_start3A_41 = tpu.memref_slice %arg9[%dma_start3A_39, %dma_start3A_40] : memref<640x64xf32, #tpu.memory_space<vmem>> -> memref<128x64xf32, #tpu.memory_space<vmem>>
    %dma_start3A_42 = arith.constant 256 : i32
    %dma_start3A_43 = tpu.memref_slice %arg16[%dma_start3A_42] : memref<2560xi32, #tpu.memory_space<vmem>> -> memref<128xi32, #tpu.memory_space<vmem>>
    %dma_start3A_44 = arith.constant 0 : i32
    %dma_start3A_45 = arith.constant 0 : i32
    %dma_start3A_46 = tpu.memref_slice %arg5[%dma_start3A_44, %dma_start3A_45] : memref<1000000x64xf32, #tpu.memory_space<hbm>> -> memref<1000000x64xf32, #tpu.memory_space<hbm>>
    tpu.enqueue_indirect_dma source(%dma_start3A_46 : memref<1000000x64xf32, #tpu.memory_space<hbm>>) target(%dma_start3A_41 : memref<128x64xf32, #tpu.memory_space<vmem>>) offsets(%dma_start3A_43 : memref<128xi32, #tpu.memory_space<vmem>>) semaphore(%arg17 : memref<!tpu.dma_semaphore, #tpu.memory_space<semaphore_mem>>)
    %dma_start3A_47 = arith.constant 384 : i32
    %dma_start3A_48 = arith.constant 0 : i32
    %dma_start3A_49 = tpu.memref_slice %arg9[%dma_start3A_47, %dma_start3A_48] : memref<640x64xf32, #tpu.memory_space<vmem>> -> memref<128x64xf32, #tpu.memory_space<vmem>>
    %dma_start3A_50 = arith.constant 384 : i32
    %dma_start3A_51 = tpu.memref_slice %arg16[%dma_start3A_50] : memref<2560xi32, #tpu.memory_space<vmem>> -> memref<128xi32, #tpu.memory_space<vmem>>
    %dma_start3A_52 = arith.constant 0 : i32
    %dma_start3A_53 = arith.constant 0 : i32
    %dma_start3A_54 = tpu.memref_slice %arg5[%dma_start3A_52, %dma_start3A_53] : memref<1000000x64xf32, #tpu.memory_space<hbm>> -> memref<1000000x64xf32, #tpu.memory_space<hbm>>
    tpu.enqueue_indirect_dma source(%dma_start3A_54 : memref<1000000x64xf32, #tpu.memory_space<hbm>>) target(%dma_start3A_49 : memref<128x64xf32, #tpu.memory_space<vmem>>) offsets(%dma_start3A_51 : memref<128xi32, #tpu.memory_space<vmem>>) semaphore(%arg17 : memref<!tpu.dma_semaphore, #tpu.memory_space<semaphore_mem>>)
    %dma_start3A_55 = arith.constant 512 : i32
    %dma_start3A_56 = arith.constant 0 : i32
    %dma_start3A_57 = tpu.memref_slice %arg9[%dma_start3A_55, %dma_start3A_56] : memref<640x64xf32, #tpu.memory_space<vmem>> -> memref<128x64xf32, #tpu.memory_space<vmem>>
    %dma_start3A_58 = arith.constant 512 : i32
    %dma_start3A_59 = tpu.memref_slice %arg16[%dma_start3A_58] : memref<2560xi32, #tpu.memory_space<vmem>> -> memref<128xi32, #tpu.memory_space<vmem>>
    %dma_start3A_60 = arith.constant 0 : i32
    %dma_start3A_61 = arith.constant 0 : i32
    %dma_start3A_62 = tpu.memref_slice %arg5[%dma_start3A_60, %dma_start3A_61] : memref<1000000x64xf32, #tpu.memory_space<hbm>> -> memref<1000000x64xf32, #tpu.memory_space<hbm>>
    tpu.enqueue_indirect_dma source(%dma_start3A_62 : memref<1000000x64xf32, #tpu.memory_space<hbm>>) target(%dma_start3A_57 : memref<128x64xf32, #tpu.memory_space<vmem>>) offsets(%dma_start3A_59 : memref<128xi32, #tpu.memory_space<vmem>>) semaphore(%arg17 : memref<!tpu.dma_semaphore, #tpu.memory_space<semaphore_mem>>)
    %dma_wait3A = arith.constant 0 : i32
    %dma_wait3A_63 = arith.constant 0 : i32
    %dma_wait3A_64 = tpu.memref_slice %arg4[%dma_wait3A, %dma_wait3A_63] : memref<100000x64xf32, #tpu.memory_space<hbm>> -> memref<100000x64xf32, #tpu.memory_space<hbm>>
    tpu.wait_indirect_dma semaphore(%arg19 : memref<!tpu.dma_semaphore, #tpu.memory_space<semaphore_mem>>) src(%dma_wait3A_64 : memref<100000x64xf32, #tpu.memory_space<hbm>>) dst(%arg12 : memref<128x64xf32, #tpu.memory_space<vmem>>)
    %dma_wait3A_65 = arith.constant 0 : i32
    %dma_wait3A_66 = arith.constant 0 : i32
    %dma_wait3A_67 = tpu.memref_slice %arg5[%dma_wait3A_65, %dma_wait3A_66] : memref<1000000x64xf32, #tpu.memory_space<hbm>> -> memref<1000000x64xf32, #tpu.memory_space<hbm>>
    tpu.wait_indirect_dma semaphore(%arg19 : memref<!tpu.dma_semaphore, #tpu.memory_space<semaphore_mem>>) src(%dma_wait3A_67 : memref<1000000x64xf32, #tpu.memory_space<hbm>>) dst(%arg11 : memref<128x64xf32, #tpu.memory_space<vmem>>)
    %dma_wait3A_68 = arith.constant 0 : i32
    %dma_wait3A_69 = arith.constant 0 : i32
    %dma_wait3A_70 = tpu.memref_slice %arg9[%dma_wait3A_68, %dma_wait3A_69] : memref<640x64xf32, #tpu.memory_space<vmem>> -> memref<128x64xf32, #tpu.memory_space<vmem>>
    %dma_wait3A_71 = arith.constant 0 : i32
    %dma_wait3A_72 = tpu.memref_slice %arg16[%dma_wait3A_71] : memref<2560xi32, #tpu.memory_space<vmem>> -> memref<128xi32, #tpu.memory_space<vmem>>
    %dma_wait3A_73 = arith.constant 0 : i32
    %dma_wait3A_74 = arith.constant 0 : i32
    %dma_wait3A_75 = tpu.memref_slice %arg5[%dma_wait3A_73, %dma_wait3A_74] : memref<1000000x64xf32, #tpu.memory_space<hbm>> -> memref<1000000x64xf32, #tpu.memory_space<hbm>>
    tpu.wait_indirect_dma semaphore(%arg17 : memref<!tpu.dma_semaphore, #tpu.memory_space<semaphore_mem>>) src(%dma_wait3A_75 : memref<1000000x64xf32, #tpu.memory_space<hbm>>) dst(%dma_wait3A_70 : memref<128x64xf32, #tpu.memory_space<vmem>>)
    %dma_wait3A_76 = arith.constant 128 : i32
    %dma_wait3A_77 = arith.constant 0 : i32
    %dma_wait3A_78 = tpu.memref_slice %arg9[%dma_wait3A_76, %dma_wait3A_77] : memref<640x64xf32, #tpu.memory_space<vmem>> -> memref<128x64xf32, #tpu.memory_space<vmem>>
    %dma_wait3A_79 = arith.constant 128 : i32
    %dma_wait3A_80 = tpu.memref_slice %arg16[%dma_wait3A_79] : memref<2560xi32, #tpu.memory_space<vmem>> -> memref<128xi32, #tpu.memory_space<vmem>>
    %dma_wait3A_81 = arith.constant 0 : i32
    %dma_wait3A_82 = arith.constant 0 : i32
    %dma_wait3A_83 = tpu.memref_slice %arg5[%dma_wait3A_81, %dma_wait3A_82] : memref<1000000x64xf32, #tpu.memory_space<hbm>> -> memref<1000000x64xf32, #tpu.memory_space<hbm>>
    tpu.wait_indirect_dma semaphore(%arg17 : memref<!tpu.dma_semaphore, #tpu.memory_space<semaphore_mem>>) src(%dma_wait3A_83 : memref<1000000x64xf32, #tpu.memory_space<hbm>>) dst(%dma_wait3A_78 : memref<128x64xf32, #tpu.memory_space<vmem>>)
    %dma_wait3A_84 = arith.constant 256 : i32
    %dma_wait3A_85 = arith.constant 0 : i32
    %dma_wait3A_86 = tpu.memref_slice %arg9[%dma_wait3A_84, %dma_wait3A_85] : memref<640x64xf32, #tpu.memory_space<vmem>> -> memref<128x64xf32, #tpu.memory_space<vmem>>
    %dma_wait3A_87 = arith.constant 256 : i32
    %dma_wait3A_88 = tpu.memref_slice %arg16[%dma_wait3A_87] : memref<2560xi32, #tpu.memory_space<vmem>> -> memref<128xi32, #tpu.memory_space<vmem>>
    %dma_wait3A_89 = arith.constant 0 : i32
    %dma_wait3A_90 = arith.constant 0 : i32
    %dma_wait3A_91 = tpu.memref_slice %arg5[%dma_wait3A_89, %dma_wait3A_90] : memref<1000000x64xf32, #tpu.memory_space<hbm>> -> memref<1000000x64xf32, #tpu.memory_space<hbm>>
    tpu.wait_indirect_dma semaphore(%arg17 : memref<!tpu.dma_semaphore, #tpu.memory_space<semaphore_mem>>) src(%dma_wait3A_91 : memref<1000000x64xf32, #tpu.memory_space<hbm>>) dst(%dma_wait3A_86 : memref<128x64xf32, #tpu.memory_space<vmem>>)
    %dma_wait3A_92 = arith.constant 384 : i32
    %dma_wait3A_93 = arith.constant 0 : i32
    %dma_wait3A_94 = tpu.memref_slice %arg9[%dma_wait3A_92, %dma_wait3A_93] : memref<640x64xf32, #tpu.memory_space<vmem>> -> memref<128x64xf32, #tpu.memory_space<vmem>>
    %dma_wait3A_95 = arith.constant 384 : i32
    %dma_wait3A_96 = tpu.memref_slice %arg16[%dma_wait3A_95] : memref<2560xi32, #tpu.memory_space<vmem>> -> memref<128xi32, #tpu.memory_space<vmem>>
    %dma_wait3A_97 = arith.constant 0 : i32
    %dma_wait3A_98 = arith.constant 0 : i32
    %dma_wait3A_99 = tpu.memref_slice %arg5[%dma_wait3A_97, %dma_wait3A_98] : memref<1000000x64xf32, #tpu.memory_space<hbm>> -> memref<1000000x64xf32, #tpu.memory_space<hbm>>
    tpu.wait_indirect_dma semaphore(%arg17 : memref<!tpu.dma_semaphore, #tpu.memory_space<semaphore_mem>>) src(%dma_wait3A_99 : memref<1000000x64xf32, #tpu.memory_space<hbm>>) dst(%dma_wait3A_94 : memref<128x64xf32, #tpu.memory_space<vmem>>)
    %dma_wait3A_100 = arith.constant 512 : i32
    %dma_wait3A_101 = arith.constant 0 : i32
    %dma_wait3A_102 = tpu.memref_slice %arg9[%dma_wait3A_100, %dma_wait3A_101] : memref<640x64xf32, #tpu.memory_space<vmem>> -> memref<128x64xf32, #tpu.memory_space<vmem>>
    %dma_wait3A_103 = arith.constant 512 : i32
    %dma_wait3A_104 = tpu.memref_slice %arg16[%dma_wait3A_103] : memref<2560xi32, #tpu.memory_space<vmem>> -> memref<128xi32, #tpu.memory_space<vmem>>
    %dma_wait3A_105 = arith.constant 0 : i32
    %dma_wait3A_106 = arith.constant 0 : i32
    %dma_wait3A_107 = tpu.memref_slice %arg5[%dma_wait3A_105, %dma_wait3A_106] : memref<1000000x64xf32, #tpu.memory_space<hbm>> -> memref<1000000x64xf32, #tpu.memory_space<hbm>>
    tpu.wait_indirect_dma semaphore(%arg17 : memref<!tpu.dma_semaphore, #tpu.memory_space<semaphore_mem>>) src(%dma_wait3A_107 : memref<1000000x64xf32, #tpu.memory_space<hbm>>) dst(%dma_wait3A_102 : memref<128x64xf32, #tpu.memory_space<vmem>>)
    %dma_start3A_108 = arith.constant 0 : i32
    %dma_start3A_109 = arith.constant 0 : i32
    %dma_start3A_110 = tpu.memref_slice %arg10[%dma_start3A_108, %dma_start3A_109] : memref<640x64xf32, #tpu.memory_space<vmem>> -> memref<128x64xf32, #tpu.memory_space<vmem>>
    %dma_start3A_111 = arith.constant 640 : i32
    %dma_start3A_112 = tpu.memref_slice %arg16[%dma_start3A_111] : memref<2560xi32, #tpu.memory_space<vmem>> -> memref<128xi32, #tpu.memory_space<vmem>>
    %dma_start3A_113 = arith.constant 0 : i32
    %dma_start3A_114 = arith.constant 0 : i32
    %dma_start3A_115 = tpu.memref_slice %arg5[%dma_start3A_113, %dma_start3A_114] : memref<1000000x64xf32, #tpu.memory_space<hbm>> -> memref<1000000x64xf32, #tpu.memory_space<hbm>>
    tpu.enqueue_indirect_dma source(%dma_start3A_115 : memref<1000000x64xf32, #tpu.memory_space<hbm>>) target(%dma_start3A_110 : memref<128x64xf32, #tpu.memory_space<vmem>>) offsets(%dma_start3A_112 : memref<128xi32, #tpu.memory_space<vmem>>) semaphore(%arg18 : memref<!tpu.dma_semaphore, #tpu.memory_space<semaphore_mem>>)
    %dma_start3A_116 = arith.constant 128 : i32
    %dma_start3A_117 = arith.constant 0 : i32
    %dma_start3A_118 = tpu.memref_slice %arg10[%dma_start3A_116, %dma_start3A_117] : memref<640x64xf32, #tpu.memory_space<vmem>> -> memref<128x64xf32, #tpu.memory_space<vmem>>
    %dma_start3A_119 = arith.constant 768 : i32
    %dma_start3A_120 = tpu.memref_slice %arg16[%dma_start3A_119] : memref<2560xi32, #tpu.memory_space<vmem>> -> memref<128xi32, #tpu.memory_space<vmem>>
    %dma_start3A_121 = arith.constant 0 : i32
    %dma_start3A_122 = arith.constant 0 : i32
    %dma_start3A_123 = tpu.memref_slice %arg5[%dma_start3A_121, %dma_start3A_122] : memref<1000000x64xf32, #tpu.memory_space<hbm>> -> memref<1000000x64xf32, #tpu.memory_space<hbm>>
    tpu.enqueue_indirect_dma source(%dma_start3A_123 : memref<1000000x64xf32, #tpu.memory_space<hbm>>) target(%dma_start3A_118 : memref<128x64xf32, #tpu.memory_space<vmem>>) offsets(%dma_start3A_120 : memref<128xi32, #tpu.memory_space<vmem>>) semaphore(%arg18 : memref<!tpu.dma_semaphore, #tpu.memory_space<semaphore_mem>>)
    %dma_start3A_124 = arith.constant 256 : i32
    %dma_start3A_125 = arith.constant 0 : i32
    %dma_start3A_126 = tpu.memref_slice %arg10[%dma_start3A_124, %dma_start3A_125] : memref<640x64xf32, #tpu.memory_space<vmem>> -> memref<128x64xf32, #tpu.memory_space<vmem>>
    %dma_start3A_127 = arith.constant 896 : i32
    %dma_start3A_128 = tpu.memref_slice %arg16[%dma_start3A_127] : memref<2560xi32, #tpu.memory_space<vmem>> -> memref<128xi32, #tpu.memory_space<vmem>>
    %dma_start3A_129 = arith.constant 0 : i32
    %dma_start3A_130 = arith.constant 0 : i32
    %dma_start3A_131 = tpu.memref_slice %arg5[%dma_start3A_129, %dma_start3A_130] : memref<1000000x64xf32, #tpu.memory_space<hbm>> -> memref<1000000x64xf32, #tpu.memory_space<hbm>>
    tpu.enqueue_indirect_dma source(%dma_start3A_131 : memref<1000000x64xf32, #tpu.memory_space<hbm>>) target(%dma_start3A_126 : memref<128x64xf32, #tpu.memory_space<vmem>>) offsets(%dma_start3A_128 : memref<128xi32, #tpu.memory_space<vmem>>) semaphore(%arg18 : memref<!tpu.dma_semaphore, #tpu.memory_space<semaphore_mem>>)
    %dma_start3A_132 = arith.constant 384 : i32
    %dma_start3A_133 = arith.constant 0 : i32
    %dma_start3A_134 = tpu.memref_slice %arg10[%dma_start3A_132, %dma_start3A_133] : memref<640x64xf32, #tpu.memory_space<vmem>> -> memref<128x64xf32, #tpu.memory_space<vmem>>
    %dma_start3A_135 = arith.constant 1024 : i32
    %dma_start3A_136 = tpu.memref_slice %arg16[%dma_start3A_135] : memref<2560xi32, #tpu.memory_space<vmem>> -> memref<128xi32, #tpu.memory_space<vmem>>
    %dma_start3A_137 = arith.constant 0 : i32
    %dma_start3A_138 = arith.constant 0 : i32
    %dma_start3A_139 = tpu.memref_slice %arg5[%dma_start3A_137, %dma_start3A_138] : memref<1000000x64xf32, #tpu.memory_space<hbm>> -> memref<1000000x64xf32, #tpu.memory_space<hbm>>
    tpu.enqueue_indirect_dma source(%dma_start3A_139 : memref<1000000x64xf32, #tpu.memory_space<hbm>>) target(%dma_start3A_134 : memref<128x64xf32, #tpu.memory_space<vmem>>) offsets(%dma_start3A_136 : memref<128xi32, #tpu.memory_space<vmem>>) semaphore(%arg18 : memref<!tpu.dma_semaphore, #tpu.memory_space<semaphore_mem>>)
    %dma_start3A_140 = arith.constant 512 : i32
    %dma_start3A_141 = arith.constant 0 : i32
    %dma_start3A_142 = tpu.memref_slice %arg10[%dma_start3A_140, %dma_start3A_141] : memref<640x64xf32, #tpu.memory_space<vmem>> -> memref<128x64xf32, #tpu.memory_space<vmem>>
    %dma_start3A_143 = arith.constant 1152 : i32
    %dma_start3A_144 = tpu.memref_slice %arg16[%dma_start3A_143] : memref<2560xi32, #tpu.memory_space<vmem>> -> memref<128xi32, #tpu.memory_space<vmem>>
    %dma_start3A_145 = arith.constant 0 : i32
    %dma_start3A_146 = arith.constant 0 : i32
    %dma_start3A_147 = tpu.memref_slice %arg5[%dma_start3A_145, %dma_start3A_146] : memref<1000000x64xf32, #tpu.memory_space<hbm>> -> memref<1000000x64xf32, #tpu.memory_space<hbm>>
    tpu.enqueue_indirect_dma source(%dma_start3A_147 : memref<1000000x64xf32, #tpu.memory_space<hbm>>) target(%dma_start3A_142 : memref<128x64xf32, #tpu.memory_space<vmem>>) offsets(%dma_start3A_144 : memref<128xi32, #tpu.memory_space<vmem>>) semaphore(%arg18 : memref<!tpu.dma_semaphore, #tpu.memory_space<semaphore_mem>>)
    %scan3A_148 = arith.constant 0 : i32
    %scan3A_149 = arith.constant 0 : i32
    %scan3A_150 = arith.constant 32 : i32
    %scan3A_151 = arith.addi %scan3A_149, %scan3A_150 : i32
    %scan3A_152 = arith.constant 1 : i32
    %scan3A_153 = scf.for %scan3A_376 = %scan3A_149 to %scan3A_151 step %scan3A_152 iter_args(%scan3A_377 = %scan3A_148) -> (i32)  : i32 {
      %add3A_378 = arith.constant 0 : i32
      %add3A_379 = arith.addi %add3A_378, %scan3A_376 : i32
      %get3A = arith.index_cast %add3A_379 : i32 to index
      %get3A_380 = arith.constant 0 : index
      %get3A_381 = tpu.vector_load %arg12[%get3A, %get3A_380] {strides = array<i32>} : memref<128x64xf32, #tpu.memory_space<vmem>>, vector<16xf32>,
      %mul3A_382 = arith.constant 20 : i32
      %mul3A_383 = arith.muli %scan3A_376, %mul3A_382 : i32
      %add3A_384 = arith.constant 0 : i32
      %add3A_385 = arith.addi %mul3A_383, %add3A_384 : i32
      %get3A_386 = arith.index_cast %add3A_385 : i32 to index
      %get3A_387 = arith.constant 0 : index
      %get3A_388 = tpu.vector_load %arg9[%get3A_386, %get3A_387] {strides = array<i32>} : memref<640x64xf32, #tpu.memory_space<vmem>>, vector<16xf32>,
      %add3A_389 = arith.addf %get3A_381, %get3A_388 : vector<16xf32>
      %mul3A_390 = arith.constant 20 : i32
      %mul3A_391 = arith.muli %scan3A_376, %mul3A_390 : i32
      %add3A_392 = arith.constant 1 : i32
      %add3A_393 = arith.addi %mul3A_391, %add3A_392 : i32
      %get3A_394 = arith.index_cast %add3A_393 : i32 to index
      %get3A_395 = arith.constant 0 : index
      %get3A_396 = tpu.vector_load %arg9[%get3A_394, %get3A_395] {strides = array<i32>} : memref<640x64xf32, #tpu.memory_space<vmem>>, vector<16xf32>,
      %add3A_397 = arith.addf %add3A_389, %get3A_396 : vector<16xf32>
      %mul3A_398 = arith.constant 20 : i32
      %mul3A_399 = arith.muli %scan3A_376, %mul3A_398 : i32
      %add3A_400 = arith.constant 2 : i32
      %add3A_401 = arith.addi %mul3A_399, %add3A_400 : i32
      %get3A_402 = arith.index_cast %add3A_401 : i32 to index
      %get3A_403 = arith.constant 0 : index
      %get3A_404 = tpu.vector_load %arg9[%get3A_402, %get3A_403] {strides = array<i32>} : memref<640x64xf32, #tpu.memory_space<vmem>>, vector<16xf32>,
      %add3A_405 = arith.addf %add3A_397, %get3A_404 : vector<16xf32>
      %mul3A_406 = arith.constant 20 : i32
      %mul3A_407 = arith.muli %scan3A_376, %mul3A_406 : i32
      %add3A_408 = arith.constant 3 : i32
      %add3A_409 = arith.addi %mul3A_407, %add3A_408 : i32
      %get3A_410 = arith.index_cast %add3A_409 : i32 to index
      %get3A_411 = arith.constant 0 : index
      %get3A_412 = tpu.vector_load %arg9[%get3A_410, %get3A_411] {strides = array<i32>} : memref<640x64xf32, #tpu.memory_space<vmem>>, vector<16xf32>,
      %add3A_413 = arith.addf %add3A_405, %get3A_412 : vector<16xf32>
      %mul3A_414 = arith.constant 20 : i32
      %mul3A_415 = arith.muli %scan3A_376, %mul3A_414 : i32
      %add3A_416 = arith.constant 4 : i32
      %add3A_417 = arith.addi %mul3A_415, %add3A_416 : i32
      %get3A_418 = arith.index_cast %add3A_417 : i32 to index
      %get3A_419 = arith.constant 0 : index
      %get3A_420 = tpu.vector_load %arg9[%get3A_418, %get3A_419] {strides = array<i32>} : memref<640x64xf32, #tpu.memory_space<vmem>>, vector<16xf32>,
      %add3A_421 = arith.addf %add3A_413, %get3A_420 : vector<16xf32>
      %mul3A_422 = arith.constant 20 : i32
      %mul3A_423 = arith.muli %scan3A_376, %mul3A_422 : i32
      %add3A_424 = arith.constant 5 : i32
      %add3A_425 = arith.addi %mul3A_423, %add3A_424 : i32
      %get3A_426 = arith.index_cast %add3A_425 : i32 to index
      %get3A_427 = arith.constant 0 : index
      %get3A_428 = tpu.vector_load %arg9[%get3A_426, %get3A_427] {strides = array<i32>} : memref<640x64xf32, #tpu.memory_space<vmem>>, vector<16xf32>,
      %add3A_429 = arith.addf %add3A_421, %get3A_428 : vector<16xf32>
      %mul3A_430 = arith.constant 20 : i32
      %mul3A_431 = arith.muli %scan3A_376, %mul3A_430 : i32
      %add3A_432 = arith.constant 6 : i32
      %add3A_433 = arith.addi %mul3A_431, %add3A_432 : i32
      %get3A_434 = arith.index_cast %add3A_433 : i32 to index
      %get3A_435 = arith.constant 0 : index
      %get3A_436 = tpu.vector_load %arg9[%get3A_434, %get3A_435] {strides = array<i32>} : memref<640x64xf32, #tpu.memory_space<vmem>>, vector<16xf32>,
      %add3A_437 = arith.addf %add3A_429, %get3A_436 : vector<16xf32>
      %mul3A_438 = arith.constant 20 : i32
      %mul3A_439 = arith.muli %scan3A_376, %mul3A_438 : i32
      %add3A_440 = arith.constant 7 : i32
      %add3A_441 = arith.addi %mul3A_439, %add3A_440 : i32
      %get3A_442 = arith.index_cast %add3A_441 : i32 to index
      %get3A_443 = arith.constant 0 : index
      %get3A_444 = tpu.vector_load %arg9[%get3A_442, %get3A_443] {strides = array<i32>} : memref<640x64xf32, #tpu.memory_space<vmem>>, vector<16xf32>,
      %add3A_445 = arith.addf %add3A_437, %get3A_444 : vector<16xf32>
      %mul3A_446 = arith.constant 20 : i32
      %mul3A_447 = arith.muli %scan3A_376, %mul3A_446 : i32
      %add3A_448 = arith.constant 8 : i32
      %add3A_449 = arith.addi %mul3A_447, %add3A_448 : i32
      %get3A_450 = arith.index_cast %add3A_449 : i32 to index
      %get3A_451 = arith.constant 0 : index
      %get3A_452 = tpu.vector_load %arg9[%get3A_450, %get3A_451] {strides = array<i32>} : memref<640x64xf32, #tpu.memory_space<vmem>>, vector<16xf32>,
      %add3A_453 = arith.addf %add3A_445, %get3A_452 : vector<16xf32>
      %mul3A_454 = arith.constant 20 : i32
      %mul3A_455 = arith.muli %scan3A_376, %mul3A_454 : i32
      %add3A_456 = arith.constant 9 : i32
      %add3A_457 = arith.addi %mul3A_455, %add3A_456 : i32
      %get3A_458 = arith.index_cast %add3A_457 : i32 to index
      %get3A_459 = arith.constant 0 : index
      %get3A_460 = tpu.vector_load %arg9[%get3A_458, %get3A_459] {strides = array<i32>} : memref<640x64xf32, #tpu.memory_space<vmem>>, vector<16xf32>,
      %add3A_461 = arith.addf %add3A_453, %get3A_460 : vector<16xf32>
      %mul3A_462 = arith.constant 20 : i32
      %mul3A_463 = arith.muli %scan3A_376, %mul3A_462 : i32
      %add3A_464 = arith.constant 10 : i32
      %add3A_465 = arith.addi %mul3A_463, %add3A_464 : i32
      %get3A_466 = arith.index_cast %add3A_465 : i32 to index
      %get3A_467 = arith.constant 0 : index
      %get3A_468 = tpu.vector_load %arg9[%get3A_466, %get3A_467] {strides = array<i32>} : memref<640x64xf32, #tpu.memory_space<vmem>>, vector<16xf32>,
      %add3A_469 = arith.addf %add3A_461, %get3A_468 : vector<16xf32>
      %mul3A_470 = arith.constant 20 : i32
      %mul3A_471 = arith.muli %scan3A_376, %mul3A_470 : i32
      %add3A_472 = arith.constant 11 : i32
      %add3A_473 = arith.addi %mul3A_471, %add3A_472 : i32
      %get3A_474 = arith.index_cast %add3A_473 : i32 to index
      %get3A_475 = arith.constant 0 : index
      %get3A_476 = tpu.vector_load %arg9[%get3A_474, %get3A_475] {strides = array<i32>} : memref<640x64xf32, #tpu.memory_space<vmem>>, vector<16xf32>,
      %add3A_477 = arith.addf %add3A_469, %get3A_476 : vector<16xf32>
      %mul3A_478 = arith.constant 20 : i32
      %mul3A_479 = arith.muli %scan3A_376, %mul3A_478 : i32
      %add3A_480 = arith.constant 12 : i32
      %add3A_481 = arith.addi %mul3A_479, %add3A_480 : i32
      %get3A_482 = arith.index_cast %add3A_481 : i32 to index
      %get3A_483 = arith.constant 0 : index
      %get3A_484 = tpu.vector_load %arg9[%get3A_482, %get3A_483] {strides = array<i32>} : memref<640x64xf32, #tpu.memory_space<vmem>>, vector<16xf32>,
      %add3A_485 = arith.addf %add3A_477, %get3A_484 : vector<16xf32>
      %mul3A_486 = arith.constant 20 : i32
      %mul3A_487 = arith.muli %scan3A_376, %mul3A_486 : i32
      %add3A_488 = arith.constant 13 : i32
      %add3A_489 = arith.addi %mul3A_487, %add3A_488 : i32
      %get3A_490 = arith.index_cast %add3A_489 : i32 to index
      %get3A_491 = arith.constant 0 : index
      %get3A_492 = tpu.vector_load %arg9[%get3A_490, %get3A_491] {strides = array<i32>} : memref<640x64xf32, #tpu.memory_space<vmem>>, vector<16xf32>,
      %add3A_493 = arith.addf %add3A_485, %get3A_492 : vector<16xf32>
      %mul3A_494 = arith.constant 20 : i32
      %mul3A_495 = arith.muli %scan3A_376, %mul3A_494 : i32
      %add3A_496 = arith.constant 14 : i32
      %add3A_497 = arith.addi %mul3A_495, %add3A_496 : i32
      %get3A_498 = arith.index_cast %add3A_497 : i32 to index
      %get3A_499 = arith.constant 0 : index
      %get3A_500 = tpu.vector_load %arg9[%get3A_498, %get3A_499] {strides = array<i32>} : memref<640x64xf32, #tpu.memory_space<vmem>>, vector<16xf32>,
      %add3A_501 = arith.addf %add3A_493, %get3A_500 : vector<16xf32>
      %mul3A_502 = arith.constant 20 : i32
      %mul3A_503 = arith.muli %scan3A_376, %mul3A_502 : i32
      %add3A_504 = arith.constant 15 : i32
      %add3A_505 = arith.addi %mul3A_503, %add3A_504 : i32
      %get3A_506 = arith.index_cast %add3A_505 : i32 to index
      %get3A_507 = arith.constant 0 : index
      %get3A_508 = tpu.vector_load %arg9[%get3A_506, %get3A_507] {strides = array<i32>} : memref<640x64xf32, #tpu.memory_space<vmem>>, vector<16xf32>,
      %add3A_509 = arith.addf %add3A_501, %get3A_508 : vector<16xf32>
      %mul3A_510 = arith.constant 20 : i32
      %mul3A_511 = arith.muli %scan3A_376, %mul3A_510 : i32
      %add3A_512 = arith.constant 16 : i32
      %add3A_513 = arith.addi %mul3A_511, %add3A_512 : i32
      %get3A_514 = arith.index_cast %add3A_513 : i32 to index
      %get3A_515 = arith.constant 0 : index
      %get3A_516 = tpu.vector_load %arg9[%get3A_514, %get3A_515] {strides = array<i32>} : memref<640x64xf32, #tpu.memory_space<vmem>>, vector<16xf32>,
      %add3A_517 = arith.addf %add3A_509, %get3A_516 : vector<16xf32>
      %mul3A_518 = arith.constant 20 : i32
      %mul3A_519 = arith.muli %scan3A_376, %mul3A_518 : i32
      %add3A_520 = arith.constant 17 : i32
      %add3A_521 = arith.addi %mul3A_519, %add3A_520 : i32
      %get3A_522 = arith.index_cast %add3A_521 : i32 to index
      %get3A_523 = arith.constant 0 : index
      %get3A_524 = tpu.vector_load %arg9[%get3A_522, %get3A_523] {strides = array<i32>} : memref<640x64xf32, #tpu.memory_space<vmem>>, vector<16xf32>,
      %add3A_525 = arith.addf %add3A_517, %get3A_524 : vector<16xf32>
      %mul3A_526 = arith.constant 20 : i32
      %mul3A_527 = arith.muli %scan3A_376, %mul3A_526 : i32
      %add3A_528 = arith.constant 18 : i32
      %add3A_529 = arith.addi %mul3A_527, %add3A_528 : i32
      %get3A_530 = arith.index_cast %add3A_529 : i32 to index
      %get3A_531 = arith.constant 0 : index
      %get3A_532 = tpu.vector_load %arg9[%get3A_530, %get3A_531] {strides = array<i32>} : memref<640x64xf32, #tpu.memory_space<vmem>>, vector<16xf32>,
      %add3A_533 = arith.addf %add3A_525, %get3A_532 : vector<16xf32>
      %mul3A_534 = arith.constant 20 : i32
      %mul3A_535 = arith.muli %scan3A_376, %mul3A_534 : i32
      %add3A_536 = arith.constant 19 : i32
      %add3A_537 = arith.addi %mul3A_535, %add3A_536 : i32
      %get3A_538 = arith.index_cast %add3A_537 : i32 to index
      %get3A_539 = arith.constant 0 : index
      %get3A_540 = tpu.vector_load %arg9[%get3A_538, %get3A_539] {strides = array<i32>} : memref<640x64xf32, #tpu.memory_space<vmem>>, vector<16xf32>,
      %add3A_541 = arith.addf %add3A_533, %get3A_540 : vector<16xf32>
      %mul3A_542 = arith.constant 0.0476190485 : f32
      %mul3A_543 = vector.broadcast %mul3A_542 : f32 to vector<16xf32>
      %mul3A_544 = arith.mulf %add3A_541, %mul3A_543 : vector<16xf32>
      %swap3A = arith.index_cast %add3A_379 : i32 to index
      %swap3A_545 = arith.constant 0 : index
      %swap3A_546 = tpu.vector_load %arg13[%swap3A, %swap3A_545] {strides = array<i32>} : memref<128x64xf32, #tpu.memory_space<vmem>>, vector<16xf32>,
      tpu.vector_store %arg13[%swap3A, %swap3A_545], %mul3A_544 {strides = array<i32>} : memref<128x64xf32, #tpu.memory_space<vmem>>, vector<16xf32>,
      %get3A_547 = arith.index_cast %add3A_379 : i32 to index
      %get3A_548 = arith.constant 16 : index
      %get3A_549 = tpu.vector_load %arg12[%get3A_547, %get3A_548] {strides = array<i32>} : memref<128x64xf32, #tpu.memory_space<vmem>>, vector<16xf32>,
      %mul3A_550 = arith.constant 20 : i32
      %mul3A_551 = arith.muli %scan3A_376, %mul3A_550 : i32
      %add3A_552 = arith.constant 0 : i32
      %add3A_553 = arith.addi %mul3A_551, %add3A_552 : i32
      %get3A_554 = arith.index_cast %add3A_553 : i32 to index
      %get3A_555 = arith.constant 16 : index
      %get3A_556 = tpu.vector_load %arg9[%get3A_554, %get3A_555] {strides = array<i32>} : memref<640x64xf32, #tpu.memory_space<vmem>>, vector<16xf32>,
      %add3A_557 = arith.addf %get3A_549, %get3A_556 : vector<16xf32>
      %mul3A_558 = arith.constant 20 : i32
      %mul3A_559 = arith.muli %scan3A_376, %mul3A_558 : i32
      %add3A_560 = arith.constant 1 : i32
      %add3A_561 = arith.addi %mul3A_559, %add3A_560 : i32
      %get3A_562 = arith.index_cast %add3A_561 : i32 to index
      %get3A_563 = arith.constant 16 : index
      %get3A_564 = tpu.vector_load %arg9[%get3A_562, %get3A_563] {strides = array<i32>} : memref<640x64xf32, #tpu.memory_space<vmem>>, vector<16xf32>,
      %add3A_565 = arith.addf %add3A_557, %get3A_564 : vector<16xf32>
      %mul3A_566 = arith.constant 20 : i32
      %mul3A_567 = arith.muli %scan3A_376, %mul3A_566 : i32
      %add3A_568 = arith.constant 2 : i32
      %add3A_569 = arith.addi %mul3A_567, %add3A_568 : i32
      %get3A_570 = arith.index_cast %add3A_569 : i32 to index
      %get3A_571 = arith.constant 16 : index
      %get3A_572 = tpu.vector_load %arg9[%get3A_570, %get3A_571] {strides = array<i32>} : memref<640x64xf32, #tpu.memory_space<vmem>>, vector<16xf32>,
      %add3A_573 = arith.addf %add3A_565, %get3A_572 : vector<16xf32>
      %mul3A_574 = arith.constant 20 : i32
      %mul3A_575 = arith.muli %scan3A_376, %mul3A_574 : i32
      %add3A_576 = arith.constant 3 : i32
      %add3A_577 = arith.addi %mul3A_575, %add3A_576 : i32
      %get3A_578 = arith.index_cast %add3A_577 : i32 to index
      %get3A_579 = arith.constant 16 : index
      %get3A_580 = tpu.vector_load %arg9[%get3A_578, %get3A_579] {strides = array<i32>} : memref<640x64xf32, #tpu.memory_space<vmem>>, vector<16xf32>,
      %add3A_581 = arith.addf %add3A_573, %get3A_580 : vector<16xf32>
      %mul3A_582 = arith.constant 20 : i32
      %mul3A_583 = arith.muli %scan3A_376, %mul3A_582 : i32
      %add3A_584 = arith.constant 4 : i32
      %add3A_585 = arith.addi %mul3A_583, %add3A_584 : i32
      %get3A_586 = arith.index_cast %add3A_585 : i32 to index
      %get3A_587 = arith.constant 16 : index
      %get3A_588 = tpu.vector_load %arg9[%get3A_586, %get3A_587] {strides = array<i32>} : memref<640x64xf32, #tpu.memory_space<vmem>>, vector<16xf32>,
      %add3A_589 = arith.addf %add3A_581, %get3A_588 : vector<16xf32>
      %mul3A_590 = arith.constant 20 : i32
      %mul3A_591 = arith.muli %scan3A_376, %mul3A_590 : i32
      %add3A_592 = arith.constant 5 : i32
      %add3A_593 = arith.addi %mul3A_591, %add3A_592 : i32
      %get3A_594 = arith.index_cast %add3A_593 : i32 to index
      %get3A_595 = arith.constant 16 : index
      %get3A_596 = tpu.vector_load %arg9[%get3A_594, %get3A_595] {strides = array<i32>} : memref<640x64xf32, #tpu.memory_space<vmem>>, vector<16xf32>,
      %add3A_597 = arith.addf %add3A_589, %get3A_596 : vector<16xf32>
      %mul3A_598 = arith.constant 20 : i32
      %mul3A_599 = arith.muli %scan3A_376, %mul3A_598 : i32
      %add3A_600 = arith.constant 6 : i32
      %add3A_601 = arith.addi %mul3A_599, %add3A_600 : i32
      %get3A_602 = arith.index_cast %add3A_601 : i32 to index
      %get3A_603 = arith.constant 16 : index
      %get3A_604 = tpu.vector_load %arg9[%get3A_602, %get3A_603] {strides = array<i32>} : memref<640x64xf32, #tpu.memory_space<vmem>>, vector<16xf32>,
      %add3A_605 = arith.addf %add3A_597, %get3A_604 : vector<16xf32>
      %mul3A_606 = arith.constant 20 : i32
      %mul3A_607 = arith.muli %scan3A_376, %mul3A_606 : i32
      %add3A_608 = arith.constant 7 : i32
      %add3A_609 = arith.addi %mul3A_607, %add3A_608 : i32
      %get3A_610 = arith.index_cast %add3A_609 : i32 to index
      %get3A_611 = arith.constant 16 : index
      %get3A_612 = tpu.vector_load %arg9[%get3A_610, %get3A_611] {strides = array<i32>} : memref<640x64xf32, #tpu.memory_space<vmem>>, vector<16xf32>,
      %add3A_613 = arith.addf %add3A_605, %get3A_612 : vector<16xf32>
      %mul3A_614 = arith.constant 20 : i32
      %mul3A_615 = arith.muli %scan3A_376, %mul3A_614 : i32
      %add3A_616 = arith.constant 8 : i32
      %add3A_617 = arith.addi %mul3A_615, %add3A_616 : i32
      %get3A_618 = arith.index_cast %add3A_617 : i32 to index
      %get3A_619 = arith.constant 16 : index
      %get3A_620 = tpu.vector_load %arg9[%get3A_618, %get3A_619] {strides = array<i32>} : memref<640x64xf32, #tpu.memory_space<vmem>>, vector<16xf32>,
      %add3A_621 = arith.addf %add3A_613, %get3A_620 : vector<16xf32>
      %mul3A_622 = arith.constant 20 : i32
      %mul3A_623 = arith.muli %scan3A_376, %mul3A_622 : i32
      %add3A_624 = arith.constant 9 : i32
      %add3A_625 = arith.addi %mul3A_623, %add3A_624 : i32
      %get3A_626 = arith.index_cast %add3A_625 : i32 to index
      %get3A_627 = arith.constant 16 : index
      %get3A_628 = tpu.vector_load %arg9[%get3A_626, %get3A_627] {strides = array<i32>} : memref<640x64xf32, #tpu.memory_space<vmem>>, vector<16xf32>,
      %add3A_629 = arith.addf %add3A_621, %get3A_628 : vector<16xf32>
      %mul3A_630 = arith.constant 20 : i32
      %mul3A_631 = arith.muli %scan3A_376, %mul3A_630 : i32
      %add3A_632 = arith.constant 10 : i32
      %add3A_633 = arith.addi %mul3A_631, %add3A_632 : i32
      %get3A_634 = arith.index_cast %add3A_633 : i32 to index
      %get3A_635 = arith.constant 16 : index
      %get3A_636 = tpu.vector_load %arg9[%get3A_634, %get3A_635] {strides = array<i32>} : memref<640x64xf32, #tpu.memory_space<vmem>>, vector<16xf32>,
      %add3A_637 = arith.addf %add3A_629, %get3A_636 : vector<16xf32>
      %mul3A_638 = arith.constant 20 : i32
      %mul3A_639 = arith.muli %scan3A_376, %mul3A_638 : i32
      %add3A_640 = arith.constant 11 : i32
      %add3A_641 = arith.addi %mul3A_639, %add3A_640 : i32
      %get3A_642 = arith.index_cast %add3A_641 : i32 to index
      %get3A_643 = arith.constant 16 : index
      %get3A_644 = tpu.vector_load %arg9[%get3A_642, %get3A_643] {strides = array<i32>} : memref<640x64xf32, #tpu.memory_space<vmem>>, vector<16xf32>,
      %add3A_645 = arith.addf %add3A_637, %get3A_644 : vector<16xf32>
      %mul3A_646 = arith.constant 20 : i32
      %mul3A_647 = arith.muli %scan3A_376, %mul3A_646 : i32
      %add3A_648 = arith.constant 12 : i32
      %add3A_649 = arith.addi %mul3A_647, %add3A_648 : i32
      %get3A_650 = arith.index_cast %add3A_649 : i32 to index
      %get3A_651 = arith.constant 16 : index
      %get3A_652 = tpu.vector_load %arg9[%get3A_650, %get3A_651] {strides = array<i32>} : memref<640x64xf32, #tpu.memory_space<vmem>>, vector<16xf32>,
      %add3A_653 = arith.addf %add3A_645, %get3A_652 : vector<16xf32>
      %mul3A_654 = arith.constant 20 : i32
      %mul3A_655 = arith.muli %scan3A_376, %mul3A_654 : i32
      %add3A_656 = arith.constant 13 : i32
      %add3A_657 = arith.addi %mul3A_655, %add3A_656 : i32
      %get3A_658 = arith.index_cast %add3A_657 : i32 to index
      %get3A_659 = arith.constant 16 : index
      %get3A_660 = tpu.vector_load %arg9[%get3A_658, %get3A_659] {strides = array<i32>} : memref<640x64xf32, #tpu.memory_space<vmem>>, vector<16xf32>,
      %add3A_661 = arith.addf %add3A_653, %get3A_660 : vector<16xf32>
      %mul3A_662 = arith.constant 20 : i32
      %mul3A_663 = arith.muli %scan3A_376, %mul3A_662 : i32
      %add3A_664 = arith.constant 14 : i32
      %add3A_665 = arith.addi %mul3A_663, %add3A_664 : i32
      %get3A_666 = arith.index_cast %add3A_665 : i32 to index
      %get3A_667 = arith.constant 16 : index
      %get3A_668 = tpu.vector_load %arg9[%get3A_666, %get3A_667] {strides = array<i32>} : memref<640x64xf32, #tpu.memory_space<vmem>>, vector<16xf32>,
      %add3A_669 = arith.addf %add3A_661, %get3A_668 : vector<16xf32>
      %mul3A_670 = arith.constant 20 : i32
      %mul3A_671 = arith.muli %scan3A_376, %mul3A_670 : i32
      %add3A_672 = arith.constant 15 : i32
      %add3A_673 = arith.addi %mul3A_671, %add3A_672 : i32
      %get3A_674 = arith.index_cast %add3A_673 : i32 to index
      %get3A_675 = arith.constant 16 : index
      %get3A_676 = tpu.vector_load %arg9[%get3A_674, %get3A_675] {strides = array<i32>} : memref<640x64xf32, #tpu.memory_space<vmem>>, vector<16xf32>,
      %add3A_677 = arith.addf %add3A_669, %get3A_676 : vector<16xf32>
      %mul3A_678 = arith.constant 20 : i32
      %mul3A_679 = arith.muli %scan3A_376, %mul3A_678 : i32
      %add3A_680 = arith.constant 16 : i32
      %add3A_681 = arith.addi %mul3A_679, %add3A_680 : i32
      %get3A_682 = arith.index_cast %add3A_681 : i32 to index
      %get3A_683 = arith.constant 16 : index
      %get3A_684 = tpu.vector_load %arg9[%get3A_682, %get3A_683] {strides = array<i32>} : memref<640x64xf32, #tpu.memory_space<vmem>>, vector<16xf32>,
      %add3A_685 = arith.addf %add3A_677, %get3A_684 : vector<16xf32>
      %mul3A_686 = arith.constant 20 : i32
      %mul3A_687 = arith.muli %scan3A_376, %mul3A_686 : i32
      %add3A_688 = arith.constant 17 : i32
      %add3A_689 = arith.addi %mul3A_687, %add3A_688 : i32
      %get3A_690 = arith.index_cast %add3A_689 : i32 to index
      %get3A_691 = arith.constant 16 : index
      %get3A_692 = tpu.vector_load %arg9[%get3A_690, %get3A_691] {strides = array<i32>} : memref<640x64xf32, #tpu.memory_space<vmem>>, vector<16xf32>,
      %add3A_693 = arith.addf %add3A_685, %get3A_692 : vector<16xf32>
      %mul3A_694 = arith.constant 20 : i32
      %mul3A_695 = arith.muli %scan3A_376, %mul3A_694 : i32
      %add3A_696 = arith.constant 18 : i32
      %add3A_697 = arith.addi %mul3A_695, %add3A_696 : i32
      %get3A_698 = arith.index_cast %add3A_697 : i32 to index
      %get3A_699 = arith.constant 16 : index
      %get3A_700 = tpu.vector_load %arg9[%get3A_698, %get3A_699] {strides = array<i32>} : memref<640x64xf32, #tpu.memory_space<vmem>>, vector<16xf32>,
      %add3A_701 = arith.addf %add3A_693, %get3A_700 : vector<16xf32>
      %mul3A_702 = arith.constant 20 : i32
      %mul3A_703 = arith.muli %scan3A_376, %mul3A_702 : i32
      %add3A_704 = arith.constant 19 : i32
      %add3A_705 = arith.addi %mul3A_703, %add3A_704 : i32
      %get3A_706 = arith.index_cast %add3A_705 : i32 to index
      %get3A_707 = arith.constant 16 : index
      %get3A_708 = tpu.vector_load %arg9[%get3A_706, %get3A_707] {strides = array<i32>} : memref<640x64xf32, #tpu.memory_space<vmem>>, vector<16xf32>,
      %add3A_709 = arith.addf %add3A_701, %get3A_708 : vector<16xf32>
      %mul3A_710 = arith.constant 0.0476190485 : f32
      %mul3A_711 = vector.broadcast %mul3A_710 : f32 to vector<16xf32>
      %mul3A_712 = arith.mulf %add3A_709, %mul3A_711 : vector<16xf32>
      %swap3A_713 = arith.index_cast %add3A_379 : i32 to index
      %swap3A_714 = arith.constant 16 : index
      %swap3A_715 = tpu.vector_load %arg13[%swap3A_713, %swap3A_714] {strides = array<i32>} : memref<128x64xf32, #tpu.memory_space<vmem>>, vector<16xf32>,
      tpu.vector_store %arg13[%swap3A_713, %swap3A_714], %mul3A_712 {strides = array<i32>} : memref<128x64xf32, #tpu.memory_space<vmem>>, vector<16xf32>,
      %get3A_716 = arith.index_cast %add3A_379 : i32 to index
      %get3A_717 = arith.constant 32 : index
      %get3A_718 = tpu.vector_load %arg12[%get3A_716, %get3A_717] {strides = array<i32>} : memref<128x64xf32, #tpu.memory_space<vmem>>, vector<16xf32>,
      %mul3A_719 = arith.constant 20 : i32
      %mul3A_720 = arith.muli %scan3A_376, %mul3A_719 : i32
      %add3A_721 = arith.constant 0 : i32
      %add3A_722 = arith.addi %mul3A_720, %add3A_721 : i32
      %get3A_723 = arith.index_cast %add3A_722 : i32 to index
      %get3A_724 = arith.constant 32 : index
      %get3A_725 = tpu.vector_load %arg9[%get3A_723, %get3A_724] {strides = array<i32>} : memref<640x64xf32, #tpu.memory_space<vmem>>, vector<16xf32>,
      %add3A_726 = arith.addf %get3A_718, %get3A_725 : vector<16xf32>
      %mul3A_727 = arith.constant 20 : i32
      %mul3A_728 = arith.muli %scan3A_376, %mul3A_727 : i32
      %add3A_729 = arith.constant 1 : i32
      %add3A_730 = arith.addi %mul3A_728, %add3A_729 : i32
      %get3A_731 = arith.index_cast %add3A_730 : i32 to index
      %get3A_732 = arith.constant 32 : index
      %get3A_733 = tpu.vector_load %arg9[%get3A_731, %get3A_732] {strides = array<i32>} : memref<640x64xf32, #tpu.memory_space<vmem>>, vector<16xf32>,
      %add3A_734 = arith.addf %add3A_726, %get3A_733 : vector<16xf32>
      %mul3A_735 = arith.constant 20 : i32
      %mul3A_736 = arith.muli %scan3A_376, %mul3A_735 : i32
      %add3A_737 = arith.constant 2 : i32
      %add3A_738 = arith.addi %mul3A_736, %add3A_737 : i32
      %get3A_739 = arith.index_cast %add3A_738 : i32 to index
      %get3A_740 = arith.constant 32 : index
      %get3A_741 = tpu.vector_load %arg9[%get3A_739, %get3A_740] {strides = array<i32>} : memref<640x64xf32, #tpu.memory_space<vmem>>, vector<16xf32>,
      %add3A_742 = arith.addf %add3A_734, %get3A_741 : vector<16xf32>
      %mul3A_743 = arith.constant 20 : i32
      %mul3A_744 = arith.muli %scan3A_376, %mul3A_743 : i32
      %add3A_745 = arith.constant 3 : i32
      %add3A_746 = arith.addi %mul3A_744, %add3A_745 : i32
      %get3A_747 = arith.index_cast %add3A_746 : i32 to index
      %get3A_748 = arith.constant 32 : index
      %get3A_749 = tpu.vector_load %arg9[%get3A_747, %get3A_748] {strides = array<i32>} : memref<640x64xf32, #tpu.memory_space<vmem>>, vector<16xf32>,
      %add3A_750 = arith.addf %add3A_742, %get3A_749 : vector<16xf32>
      %mul3A_751 = arith.constant 20 : i32
      %mul3A_752 = arith.muli %scan3A_376, %mul3A_751 : i32
      %add3A_753 = arith.constant 4 : i32
      %add3A_754 = arith.addi %mul3A_752, %add3A_753 : i32
      %get3A_755 = arith.index_cast %add3A_754 : i32 to index
      %get3A_756 = arith.constant 32 : index
      %get3A_757 = tpu.vector_load %arg9[%get3A_755, %get3A_756] {strides = array<i32>} : memref<640x64xf32, #tpu.memory_space<vmem>>, vector<16xf32>,
      %add3A_758 = arith.addf %add3A_750, %get3A_757 : vector<16xf32>
      %mul3A_759 = arith.constant 20 : i32
      %mul3A_760 = arith.muli %scan3A_376, %mul3A_759 : i32
      %add3A_761 = arith.constant 5 : i32
      %add3A_762 = arith.addi %mul3A_760, %add3A_761 : i32
      %get3A_763 = arith.index_cast %add3A_762 : i32 to index
      %get3A_764 = arith.constant 32 : index
      %get3A_765 = tpu.vector_load %arg9[%get3A_763, %get3A_764] {strides = array<i32>} : memref<640x64xf32, #tpu.memory_space<vmem>>, vector<16xf32>,
      %add3A_766 = arith.addf %add3A_758, %get3A_765 : vector<16xf32>
      %mul3A_767 = arith.constant 20 : i32
      %mul3A_768 = arith.muli %scan3A_376, %mul3A_767 : i32
      %add3A_769 = arith.constant 6 : i32
      %add3A_770 = arith.addi %mul3A_768, %add3A_769 : i32
      %get3A_771 = arith.index_cast %add3A_770 : i32 to index
      %get3A_772 = arith.constant 32 : index
      %get3A_773 = tpu.vector_load %arg9[%get3A_771, %get3A_772] {strides = array<i32>} : memref<640x64xf32, #tpu.memory_space<vmem>>, vector<16xf32>,
      %add3A_774 = arith.addf %add3A_766, %get3A_773 : vector<16xf32>
      %mul3A_775 = arith.constant 20 : i32
      %mul3A_776 = arith.muli %scan3A_376, %mul3A_775 : i32
      %add3A_777 = arith.constant 7 : i32
      %add3A_778 = arith.addi %mul3A_776, %add3A_777 : i32
      %get3A_779 = arith.index_cast %add3A_778 : i32 to index
      %get3A_780 = arith.constant 32 : index
      %get3A_781 = tpu.vector_load %arg9[%get3A_779, %get3A_780] {strides = array<i32>} : memref<640x64xf32, #tpu.memory_space<vmem>>, vector<16xf32>,
      %add3A_782 = arith.addf %add3A_774, %get3A_781 : vector<16xf32>
      %mul3A_783 = arith.constant 20 : i32
      %mul3A_784 = arith.muli %scan3A_376, %mul3A_783 : i32
      %add3A_785 = arith.constant 8 : i32
      %add3A_786 = arith.addi %mul3A_784, %add3A_785 : i32
      %get3A_787 = arith.index_cast %add3A_786 : i32 to index
      %get3A_788 = arith.constant 32 : index
      %get3A_789 = tpu.vector_load %arg9[%get3A_787, %get3A_788] {strides = array<i32>} : memref<640x64xf32, #tpu.memory_space<vmem>>, vector<16xf32>,
      %add3A_790 = arith.addf %add3A_782, %get3A_789 : vector<16xf32>
      %mul3A_791 = arith.constant 20 : i32
      %mul3A_792 = arith.muli %scan3A_376, %mul3A_791 : i32
      %add3A_793 = arith.constant 9 : i32
      %add3A_794 = arith.addi %mul3A_792, %add3A_793 : i32
      %get3A_795 = arith.index_cast %add3A_794 : i32 to index
      %get3A_796 = arith.constant 32 : index
      %get3A_797 = tpu.vector_load %arg9[%get3A_795, %get3A_796] {strides = array<i32>} : memref<640x64xf32, #tpu.memory_space<vmem>>, vector<16xf32>,
      %add3A_798 = arith.addf %add3A_790, %get3A_797 : vector<16xf32>
      %mul3A_799 = arith.constant 20 : i32
      %mul3A_800 = arith.muli %scan3A_376, %mul3A_799 : i32
      %add3A_801 = arith.constant 10 : i32
      %add3A_802 = arith.addi %mul3A_800, %add3A_801 : i32
      %get3A_803 = arith.index_cast %add3A_802 : i32 to index
      %get3A_804 = arith.constant 32 : index
      %get3A_805 = tpu.vector_load %arg9[%get3A_803, %get3A_804] {strides = array<i32>} : memref<640x64xf32, #tpu.memory_space<vmem>>, vector<16xf32>,
      %add3A_806 = arith.addf %add3A_798, %get3A_805 : vector<16xf32>
      %mul3A_807 = arith.constant 20 : i32
      %mul3A_808 = arith.muli %scan3A_376, %mul3A_807 : i32
      %add3A_809 = arith.constant 11 : i32
      %add3A_810 = arith.addi %mul3A_808, %add3A_809 : i32
      %get3A_811 = arith.index_cast %add3A_810 : i32 to index
      %get3A_812 = arith.constant 32 : index
      %get3A_813 = tpu.vector_load %arg9[%get3A_811, %get3A_812] {strides = array<i32>} : memref<640x64xf32, #tpu.memory_space<vmem>>, vector<16xf32>,
      %add3A_814 = arith.addf %add3A_806, %get3A_813 : vector<16xf32>
      %mul3A_815 = arith.constant 20 : i32
      %mul3A_816 = arith.muli %scan3A_376, %mul3A_815 : i32
      %add3A_817 = arith.constant 12 : i32
      %add3A_818 = arith.addi %mul3A_816, %add3A_817 : i32
      %get3A_819 = arith.index_cast %add3A_818 : i32 to index
      %get3A_820 = arith.constant 32 : index
      %get3A_821 = tpu.vector_load %arg9[%get3A_819, %get3A_820] {strides = array<i32>} : memref<640x64xf32, #tpu.memory_space<vmem>>, vector<16xf32>,
      %add3A_822 = arith.addf %add3A_814, %get3A_821 : vector<16xf32>
      %mul3A_823 = arith.constant 20 : i32
      %mul3A_824 = arith.muli %scan3A_376, %mul3A_823 : i32
      %add3A_825 = arith.constant 13 : i32
      %add3A_826 = arith.addi %mul3A_824, %add3A_825 : i32
      %get3A_827 = arith.index_cast %add3A_826 : i32 to index
      %get3A_828 = arith.constant 32 : index
      %get3A_829 = tpu.vector_load %arg9[%get3A_827, %get3A_828] {strides = array<i32>} : memref<640x64xf32, #tpu.memory_space<vmem>>, vector<16xf32>,
      %add3A_830 = arith.addf %add3A_822, %get3A_829 : vector<16xf32>
      %mul3A_831 = arith.constant 20 : i32
      %mul3A_832 = arith.muli %scan3A_376, %mul3A_831 : i32
      %add3A_833 = arith.constant 14 : i32
      %add3A_834 = arith.addi %mul3A_832, %add3A_833 : i32
      %get3A_835 = arith.index_cast %add3A_834 : i32 to index
      %get3A_836 = arith.constant 32 : index
      %get3A_837 = tpu.vector_load %arg9[%get3A_835, %get3A_836] {strides = array<i32>} : memref<640x64xf32, #tpu.memory_space<vmem>>, vector<16xf32>,
      %add3A_838 = arith.addf %add3A_830, %get3A_837 : vector<16xf32>
      %mul3A_839 = arith.constant 20 : i32
      %mul3A_840 = arith.muli %scan3A_376, %mul3A_839 : i32
      %add3A_841 = arith.constant 15 : i32
      %add3A_842 = arith.addi %mul3A_840, %add3A_841 : i32
      %get3A_843 = arith.index_cast %add3A_842 : i32 to index
      %get3A_844 = arith.constant 32 : index
      %get3A_845 = tpu.vector_load %arg9[%get3A_843, %get3A_844] {strides = array<i32>} : memref<640x64xf32, #tpu.memory_space<vmem>>, vector<16xf32>,
      %add3A_846 = arith.addf %add3A_838, %get3A_845 : vector<16xf32>
      %mul3A_847 = arith.constant 20 : i32
      %mul3A_848 = arith.muli %scan3A_376, %mul3A_847 : i32
      %add3A_849 = arith.constant 16 : i32
      %add3A_850 = arith.addi %mul3A_848, %add3A_849 : i32
      %get3A_851 = arith.index_cast %add3A_850 : i32 to index
      %get3A_852 = arith.constant 32 : index
      %get3A_853 = tpu.vector_load %arg9[%get3A_851, %get3A_852] {strides = array<i32>} : memref<640x64xf32, #tpu.memory_space<vmem>>, vector<16xf32>,
      %add3A_854 = arith.addf %add3A_846, %get3A_853 : vector<16xf32>
      %mul3A_855 = arith.constant 20 : i32
      %mul3A_856 = arith.muli %scan3A_376, %mul3A_855 : i32
      %add3A_857 = arith.constant 17 : i32
      %add3A_858 = arith.addi %mul3A_856, %add3A_857 : i32
      %get3A_859 = arith.index_cast %add3A_858 : i32 to index
      %get3A_860 = arith.constant 32 : index
      %get3A_861 = tpu.vector_load %arg9[%get3A_859, %get3A_860] {strides = array<i32>} : memref<640x64xf32, #tpu.memory_space<vmem>>, vector<16xf32>,
      %add3A_862 = arith.addf %add3A_854, %get3A_861 : vector<16xf32>
      %mul3A_863 = arith.constant 20 : i32
      %mul3A_864 = arith.muli %scan3A_376, %mul3A_863 : i32
      %add3A_865 = arith.constant 18 : i32
      %add3A_866 = arith.addi %mul3A_864, %add3A_865 : i32
      %get3A_867 = arith.index_cast %add3A_866 : i32 to index
      %get3A_868 = arith.constant 32 : index
      %get3A_869 = tpu.vector_load %arg9[%get3A_867, %get3A_868] {strides = array<i32>} : memref<640x64xf32, #tpu.memory_space<vmem>>, vector<16xf32>,
      %add3A_870 = arith.addf %add3A_862, %get3A_869 : vector<16xf32>
      %mul3A_871 = arith.constant 20 : i32
      %mul3A_872 = arith.muli %scan3A_376, %mul3A_871 : i32
      %add3A_873 = arith.constant 19 : i32
      %add3A_874 = arith.addi %mul3A_872, %add3A_873 : i32
      %get3A_875 = arith.index_cast %add3A_874 : i32 to index
      %get3A_876 = arith.constant 32 : index
      %get3A_877 = tpu.vector_load %arg9[%get3A_875, %get3A_876] {strides = array<i32>} : memref<640x64xf32, #tpu.memory_space<vmem>>, vector<16xf32>,
      %add3A_878 = arith.addf %add3A_870, %get3A_877 : vector<16xf32>
      %mul3A_879 = arith.constant 0.0476190485 : f32
      %mul3A_880 = vector.broadcast %mul3A_879 : f32 to vector<16xf32>
      %mul3A_881 = arith.mulf %add3A_878, %mul3A_880 : vector<16xf32>
      %swap3A_882 = arith.index_cast %add3A_379 : i32 to index
      %swap3A_883 = arith.constant 32 : index
      %swap3A_884 = tpu.vector_load %arg13[%swap3A_882, %swap3A_883] {strides = array<i32>} : memref<128x64xf32, #tpu.memory_space<vmem>>, vector<16xf32>,
      tpu.vector_store %arg13[%swap3A_882, %swap3A_883], %mul3A_881 {strides = array<i32>} : memref<128x64xf32, #tpu.memory_space<vmem>>, vector<16xf32>,
      %get3A_885 = arith.index_cast %add3A_379 : i32 to index
      %get3A_886 = arith.constant 48 : index
      %get3A_887 = tpu.vector_load %arg12[%get3A_885, %get3A_886] {strides = array<i32>} : memref<128x64xf32, #tpu.memory_space<vmem>>, vector<16xf32>,
      %mul3A_888 = arith.constant 20 : i32
      %mul3A_889 = arith.muli %scan3A_376, %mul3A_888 : i32
      %add3A_890 = arith.constant 0 : i32
      %add3A_891 = arith.addi %mul3A_889, %add3A_890 : i32
      %get3A_892 = arith.index_cast %add3A_891 : i32 to index
      %get3A_893 = arith.constant 48 : index
      %get3A_894 = tpu.vector_load %arg9[%get3A_892, %get3A_893] {strides = array<i32>} : memref<640x64xf32, #tpu.memory_space<vmem>>, vector<16xf32>,
      %add3A_895 = arith.addf %get3A_887, %get3A_894 : vector<16xf32>
      %mul3A_896 = arith.constant 20 : i32
      %mul3A_897 = arith.muli %scan3A_376, %mul3A_896 : i32
      %add3A_898 = arith.constant 1 : i32
      %add3A_899 = arith.addi %mul3A_897, %add3A_898 : i32
      %get3A_900 = arith.index_cast %add3A_899 : i32 to index
      %get3A_901 = arith.constant 48 : index
      %get3A_902 = tpu.vector_load %arg9[%get3A_900, %get3A_901] {strides = array<i32>} : memref<640x64xf32, #tpu.memory_space<vmem>>, vector<16xf32>,
      %add3A_903 = arith.addf %add3A_895, %get3A_902 : vector<16xf32>
      %mul3A_904 = arith.constant 20 : i32
      %mul3A_905 = arith.muli %scan3A_376, %mul3A_904 : i32
      %add3A_906 = arith.constant 2 : i32
      %add3A_907 = arith.addi %mul3A_905, %add3A_906 : i32
      %get3A_908 = arith.index_cast %add3A_907 : i32 to index
      %get3A_909 = arith.constant 48 : index
      %get3A_910 = tpu.vector_load %arg9[%get3A_908, %get3A_909] {strides = array<i32>} : memref<640x64xf32, #tpu.memory_space<vmem>>, vector<16xf32>,
      %add3A_911 = arith.addf %add3A_903, %get3A_910 : vector<16xf32>
      %mul3A_912 = arith.constant 20 : i32
      %mul3A_913 = arith.muli %scan3A_376, %mul3A_912 : i32
      %add3A_914 = arith.constant 3 : i32
      %add3A_915 = arith.addi %mul3A_913, %add3A_914 : i32
      %get3A_916 = arith.index_cast %add3A_915 : i32 to index
      %get3A_917 = arith.constant 48 : index
      %get3A_918 = tpu.vector_load %arg9[%get3A_916, %get3A_917] {strides = array<i32>} : memref<640x64xf32, #tpu.memory_space<vmem>>, vector<16xf32>,
      %add3A_919 = arith.addf %add3A_911, %get3A_918 : vector<16xf32>
      %mul3A_920 = arith.constant 20 : i32
      %mul3A_921 = arith.muli %scan3A_376, %mul3A_920 : i32
      %add3A_922 = arith.constant 4 : i32
      %add3A_923 = arith.addi %mul3A_921, %add3A_922 : i32
      %get3A_924 = arith.index_cast %add3A_923 : i32 to index
      %get3A_925 = arith.constant 48 : index
      %get3A_926 = tpu.vector_load %arg9[%get3A_924, %get3A_925] {strides = array<i32>} : memref<640x64xf32, #tpu.memory_space<vmem>>, vector<16xf32>,
      %add3A_927 = arith.addf %add3A_919, %get3A_926 : vector<16xf32>
      %mul3A_928 = arith.constant 20 : i32
      %mul3A_929 = arith.muli %scan3A_376, %mul3A_928 : i32
      %add3A_930 = arith.constant 5 : i32
      %add3A_931 = arith.addi %mul3A_929, %add3A_930 : i32
      %get3A_932 = arith.index_cast %add3A_931 : i32 to index
      %get3A_933 = arith.constant 48 : index
      %get3A_934 = tpu.vector_load %arg9[%get3A_932, %get3A_933] {strides = array<i32>} : memref<640x64xf32, #tpu.memory_space<vmem>>, vector<16xf32>,
      %add3A_935 = arith.addf %add3A_927, %get3A_934 : vector<16xf32>
      %mul3A_936 = arith.constant 20 : i32
      %mul3A_937 = arith.muli %scan3A_376, %mul3A_936 : i32
      %add3A_938 = arith.constant 6 : i32
      %add3A_939 = arith.addi %mul3A_937, %add3A_938 : i32
      %get3A_940 = arith.index_cast %add3A_939 : i32 to index
      %get3A_941 = arith.constant 48 : index
      %get3A_942 = tpu.vector_load %arg9[%get3A_940, %get3A_941] {strides = array<i32>} : memref<640x64xf32, #tpu.memory_space<vmem>>, vector<16xf32>,
      %add3A_943 = arith.addf %add3A_935, %get3A_942 : vector<16xf32>
      %mul3A_944 = arith.constant 20 : i32
      %mul3A_945 = arith.muli %scan3A_376, %mul3A_944 : i32
      %add3A_946 = arith.constant 7 : i32
      %add3A_947 = arith.addi %mul3A_945, %add3A_946 : i32
      %get3A_948 = arith.index_cast %add3A_947 : i32 to index
      %get3A_949 = arith.constant 48 : index
      %get3A_950 = tpu.vector_load %arg9[%get3A_948, %get3A_949] {strides = array<i32>} : memref<640x64xf32, #tpu.memory_space<vmem>>, vector<16xf32>,
      %add3A_951 = arith.addf %add3A_943, %get3A_950 : vector<16xf32>
      %mul3A_952 = arith.constant 20 : i32
      %mul3A_953 = arith.muli %scan3A_376, %mul3A_952 : i32
      %add3A_954 = arith.constant 8 : i32
      %add3A_955 = arith.addi %mul3A_953, %add3A_954 : i32
      %get3A_956 = arith.index_cast %add3A_955 : i32 to index
      %get3A_957 = arith.constant 48 : index
      %get3A_958 = tpu.vector_load %arg9[%get3A_956, %get3A_957] {strides = array<i32>} : memref<640x64xf32, #tpu.memory_space<vmem>>, vector<16xf32>,
      %add3A_959 = arith.addf %add3A_951, %get3A_958 : vector<16xf32>
      %mul3A_960 = arith.constant 20 : i32
      %mul3A_961 = arith.muli %scan3A_376, %mul3A_960 : i32
      %add3A_962 = arith.constant 9 : i32
      %add3A_963 = arith.addi %mul3A_961, %add3A_962 : i32
      %get3A_964 = arith.index_cast %add3A_963 : i32 to index
      %get3A_965 = arith.constant 48 : index
      %get3A_966 = tpu.vector_load %arg9[%get3A_964, %get3A_965] {strides = array<i32>} : memref<640x64xf32, #tpu.memory_space<vmem>>, vector<16xf32>,
      %add3A_967 = arith.addf %add3A_959, %get3A_966 : vector<16xf32>
      %mul3A_968 = arith.constant 20 : i32
      %mul3A_969 = arith.muli %scan3A_376, %mul3A_968 : i32
      %add3A_970 = arith.constant 10 : i32
      %add3A_971 = arith.addi %mul3A_969, %add3A_970 : i32
      %get3A_972 = arith.index_cast %add3A_971 : i32 to index
      %get3A_973 = arith.constant 48 : index
      %get3A_974 = tpu.vector_load %arg9[%get3A_972, %get3A_973] {strides = array<i32>} : memref<640x64xf32, #tpu.memory_space<vmem>>, vector<16xf32>,
      %add3A_975 = arith.addf %add3A_967, %get3A_974 : vector<16xf32>
      %mul3A_976 = arith.constant 20 : i32
      %mul3A_977 = arith.muli %scan3A_376, %mul3A_976 : i32
      %add3A_978 = arith.constant 11 : i32
      %add3A_979 = arith.addi %mul3A_977, %add3A_978 : i32
      %get3A_980 = arith.index_cast %add3A_979 : i32 to index
      %get3A_981 = arith.constant 48 : index
      %get3A_982 = tpu.vector_load %arg9[%get3A_980, %get3A_981] {strides = array<i32>} : memref<640x64xf32, #tpu.memory_space<vmem>>, vector<16xf32>,
      %add3A_983 = arith.addf %add3A_975, %get3A_982 : vector<16xf32>
      %mul3A_984 = arith.constant 20 : i32
      %mul3A_985 = arith.muli %scan3A_376, %mul3A_984 : i32
      %add3A_986 = arith.constant 12 : i32
      %add3A_987 = arith.addi %mul3A_985, %add3A_986 : i32
      %get3A_988 = arith.index_cast %add3A_987 : i32 to index
      %get3A_989 = arith.constant 48 : index
      %get3A_990 = tpu.vector_load %arg9[%get3A_988, %get3A_989] {strides = array<i32>} : memref<640x64xf32, #tpu.memory_space<vmem>>, vector<16xf32>,
      %add3A_991 = arith.addf %add3A_983, %get3A_990 : vector<16xf32>
      %mul3A_992 = arith.constant 20 : i32
      %mul3A_993 = arith.muli %scan3A_376, %mul3A_992 : i32
      %add3A_994 = arith.constant 13 : i32
      %add3A_995 = arith.addi %mul3A_993, %add3A_994 : i32
      %get3A_996 = arith.index_cast %add3A_995 : i32 to index
      %get3A_997 = arith.constant 48 : index
      %get3A_998 = tpu.vector_load %arg9[%get3A_996, %get3A_997] {strides = array<i32>} : memref<640x64xf32, #tpu.memory_space<vmem>>, vector<16xf32>,
      %add3A_999 = arith.addf %add3A_991, %get3A_998 : vector<16xf32>
      %mul3A_1000 = arith.constant 20 : i32
      %mul3A_1001 = arith.muli %scan3A_376, %mul3A_1000 : i32
      %add3A_1002 = arith.constant 14 : i32
      %add3A_1003 = arith.addi %mul3A_1001, %add3A_1002 : i32
      %get3A_1004 = arith.index_cast %add3A_1003 : i32 to index
      %get3A_1005 = arith.constant 48 : index
      %get3A_1006 = tpu.vector_load %arg9[%get3A_1004, %get3A_1005] {strides = array<i32>} : memref<640x64xf32, #tpu.memory_space<vmem>>, vector<16xf32>,
      %add3A_1007 = arith.addf %add3A_999, %get3A_1006 : vector<16xf32>
      %mul3A_1008 = arith.constant 20 : i32
      %mul3A_1009 = arith.muli %scan3A_376, %mul3A_1008 : i32
      %add3A_1010 = arith.constant 15 : i32
      %add3A_1011 = arith.addi %mul3A_1009, %add3A_1010 : i32
      %get3A_1012 = arith.index_cast %add3A_1011 : i32 to index
      %get3A_1013 = arith.constant 48 : index
      %get3A_1014 = tpu.vector_load %arg9[%get3A_1012, %get3A_1013] {strides = array<i32>} : memref<640x64xf32, #tpu.memory_space<vmem>>, vector<16xf32>,
      %add3A_1015 = arith.addf %add3A_1007, %get3A_1014 : vector<16xf32>
      %mul3A_1016 = arith.constant 20 : i32
      %mul3A_1017 = arith.muli %scan3A_376, %mul3A_1016 : i32
      %add3A_1018 = arith.constant 16 : i32
      %add3A_1019 = arith.addi %mul3A_1017, %add3A_1018 : i32
      %get3A_1020 = arith.index_cast %add3A_1019 : i32 to index
      %get3A_1021 = arith.constant 48 : index
      %get3A_1022 = tpu.vector_load %arg9[%get3A_1020, %get3A_1021] {strides = array<i32>} : memref<640x64xf32, #tpu.memory_space<vmem>>, vector<16xf32>,
      %add3A_1023 = arith.addf %add3A_1015, %get3A_1022 : vector<16xf32>
      %mul3A_1024 = arith.constant 20 : i32
      %mul3A_1025 = arith.muli %scan3A_376, %mul3A_1024 : i32
      %add3A_1026 = arith.constant 17 : i32
      %add3A_1027 = arith.addi %mul3A_1025, %add3A_1026 : i32
      %get3A_1028 = arith.index_cast %add3A_1027 : i32 to index
      %get3A_1029 = arith.constant 48 : index
      %get3A_1030 = tpu.vector_load %arg9[%get3A_1028, %get3A_1029] {strides = array<i32>} : memref<640x64xf32, #tpu.memory_space<vmem>>, vector<16xf32>,
      %add3A_1031 = arith.addf %add3A_1023, %get3A_1030 : vector<16xf32>
      %mul3A_1032 = arith.constant 20 : i32
      %mul3A_1033 = arith.muli %scan3A_376, %mul3A_1032 : i32
      %add3A_1034 = arith.constant 18 : i32
      %add3A_1035 = arith.addi %mul3A_1033, %add3A_1034 : i32
      %get3A_1036 = arith.index_cast %add3A_1035 : i32 to index
      %get3A_1037 = arith.constant 48 : index
      %get3A_1038 = tpu.vector_load %arg9[%get3A_1036, %get3A_1037] {strides = array<i32>} : memref<640x64xf32, #tpu.memory_space<vmem>>, vector<16xf32>,
      %add3A_1039 = arith.addf %add3A_1031, %get3A_1038 : vector<16xf32>
      %mul3A_1040 = arith.constant 20 : i32
      %mul3A_1041 = arith.muli %scan3A_376, %mul3A_1040 : i32
      %add3A_1042 = arith.constant 19 : i32
      %add3A_1043 = arith.addi %mul3A_1041, %add3A_1042 : i32
      %get3A_1044 = arith.index_cast %add3A_1043 : i32 to index
      %get3A_1045 = arith.constant 48 : index
      %get3A_1046 = tpu.vector_load %arg9[%get3A_1044, %get3A_1045] {strides = array<i32>} : memref<640x64xf32, #tpu.memory_space<vmem>>, vector<16xf32>,
      %add3A_1047 = arith.addf %add3A_1039, %get3A_1046 : vector<16xf32>
      %mul3A_1048 = arith.constant 0.0476190485 : f32
      %mul3A_1049 = vector.broadcast %mul3A_1048 : f32 to vector<16xf32>
      %mul3A_1050 = arith.mulf %add3A_1047, %mul3A_1049 : vector<16xf32>
      %swap3A_1051 = arith.index_cast %add3A_379 : i32 to index
      %swap3A_1052 = arith.constant 48 : index
      %swap3A_1053 = tpu.vector_load %arg13[%swap3A_1051, %swap3A_1052] {strides = array<i32>} : memref<128x64xf32, #tpu.memory_space<vmem>>, vector<16xf32>,
      tpu.vector_store %arg13[%swap3A_1051, %swap3A_1052], %mul3A_1050 {strides = array<i32>} : memref<128x64xf32, #tpu.memory_space<vmem>>, vector<16xf32>,
      %scan3A_1054 = arith.constant 0 : i32
      scf.yield %scan3A_1054 : i32
    }
    %scan3A_154 = arith.constant 32 : i32
    %dma_wait3A_155 = arith.constant 0 : i32
    %dma_wait3A_156 = arith.constant 0 : i32
    %dma_wait3A_157 = tpu.memref_slice %arg10[%dma_wait3A_155, %dma_wait3A_156] : memref<640x64xf32, #tpu.memory_space<vmem>> -> memref<128x64xf32, #tpu.memory_space<vmem>>
    %dma_wait3A_158 = arith.constant 640 : i32
    %dma_wait3A_159 = tpu.memref_slice %arg16[%dma_wait3A_158] : memref<2560xi32, #tpu.memory_space<vmem>> -> memref<128xi32, #tpu.memory_space<vmem>>
    %dma_wait3A_160 = arith.constant 0 : i32
    %dma_wait3A_161 = arith.constant 0 : i32
    %dma_wait3A_162 = tpu.memref_slice %arg5[%dma_wait3A_160, %dma_wait3A_161] : memref<1000000x64xf32, #tpu.memory_space<hbm>> -> memref<1000000x64xf32, #tpu.memory_space<hbm>>
    tpu.wait_indirect_dma semaphore(%arg18 : memref<!tpu.dma_semaphore, #tpu.memory_space<semaphore_mem>>) src(%dma_wait3A_162 : memref<1000000x64xf32, #tpu.memory_space<hbm>>) dst(%dma_wait3A_157 : memref<128x64xf32, #tpu.memory_space<vmem>>)
    %dma_wait3A_163 = arith.constant 128 : i32
    %dma_wait3A_164 = arith.constant 0 : i32
    %dma_wait3A_165 = tpu.memref_slice %arg10[%dma_wait3A_163, %dma_wait3A_164] : memref<640x64xf32, #tpu.memory_space<vmem>> -> memref<128x64xf32, #tpu.memory_space<vmem>>
    %dma_wait3A_166 = arith.constant 768 : i32
    %dma_wait3A_167 = tpu.memref_slice %arg16[%dma_wait3A_166] : memref<2560xi32, #tpu.memory_space<vmem>> -> memref<128xi32, #tpu.memory_space<vmem>>
    %dma_wait3A_168 = arith.constant 0 : i32
    %dma_wait3A_169 = arith.constant 0 : i32
    %dma_wait3A_170 = tpu.memref_slice %arg5[%dma_wait3A_168, %dma_wait3A_169] : memref<1000000x64xf32, #tpu.memory_space<hbm>> -> memref<1000000x64xf32, #tpu.memory_space<hbm>>
    tpu.wait_indirect_dma semaphore(%arg18 : memref<!tpu.dma_semaphore, #tpu.memory_space<semaphore_mem>>) src(%dma_wait3A_170 : memref<1000000x64xf32, #tpu.memory_space<hbm>>) dst(%dma_wait3A_165 : memref<128x64xf32, #tpu.memory_space<vmem>>)
    %dma_wait3A_171 = arith.constant 256 : i32
    %dma_wait3A_172 = arith.constant 0 : i32
    %dma_wait3A_173 = tpu.memref_slice %arg10[%dma_wait3A_171, %dma_wait3A_172] : memref<640x64xf32, #tpu.memory_space<vmem>> -> memref<128x64xf32, #tpu.memory_space<vmem>>
    %dma_wait3A_174 = arith.constant 896 : i32
    %dma_wait3A_175 = tpu.memref_slice %arg16[%dma_wait3A_174] : memref<2560xi32, #tpu.memory_space<vmem>> -> memref<128xi32, #tpu.memory_space<vmem>>
    %dma_wait3A_176 = arith.constant 0 : i32
    %dma_wait3A_177 = arith.constant 0 : i32
    %dma_wait3A_178 = tpu.memref_slice %arg5[%dma_wait3A_176, %dma_wait3A_177] : memref<1000000x64xf32, #tpu.memory_space<hbm>> -> memref<1000000x64xf32, #tpu.memory_space<hbm>>
    tpu.wait_indirect_dma semaphore(%arg18 : memref<!tpu.dma_semaphore, #tpu.memory_space<semaphore_mem>>) src(%dma_wait3A_178 : memref<1000000x64xf32, #tpu.memory_space<hbm>>) dst(%dma_wait3A_173 : memref<128x64xf32, #tpu.memory_space<vmem>>)
    %dma_wait3A_179 = arith.constant 384 : i32
    %dma_wait3A_180 = arith.constant 0 : i32
    %dma_wait3A_181 = tpu.memref_slice %arg10[%dma_wait3A_179, %dma_wait3A_180] : memref<640x64xf32, #tpu.memory_space<vmem>> -> memref<128x64xf32, #tpu.memory_space<vmem>>
    %dma_wait3A_182 = arith.constant 1024 : i32
    %dma_wait3A_183 = tpu.memref_slice %arg16[%dma_wait3A_182] : memref<2560xi32, #tpu.memory_space<vmem>> -> memref<128xi32, #tpu.memory_space<vmem>>
    %dma_wait3A_184 = arith.constant 0 : i32
    %dma_wait3A_185 = arith.constant 0 : i32
    %dma_wait3A_186 = tpu.memref_slice %arg5[%dma_wait3A_184, %dma_wait3A_185] : memref<1000000x64xf32, #tpu.memory_space<hbm>> -> memref<1000000x64xf32, #tpu.memory_space<hbm>>
    tpu.wait_indirect_dma semaphore(%arg18 : memref<!tpu.dma_semaphore, #tpu.memory_space<semaphore_mem>>) src(%dma_wait3A_186 : memref<1000000x64xf32, #tpu.memory_space<hbm>>) dst(%dma_wait3A_181 : memref<128x64xf32, #tpu.memory_space<vmem>>)
    %dma_wait3A_187 = arith.constant 512 : i32
    %dma_wait3A_188 = arith.constant 0 : i32
    %dma_wait3A_189 = tpu.memref_slice %arg10[%dma_wait3A_187, %dma_wait3A_188] : memref<640x64xf32, #tpu.memory_space<vmem>> -> memref<128x64xf32, #tpu.memory_space<vmem>>
    %dma_wait3A_190 = arith.constant 1152 : i32
    %dma_wait3A_191 = tpu.memref_slice %arg16[%dma_wait3A_190] : memref<2560xi32, #tpu.memory_space<vmem>> -> memref<128xi32, #tpu.memory_space<vmem>>
    %dma_wait3A_192 = arith.constant 0 : i32
    %dma_wait3A_193 = arith.constant 0 : i32
    %dma_wait3A_194 = tpu.memref_slice %arg5[%dma_wait3A_192, %dma_wait3A_193] : memref<1000000x64xf32, #tpu.memory_space<hbm>> -> memref<1000000x64xf32, #tpu.memory_space<hbm>>
    tpu.wait_indirect_dma semaphore(%arg18 : memref<!tpu.dma_semaphore, #tpu.memory_space<semaphore_mem>>) src(%dma_wait3A_194 : memref<1000000x64xf32, #tpu.memory_space<hbm>>) dst(%dma_wait3A_189 : memref<128x64xf32, #tpu.memory_space<vmem>>)
    %dma_start3A_195 = arith.constant 0 : i32
    %dma_start3A_196 = arith.constant 0 : i32
    %dma_start3A_197 = tpu.memref_slice %arg9[%dma_start3A_195, %dma_start3A_196] : memref<640x64xf32, #tpu.memory_space<vmem>> -> memref<128x64xf32, #tpu.memory_space<vmem>>
    %dma_start3A_198 = arith.constant 1280 : i32
    %dma_start3A_199 = tpu.memref_slice %arg16[%dma_start3A_198] : memref<2560xi32, #tpu.memory_space<vmem>> -> memref<128xi32, #tpu.memory_space<vmem>>
    %dma_start3A_200 = arith.constant 0 : i32
    %dma_start3A_201 = arith.constant 0 : i32
    %dma_start3A_202 = tpu.memref_slice %arg5[%dma_start3A_200, %dma_start3A_201] : memref<1000000x64xf32, #tpu.memory_space<hbm>> -> memref<1000000x64xf32, #tpu.memory_space<hbm>>
    tpu.enqueue_indirect_dma source(%dma_start3A_202 : memref<1000000x64xf32, #tpu.memory_space<hbm>>) target(%dma_start3A_197 : memref<128x64xf32, #tpu.memory_space<vmem>>) offsets(%dma_start3A_199 : memref<128xi32, #tpu.memory_space<vmem>>) semaphore(%arg17 : memref<!tpu.dma_semaphore, #tpu.memory_space<semaphore_mem>>)
    %dma_start3A_203 = arith.constant 128 : i32
    %dma_start3A_204 = arith.constant 0 : i32
    %dma_start3A_205 = tpu.memref_slice %arg9[%dma_start3A_203, %dma_start3A_204] : memref<640x64xf32, #tpu.memory_space<vmem>> -> memref<128x64xf32, #tpu.memory_space<vmem>>
    %dma_start3A_206 = arith.constant 1408 : i32
    %dma_start3A_207 = tpu.memref_slice %arg16[%dma_start3A_206] : memref<2560xi32, #tpu.memory_space<vmem>> -> memref<128xi32, #tpu.memory_space<vmem>>
    %dma_start3A_208 = arith.constant 0 : i32
    %dma_start3A_209 = arith.constant 0 : i32
    %dma_start3A_210 = tpu.memref_slice %arg5[%dma_start3A_208, %dma_start3A_209] : memref<1000000x64xf32, #tpu.memory_space<hbm>> -> memref<1000000x64xf32, #tpu.memory_space<hbm>>
    tpu.enqueue_indirect_dma source(%dma_start3A_210 : memref<1000000x64xf32, #tpu.memory_space<hbm>>) target(%dma_start3A_205 : memref<128x64xf32, #tpu.memory_space<vmem>>) offsets(%dma_start3A_207 : memref<128xi32, #tpu.memory_space<vmem>>) semaphore(%arg17 : memref<!tpu.dma_semaphore, #tpu.memory_space<semaphore_mem>>)
    %dma_start3A_211 = arith.constant 256 : i32
    %dma_start3A_212 = arith.constant 0 : i32
    %dma_start3A_213 = tpu.memref_slice %arg9[%dma_start3A_211, %dma_start3A_212] : memref<640x64xf32, #tpu.memory_space<vmem>> -> memref<128x64xf32, #tpu.memory_space<vmem>>
    %dma_start3A_214 = arith.constant 1536 : i32
    %dma_start3A_215 = tpu.memref_slice %arg16[%dma_start3A_214] : memref<2560xi32, #tpu.memory_space<vmem>> -> memref<128xi32, #tpu.memory_space<vmem>>
    %dma_start3A_216 = arith.constant 0 : i32
    %dma_start3A_217 = arith.constant 0 : i32
    %dma_start3A_218 = tpu.memref_slice %arg5[%dma_start3A_216, %dma_start3A_217] : memref<1000000x64xf32, #tpu.memory_space<hbm>> -> memref<1000000x64xf32, #tpu.memory_space<hbm>>
    tpu.enqueue_indirect_dma source(%dma_start3A_218 : memref<1000000x64xf32, #tpu.memory_space<hbm>>) target(%dma_start3A_213 : memref<128x64xf32, #tpu.memory_space<vmem>>) offsets(%dma_start3A_215 : memref<128xi32, #tpu.memory_space<vmem>>) semaphore(%arg17 : memref<!tpu.dma_semaphore, #tpu.memory_space<semaphore_mem>>)
    %dma_start3A_219 = arith.constant 384 : i32
    %dma_start3A_220 = arith.constant 0 : i32
    %dma_start3A_221 = tpu.memref_slice %arg9[%dma_start3A_219, %dma_start3A_220] : memref<640x64xf32, #tpu.memory_space<vmem>> -> memref<128x64xf32, #tpu.memory_space<vmem>>
    %dma_start3A_222 = arith.constant 1664 : i32
    %dma_start3A_223 = tpu.memref_slice %arg16[%dma_start3A_222] : memref<2560xi32, #tpu.memory_space<vmem>> -> memref<128xi32, #tpu.memory_space<vmem>>
    %dma_start3A_224 = arith.constant 0 : i32
    %dma_start3A_225 = arith.constant 0 : i32
    %dma_start3A_226 = tpu.memref_slice %arg5[%dma_start3A_224, %dma_start3A_225] : memref<1000000x64xf32, #tpu.memory_space<hbm>> -> memref<1000000x64xf32, #tpu.memory_space<hbm>>
    tpu.enqueue_indirect_dma source(%dma_start3A_226 : memref<1000000x64xf32, #tpu.memory_space<hbm>>) target(%dma_start3A_221 : memref<128x64xf32, #tpu.memory_space<vmem>>) offsets(%dma_start3A_223 : memref<128xi32, #tpu.memory_space<vmem>>) semaphore(%arg17 : memref<!tpu.dma_semaphore, #tpu.memory_space<semaphore_mem>>)
    %dma_start3A_227 = arith.constant 512 : i32
    %dma_start3A_228 = arith.constant 0 : i32
    %dma_start3A_229 = tpu.memref_slice %arg9[%dma_start3A_227, %dma_start3A_228] : memref<640x64xf32, #tpu.memory_space<vmem>> -> memref<128x64xf32, #tpu.memory_space<vmem>>
    %dma_start3A_230 = arith.constant 1792 : i32
    %dma_start3A_231 = tpu.memref_slice %arg16[%dma_start3A_230] : memref<2560xi32, #tpu.memory_space<vmem>> -> memref<128xi32, #tpu.memory_space<vmem>>
    %dma_start3A_232 = arith.constant 0 : i32
    %dma_start3A_233 = arith.constant 0 : i32
    %dma_start3A_234 = tpu.memref_slice %arg5[%dma_start3A_232, %dma_start3A_233] : memref<1000000x64xf32, #tpu.memory_space<hbm>> -> memref<1000000x64xf32, #tpu.memory_space<hbm>>
    tpu.enqueue_indirect_dma source(%dma_start3A_234 : memref<1000000x64xf32, #tpu.memory_space<hbm>>) target(%dma_start3A_229 : memref<128x64xf32, #tpu.memory_space<vmem>>) offsets(%dma_start3A_231 : memref<128xi32, #tpu.memory_space<vmem>>) semaphore(%arg17 : memref<!tpu.dma_semaphore, #tpu.memory_space<semaphore_mem>>)
    %scan3A_235 = arith.constant 0 : i32
    %scan3A_236 = arith.constant 0 : i32
    %scan3A_237 = arith.constant 32 : i32
    %scan3A_238 = arith.addi %scan3A_236, %scan3A_237 : i32
    %scan3A_239 = arith.constant 1 : i32
    %scan3A_240 = scf.for %scan3A_376 = %scan3A_236 to %scan3A_238 step %scan3A_239 iter_args(%scan3A_377 = %scan3A_235) -> (i32)  : i32 {
      %add3A_378 = arith.constant 32 : i32
      %add3A_379 = arith.addi %add3A_378, %scan3A_376 : i32
      %get3A = arith.index_cast %add3A_379 : i32 to index
      %get3A_380 = arith.constant 0 : index
      %get3A_381 = tpu.vector_load %arg12[%get3A, %get3A_380] {strides = array<i32>} : memref<128x64xf32, #tpu.memory_space<vmem>>, vector<16xf32>,
      %mul3A_382 = arith.constant 20 : i32
      %mul3A_383 = arith.muli %scan3A_376, %mul3A_382 : i32
      %add3A_384 = arith.constant 0 : i32
      %add3A_385 = arith.addi %mul3A_383, %add3A_384 : i32
      %get3A_386 = arith.index_cast %add3A_385 : i32 to index
      %get3A_387 = arith.constant 0 : index
      %get3A_388 = tpu.vector_load %arg10[%get3A_386, %get3A_387] {strides = array<i32>} : memref<640x64xf32, #tpu.memory_space<vmem>>, vector<16xf32>,
      %add3A_389 = arith.addf %get3A_381, %get3A_388 : vector<16xf32>
      %mul3A_390 = arith.constant 20 : i32
      %mul3A_391 = arith.muli %scan3A_376, %mul3A_390 : i32
      %add3A_392 = arith.constant 1 : i32
      %add3A_393 = arith.addi %mul3A_391, %add3A_392 : i32
      %get3A_394 = arith.index_cast %add3A_393 : i32 to index
      %get3A_395 = arith.constant 0 : index
      %get3A_396 = tpu.vector_load %arg10[%get3A_394, %get3A_395] {strides = array<i32>} : memref<640x64xf32, #tpu.memory_space<vmem>>, vector<16xf32>,
      %add3A_397 = arith.addf %add3A_389, %get3A_396 : vector<16xf32>
      %mul3A_398 = arith.constant 20 : i32
      %mul3A_399 = arith.muli %scan3A_376, %mul3A_398 : i32
      %add3A_400 = arith.constant 2 : i32
      %add3A_401 = arith.addi %mul3A_399, %add3A_400 : i32
      %get3A_402 = arith.index_cast %add3A_401 : i32 to index
      %get3A_403 = arith.constant 0 : index
      %get3A_404 = tpu.vector_load %arg10[%get3A_402, %get3A_403] {strides = array<i32>} : memref<640x64xf32, #tpu.memory_space<vmem>>, vector<16xf32>,
      %add3A_405 = arith.addf %add3A_397, %get3A_404 : vector<16xf32>
      %mul3A_406 = arith.constant 20 : i32
      %mul3A_407 = arith.muli %scan3A_376, %mul3A_406 : i32
      %add3A_408 = arith.constant 3 : i32
      %add3A_409 = arith.addi %mul3A_407, %add3A_408 : i32
      %get3A_410 = arith.index_cast %add3A_409 : i32 to index
      %get3A_411 = arith.constant 0 : index
      %get3A_412 = tpu.vector_load %arg10[%get3A_410, %get3A_411] {strides = array<i32>} : memref<640x64xf32, #tpu.memory_space<vmem>>, vector<16xf32>,
      %add3A_413 = arith.addf %add3A_405, %get3A_412 : vector<16xf32>
      %mul3A_414 = arith.constant 20 : i32
      %mul3A_415 = arith.muli %scan3A_376, %mul3A_414 : i32
      %add3A_416 = arith.constant 4 : i32
      %add3A_417 = arith.addi %mul3A_415, %add3A_416 : i32
      %get3A_418 = arith.index_cast %add3A_417 : i32 to index
      %get3A_419 = arith.constant 0 : index
      %get3A_420 = tpu.vector_load %arg10[%get3A_418, %get3A_419] {strides = array<i32>} : memref<640x64xf32, #tpu.memory_space<vmem>>, vector<16xf32>,
      %add3A_421 = arith.addf %add3A_413, %get3A_420 : vector<16xf32>
      %mul3A_422 = arith.constant 20 : i32
      %mul3A_423 = arith.muli %scan3A_376, %mul3A_422 : i32
      %add3A_424 = arith.constant 5 : i32
      %add3A_425 = arith.addi %mul3A_423, %add3A_424 : i32
      %get3A_426 = arith.index_cast %add3A_425 : i32 to index
      %get3A_427 = arith.constant 0 : index
      %get3A_428 = tpu.vector_load %arg10[%get3A_426, %get3A_427] {strides = array<i32>} : memref<640x64xf32, #tpu.memory_space<vmem>>, vector<16xf32>,
      %add3A_429 = arith.addf %add3A_421, %get3A_428 : vector<16xf32>
      %mul3A_430 = arith.constant 20 : i32
      %mul3A_431 = arith.muli %scan3A_376, %mul3A_430 : i32
      %add3A_432 = arith.constant 6 : i32
      %add3A_433 = arith.addi %mul3A_431, %add3A_432 : i32
      %get3A_434 = arith.index_cast %add3A_433 : i32 to index
      %get3A_435 = arith.constant 0 : index
      %get3A_436 = tpu.vector_load %arg10[%get3A_434, %get3A_435] {strides = array<i32>} : memref<640x64xf32, #tpu.memory_space<vmem>>, vector<16xf32>,
      %add3A_437 = arith.addf %add3A_429, %get3A_436 : vector<16xf32>
      %mul3A_438 = arith.constant 20 : i32
      %mul3A_439 = arith.muli %scan3A_376, %mul3A_438 : i32
      %add3A_440 = arith.constant 7 : i32
      %add3A_441 = arith.addi %mul3A_439, %add3A_440 : i32
      %get3A_442 = arith.index_cast %add3A_441 : i32 to index
      %get3A_443 = arith.constant 0 : index
      %get3A_444 = tpu.vector_load %arg10[%get3A_442, %get3A_443] {strides = array<i32>} : memref<640x64xf32, #tpu.memory_space<vmem>>, vector<16xf32>,
      %add3A_445 = arith.addf %add3A_437, %get3A_444 : vector<16xf32>
      %mul3A_446 = arith.constant 20 : i32
      %mul3A_447 = arith.muli %scan3A_376, %mul3A_446 : i32
      %add3A_448 = arith.constant 8 : i32
      %add3A_449 = arith.addi %mul3A_447, %add3A_448 : i32
      %get3A_450 = arith.index_cast %add3A_449 : i32 to index
      %get3A_451 = arith.constant 0 : index
      %get3A_452 = tpu.vector_load %arg10[%get3A_450, %get3A_451] {strides = array<i32>} : memref<640x64xf32, #tpu.memory_space<vmem>>, vector<16xf32>,
      %add3A_453 = arith.addf %add3A_445, %get3A_452 : vector<16xf32>
      %mul3A_454 = arith.constant 20 : i32
      %mul3A_455 = arith.muli %scan3A_376, %mul3A_454 : i32
      %add3A_456 = arith.constant 9 : i32
      %add3A_457 = arith.addi %mul3A_455, %add3A_456 : i32
      %get3A_458 = arith.index_cast %add3A_457 : i32 to index
      %get3A_459 = arith.constant 0 : index
      %get3A_460 = tpu.vector_load %arg10[%get3A_458, %get3A_459] {strides = array<i32>} : memref<640x64xf32, #tpu.memory_space<vmem>>, vector<16xf32>,
      %add3A_461 = arith.addf %add3A_453, %get3A_460 : vector<16xf32>
      %mul3A_462 = arith.constant 20 : i32
      %mul3A_463 = arith.muli %scan3A_376, %mul3A_462 : i32
      %add3A_464 = arith.constant 10 : i32
      %add3A_465 = arith.addi %mul3A_463, %add3A_464 : i32
      %get3A_466 = arith.index_cast %add3A_465 : i32 to index
      %get3A_467 = arith.constant 0 : index
      %get3A_468 = tpu.vector_load %arg10[%get3A_466, %get3A_467] {strides = array<i32>} : memref<640x64xf32, #tpu.memory_space<vmem>>, vector<16xf32>,
      %add3A_469 = arith.addf %add3A_461, %get3A_468 : vector<16xf32>
      %mul3A_470 = arith.constant 20 : i32
      %mul3A_471 = arith.muli %scan3A_376, %mul3A_470 : i32
      %add3A_472 = arith.constant 11 : i32
      %add3A_473 = arith.addi %mul3A_471, %add3A_472 : i32
      %get3A_474 = arith.index_cast %add3A_473 : i32 to index
      %get3A_475 = arith.constant 0 : index
      %get3A_476 = tpu.vector_load %arg10[%get3A_474, %get3A_475] {strides = array<i32>} : memref<640x64xf32, #tpu.memory_space<vmem>>, vector<16xf32>,
      %add3A_477 = arith.addf %add3A_469, %get3A_476 : vector<16xf32>
      %mul3A_478 = arith.constant 20 : i32
      %mul3A_479 = arith.muli %scan3A_376, %mul3A_478 : i32
      %add3A_480 = arith.constant 12 : i32
      %add3A_481 = arith.addi %mul3A_479, %add3A_480 : i32
      %get3A_482 = arith.index_cast %add3A_481 : i32 to index
      %get3A_483 = arith.constant 0 : index
      %get3A_484 = tpu.vector_load %arg10[%get3A_482, %get3A_483] {strides = array<i32>} : memref<640x64xf32, #tpu.memory_space<vmem>>, vector<16xf32>,
      %add3A_485 = arith.addf %add3A_477, %get3A_484 : vector<16xf32>
      %mul3A_486 = arith.constant 20 : i32
      %mul3A_487 = arith.muli %scan3A_376, %mul3A_486 : i32
      %add3A_488 = arith.constant 13 : i32
      %add3A_489 = arith.addi %mul3A_487, %add3A_488 : i32
      %get3A_490 = arith.index_cast %add3A_489 : i32 to index
      %get3A_491 = arith.constant 0 : index
      %get3A_492 = tpu.vector_load %arg10[%get3A_490, %get3A_491] {strides = array<i32>} : memref<640x64xf32, #tpu.memory_space<vmem>>, vector<16xf32>,
      %add3A_493 = arith.addf %add3A_485, %get3A_492 : vector<16xf32>
      %mul3A_494 = arith.constant 20 : i32
      %mul3A_495 = arith.muli %scan3A_376, %mul3A_494 : i32
      %add3A_496 = arith.constant 14 : i32
      %add3A_497 = arith.addi %mul3A_495, %add3A_496 : i32
      %get3A_498 = arith.index_cast %add3A_497 : i32 to index
      %get3A_499 = arith.constant 0 : index
      %get3A_500 = tpu.vector_load %arg10[%get3A_498, %get3A_499] {strides = array<i32>} : memref<640x64xf32, #tpu.memory_space<vmem>>, vector<16xf32>,
      %add3A_501 = arith.addf %add3A_493, %get3A_500 : vector<16xf32>
      %mul3A_502 = arith.constant 20 : i32
      %mul3A_503 = arith.muli %scan3A_376, %mul3A_502 : i32
      %add3A_504 = arith.constant 15 : i32
      %add3A_505 = arith.addi %mul3A_503, %add3A_504 : i32
      %get3A_506 = arith.index_cast %add3A_505 : i32 to index
      %get3A_507 = arith.constant 0 : index
      %get3A_508 = tpu.vector_load %arg10[%get3A_506, %get3A_507] {strides = array<i32>} : memref<640x64xf32, #tpu.memory_space<vmem>>, vector<16xf32>,
      %add3A_509 = arith.addf %add3A_501, %get3A_508 : vector<16xf32>
      %mul3A_510 = arith.constant 20 : i32
      %mul3A_511 = arith.muli %scan3A_376, %mul3A_510 : i32
      %add3A_512 = arith.constant 16 : i32
      %add3A_513 = arith.addi %mul3A_511, %add3A_512 : i32
      %get3A_514 = arith.index_cast %add3A_513 : i32 to index
      %get3A_515 = arith.constant 0 : index
      %get3A_516 = tpu.vector_load %arg10[%get3A_514, %get3A_515] {strides = array<i32>} : memref<640x64xf32, #tpu.memory_space<vmem>>, vector<16xf32>,
      %add3A_517 = arith.addf %add3A_509, %get3A_516 : vector<16xf32>
      %mul3A_518 = arith.constant 20 : i32
      %mul3A_519 = arith.muli %scan3A_376, %mul3A_518 : i32
      %add3A_520 = arith.constant 17 : i32
      %add3A_521 = arith.addi %mul3A_519, %add3A_520 : i32
      %get3A_522 = arith.index_cast %add3A_521 : i32 to index
      %get3A_523 = arith.constant 0 : index
      %get3A_524 = tpu.vector_load %arg10[%get3A_522, %get3A_523] {strides = array<i32>} : memref<640x64xf32, #tpu.memory_space<vmem>>, vector<16xf32>,
      %add3A_525 = arith.addf %add3A_517, %get3A_524 : vector<16xf32>
      %mul3A_526 = arith.constant 20 : i32
      %mul3A_527 = arith.muli %scan3A_376, %mul3A_526 : i32
      %add3A_528 = arith.constant 18 : i32
      %add3A_529 = arith.addi %mul3A_527, %add3A_528 : i32
      %get3A_530 = arith.index_cast %add3A_529 : i32 to index
      %get3A_531 = arith.constant 0 : index
      %get3A_532 = tpu.vector_load %arg10[%get3A_530, %get3A_531] {strides = array<i32>} : memref<640x64xf32, #tpu.memory_space<vmem>>, vector<16xf32>,
      %add3A_533 = arith.addf %add3A_525, %get3A_532 : vector<16xf32>
      %mul3A_534 = arith.constant 20 : i32
      %mul3A_535 = arith.muli %scan3A_376, %mul3A_534 : i32
      %add3A_536 = arith.constant 19 : i32
      %add3A_537 = arith.addi %mul3A_535, %add3A_536 : i32
      %get3A_538 = arith.index_cast %add3A_537 : i32 to index
      %get3A_539 = arith.constant 0 : index
      %get3A_540 = tpu.vector_load %arg10[%get3A_538, %get3A_539] {strides = array<i32>} : memref<640x64xf32, #tpu.memory_space<vmem>>, vector<16xf32>,
      %add3A_541 = arith.addf %add3A_533, %get3A_540 : vector<16xf32>
      %mul3A_542 = arith.constant 0.0476190485 : f32
      %mul3A_543 = vector.broadcast %mul3A_542 : f32 to vector<16xf32>
      %mul3A_544 = arith.mulf %add3A_541, %mul3A_543 : vector<16xf32>
      %swap3A = arith.index_cast %add3A_379 : i32 to index
      %swap3A_545 = arith.constant 0 : index
      %swap3A_546 = tpu.vector_load %arg13[%swap3A, %swap3A_545] {strides = array<i32>} : memref<128x64xf32, #tpu.memory_space<vmem>>, vector<16xf32>,
      tpu.vector_store %arg13[%swap3A, %swap3A_545], %mul3A_544 {strides = array<i32>} : memref<128x64xf32, #tpu.memory_space<vmem>>, vector<16xf32>,
      %get3A_547 = arith.index_cast %add3A_379 : i32 to index
      %get3A_548 = arith.constant 16 : index
      %get3A_549 = tpu.vector_load %arg12[%get3A_547, %get3A_548] {strides = array<i32>} : memref<128x64xf32, #tpu.memory_space<vmem>>, vector<16xf32>,
      %mul3A_550 = arith.constant 20 : i32
      %mul3A_551 = arith.muli %scan3A_376, %mul3A_550 : i32
      %add3A_552 = arith.constant 0 : i32
      %add3A_553 = arith.addi %mul3A_551, %add3A_552 : i32
      %get3A_554 = arith.index_cast %add3A_553 : i32 to index
      %get3A_555 = arith.constant 16 : index
      %get3A_556 = tpu.vector_load %arg10[%get3A_554, %get3A_555] {strides = array<i32>} : memref<640x64xf32, #tpu.memory_space<vmem>>, vector<16xf32>,
      %add3A_557 = arith.addf %get3A_549, %get3A_556 : vector<16xf32>
      %mul3A_558 = arith.constant 20 : i32
      %mul3A_559 = arith.muli %scan3A_376, %mul3A_558 : i32
      %add3A_560 = arith.constant 1 : i32
      %add3A_561 = arith.addi %mul3A_559, %add3A_560 : i32
      %get3A_562 = arith.index_cast %add3A_561 : i32 to index
      %get3A_563 = arith.constant 16 : index
      %get3A_564 = tpu.vector_load %arg10[%get3A_562, %get3A_563] {strides = array<i32>} : memref<640x64xf32, #tpu.memory_space<vmem>>, vector<16xf32>,
      %add3A_565 = arith.addf %add3A_557, %get3A_564 : vector<16xf32>
      %mul3A_566 = arith.constant 20 : i32
      %mul3A_567 = arith.muli %scan3A_376, %mul3A_566 : i32
      %add3A_568 = arith.constant 2 : i32
      %add3A_569 = arith.addi %mul3A_567, %add3A_568 : i32
      %get3A_570 = arith.index_cast %add3A_569 : i32 to index
      %get3A_571 = arith.constant 16 : index
      %get3A_572 = tpu.vector_load %arg10[%get3A_570, %get3A_571] {strides = array<i32>} : memref<640x64xf32, #tpu.memory_space<vmem>>, vector<16xf32>,
      %add3A_573 = arith.addf %add3A_565, %get3A_572 : vector<16xf32>
      %mul3A_574 = arith.constant 20 : i32
      %mul3A_575 = arith.muli %scan3A_376, %mul3A_574 : i32
      %add3A_576 = arith.constant 3 : i32
      %add3A_577 = arith.addi %mul3A_575, %add3A_576 : i32
      %get3A_578 = arith.index_cast %add3A_577 : i32 to index
      %get3A_579 = arith.constant 16 : index
      %get3A_580 = tpu.vector_load %arg10[%get3A_578, %get3A_579] {strides = array<i32>} : memref<640x64xf32, #tpu.memory_space<vmem>>, vector<16xf32>,
      %add3A_581 = arith.addf %add3A_573, %get3A_580 : vector<16xf32>
      %mul3A_582 = arith.constant 20 : i32
      %mul3A_583 = arith.muli %scan3A_376, %mul3A_582 : i32
      %add3A_584 = arith.constant 4 : i32
      %add3A_585 = arith.addi %mul3A_583, %add3A_584 : i32
      %get3A_586 = arith.index_cast %add3A_585 : i32 to index
      %get3A_587 = arith.constant 16 : index
      %get3A_588 = tpu.vector_load %arg10[%get3A_586, %get3A_587] {strides = array<i32>} : memref<640x64xf32, #tpu.memory_space<vmem>>, vector<16xf32>,
      %add3A_589 = arith.addf %add3A_581, %get3A_588 : vector<16xf32>
      %mul3A_590 = arith.constant 20 : i32
      %mul3A_591 = arith.muli %scan3A_376, %mul3A_590 : i32
      %add3A_592 = arith.constant 5 : i32
      %add3A_593 = arith.addi %mul3A_591, %add3A_592 : i32
      %get3A_594 = arith.index_cast %add3A_593 : i32 to index
      %get3A_595 = arith.constant 16 : index
      %get3A_596 = tpu.vector_load %arg10[%get3A_594, %get3A_595] {strides = array<i32>} : memref<640x64xf32, #tpu.memory_space<vmem>>, vector<16xf32>,
      %add3A_597 = arith.addf %add3A_589, %get3A_596 : vector<16xf32>
      %mul3A_598 = arith.constant 20 : i32
      %mul3A_599 = arith.muli %scan3A_376, %mul3A_598 : i32
      %add3A_600 = arith.constant 6 : i32
      %add3A_601 = arith.addi %mul3A_599, %add3A_600 : i32
      %get3A_602 = arith.index_cast %add3A_601 : i32 to index
      %get3A_603 = arith.constant 16 : index
      %get3A_604 = tpu.vector_load %arg10[%get3A_602, %get3A_603] {strides = array<i32>} : memref<640x64xf32, #tpu.memory_space<vmem>>, vector<16xf32>,
      %add3A_605 = arith.addf %add3A_597, %get3A_604 : vector<16xf32>
      %mul3A_606 = arith.constant 20 : i32
      %mul3A_607 = arith.muli %scan3A_376, %mul3A_606 : i32
      %add3A_608 = arith.constant 7 : i32
      %add3A_609 = arith.addi %mul3A_607, %add3A_608 : i32
      %get3A_610 = arith.index_cast %add3A_609 : i32 to index
      %get3A_611 = arith.constant 16 : index
      %get3A_612 = tpu.vector_load %arg10[%get3A_610, %get3A_611] {strides = array<i32>} : memref<640x64xf32, #tpu.memory_space<vmem>>, vector<16xf32>,
      %add3A_613 = arith.addf %add3A_605, %get3A_612 : vector<16xf32>
      %mul3A_614 = arith.constant 20 : i32
      %mul3A_615 = arith.muli %scan3A_376, %mul3A_614 : i32
      %add3A_616 = arith.constant 8 : i32
      %add3A_617 = arith.addi %mul3A_615, %add3A_616 : i32
      %get3A_618 = arith.index_cast %add3A_617 : i32 to index
      %get3A_619 = arith.constant 16 : index
      %get3A_620 = tpu.vector_load %arg10[%get3A_618, %get3A_619] {strides = array<i32>} : memref<640x64xf32, #tpu.memory_space<vmem>>, vector<16xf32>,
      %add3A_621 = arith.addf %add3A_613, %get3A_620 : vector<16xf32>
      %mul3A_622 = arith.constant 20 : i32
      %mul3A_623 = arith.muli %scan3A_376, %mul3A_622 : i32
      %add3A_624 = arith.constant 9 : i32
      %add3A_625 = arith.addi %mul3A_623, %add3A_624 : i32
      %get3A_626 = arith.index_cast %add3A_625 : i32 to index
      %get3A_627 = arith.constant 16 : index
      %get3A_628 = tpu.vector_load %arg10[%get3A_626, %get3A_627] {strides = array<i32>} : memref<640x64xf32, #tpu.memory_space<vmem>>, vector<16xf32>,
      %add3A_629 = arith.addf %add3A_621, %get3A_628 : vector<16xf32>
      %mul3A_630 = arith.constant 20 : i32
      %mul3A_631 = arith.muli %scan3A_376, %mul3A_630 : i32
      %add3A_632 = arith.constant 10 : i32
      %add3A_633 = arith.addi %mul3A_631, %add3A_632 : i32
      %get3A_634 = arith.index_cast %add3A_633 : i32 to index
      %get3A_635 = arith.constant 16 : index
      %get3A_636 = tpu.vector_load %arg10[%get3A_634, %get3A_635] {strides = array<i32>} : memref<640x64xf32, #tpu.memory_space<vmem>>, vector<16xf32>,
      %add3A_637 = arith.addf %add3A_629, %get3A_636 : vector<16xf32>
      %mul3A_638 = arith.constant 20 : i32
      %mul3A_639 = arith.muli %scan3A_376, %mul3A_638 : i32
      %add3A_640 = arith.constant 11 : i32
      %add3A_641 = arith.addi %mul3A_639, %add3A_640 : i32
      %get3A_642 = arith.index_cast %add3A_641 : i32 to index
      %get3A_643 = arith.constant 16 : index
      %get3A_644 = tpu.vector_load %arg10[%get3A_642, %get3A_643] {strides = array<i32>} : memref<640x64xf32, #tpu.memory_space<vmem>>, vector<16xf32>,
      %add3A_645 = arith.addf %add3A_637, %get3A_644 : vector<16xf32>
      %mul3A_646 = arith.constant 20 : i32
      %mul3A_647 = arith.muli %scan3A_376, %mul3A_646 : i32
      %add3A_648 = arith.constant 12 : i32
      %add3A_649 = arith.addi %mul3A_647, %add3A_648 : i32
      %get3A_650 = arith.index_cast %add3A_649 : i32 to index
      %get3A_651 = arith.constant 16 : index
      %get3A_652 = tpu.vector_load %arg10[%get3A_650, %get3A_651] {strides = array<i32>} : memref<640x64xf32, #tpu.memory_space<vmem>>, vector<16xf32>,
      %add3A_653 = arith.addf %add3A_645, %get3A_652 : vector<16xf32>
      %mul3A_654 = arith.constant 20 : i32
      %mul3A_655 = arith.muli %scan3A_376, %mul3A_654 : i32
      %add3A_656 = arith.constant 13 : i32
      %add3A_657 = arith.addi %mul3A_655, %add3A_656 : i32
      %get3A_658 = arith.index_cast %add3A_657 : i32 to index
      %get3A_659 = arith.constant 16 : index
      %get3A_660 = tpu.vector_load %arg10[%get3A_658, %get3A_659] {strides = array<i32>} : memref<640x64xf32, #tpu.memory_space<vmem>>, vector<16xf32>,
      %add3A_661 = arith.addf %add3A_653, %get3A_660 : vector<16xf32>
      %mul3A_662 = arith.constant 20 : i32
      %mul3A_663 = arith.muli %scan3A_376, %mul3A_662 : i32
      %add3A_664 = arith.constant 14 : i32
      %add3A_665 = arith.addi %mul3A_663, %add3A_664 : i32
      %get3A_666 = arith.index_cast %add3A_665 : i32 to index
      %get3A_667 = arith.constant 16 : index
      %get3A_668 = tpu.vector_load %arg10[%get3A_666, %get3A_667] {strides = array<i32>} : memref<640x64xf32, #tpu.memory_space<vmem>>, vector<16xf32>,
      %add3A_669 = arith.addf %add3A_661, %get3A_668 : vector<16xf32>
      %mul3A_670 = arith.constant 20 : i32
      %mul3A_671 = arith.muli %scan3A_376, %mul3A_670 : i32
      %add3A_672 = arith.constant 15 : i32
      %add3A_673 = arith.addi %mul3A_671, %add3A_672 : i32
      %get3A_674 = arith.index_cast %add3A_673 : i32 to index
      %get3A_675 = arith.constant 16 : index
      %get3A_676 = tpu.vector_load %arg10[%get3A_674, %get3A_675] {strides = array<i32>} : memref<640x64xf32, #tpu.memory_space<vmem>>, vector<16xf32>,
      %add3A_677 = arith.addf %add3A_669, %get3A_676 : vector<16xf32>
      %mul3A_678 = arith.constant 20 : i32
      %mul3A_679 = arith.muli %scan3A_376, %mul3A_678 : i32
      %add3A_680 = arith.constant 16 : i32
      %add3A_681 = arith.addi %mul3A_679, %add3A_680 : i32
      %get3A_682 = arith.index_cast %add3A_681 : i32 to index
      %get3A_683 = arith.constant 16 : index
      %get3A_684 = tpu.vector_load %arg10[%get3A_682, %get3A_683] {strides = array<i32>} : memref<640x64xf32, #tpu.memory_space<vmem>>, vector<16xf32>,
      %add3A_685 = arith.addf %add3A_677, %get3A_684 : vector<16xf32>
      %mul3A_686 = arith.constant 20 : i32
      %mul3A_687 = arith.muli %scan3A_376, %mul3A_686 : i32
      %add3A_688 = arith.constant 17 : i32
      %add3A_689 = arith.addi %mul3A_687, %add3A_688 : i32
      %get3A_690 = arith.index_cast %add3A_689 : i32 to index
      %get3A_691 = arith.constant 16 : index
      %get3A_692 = tpu.vector_load %arg10[%get3A_690, %get3A_691] {strides = array<i32>} : memref<640x64xf32, #tpu.memory_space<vmem>>, vector<16xf32>,
      %add3A_693 = arith.addf %add3A_685, %get3A_692 : vector<16xf32>
      %mul3A_694 = arith.constant 20 : i32
      %mul3A_695 = arith.muli %scan3A_376, %mul3A_694 : i32
      %add3A_696 = arith.constant 18 : i32
      %add3A_697 = arith.addi %mul3A_695, %add3A_696 : i32
      %get3A_698 = arith.index_cast %add3A_697 : i32 to index
      %get3A_699 = arith.constant 16 : index
      %get3A_700 = tpu.vector_load %arg10[%get3A_698, %get3A_699] {strides = array<i32>} : memref<640x64xf32, #tpu.memory_space<vmem>>, vector<16xf32>,
      %add3A_701 = arith.addf %add3A_693, %get3A_700 : vector<16xf32>
      %mul3A_702 = arith.constant 20 : i32
      %mul3A_703 = arith.muli %scan3A_376, %mul3A_702 : i32
      %add3A_704 = arith.constant 19 : i32
      %add3A_705 = arith.addi %mul3A_703, %add3A_704 : i32
      %get3A_706 = arith.index_cast %add3A_705 : i32 to index
      %get3A_707 = arith.constant 16 : index
      %get3A_708 = tpu.vector_load %arg10[%get3A_706, %get3A_707] {strides = array<i32>} : memref<640x64xf32, #tpu.memory_space<vmem>>, vector<16xf32>,
      %add3A_709 = arith.addf %add3A_701, %get3A_708 : vector<16xf32>
      %mul3A_710 = arith.constant 0.0476190485 : f32
      %mul3A_711 = vector.broadcast %mul3A_710 : f32 to vector<16xf32>
      %mul3A_712 = arith.mulf %add3A_709, %mul3A_711 : vector<16xf32>
      %swap3A_713 = arith.index_cast %add3A_379 : i32 to index
      %swap3A_714 = arith.constant 16 : index
      %swap3A_715 = tpu.vector_load %arg13[%swap3A_713, %swap3A_714] {strides = array<i32>} : memref<128x64xf32, #tpu.memory_space<vmem>>, vector<16xf32>,
      tpu.vector_store %arg13[%swap3A_713, %swap3A_714], %mul3A_712 {strides = array<i32>} : memref<128x64xf32, #tpu.memory_space<vmem>>, vector<16xf32>,
      %get3A_716 = arith.index_cast %add3A_379 : i32 to index
      %get3A_717 = arith.constant 32 : index
      %get3A_718 = tpu.vector_load %arg12[%get3A_716, %get3A_717] {strides = array<i32>} : memref<128x64xf32, #tpu.memory_space<vmem>>, vector<16xf32>,
      %mul3A_719 = arith.constant 20 : i32
      %mul3A_720 = arith.muli %scan3A_376, %mul3A_719 : i32
      %add3A_721 = arith.constant 0 : i32
      %add3A_722 = arith.addi %mul3A_720, %add3A_721 : i32
      %get3A_723 = arith.index_cast %add3A_722 : i32 to index
      %get3A_724 = arith.constant 32 : index
      %get3A_725 = tpu.vector_load %arg10[%get3A_723, %get3A_724] {strides = array<i32>} : memref<640x64xf32, #tpu.memory_space<vmem>>, vector<16xf32>,
      %add3A_726 = arith.addf %get3A_718, %get3A_725 : vector<16xf32>
      %mul3A_727 = arith.constant 20 : i32
      %mul3A_728 = arith.muli %scan3A_376, %mul3A_727 : i32
      %add3A_729 = arith.constant 1 : i32
      %add3A_730 = arith.addi %mul3A_728, %add3A_729 : i32
      %get3A_731 = arith.index_cast %add3A_730 : i32 to index
      %get3A_732 = arith.constant 32 : index
      %get3A_733 = tpu.vector_load %arg10[%get3A_731, %get3A_732] {strides = array<i32>} : memref<640x64xf32, #tpu.memory_space<vmem>>, vector<16xf32>,
      %add3A_734 = arith.addf %add3A_726, %get3A_733 : vector<16xf32>
      %mul3A_735 = arith.constant 20 : i32
      %mul3A_736 = arith.muli %scan3A_376, %mul3A_735 : i32
      %add3A_737 = arith.constant 2 : i32
      %add3A_738 = arith.addi %mul3A_736, %add3A_737 : i32
      %get3A_739 = arith.index_cast %add3A_738 : i32 to index
      %get3A_740 = arith.constant 32 : index
      %get3A_741 = tpu.vector_load %arg10[%get3A_739, %get3A_740] {strides = array<i32>} : memref<640x64xf32, #tpu.memory_space<vmem>>, vector<16xf32>,
      %add3A_742 = arith.addf %add3A_734, %get3A_741 : vector<16xf32>
      %mul3A_743 = arith.constant 20 : i32
      %mul3A_744 = arith.muli %scan3A_376, %mul3A_743 : i32
      %add3A_745 = arith.constant 3 : i32
      %add3A_746 = arith.addi %mul3A_744, %add3A_745 : i32
      %get3A_747 = arith.index_cast %add3A_746 : i32 to index
      %get3A_748 = arith.constant 32 : index
      %get3A_749 = tpu.vector_load %arg10[%get3A_747, %get3A_748] {strides = array<i32>} : memref<640x64xf32, #tpu.memory_space<vmem>>, vector<16xf32>,
      %add3A_750 = arith.addf %add3A_742, %get3A_749 : vector<16xf32>
      %mul3A_751 = arith.constant 20 : i32
      %mul3A_752 = arith.muli %scan3A_376, %mul3A_751 : i32
      %add3A_753 = arith.constant 4 : i32
      %add3A_754 = arith.addi %mul3A_752, %add3A_753 : i32
      %get3A_755 = arith.index_cast %add3A_754 : i32 to index
      %get3A_756 = arith.constant 32 : index
      %get3A_757 = tpu.vector_load %arg10[%get3A_755, %get3A_756] {strides = array<i32>} : memref<640x64xf32, #tpu.memory_space<vmem>>, vector<16xf32>,
      %add3A_758 = arith.addf %add3A_750, %get3A_757 : vector<16xf32>
      %mul3A_759 = arith.constant 20 : i32
      %mul3A_760 = arith.muli %scan3A_376, %mul3A_759 : i32
      %add3A_761 = arith.constant 5 : i32
      %add3A_762 = arith.addi %mul3A_760, %add3A_761 : i32
      %get3A_763 = arith.index_cast %add3A_762 : i32 to index
      %get3A_764 = arith.constant 32 : index
      %get3A_765 = tpu.vector_load %arg10[%get3A_763, %get3A_764] {strides = array<i32>} : memref<640x64xf32, #tpu.memory_space<vmem>>, vector<16xf32>,
      %add3A_766 = arith.addf %add3A_758, %get3A_765 : vector<16xf32>
      %mul3A_767 = arith.constant 20 : i32
      %mul3A_768 = arith.muli %scan3A_376, %mul3A_767 : i32
      %add3A_769 = arith.constant 6 : i32
      %add3A_770 = arith.addi %mul3A_768, %add3A_769 : i32
      %get3A_771 = arith.index_cast %add3A_770 : i32 to index
      %get3A_772 = arith.constant 32 : index
      %get3A_773 = tpu.vector_load %arg10[%get3A_771, %get3A_772] {strides = array<i32>} : memref<640x64xf32, #tpu.memory_space<vmem>>, vector<16xf32>,
      %add3A_774 = arith.addf %add3A_766, %get3A_773 : vector<16xf32>
      %mul3A_775 = arith.constant 20 : i32
      %mul3A_776 = arith.muli %scan3A_376, %mul3A_775 : i32
      %add3A_777 = arith.constant 7 : i32
      %add3A_778 = arith.addi %mul3A_776, %add3A_777 : i32
      %get3A_779 = arith.index_cast %add3A_778 : i32 to index
      %get3A_780 = arith.constant 32 : index
      %get3A_781 = tpu.vector_load %arg10[%get3A_779, %get3A_780] {strides = array<i32>} : memref<640x64xf32, #tpu.memory_space<vmem>>, vector<16xf32>,
      %add3A_782 = arith.addf %add3A_774, %get3A_781 : vector<16xf32>
      %mul3A_783 = arith.constant 20 : i32
      %mul3A_784 = arith.muli %scan3A_376, %mul3A_783 : i32
      %add3A_785 = arith.constant 8 : i32
      %add3A_786 = arith.addi %mul3A_784, %add3A_785 : i32
      %get3A_787 = arith.index_cast %add3A_786 : i32 to index
      %get3A_788 = arith.constant 32 : index
      %get3A_789 = tpu.vector_load %arg10[%get3A_787, %get3A_788] {strides = array<i32>} : memref<640x64xf32, #tpu.memory_space<vmem>>, vector<16xf32>,
      %add3A_790 = arith.addf %add3A_782, %get3A_789 : vector<16xf32>
      %mul3A_791 = arith.constant 20 : i32
      %mul3A_792 = arith.muli %scan3A_376, %mul3A_791 : i32
      %add3A_793 = arith.constant 9 : i32
      %add3A_794 = arith.addi %mul3A_792, %add3A_793 : i32
      %get3A_795 = arith.index_cast %add3A_794 : i32 to index
      %get3A_796 = arith.constant 32 : index
      %get3A_797 = tpu.vector_load %arg10[%get3A_795, %get3A_796] {strides = array<i32>} : memref<640x64xf32, #tpu.memory_space<vmem>>, vector<16xf32>,
      %add3A_798 = arith.addf %add3A_790, %get3A_797 : vector<16xf32>
      %mul3A_799 = arith.constant 20 : i32
      %mul3A_800 = arith.muli %scan3A_376, %mul3A_799 : i32
      %add3A_801 = arith.constant 10 : i32
      %add3A_802 = arith.addi %mul3A_800, %add3A_801 : i32
      %get3A_803 = arith.index_cast %add3A_802 : i32 to index
      %get3A_804 = arith.constant 32 : index
      %get3A_805 = tpu.vector_load %arg10[%get3A_803, %get3A_804] {strides = array<i32>} : memref<640x64xf32, #tpu.memory_space<vmem>>, vector<16xf32>,
      %add3A_806 = arith.addf %add3A_798, %get3A_805 : vector<16xf32>
      %mul3A_807 = arith.constant 20 : i32
      %mul3A_808 = arith.muli %scan3A_376, %mul3A_807 : i32
      %add3A_809 = arith.constant 11 : i32
      %add3A_810 = arith.addi %mul3A_808, %add3A_809 : i32
      %get3A_811 = arith.index_cast %add3A_810 : i32 to index
      %get3A_812 = arith.constant 32 : index
      %get3A_813 = tpu.vector_load %arg10[%get3A_811, %get3A_812] {strides = array<i32>} : memref<640x64xf32, #tpu.memory_space<vmem>>, vector<16xf32>,
      %add3A_814 = arith.addf %add3A_806, %get3A_813 : vector<16xf32>
      %mul3A_815 = arith.constant 20 : i32
      %mul3A_816 = arith.muli %scan3A_376, %mul3A_815 : i32
      %add3A_817 = arith.constant 12 : i32
      %add3A_818 = arith.addi %mul3A_816, %add3A_817 : i32
      %get3A_819 = arith.index_cast %add3A_818 : i32 to index
      %get3A_820 = arith.constant 32 : index
      %get3A_821 = tpu.vector_load %arg10[%get3A_819, %get3A_820] {strides = array<i32>} : memref<640x64xf32, #tpu.memory_space<vmem>>, vector<16xf32>,
      %add3A_822 = arith.addf %add3A_814, %get3A_821 : vector<16xf32>
      %mul3A_823 = arith.constant 20 : i32
      %mul3A_824 = arith.muli %scan3A_376, %mul3A_823 : i32
      %add3A_825 = arith.constant 13 : i32
      %add3A_826 = arith.addi %mul3A_824, %add3A_825 : i32
      %get3A_827 = arith.index_cast %add3A_826 : i32 to index
      %get3A_828 = arith.constant 32 : index
      %get3A_829 = tpu.vector_load %arg10[%get3A_827, %get3A_828] {strides = array<i32>} : memref<640x64xf32, #tpu.memory_space<vmem>>, vector<16xf32>,
      %add3A_830 = arith.addf %add3A_822, %get3A_829 : vector<16xf32>
      %mul3A_831 = arith.constant 20 : i32
      %mul3A_832 = arith.muli %scan3A_376, %mul3A_831 : i32
      %add3A_833 = arith.constant 14 : i32
      %add3A_834 = arith.addi %mul3A_832, %add3A_833 : i32
      %get3A_835 = arith.index_cast %add3A_834 : i32 to index
      %get3A_836 = arith.constant 32 : index
      %get3A_837 = tpu.vector_load %arg10[%get3A_835, %get3A_836] {strides = array<i32>} : memref<640x64xf32, #tpu.memory_space<vmem>>, vector<16xf32>,
      %add3A_838 = arith.addf %add3A_830, %get3A_837 : vector<16xf32>
      %mul3A_839 = arith.constant 20 : i32
      %mul3A_840 = arith.muli %scan3A_376, %mul3A_839 : i32
      %add3A_841 = arith.constant 15 : i32
      %add3A_842 = arith.addi %mul3A_840, %add3A_841 : i32
      %get3A_843 = arith.index_cast %add3A_842 : i32 to index
      %get3A_844 = arith.constant 32 : index
      %get3A_845 = tpu.vector_load %arg10[%get3A_843, %get3A_844] {strides = array<i32>} : memref<640x64xf32, #tpu.memory_space<vmem>>, vector<16xf32>,
      %add3A_846 = arith.addf %add3A_838, %get3A_845 : vector<16xf32>
      %mul3A_847 = arith.constant 20 : i32
      %mul3A_848 = arith.muli %scan3A_376, %mul3A_847 : i32
      %add3A_849 = arith.constant 16 : i32
      %add3A_850 = arith.addi %mul3A_848, %add3A_849 : i32
      %get3A_851 = arith.index_cast %add3A_850 : i32 to index
      %get3A_852 = arith.constant 32 : index
      %get3A_853 = tpu.vector_load %arg10[%get3A_851, %get3A_852] {strides = array<i32>} : memref<640x64xf32, #tpu.memory_space<vmem>>, vector<16xf32>,
      %add3A_854 = arith.addf %add3A_846, %get3A_853 : vector<16xf32>
      %mul3A_855 = arith.constant 20 : i32
      %mul3A_856 = arith.muli %scan3A_376, %mul3A_855 : i32
      %add3A_857 = arith.constant 17 : i32
      %add3A_858 = arith.addi %mul3A_856, %add3A_857 : i32
      %get3A_859 = arith.index_cast %add3A_858 : i32 to index
      %get3A_860 = arith.constant 32 : index
      %get3A_861 = tpu.vector_load %arg10[%get3A_859, %get3A_860] {strides = array<i32>} : memref<640x64xf32, #tpu.memory_space<vmem>>, vector<16xf32>,
      %add3A_862 = arith.addf %add3A_854, %get3A_861 : vector<16xf32>
      %mul3A_863 = arith.constant 20 : i32
      %mul3A_864 = arith.muli %scan3A_376, %mul3A_863 : i32
      %add3A_865 = arith.constant 18 : i32
      %add3A_866 = arith.addi %mul3A_864, %add3A_865 : i32
      %get3A_867 = arith.index_cast %add3A_866 : i32 to index
      %get3A_868 = arith.constant 32 : index
      %get3A_869 = tpu.vector_load %arg10[%get3A_867, %get3A_868] {strides = array<i32>} : memref<640x64xf32, #tpu.memory_space<vmem>>, vector<16xf32>,
      %add3A_870 = arith.addf %add3A_862, %get3A_869 : vector<16xf32>
      %mul3A_871 = arith.constant 20 : i32
      %mul3A_872 = arith.muli %scan3A_376, %mul3A_871 : i32
      %add3A_873 = arith.constant 19 : i32
      %add3A_874 = arith.addi %mul3A_872, %add3A_873 : i32
      %get3A_875 = arith.index_cast %add3A_874 : i32 to index
      %get3A_876 = arith.constant 32 : index
      %get3A_877 = tpu.vector_load %arg10[%get3A_875, %get3A_876] {strides = array<i32>} : memref<640x64xf32, #tpu.memory_space<vmem>>, vector<16xf32>,
      %add3A_878 = arith.addf %add3A_870, %get3A_877 : vector<16xf32>
      %mul3A_879 = arith.constant 0.0476190485 : f32
      %mul3A_880 = vector.broadcast %mul3A_879 : f32 to vector<16xf32>
      %mul3A_881 = arith.mulf %add3A_878, %mul3A_880 : vector<16xf32>
      %swap3A_882 = arith.index_cast %add3A_379 : i32 to index
      %swap3A_883 = arith.constant 32 : index
      %swap3A_884 = tpu.vector_load %arg13[%swap3A_882, %swap3A_883] {strides = array<i32>} : memref<128x64xf32, #tpu.memory_space<vmem>>, vector<16xf32>,
      tpu.vector_store %arg13[%swap3A_882, %swap3A_883], %mul3A_881 {strides = array<i32>} : memref<128x64xf32, #tpu.memory_space<vmem>>, vector<16xf32>,
      %get3A_885 = arith.index_cast %add3A_379 : i32 to index
      %get3A_886 = arith.constant 48 : index
      %get3A_887 = tpu.vector_load %arg12[%get3A_885, %get3A_886] {strides = array<i32>} : memref<128x64xf32, #tpu.memory_space<vmem>>, vector<16xf32>,
      %mul3A_888 = arith.constant 20 : i32
      %mul3A_889 = arith.muli %scan3A_376, %mul3A_888 : i32
      %add3A_890 = arith.constant 0 : i32
      %add3A_891 = arith.addi %mul3A_889, %add3A_890 : i32
      %get3A_892 = arith.index_cast %add3A_891 : i32 to index
      %get3A_893 = arith.constant 48 : index
      %get3A_894 = tpu.vector_load %arg10[%get3A_892, %get3A_893] {strides = array<i32>} : memref<640x64xf32, #tpu.memory_space<vmem>>, vector<16xf32>,
      %add3A_895 = arith.addf %get3A_887, %get3A_894 : vector<16xf32>
      %mul3A_896 = arith.constant 20 : i32
      %mul3A_897 = arith.muli %scan3A_376, %mul3A_896 : i32
      %add3A_898 = arith.constant 1 : i32
      %add3A_899 = arith.addi %mul3A_897, %add3A_898 : i32
      %get3A_900 = arith.index_cast %add3A_899 : i32 to index
      %get3A_901 = arith.constant 48 : index
      %get3A_902 = tpu.vector_load %arg10[%get3A_900, %get3A_901] {strides = array<i32>} : memref<640x64xf32, #tpu.memory_space<vmem>>, vector<16xf32>,
      %add3A_903 = arith.addf %add3A_895, %get3A_902 : vector<16xf32>
      %mul3A_904 = arith.constant 20 : i32
      %mul3A_905 = arith.muli %scan3A_376, %mul3A_904 : i32
      %add3A_906 = arith.constant 2 : i32
      %add3A_907 = arith.addi %mul3A_905, %add3A_906 : i32
      %get3A_908 = arith.index_cast %add3A_907 : i32 to index
      %get3A_909 = arith.constant 48 : index
      %get3A_910 = tpu.vector_load %arg10[%get3A_908, %get3A_909] {strides = array<i32>} : memref<640x64xf32, #tpu.memory_space<vmem>>, vector<16xf32>,
      %add3A_911 = arith.addf %add3A_903, %get3A_910 : vector<16xf32>
      %mul3A_912 = arith.constant 20 : i32
      %mul3A_913 = arith.muli %scan3A_376, %mul3A_912 : i32
      %add3A_914 = arith.constant 3 : i32
      %add3A_915 = arith.addi %mul3A_913, %add3A_914 : i32
      %get3A_916 = arith.index_cast %add3A_915 : i32 to index
      %get3A_917 = arith.constant 48 : index
      %get3A_918 = tpu.vector_load %arg10[%get3A_916, %get3A_917] {strides = array<i32>} : memref<640x64xf32, #tpu.memory_space<vmem>>, vector<16xf32>,
      %add3A_919 = arith.addf %add3A_911, %get3A_918 : vector<16xf32>
      %mul3A_920 = arith.constant 20 : i32
      %mul3A_921 = arith.muli %scan3A_376, %mul3A_920 : i32
      %add3A_922 = arith.constant 4 : i32
      %add3A_923 = arith.addi %mul3A_921, %add3A_922 : i32
      %get3A_924 = arith.index_cast %add3A_923 : i32 to index
      %get3A_925 = arith.constant 48 : index
      %get3A_926 = tpu.vector_load %arg10[%get3A_924, %get3A_925] {strides = array<i32>} : memref<640x64xf32, #tpu.memory_space<vmem>>, vector<16xf32>,
      %add3A_927 = arith.addf %add3A_919, %get3A_926 : vector<16xf32>
      %mul3A_928 = arith.constant 20 : i32
      %mul3A_929 = arith.muli %scan3A_376, %mul3A_928 : i32
      %add3A_930 = arith.constant 5 : i32
      %add3A_931 = arith.addi %mul3A_929, %add3A_930 : i32
      %get3A_932 = arith.index_cast %add3A_931 : i32 to index
      %get3A_933 = arith.constant 48 : index
      %get3A_934 = tpu.vector_load %arg10[%get3A_932, %get3A_933] {strides = array<i32>} : memref<640x64xf32, #tpu.memory_space<vmem>>, vector<16xf32>,
      %add3A_935 = arith.addf %add3A_927, %get3A_934 : vector<16xf32>
      %mul3A_936 = arith.constant 20 : i32
      %mul3A_937 = arith.muli %scan3A_376, %mul3A_936 : i32
      %add3A_938 = arith.constant 6 : i32
      %add3A_939 = arith.addi %mul3A_937, %add3A_938 : i32
      %get3A_940 = arith.index_cast %add3A_939 : i32 to index
      %get3A_941 = arith.constant 48 : index
      %get3A_942 = tpu.vector_load %arg10[%get3A_940, %get3A_941] {strides = array<i32>} : memref<640x64xf32, #tpu.memory_space<vmem>>, vector<16xf32>,
      %add3A_943 = arith.addf %add3A_935, %get3A_942 : vector<16xf32>
      %mul3A_944 = arith.constant 20 : i32
      %mul3A_945 = arith.muli %scan3A_376, %mul3A_944 : i32
      %add3A_946 = arith.constant 7 : i32
      %add3A_947 = arith.addi %mul3A_945, %add3A_946 : i32
      %get3A_948 = arith.index_cast %add3A_947 : i32 to index
      %get3A_949 = arith.constant 48 : index
      %get3A_950 = tpu.vector_load %arg10[%get3A_948, %get3A_949] {strides = array<i32>} : memref<640x64xf32, #tpu.memory_space<vmem>>, vector<16xf32>,
      %add3A_951 = arith.addf %add3A_943, %get3A_950 : vector<16xf32>
      %mul3A_952 = arith.constant 20 : i32
      %mul3A_953 = arith.muli %scan3A_376, %mul3A_952 : i32
      %add3A_954 = arith.constant 8 : i32
      %add3A_955 = arith.addi %mul3A_953, %add3A_954 : i32
      %get3A_956 = arith.index_cast %add3A_955 : i32 to index
      %get3A_957 = arith.constant 48 : index
      %get3A_958 = tpu.vector_load %arg10[%get3A_956, %get3A_957] {strides = array<i32>} : memref<640x64xf32, #tpu.memory_space<vmem>>, vector<16xf32>,
      %add3A_959 = arith.addf %add3A_951, %get3A_958 : vector<16xf32>
      %mul3A_960 = arith.constant 20 : i32
      %mul3A_961 = arith.muli %scan3A_376, %mul3A_960 : i32
      %add3A_962 = arith.constant 9 : i32
      %add3A_963 = arith.addi %mul3A_961, %add3A_962 : i32
      %get3A_964 = arith.index_cast %add3A_963 : i32 to index
      %get3A_965 = arith.constant 48 : index
      %get3A_966 = tpu.vector_load %arg10[%get3A_964, %get3A_965] {strides = array<i32>} : memref<640x64xf32, #tpu.memory_space<vmem>>, vector<16xf32>,
      %add3A_967 = arith.addf %add3A_959, %get3A_966 : vector<16xf32>
      %mul3A_968 = arith.constant 20 : i32
      %mul3A_969 = arith.muli %scan3A_376, %mul3A_968 : i32
      %add3A_970 = arith.constant 10 : i32
      %add3A_971 = arith.addi %mul3A_969, %add3A_970 : i32
      %get3A_972 = arith.index_cast %add3A_971 : i32 to index
      %get3A_973 = arith.constant 48 : index
      %get3A_974 = tpu.vector_load %arg10[%get3A_972, %get3A_973] {strides = array<i32>} : memref<640x64xf32, #tpu.memory_space<vmem>>, vector<16xf32>,
      %add3A_975 = arith.addf %add3A_967, %get3A_974 : vector<16xf32>
      %mul3A_976 = arith.constant 20 : i32
      %mul3A_977 = arith.muli %scan3A_376, %mul3A_976 : i32
      %add3A_978 = arith.constant 11 : i32
      %add3A_979 = arith.addi %mul3A_977, %add3A_978 : i32
      %get3A_980 = arith.index_cast %add3A_979 : i32 to index
      %get3A_981 = arith.constant 48 : index
      %get3A_982 = tpu.vector_load %arg10[%get3A_980, %get3A_981] {strides = array<i32>} : memref<640x64xf32, #tpu.memory_space<vmem>>, vector<16xf32>,
      %add3A_983 = arith.addf %add3A_975, %get3A_982 : vector<16xf32>
      %mul3A_984 = arith.constant 20 : i32
      %mul3A_985 = arith.muli %scan3A_376, %mul3A_984 : i32
      %add3A_986 = arith.constant 12 : i32
      %add3A_987 = arith.addi %mul3A_985, %add3A_986 : i32
      %get3A_988 = arith.index_cast %add3A_987 : i32 to index
      %get3A_989 = arith.constant 48 : index
      %get3A_990 = tpu.vector_load %arg10[%get3A_988, %get3A_989] {strides = array<i32>} : memref<640x64xf32, #tpu.memory_space<vmem>>, vector<16xf32>,
      %add3A_991 = arith.addf %add3A_983, %get3A_990 : vector<16xf32>
      %mul3A_992 = arith.constant 20 : i32
      %mul3A_993 = arith.muli %scan3A_376, %mul3A_992 : i32
      %add3A_994 = arith.constant 13 : i32
      %add3A_995 = arith.addi %mul3A_993, %add3A_994 : i32
      %get3A_996 = arith.index_cast %add3A_995 : i32 to index
      %get3A_997 = arith.constant 48 : index
      %get3A_998 = tpu.vector_load %arg10[%get3A_996, %get3A_997] {strides = array<i32>} : memref<640x64xf32, #tpu.memory_space<vmem>>, vector<16xf32>,
      %add3A_999 = arith.addf %add3A_991, %get3A_998 : vector<16xf32>
      %mul3A_1000 = arith.constant 20 : i32
      %mul3A_1001 = arith.muli %scan3A_376, %mul3A_1000 : i32
      %add3A_1002 = arith.constant 14 : i32
      %add3A_1003 = arith.addi %mul3A_1001, %add3A_1002 : i32
      %get3A_1004 = arith.index_cast %add3A_1003 : i32 to index
      %get3A_1005 = arith.constant 48 : index
      %get3A_1006 = tpu.vector_load %arg10[%get3A_1004, %get3A_1005] {strides = array<i32>} : memref<640x64xf32, #tpu.memory_space<vmem>>, vector<16xf32>,
      %add3A_1007 = arith.addf %add3A_999, %get3A_1006 : vector<16xf32>
      %mul3A_1008 = arith.constant 20 : i32
      %mul3A_1009 = arith.muli %scan3A_376, %mul3A_1008 : i32
      %add3A_1010 = arith.constant 15 : i32
      %add3A_1011 = arith.addi %mul3A_1009, %add3A_1010 : i32
      %get3A_1012 = arith.index_cast %add3A_1011 : i32 to index
      %get3A_1013 = arith.constant 48 : index
      %get3A_1014 = tpu.vector_load %arg10[%get3A_1012, %get3A_1013] {strides = array<i32>} : memref<640x64xf32, #tpu.memory_space<vmem>>, vector<16xf32>,
      %add3A_1015 = arith.addf %add3A_1007, %get3A_1014 : vector<16xf32>
      %mul3A_1016 = arith.constant 20 : i32
      %mul3A_1017 = arith.muli %scan3A_376, %mul3A_1016 : i32
      %add3A_1018 = arith.constant 16 : i32
      %add3A_1019 = arith.addi %mul3A_1017, %add3A_1018 : i32
      %get3A_1020 = arith.index_cast %add3A_1019 : i32 to index
      %get3A_1021 = arith.constant 48 : index
      %get3A_1022 = tpu.vector_load %arg10[%get3A_1020, %get3A_1021] {strides = array<i32>} : memref<640x64xf32, #tpu.memory_space<vmem>>, vector<16xf32>,
      %add3A_1023 = arith.addf %add3A_1015, %get3A_1022 : vector<16xf32>
      %mul3A_1024 = arith.constant 20 : i32
      %mul3A_1025 = arith.muli %scan3A_376, %mul3A_1024 : i32
      %add3A_1026 = arith.constant 17 : i32
      %add3A_1027 = arith.addi %mul3A_1025, %add3A_1026 : i32
      %get3A_1028 = arith.index_cast %add3A_1027 : i32 to index
      %get3A_1029 = arith.constant 48 : index
      %get3A_1030 = tpu.vector_load %arg10[%get3A_1028, %get3A_1029] {strides = array<i32>} : memref<640x64xf32, #tpu.memory_space<vmem>>, vector<16xf32>,
      %add3A_1031 = arith.addf %add3A_1023, %get3A_1030 : vector<16xf32>
      %mul3A_1032 = arith.constant 20 : i32
      %mul3A_1033 = arith.muli %scan3A_376, %mul3A_1032 : i32
      %add3A_1034 = arith.constant 18 : i32
      %add3A_1035 = arith.addi %mul3A_1033, %add3A_1034 : i32
      %get3A_1036 = arith.index_cast %add3A_1035 : i32 to index
      %get3A_1037 = arith.constant 48 : index
      %get3A_1038 = tpu.vector_load %arg10[%get3A_1036, %get3A_1037] {strides = array<i32>} : memref<640x64xf32, #tpu.memory_space<vmem>>, vector<16xf32>,
      %add3A_1039 = arith.addf %add3A_1031, %get3A_1038 : vector<16xf32>
      %mul3A_1040 = arith.constant 20 : i32
      %mul3A_1041 = arith.muli %scan3A_376, %mul3A_1040 : i32
      %add3A_1042 = arith.constant 19 : i32
      %add3A_1043 = arith.addi %mul3A_1041, %add3A_1042 : i32
      %get3A_1044 = arith.index_cast %add3A_1043 : i32 to index
      %get3A_1045 = arith.constant 48 : index
      %get3A_1046 = tpu.vector_load %arg10[%get3A_1044, %get3A_1045] {strides = array<i32>} : memref<640x64xf32, #tpu.memory_space<vmem>>, vector<16xf32>,
      %add3A_1047 = arith.addf %add3A_1039, %get3A_1046 : vector<16xf32>
      %mul3A_1048 = arith.constant 0.0476190485 : f32
      %mul3A_1049 = vector.broadcast %mul3A_1048 : f32 to vector<16xf32>
      %mul3A_1050 = arith.mulf %add3A_1047, %mul3A_1049 : vector<16xf32>
      %swap3A_1051 = arith.index_cast %add3A_379 : i32 to index
      %swap3A_1052 = arith.constant 48 : index
      %swap3A_1053 = tpu.vector_load %arg13[%swap3A_1051, %swap3A_1052] {strides = array<i32>} : memref<128x64xf32, #tpu.memory_space<vmem>>, vector<16xf32>,
      tpu.vector_store %arg13[%swap3A_1051, %swap3A_1052], %mul3A_1050 {strides = array<i32>} : memref<128x64xf32, #tpu.memory_space<vmem>>, vector<16xf32>,
      %scan3A_1054 = arith.constant 0 : i32
      scf.yield %scan3A_1054 : i32
    }
    %scan3A_241 = arith.constant 32 : i32
    %dma_wait3A_242 = arith.constant 0 : i32
    %dma_wait3A_243 = arith.constant 0 : i32
    %dma_wait3A_244 = tpu.memref_slice %arg9[%dma_wait3A_242, %dma_wait3A_243] : memref<640x64xf32, #tpu.memory_space<vmem>> -> memref<128x64xf32, #tpu.memory_space<vmem>>
    %dma_wait3A_245 = arith.constant 1280 : i32
    %dma_wait3A_246 = tpu.memref_slice %arg16[%dma_wait3A_245] : memref<2560xi32, #tpu.memory_space<vmem>> -> memref<128xi32, #tpu.memory_space<vmem>>
    %dma_wait3A_247 = arith.constant 0 : i32
    %dma_wait3A_248 = arith.constant 0 : i32
    %dma_wait3A_249 = tpu.memref_slice %arg5[%dma_wait3A_247, %dma_wait3A_248] : memref<1000000x64xf32, #tpu.memory_space<hbm>> -> memref<1000000x64xf32, #tpu.memory_space<hbm>>
    tpu.wait_indirect_dma semaphore(%arg17 : memref<!tpu.dma_semaphore, #tpu.memory_space<semaphore_mem>>) src(%dma_wait3A_249 : memref<1000000x64xf32, #tpu.memory_space<hbm>>) dst(%dma_wait3A_244 : memref<128x64xf32, #tpu.memory_space<vmem>>)
    %dma_wait3A_250 = arith.constant 128 : i32
    %dma_wait3A_251 = arith.constant 0 : i32
    %dma_wait3A_252 = tpu.memref_slice %arg9[%dma_wait3A_250, %dma_wait3A_251] : memref<640x64xf32, #tpu.memory_space<vmem>> -> memref<128x64xf32, #tpu.memory_space<vmem>>
    %dma_wait3A_253 = arith.constant 1408 : i32
    %dma_wait3A_254 = tpu.memref_slice %arg16[%dma_wait3A_253] : memref<2560xi32, #tpu.memory_space<vmem>> -> memref<128xi32, #tpu.memory_space<vmem>>
    %dma_wait3A_255 = arith.constant 0 : i32
    %dma_wait3A_256 = arith.constant 0 : i32
    %dma_wait3A_257 = tpu.memref_slice %arg5[%dma_wait3A_255, %dma_wait3A_256] : memref<1000000x64xf32, #tpu.memory_space<hbm>> -> memref<1000000x64xf32, #tpu.memory_space<hbm>>
    tpu.wait_indirect_dma semaphore(%arg17 : memref<!tpu.dma_semaphore, #tpu.memory_space<semaphore_mem>>) src(%dma_wait3A_257 : memref<1000000x64xf32, #tpu.memory_space<hbm>>) dst(%dma_wait3A_252 : memref<128x64xf32, #tpu.memory_space<vmem>>)
    %dma_wait3A_258 = arith.constant 256 : i32
    %dma_wait3A_259 = arith.constant 0 : i32
    %dma_wait3A_260 = tpu.memref_slice %arg9[%dma_wait3A_258, %dma_wait3A_259] : memref<640x64xf32, #tpu.memory_space<vmem>> -> memref<128x64xf32, #tpu.memory_space<vmem>>
    %dma_wait3A_261 = arith.constant 1536 : i32
    %dma_wait3A_262 = tpu.memref_slice %arg16[%dma_wait3A_261] : memref<2560xi32, #tpu.memory_space<vmem>> -> memref<128xi32, #tpu.memory_space<vmem>>
    %dma_wait3A_263 = arith.constant 0 : i32
    %dma_wait3A_264 = arith.constant 0 : i32
    %dma_wait3A_265 = tpu.memref_slice %arg5[%dma_wait3A_263, %dma_wait3A_264] : memref<1000000x64xf32, #tpu.memory_space<hbm>> -> memref<1000000x64xf32, #tpu.memory_space<hbm>>
    tpu.wait_indirect_dma semaphore(%arg17 : memref<!tpu.dma_semaphore, #tpu.memory_space<semaphore_mem>>) src(%dma_wait3A_265 : memref<1000000x64xf32, #tpu.memory_space<hbm>>) dst(%dma_wait3A_260 : memref<128x64xf32, #tpu.memory_space<vmem>>)
    %dma_wait3A_266 = arith.constant 384 : i32
    %dma_wait3A_267 = arith.constant 0 : i32
    %dma_wait3A_268 = tpu.memref_slice %arg9[%dma_wait3A_266, %dma_wait3A_267] : memref<640x64xf32, #tpu.memory_space<vmem>> -> memref<128x64xf32, #tpu.memory_space<vmem>>
    %dma_wait3A_269 = arith.constant 1664 : i32
    %dma_wait3A_270 = tpu.memref_slice %arg16[%dma_wait3A_269] : memref<2560xi32, #tpu.memory_space<vmem>> -> memref<128xi32, #tpu.memory_space<vmem>>
    %dma_wait3A_271 = arith.constant 0 : i32
    %dma_wait3A_272 = arith.constant 0 : i32
    %dma_wait3A_273 = tpu.memref_slice %arg5[%dma_wait3A_271, %dma_wait3A_272] : memref<1000000x64xf32, #tpu.memory_space<hbm>> -> memref<1000000x64xf32, #tpu.memory_space<hbm>>
    tpu.wait_indirect_dma semaphore(%arg17 : memref<!tpu.dma_semaphore, #tpu.memory_space<semaphore_mem>>) src(%dma_wait3A_273 : memref<1000000x64xf32, #tpu.memory_space<hbm>>) dst(%dma_wait3A_268 : memref<128x64xf32, #tpu.memory_space<vmem>>)
    %dma_wait3A_274 = arith.constant 512 : i32
    %dma_wait3A_275 = arith.constant 0 : i32
    %dma_wait3A_276 = tpu.memref_slice %arg9[%dma_wait3A_274, %dma_wait3A_275] : memref<640x64xf32, #tpu.memory_space<vmem>> -> memref<128x64xf32, #tpu.memory_space<vmem>>
    %dma_wait3A_277 = arith.constant 1792 : i32
    %dma_wait3A_278 = tpu.memref_slice %arg16[%dma_wait3A_277] : memref<2560xi32, #tpu.memory_space<vmem>> -> memref<128xi32, #tpu.memory_space<vmem>>
    %dma_wait3A_279 = arith.constant 0 : i32
    %dma_wait3A_280 = arith.constant 0 : i32
    %dma_wait3A_281 = tpu.memref_slice %arg5[%dma_wait3A_279, %dma_wait3A_280] : memref<1000000x64xf32, #tpu.memory_space<hbm>> -> memref<1000000x64xf32, #tpu.memory_space<hbm>>
    tpu.wait_indirect_dma semaphore(%arg17 : memref<!tpu.dma_semaphore, #tpu.memory_space<semaphore_mem>>) src(%dma_wait3A_281 : memref<1000000x64xf32, #tpu.memory_space<hbm>>) dst(%dma_wait3A_276 : memref<128x64xf32, #tpu.memory_space<vmem>>)
    %dma_start3A_282 = arith.constant 0 : i32
    %dma_start3A_283 = arith.constant 0 : i32
    %dma_start3A_284 = tpu.memref_slice %arg10[%dma_start3A_282, %dma_start3A_283] : memref<640x64xf32, #tpu.memory_space<vmem>> -> memref<128x64xf32, #tpu.memory_space<vmem>>
    %dma_start3A_285 = arith.constant 1920 : i32
    %dma_start3A_286 = tpu.memref_slice %arg16[%dma_start3A_285] : memref<2560xi32, #tpu.memory_space<vmem>> -> memref<128xi32, #tpu.memory_space<vmem>>
    %dma_start3A_287 = arith.constant 0 : i32
    %dma_start3A_288 = arith.constant 0 : i32
    %dma_start3A_289 = tpu.memref_slice %arg5[%dma_start3A_287, %dma_start3A_288] : memref<1000000x64xf32, #tpu.memory_space<hbm>> -> memref<1000000x64xf32, #tpu.memory_space<hbm>>
    tpu.enqueue_indirect_dma source(%dma_start3A_289 : memref<1000000x64xf32, #tpu.memory_space<hbm>>) target(%dma_start3A_284 : memref<128x64xf32, #tpu.memory_space<vmem>>) offsets(%dma_start3A_286 : memref<128xi32, #tpu.memory_space<vmem>>) semaphore(%arg18 : memref<!tpu.dma_semaphore, #tpu.memory_space<semaphore_mem>>)
    %dma_start3A_290 = arith.constant 128 : i32
    %dma_start3A_291 = arith.constant 0 : i32
    %dma_start3A_292 = tpu.memref_slice %arg10[%dma_start3A_290, %dma_start3A_291] : memref<640x64xf32, #tpu.memory_space<vmem>> -> memref<128x64xf32, #tpu.memory_space<vmem>>
    %dma_start3A_293 = arith.constant 2048 : i32
    %dma_start3A_294 = tpu.memref_slice %arg16[%dma_start3A_293] : memref<2560xi32, #tpu.memory_space<vmem>> -> memref<128xi32, #tpu.memory_space<vmem>>
    %dma_start3A_295 = arith.constant 0 : i32
    %dma_start3A_296 = arith.constant 0 : i32
    %dma_start3A_297 = tpu.memref_slice %arg5[%dma_start3A_295, %dma_start3A_296] : memref<1000000x64xf32, #tpu.memory_space<hbm>> -> memref<1000000x64xf32, #tpu.memory_space<hbm>>
    tpu.enqueue_indirect_dma source(%dma_start3A_297 : memref<1000000x64xf32, #tpu.memory_space<hbm>>) target(%dma_start3A_292 : memref<128x64xf32, #tpu.memory_space<vmem>>) offsets(%dma_start3A_294 : memref<128xi32, #tpu.memory_space<vmem>>) semaphore(%arg18 : memref<!tpu.dma_semaphore, #tpu.memory_space<semaphore_mem>>)
    %dma_start3A_298 = arith.constant 256 : i32
    %dma_start3A_299 = arith.constant 0 : i32
    %dma_start3A_300 = tpu.memref_slice %arg10[%dma_start3A_298, %dma_start3A_299] : memref<640x64xf32, #tpu.memory_space<vmem>> -> memref<128x64xf32, #tpu.memory_space<vmem>>
    %dma_start3A_301 = arith.constant 2176 : i32
    %dma_start3A_302 = tpu.memref_slice %arg16[%dma_start3A_301] : memref<2560xi32, #tpu.memory_space<vmem>> -> memref<128xi32, #tpu.memory_space<vmem>>
    %dma_start3A_303 = arith.constant 0 : i32
    %dma_start3A_304 = arith.constant 0 : i32
    %dma_start3A_305 = tpu.memref_slice %arg5[%dma_start3A_303, %dma_start3A_304] : memref<1000000x64xf32, #tpu.memory_space<hbm>> -> memref<1000000x64xf32, #tpu.memory_space<hbm>>
    tpu.enqueue_indirect_dma source(%dma_start3A_305 : memref<1000000x64xf32, #tpu.memory_space<hbm>>) target(%dma_start3A_300 : memref<128x64xf32, #tpu.memory_space<vmem>>) offsets(%dma_start3A_302 : memref<128xi32, #tpu.memory_space<vmem>>) semaphore(%arg18 : memref<!tpu.dma_semaphore, #tpu.memory_space<semaphore_mem>>)
    %dma_start3A_306 = arith.constant 384 : i32
    %dma_start3A_307 = arith.constant 0 : i32
    %dma_start3A_308 = tpu.memref_slice %arg10[%dma_start3A_306, %dma_start3A_307] : memref<640x64xf32, #tpu.memory_space<vmem>> -> memref<128x64xf32, #tpu.memory_space<vmem>>
    %dma_start3A_309 = arith.constant 2304 : i32
    %dma_start3A_310 = tpu.memref_slice %arg16[%dma_start3A_309] : memref<2560xi32, #tpu.memory_space<vmem>> -> memref<128xi32, #tpu.memory_space<vmem>>
    %dma_start3A_311 = arith.constant 0 : i32
    %dma_start3A_312 = arith.constant 0 : i32
    %dma_start3A_313 = tpu.memref_slice %arg5[%dma_start3A_311, %dma_start3A_312] : memref<1000000x64xf32, #tpu.memory_space<hbm>> -> memref<1000000x64xf32, #tpu.memory_space<hbm>>
    tpu.enqueue_indirect_dma source(%dma_start3A_313 : memref<1000000x64xf32, #tpu.memory_space<hbm>>) target(%dma_start3A_308 : memref<128x64xf32, #tpu.memory_space<vmem>>) offsets(%dma_start3A_310 : memref<128xi32, #tpu.memory_space<vmem>>) semaphore(%arg18 : memref<!tpu.dma_semaphore, #tpu.memory_space<semaphore_mem>>)
    %dma_start3A_314 = arith.constant 512 : i32
    %dma_start3A_315 = arith.constant 0 : i32
    %dma_start3A_316 = tpu.memref_slice %arg10[%dma_start3A_314, %dma_start3A_315] : memref<640x64xf32, #tpu.memory_space<vmem>> -> memref<128x64xf32, #tpu.memory_space<vmem>>
    %dma_start3A_317 = arith.constant 2432 : i32
    %dma_start3A_318 = tpu.memref_slice %arg16[%dma_start3A_317] : memref<2560xi32, #tpu.memory_space<vmem>> -> memref<128xi32, #tpu.memory_space<vmem>>
    %dma_start3A_319 = arith.constant 0 : i32
    %dma_start3A_320 = arith.constant 0 : i32
    %dma_start3A_321 = tpu.memref_slice %arg5[%dma_start3A_319, %dma_start3A_320] : memref<1000000x64xf32, #tpu.memory_space<hbm>> -> memref<1000000x64xf32, #tpu.memory_space<hbm>>
    tpu.enqueue_indirect_dma source(%dma_start3A_321 : memref<1000000x64xf32, #tpu.memory_space<hbm>>) target(%dma_start3A_316 : memref<128x64xf32, #tpu.memory_space<vmem>>) offsets(%dma_start3A_318 : memref<128xi32, #tpu.memory_space<vmem>>) semaphore(%arg18 : memref<!tpu.dma_semaphore, #tpu.memory_space<semaphore_mem>>)
    %scan3A_322 = arith.constant 0 : i32
    %scan3A_323 = arith.constant 0 : i32
    %scan3A_324 = arith.constant 32 : i32
    %scan3A_325 = arith.addi %scan3A_323, %scan3A_324 : i32
    %scan3A_326 = arith.constant 1 : i32
    %scan3A_327 = scf.for %scan3A_376 = %scan3A_323 to %scan3A_325 step %scan3A_326 iter_args(%scan3A_377 = %scan3A_322) -> (i32)  : i32 {
      %add3A_378 = arith.constant 64 : i32
      %add3A_379 = arith.addi %add3A_378, %scan3A_376 : i32
      %get3A = arith.index_cast %add3A_379 : i32 to index
      %get3A_380 = arith.constant 0 : index
      %get3A_381 = tpu.vector_load %arg12[%get3A, %get3A_380] {strides = array<i32>} : memref<128x64xf32, #tpu.memory_space<vmem>>, vector<16xf32>,
      %mul3A_382 = arith.constant 20 : i32
      %mul3A_383 = arith.muli %scan3A_376, %mul3A_382 : i32
      %add3A_384 = arith.constant 0 : i32
      %add3A_385 = arith.addi %mul3A_383, %add3A_384 : i32
      %get3A_386 = arith.index_cast %add3A_385 : i32 to index
      %get3A_387 = arith.constant 0 : index
      %get3A_388 = tpu.vector_load %arg9[%get3A_386, %get3A_387] {strides = array<i32>} : memref<640x64xf32, #tpu.memory_space<vmem>>, vector<16xf32>,
      %add3A_389 = arith.addf %get3A_381, %get3A_388 : vector<16xf32>
      %mul3A_390 = arith.constant 20 : i32
      %mul3A_391 = arith.muli %scan3A_376, %mul3A_390 : i32
      %add3A_392 = arith.constant 1 : i32
      %add3A_393 = arith.addi %mul3A_391, %add3A_392 : i32
      %get3A_394 = arith.index_cast %add3A_393 : i32 to index
      %get3A_395 = arith.constant 0 : index
      %get3A_396 = tpu.vector_load %arg9[%get3A_394, %get3A_395] {strides = array<i32>} : memref<640x64xf32, #tpu.memory_space<vmem>>, vector<16xf32>,
      %add3A_397 = arith.addf %add3A_389, %get3A_396 : vector<16xf32>
      %mul3A_398 = arith.constant 20 : i32
      %mul3A_399 = arith.muli %scan3A_376, %mul3A_398 : i32
      %add3A_400 = arith.constant 2 : i32
      %add3A_401 = arith.addi %mul3A_399, %add3A_400 : i32
      %get3A_402 = arith.index_cast %add3A_401 : i32 to index
      %get3A_403 = arith.constant 0 : index
      %get3A_404 = tpu.vector_load %arg9[%get3A_402, %get3A_403] {strides = array<i32>} : memref<640x64xf32, #tpu.memory_space<vmem>>, vector<16xf32>,
      %add3A_405 = arith.addf %add3A_397, %get3A_404 : vector<16xf32>
      %mul3A_406 = arith.constant 20 : i32
      %mul3A_407 = arith.muli %scan3A_376, %mul3A_406 : i32
      %add3A_408 = arith.constant 3 : i32
      %add3A_409 = arith.addi %mul3A_407, %add3A_408 : i32
      %get3A_410 = arith.index_cast %add3A_409 : i32 to index
      %get3A_411 = arith.constant 0 : index
      %get3A_412 = tpu.vector_load %arg9[%get3A_410, %get3A_411] {strides = array<i32>} : memref<640x64xf32, #tpu.memory_space<vmem>>, vector<16xf32>,
      %add3A_413 = arith.addf %add3A_405, %get3A_412 : vector<16xf32>
      %mul3A_414 = arith.constant 20 : i32
      %mul3A_415 = arith.muli %scan3A_376, %mul3A_414 : i32
      %add3A_416 = arith.constant 4 : i32
      %add3A_417 = arith.addi %mul3A_415, %add3A_416 : i32
      %get3A_418 = arith.index_cast %add3A_417 : i32 to index
      %get3A_419 = arith.constant 0 : index
      %get3A_420 = tpu.vector_load %arg9[%get3A_418, %get3A_419] {strides = array<i32>} : memref<640x64xf32, #tpu.memory_space<vmem>>, vector<16xf32>,
      %add3A_421 = arith.addf %add3A_413, %get3A_420 : vector<16xf32>
      %mul3A_422 = arith.constant 20 : i32
      %mul3A_423 = arith.muli %scan3A_376, %mul3A_422 : i32
      %add3A_424 = arith.constant 5 : i32
      %add3A_425 = arith.addi %mul3A_423, %add3A_424 : i32
      %get3A_426 = arith.index_cast %add3A_425 : i32 to index
      %get3A_427 = arith.constant 0 : index
      %get3A_428 = tpu.vector_load %arg9[%get3A_426, %get3A_427] {strides = array<i32>} : memref<640x64xf32, #tpu.memory_space<vmem>>, vector<16xf32>,
      %add3A_429 = arith.addf %add3A_421, %get3A_428 : vector<16xf32>
      %mul3A_430 = arith.constant 20 : i32
      %mul3A_431 = arith.muli %scan3A_376, %mul3A_430 : i32
      %add3A_432 = arith.constant 6 : i32
      %add3A_433 = arith.addi %mul3A_431, %add3A_432 : i32
      %get3A_434 = arith.index_cast %add3A_433 : i32 to index
      %get3A_435 = arith.constant 0 : index
      %get3A_436 = tpu.vector_load %arg9[%get3A_434, %get3A_435] {strides = array<i32>} : memref<640x64xf32, #tpu.memory_space<vmem>>, vector<16xf32>,
      %add3A_437 = arith.addf %add3A_429, %get3A_436 : vector<16xf32>
      %mul3A_438 = arith.constant 20 : i32
      %mul3A_439 = arith.muli %scan3A_376, %mul3A_438 : i32
      %add3A_440 = arith.constant 7 : i32
      %add3A_441 = arith.addi %mul3A_439, %add3A_440 : i32
      %get3A_442 = arith.index_cast %add3A_441 : i32 to index
      %get3A_443 = arith.constant 0 : index
      %get3A_444 = tpu.vector_load %arg9[%get3A_442, %get3A_443] {strides = array<i32>} : memref<640x64xf32, #tpu.memory_space<vmem>>, vector<16xf32>,
      %add3A_445 = arith.addf %add3A_437, %get3A_444 : vector<16xf32>
      %mul3A_446 = arith.constant 20 : i32
      %mul3A_447 = arith.muli %scan3A_376, %mul3A_446 : i32
      %add3A_448 = arith.constant 8 : i32
      %add3A_449 = arith.addi %mul3A_447, %add3A_448 : i32
      %get3A_450 = arith.index_cast %add3A_449 : i32 to index
      %get3A_451 = arith.constant 0 : index
      %get3A_452 = tpu.vector_load %arg9[%get3A_450, %get3A_451] {strides = array<i32>} : memref<640x64xf32, #tpu.memory_space<vmem>>, vector<16xf32>,
      %add3A_453 = arith.addf %add3A_445, %get3A_452 : vector<16xf32>
      %mul3A_454 = arith.constant 20 : i32
      %mul3A_455 = arith.muli %scan3A_376, %mul3A_454 : i32
      %add3A_456 = arith.constant 9 : i32
      %add3A_457 = arith.addi %mul3A_455, %add3A_456 : i32
      %get3A_458 = arith.index_cast %add3A_457 : i32 to index
      %get3A_459 = arith.constant 0 : index
      %get3A_460 = tpu.vector_load %arg9[%get3A_458, %get3A_459] {strides = array<i32>} : memref<640x64xf32, #tpu.memory_space<vmem>>, vector<16xf32>,
      %add3A_461 = arith.addf %add3A_453, %get3A_460 : vector<16xf32>
      %mul3A_462 = arith.constant 20 : i32
      %mul3A_463 = arith.muli %scan3A_376, %mul3A_462 : i32
      %add3A_464 = arith.constant 10 : i32
      %add3A_465 = arith.addi %mul3A_463, %add3A_464 : i32
      %get3A_466 = arith.index_cast %add3A_465 : i32 to index
      %get3A_467 = arith.constant 0 : index
      %get3A_468 = tpu.vector_load %arg9[%get3A_466, %get3A_467] {strides = array<i32>} : memref<640x64xf32, #tpu.memory_space<vmem>>, vector<16xf32>,
      %add3A_469 = arith.addf %add3A_461, %get3A_468 : vector<16xf32>
      %mul3A_470 = arith.constant 20 : i32
      %mul3A_471 = arith.muli %scan3A_376, %mul3A_470 : i32
      %add3A_472 = arith.constant 11 : i32
      %add3A_473 = arith.addi %mul3A_471, %add3A_472 : i32
      %get3A_474 = arith.index_cast %add3A_473 : i32 to index
      %get3A_475 = arith.constant 0 : index
      %get3A_476 = tpu.vector_load %arg9[%get3A_474, %get3A_475] {strides = array<i32>} : memref<640x64xf32, #tpu.memory_space<vmem>>, vector<16xf32>,
      %add3A_477 = arith.addf %add3A_469, %get3A_476 : vector<16xf32>
      %mul3A_478 = arith.constant 20 : i32
      %mul3A_479 = arith.muli %scan3A_376, %mul3A_478 : i32
      %add3A_480 = arith.constant 12 : i32
      %add3A_481 = arith.addi %mul3A_479, %add3A_480 : i32
      %get3A_482 = arith.index_cast %add3A_481 : i32 to index
      %get3A_483 = arith.constant 0 : index
      %get3A_484 = tpu.vector_load %arg9[%get3A_482, %get3A_483] {strides = array<i32>} : memref<640x64xf32, #tpu.memory_space<vmem>>, vector<16xf32>,
      %add3A_485 = arith.addf %add3A_477, %get3A_484 : vector<16xf32>
      %mul3A_486 = arith.constant 20 : i32
      %mul3A_487 = arith.muli %scan3A_376, %mul3A_486 : i32
      %add3A_488 = arith.constant 13 : i32
      %add3A_489 = arith.addi %mul3A_487, %add3A_488 : i32
      %get3A_490 = arith.index_cast %add3A_489 : i32 to index
      %get3A_491 = arith.constant 0 : index
      %get3A_492 = tpu.vector_load %arg9[%get3A_490, %get3A_491] {strides = array<i32>} : memref<640x64xf32, #tpu.memory_space<vmem>>, vector<16xf32>,
      %add3A_493 = arith.addf %add3A_485, %get3A_492 : vector<16xf32>
      %mul3A_494 = arith.constant 20 : i32
      %mul3A_495 = arith.muli %scan3A_376, %mul3A_494 : i32
      %add3A_496 = arith.constant 14 : i32
      %add3A_497 = arith.addi %mul3A_495, %add3A_496 : i32
      %get3A_498 = arith.index_cast %add3A_497 : i32 to index
      %get3A_499 = arith.constant 0 : index
      %get3A_500 = tpu.vector_load %arg9[%get3A_498, %get3A_499] {strides = array<i32>} : memref<640x64xf32, #tpu.memory_space<vmem>>, vector<16xf32>,
      %add3A_501 = arith.addf %add3A_493, %get3A_500 : vector<16xf32>
      %mul3A_502 = arith.constant 20 : i32
      %mul3A_503 = arith.muli %scan3A_376, %mul3A_502 : i32
      %add3A_504 = arith.constant 15 : i32
      %add3A_505 = arith.addi %mul3A_503, %add3A_504 : i32
      %get3A_506 = arith.index_cast %add3A_505 : i32 to index
      %get3A_507 = arith.constant 0 : index
      %get3A_508 = tpu.vector_load %arg9[%get3A_506, %get3A_507] {strides = array<i32>} : memref<640x64xf32, #tpu.memory_space<vmem>>, vector<16xf32>,
      %add3A_509 = arith.addf %add3A_501, %get3A_508 : vector<16xf32>
      %mul3A_510 = arith.constant 20 : i32
      %mul3A_511 = arith.muli %scan3A_376, %mul3A_510 : i32
      %add3A_512 = arith.constant 16 : i32
      %add3A_513 = arith.addi %mul3A_511, %add3A_512 : i32
      %get3A_514 = arith.index_cast %add3A_513 : i32 to index
      %get3A_515 = arith.constant 0 : index
      %get3A_516 = tpu.vector_load %arg9[%get3A_514, %get3A_515] {strides = array<i32>} : memref<640x64xf32, #tpu.memory_space<vmem>>, vector<16xf32>,
      %add3A_517 = arith.addf %add3A_509, %get3A_516 : vector<16xf32>
      %mul3A_518 = arith.constant 20 : i32
      %mul3A_519 = arith.muli %scan3A_376, %mul3A_518 : i32
      %add3A_520 = arith.constant 17 : i32
      %add3A_521 = arith.addi %mul3A_519, %add3A_520 : i32
      %get3A_522 = arith.index_cast %add3A_521 : i32 to index
      %get3A_523 = arith.constant 0 : index
      %get3A_524 = tpu.vector_load %arg9[%get3A_522, %get3A_523] {strides = array<i32>} : memref<640x64xf32, #tpu.memory_space<vmem>>, vector<16xf32>,
      %add3A_525 = arith.addf %add3A_517, %get3A_524 : vector<16xf32>
      %mul3A_526 = arith.constant 20 : i32
      %mul3A_527 = arith.muli %scan3A_376, %mul3A_526 : i32
      %add3A_528 = arith.constant 18 : i32
      %add3A_529 = arith.addi %mul3A_527, %add3A_528 : i32
      %get3A_530 = arith.index_cast %add3A_529 : i32 to index
      %get3A_531 = arith.constant 0 : index
      %get3A_532 = tpu.vector_load %arg9[%get3A_530, %get3A_531] {strides = array<i32>} : memref<640x64xf32, #tpu.memory_space<vmem>>, vector<16xf32>,
      %add3A_533 = arith.addf %add3A_525, %get3A_532 : vector<16xf32>
      %mul3A_534 = arith.constant 20 : i32
      %mul3A_535 = arith.muli %scan3A_376, %mul3A_534 : i32
      %add3A_536 = arith.constant 19 : i32
      %add3A_537 = arith.addi %mul3A_535, %add3A_536 : i32
      %get3A_538 = arith.index_cast %add3A_537 : i32 to index
      %get3A_539 = arith.constant 0 : index
      %get3A_540 = tpu.vector_load %arg9[%get3A_538, %get3A_539] {strides = array<i32>} : memref<640x64xf32, #tpu.memory_space<vmem>>, vector<16xf32>,
      %add3A_541 = arith.addf %add3A_533, %get3A_540 : vector<16xf32>
      %mul3A_542 = arith.constant 0.0476190485 : f32
      %mul3A_543 = vector.broadcast %mul3A_542 : f32 to vector<16xf32>
      %mul3A_544 = arith.mulf %add3A_541, %mul3A_543 : vector<16xf32>
      %swap3A = arith.index_cast %add3A_379 : i32 to index
      %swap3A_545 = arith.constant 0 : index
      %swap3A_546 = tpu.vector_load %arg13[%swap3A, %swap3A_545] {strides = array<i32>} : memref<128x64xf32, #tpu.memory_space<vmem>>, vector<16xf32>,
      tpu.vector_store %arg13[%swap3A, %swap3A_545], %mul3A_544 {strides = array<i32>} : memref<128x64xf32, #tpu.memory_space<vmem>>, vector<16xf32>,
      %get3A_547 = arith.index_cast %add3A_379 : i32 to index
      %get3A_548 = arith.constant 16 : index
      %get3A_549 = tpu.vector_load %arg12[%get3A_547, %get3A_548] {strides = array<i32>} : memref<128x64xf32, #tpu.memory_space<vmem>>, vector<16xf32>,
      %mul3A_550 = arith.constant 20 : i32
      %mul3A_551 = arith.muli %scan3A_376, %mul3A_550 : i32
      %add3A_552 = arith.constant 0 : i32
      %add3A_553 = arith.addi %mul3A_551, %add3A_552 : i32
      %get3A_554 = arith.index_cast %add3A_553 : i32 to index
      %get3A_555 = arith.constant 16 : index
      %get3A_556 = tpu.vector_load %arg9[%get3A_554, %get3A_555] {strides = array<i32>} : memref<640x64xf32, #tpu.memory_space<vmem>>, vector<16xf32>,
      %add3A_557 = arith.addf %get3A_549, %get3A_556 : vector<16xf32>
      %mul3A_558 = arith.constant 20 : i32
      %mul3A_559 = arith.muli %scan3A_376, %mul3A_558 : i32
      %add3A_560 = arith.constant 1 : i32
      %add3A_561 = arith.addi %mul3A_559, %add3A_560 : i32
      %get3A_562 = arith.index_cast %add3A_561 : i32 to index
      %get3A_563 = arith.constant 16 : index
      %get3A_564 = tpu.vector_load %arg9[%get3A_562, %get3A_563] {strides = array<i32>} : memref<640x64xf32, #tpu.memory_space<vmem>>, vector<16xf32>,
      %add3A_565 = arith.addf %add3A_557, %get3A_564 : vector<16xf32>
      %mul3A_566 = arith.constant 20 : i32
      %mul3A_567 = arith.muli %scan3A_376, %mul3A_566 : i32
      %add3A_568 = arith.constant 2 : i32
      %add3A_569 = arith.addi %mul3A_567, %add3A_568 : i32
      %get3A_570 = arith.index_cast %add3A_569 : i32 to index
      %get3A_571 = arith.constant 16 : index
      %get3A_572 = tpu.vector_load %arg9[%get3A_570, %get3A_571] {strides = array<i32>} : memref<640x64xf32, #tpu.memory_space<vmem>>, vector<16xf32>,
      %add3A_573 = arith.addf %add3A_565, %get3A_572 : vector<16xf32>
      %mul3A_574 = arith.constant 20 : i32
      %mul3A_575 = arith.muli %scan3A_376, %mul3A_574 : i32
      %add3A_576 = arith.constant 3 : i32
      %add3A_577 = arith.addi %mul3A_575, %add3A_576 : i32
      %get3A_578 = arith.index_cast %add3A_577 : i32 to index
      %get3A_579 = arith.constant 16 : index
      %get3A_580 = tpu.vector_load %arg9[%get3A_578, %get3A_579] {strides = array<i32>} : memref<640x64xf32, #tpu.memory_space<vmem>>, vector<16xf32>,
      %add3A_581 = arith.addf %add3A_573, %get3A_580 : vector<16xf32>
      %mul3A_582 = arith.constant 20 : i32
      %mul3A_583 = arith.muli %scan3A_376, %mul3A_582 : i32
      %add3A_584 = arith.constant 4 : i32
      %add3A_585 = arith.addi %mul3A_583, %add3A_584 : i32
      %get3A_586 = arith.index_cast %add3A_585 : i32 to index
      %get3A_587 = arith.constant 16 : index
      %get3A_588 = tpu.vector_load %arg9[%get3A_586, %get3A_587] {strides = array<i32>} : memref<640x64xf32, #tpu.memory_space<vmem>>, vector<16xf32>,
      %add3A_589 = arith.addf %add3A_581, %get3A_588 : vector<16xf32>
      %mul3A_590 = arith.constant 20 : i32
      %mul3A_591 = arith.muli %scan3A_376, %mul3A_590 : i32
      %add3A_592 = arith.constant 5 : i32
      %add3A_593 = arith.addi %mul3A_591, %add3A_592 : i32
      %get3A_594 = arith.index_cast %add3A_593 : i32 to index
      %get3A_595 = arith.constant 16 : index
      %get3A_596 = tpu.vector_load %arg9[%get3A_594, %get3A_595] {strides = array<i32>} : memref<640x64xf32, #tpu.memory_space<vmem>>, vector<16xf32>,
      %add3A_597 = arith.addf %add3A_589, %get3A_596 : vector<16xf32>
      %mul3A_598 = arith.constant 20 : i32
      %mul3A_599 = arith.muli %scan3A_376, %mul3A_598 : i32
      %add3A_600 = arith.constant 6 : i32
      %add3A_601 = arith.addi %mul3A_599, %add3A_600 : i32
      %get3A_602 = arith.index_cast %add3A_601 : i32 to index
      %get3A_603 = arith.constant 16 : index
      %get3A_604 = tpu.vector_load %arg9[%get3A_602, %get3A_603] {strides = array<i32>} : memref<640x64xf32, #tpu.memory_space<vmem>>, vector<16xf32>,
      %add3A_605 = arith.addf %add3A_597, %get3A_604 : vector<16xf32>
      %mul3A_606 = arith.constant 20 : i32
      %mul3A_607 = arith.muli %scan3A_376, %mul3A_606 : i32
      %add3A_608 = arith.constant 7 : i32
      %add3A_609 = arith.addi %mul3A_607, %add3A_608 : i32
      %get3A_610 = arith.index_cast %add3A_609 : i32 to index
      %get3A_611 = arith.constant 16 : index
      %get3A_612 = tpu.vector_load %arg9[%get3A_610, %get3A_611] {strides = array<i32>} : memref<640x64xf32, #tpu.memory_space<vmem>>, vector<16xf32>,
      %add3A_613 = arith.addf %add3A_605, %get3A_612 : vector<16xf32>
      %mul3A_614 = arith.constant 20 : i32
      %mul3A_615 = arith.muli %scan3A_376, %mul3A_614 : i32
      %add3A_616 = arith.constant 8 : i32
      %add3A_617 = arith.addi %mul3A_615, %add3A_616 : i32
      %get3A_618 = arith.index_cast %add3A_617 : i32 to index
      %get3A_619 = arith.constant 16 : index
      %get3A_620 = tpu.vector_load %arg9[%get3A_618, %get3A_619] {strides = array<i32>} : memref<640x64xf32, #tpu.memory_space<vmem>>, vector<16xf32>,
      %add3A_621 = arith.addf %add3A_613, %get3A_620 : vector<16xf32>
      %mul3A_622 = arith.constant 20 : i32
      %mul3A_623 = arith.muli %scan3A_376, %mul3A_622 : i32
      %add3A_624 = arith.constant 9 : i32
      %add3A_625 = arith.addi %mul3A_623, %add3A_624 : i32
      %get3A_626 = arith.index_cast %add3A_625 : i32 to index
      %get3A_627 = arith.constant 16 : index
      %get3A_628 = tpu.vector_load %arg9[%get3A_626, %get3A_627] {strides = array<i32>} : memref<640x64xf32, #tpu.memory_space<vmem>>, vector<16xf32>,
      %add3A_629 = arith.addf %add3A_621, %get3A_628 : vector<16xf32>
      %mul3A_630 = arith.constant 20 : i32
      %mul3A_631 = arith.muli %scan3A_376, %mul3A_630 : i32
      %add3A_632 = arith.constant 10 : i32
      %add3A_633 = arith.addi %mul3A_631, %add3A_632 : i32
      %get3A_634 = arith.index_cast %add3A_633 : i32 to index
      %get3A_635 = arith.constant 16 : index
      %get3A_636 = tpu.vector_load %arg9[%get3A_634, %get3A_635] {strides = array<i32>} : memref<640x64xf32, #tpu.memory_space<vmem>>, vector<16xf32>,
      %add3A_637 = arith.addf %add3A_629, %get3A_636 : vector<16xf32>
      %mul3A_638 = arith.constant 20 : i32
      %mul3A_639 = arith.muli %scan3A_376, %mul3A_638 : i32
      %add3A_640 = arith.constant 11 : i32
      %add3A_641 = arith.addi %mul3A_639, %add3A_640 : i32
      %get3A_642 = arith.index_cast %add3A_641 : i32 to index
      %get3A_643 = arith.constant 16 : index
      %get3A_644 = tpu.vector_load %arg9[%get3A_642, %get3A_643] {strides = array<i32>} : memref<640x64xf32, #tpu.memory_space<vmem>>, vector<16xf32>,
      %add3A_645 = arith.addf %add3A_637, %get3A_644 : vector<16xf32>
      %mul3A_646 = arith.constant 20 : i32
      %mul3A_647 = arith.muli %scan3A_376, %mul3A_646 : i32
      %add3A_648 = arith.constant 12 : i32
      %add3A_649 = arith.addi %mul3A_647, %add3A_648 : i32
      %get3A_650 = arith.index_cast %add3A_649 : i32 to index
      %get3A_651 = arith.constant 16 : index
      %get3A_652 = tpu.vector_load %arg9[%get3A_650, %get3A_651] {strides = array<i32>} : memref<640x64xf32, #tpu.memory_space<vmem>>, vector<16xf32>,
      %add3A_653 = arith.addf %add3A_645, %get3A_652 : vector<16xf32>
      %mul3A_654 = arith.constant 20 : i32
      %mul3A_655 = arith.muli %scan3A_376, %mul3A_654 : i32
      %add3A_656 = arith.constant 13 : i32
      %add3A_657 = arith.addi %mul3A_655, %add3A_656 : i32
      %get3A_658 = arith.index_cast %add3A_657 : i32 to index
      %get3A_659 = arith.constant 16 : index
      %get3A_660 = tpu.vector_load %arg9[%get3A_658, %get3A_659] {strides = array<i32>} : memref<640x64xf32, #tpu.memory_space<vmem>>, vector<16xf32>,
      %add3A_661 = arith.addf %add3A_653, %get3A_660 : vector<16xf32>
      %mul3A_662 = arith.constant 20 : i32
      %mul3A_663 = arith.muli %scan3A_376, %mul3A_662 : i32
      %add3A_664 = arith.constant 14 : i32
      %add3A_665 = arith.addi %mul3A_663, %add3A_664 : i32
      %get3A_666 = arith.index_cast %add3A_665 : i32 to index
      %get3A_667 = arith.constant 16 : index
      %get3A_668 = tpu.vector_load %arg9[%get3A_666, %get3A_667] {strides = array<i32>} : memref<640x64xf32, #tpu.memory_space<vmem>>, vector<16xf32>,
      %add3A_669 = arith.addf %add3A_661, %get3A_668 : vector<16xf32>
      %mul3A_670 = arith.constant 20 : i32
      %mul3A_671 = arith.muli %scan3A_376, %mul3A_670 : i32
      %add3A_672 = arith.constant 15 : i32
      %add3A_673 = arith.addi %mul3A_671, %add3A_672 : i32
      %get3A_674 = arith.index_cast %add3A_673 : i32 to index
      %get3A_675 = arith.constant 16 : index
      %get3A_676 = tpu.vector_load %arg9[%get3A_674, %get3A_675] {strides = array<i32>} : memref<640x64xf32, #tpu.memory_space<vmem>>, vector<16xf32>,
      %add3A_677 = arith.addf %add3A_669, %get3A_676 : vector<16xf32>
      %mul3A_678 = arith.constant 20 : i32
      %mul3A_679 = arith.muli %scan3A_376, %mul3A_678 : i32
      %add3A_680 = arith.constant 16 : i32
      %add3A_681 = arith.addi %mul3A_679, %add3A_680 : i32
      %get3A_682 = arith.index_cast %add3A_681 : i32 to index
      %get3A_683 = arith.constant 16 : index
      %get3A_684 = tpu.vector_load %arg9[%get3A_682, %get3A_683] {strides = array<i32>} : memref<640x64xf32, #tpu.memory_space<vmem>>, vector<16xf32>,
      %add3A_685 = arith.addf %add3A_677, %get3A_684 : vector<16xf32>
      %mul3A_686 = arith.constant 20 : i32
      %mul3A_687 = arith.muli %scan3A_376, %mul3A_686 : i32
      %add3A_688 = arith.constant 17 : i32
      %add3A_689 = arith.addi %mul3A_687, %add3A_688 : i32
      %get3A_690 = arith.index_cast %add3A_689 : i32 to index
      %get3A_691 = arith.constant 16 : index
      %get3A_692 = tpu.vector_load %arg9[%get3A_690, %get3A_691] {strides = array<i32>} : memref<640x64xf32, #tpu.memory_space<vmem>>, vector<16xf32>,
      %add3A_693 = arith.addf %add3A_685, %get3A_692 : vector<16xf32>
      %mul3A_694 = arith.constant 20 : i32
      %mul3A_695 = arith.muli %scan3A_376, %mul3A_694 : i32
      %add3A_696 = arith.constant 18 : i32
      %add3A_697 = arith.addi %mul3A_695, %add3A_696 : i32
      %get3A_698 = arith.index_cast %add3A_697 : i32 to index
      %get3A_699 = arith.constant 16 : index
      %get3A_700 = tpu.vector_load %arg9[%get3A_698, %get3A_699] {strides = array<i32>} : memref<640x64xf32, #tpu.memory_space<vmem>>, vector<16xf32>,
      %add3A_701 = arith.addf %add3A_693, %get3A_700 : vector<16xf32>
      %mul3A_702 = arith.constant 20 : i32
      %mul3A_703 = arith.muli %scan3A_376, %mul3A_702 : i32
      %add3A_704 = arith.constant 19 : i32
      %add3A_705 = arith.addi %mul3A_703, %add3A_704 : i32
      %get3A_706 = arith.index_cast %add3A_705 : i32 to index
      %get3A_707 = arith.constant 16 : index
      %get3A_708 = tpu.vector_load %arg9[%get3A_706, %get3A_707] {strides = array<i32>} : memref<640x64xf32, #tpu.memory_space<vmem>>, vector<16xf32>,
      %add3A_709 = arith.addf %add3A_701, %get3A_708 : vector<16xf32>
      %mul3A_710 = arith.constant 0.0476190485 : f32
      %mul3A_711 = vector.broadcast %mul3A_710 : f32 to vector<16xf32>
      %mul3A_712 = arith.mulf %add3A_709, %mul3A_711 : vector<16xf32>
      %swap3A_713 = arith.index_cast %add3A_379 : i32 to index
      %swap3A_714 = arith.constant 16 : index
      %swap3A_715 = tpu.vector_load %arg13[%swap3A_713, %swap3A_714] {strides = array<i32>} : memref<128x64xf32, #tpu.memory_space<vmem>>, vector<16xf32>,
      tpu.vector_store %arg13[%swap3A_713, %swap3A_714], %mul3A_712 {strides = array<i32>} : memref<128x64xf32, #tpu.memory_space<vmem>>, vector<16xf32>,
      %get3A_716 = arith.index_cast %add3A_379 : i32 to index
      %get3A_717 = arith.constant 32 : index
      %get3A_718 = tpu.vector_load %arg12[%get3A_716, %get3A_717] {strides = array<i32>} : memref<128x64xf32, #tpu.memory_space<vmem>>, vector<16xf32>,
      %mul3A_719 = arith.constant 20 : i32
      %mul3A_720 = arith.muli %scan3A_376, %mul3A_719 : i32
      %add3A_721 = arith.constant 0 : i32
      %add3A_722 = arith.addi %mul3A_720, %add3A_721 : i32
      %get3A_723 = arith.index_cast %add3A_722 : i32 to index
      %get3A_724 = arith.constant 32 : index
      %get3A_725 = tpu.vector_load %arg9[%get3A_723, %get3A_724] {strides = array<i32>} : memref<640x64xf32, #tpu.memory_space<vmem>>, vector<16xf32>,
      %add3A_726 = arith.addf %get3A_718, %get3A_725 : vector<16xf32>
      %mul3A_727 = arith.constant 20 : i32
      %mul3A_728 = arith.muli %scan3A_376, %mul3A_727 : i32
      %add3A_729 = arith.constant 1 : i32
      %add3A_730 = arith.addi %mul3A_728, %add3A_729 : i32
      %get3A_731 = arith.index_cast %add3A_730 : i32 to index
      %get3A_732 = arith.constant 32 : index
      %get3A_733 = tpu.vector_load %arg9[%get3A_731, %get3A_732] {strides = array<i32>} : memref<640x64xf32, #tpu.memory_space<vmem>>, vector<16xf32>,
      %add3A_734 = arith.addf %add3A_726, %get3A_733 : vector<16xf32>
      %mul3A_735 = arith.constant 20 : i32
      %mul3A_736 = arith.muli %scan3A_376, %mul3A_735 : i32
      %add3A_737 = arith.constant 2 : i32
      %add3A_738 = arith.addi %mul3A_736, %add3A_737 : i32
      %get3A_739 = arith.index_cast %add3A_738 : i32 to index
      %get3A_740 = arith.constant 32 : index
      %get3A_741 = tpu.vector_load %arg9[%get3A_739, %get3A_740] {strides = array<i32>} : memref<640x64xf32, #tpu.memory_space<vmem>>, vector<16xf32>,
      %add3A_742 = arith.addf %add3A_734, %get3A_741 : vector<16xf32>
      %mul3A_743 = arith.constant 20 : i32
      %mul3A_744 = arith.muli %scan3A_376, %mul3A_743 : i32
      %add3A_745 = arith.constant 3 : i32
      %add3A_746 = arith.addi %mul3A_744, %add3A_745 : i32
      %get3A_747 = arith.index_cast %add3A_746 : i32 to index
      %get3A_748 = arith.constant 32 : index
      %get3A_749 = tpu.vector_load %arg9[%get3A_747, %get3A_748] {strides = array<i32>} : memref<640x64xf32, #tpu.memory_space<vmem>>, vector<16xf32>,
      %add3A_750 = arith.addf %add3A_742, %get3A_749 : vector<16xf32>
      %mul3A_751 = arith.constant 20 : i32
      %mul3A_752 = arith.muli %scan3A_376, %mul3A_751 : i32
      %add3A_753 = arith.constant 4 : i32
      %add3A_754 = arith.addi %mul3A_752, %add3A_753 : i32
      %get3A_755 = arith.index_cast %add3A_754 : i32 to index
      %get3A_756 = arith.constant 32 : index
      %get3A_757 = tpu.vector_load %arg9[%get3A_755, %get3A_756] {strides = array<i32>} : memref<640x64xf32, #tpu.memory_space<vmem>>, vector<16xf32>,
      %add3A_758 = arith.addf %add3A_750, %get3A_757 : vector<16xf32>
      %mul3A_759 = arith.constant 20 : i32
      %mul3A_760 = arith.muli %scan3A_376, %mul3A_759 : i32
      %add3A_761 = arith.constant 5 : i32
      %add3A_762 = arith.addi %mul3A_760, %add3A_761 : i32
      %get3A_763 = arith.index_cast %add3A_762 : i32 to index
      %get3A_764 = arith.constant 32 : index
      %get3A_765 = tpu.vector_load %arg9[%get3A_763, %get3A_764] {strides = array<i32>} : memref<640x64xf32, #tpu.memory_space<vmem>>, vector<16xf32>,
      %add3A_766 = arith.addf %add3A_758, %get3A_765 : vector<16xf32>
      %mul3A_767 = arith.constant 20 : i32
      %mul3A_768 = arith.muli %scan3A_376, %mul3A_767 : i32
      %add3A_769 = arith.constant 6 : i32
      %add3A_770 = arith.addi %mul3A_768, %add3A_769 : i32
      %get3A_771 = arith.index_cast %add3A_770 : i32 to index
      %get3A_772 = arith.constant 32 : index
      %get3A_773 = tpu.vector_load %arg9[%get3A_771, %get3A_772] {strides = array<i32>} : memref<640x64xf32, #tpu.memory_space<vmem>>, vector<16xf32>,
      %add3A_774 = arith.addf %add3A_766, %get3A_773 : vector<16xf32>
      %mul3A_775 = arith.constant 20 : i32
      %mul3A_776 = arith.muli %scan3A_376, %mul3A_775 : i32
      %add3A_777 = arith.constant 7 : i32
      %add3A_778 = arith.addi %mul3A_776, %add3A_777 : i32
      %get3A_779 = arith.index_cast %add3A_778 : i32 to index
      %get3A_780 = arith.constant 32 : index
      %get3A_781 = tpu.vector_load %arg9[%get3A_779, %get3A_780] {strides = array<i32>} : memref<640x64xf32, #tpu.memory_space<vmem>>, vector<16xf32>,
      %add3A_782 = arith.addf %add3A_774, %get3A_781 : vector<16xf32>
      %mul3A_783 = arith.constant 20 : i32
      %mul3A_784 = arith.muli %scan3A_376, %mul3A_783 : i32
      %add3A_785 = arith.constant 8 : i32
      %add3A_786 = arith.addi %mul3A_784, %add3A_785 : i32
      %get3A_787 = arith.index_cast %add3A_786 : i32 to index
      %get3A_788 = arith.constant 32 : index
      %get3A_789 = tpu.vector_load %arg9[%get3A_787, %get3A_788] {strides = array<i32>} : memref<640x64xf32, #tpu.memory_space<vmem>>, vector<16xf32>,
      %add3A_790 = arith.addf %add3A_782, %get3A_789 : vector<16xf32>
      %mul3A_791 = arith.constant 20 : i32
      %mul3A_792 = arith.muli %scan3A_376, %mul3A_791 : i32
      %add3A_793 = arith.constant 9 : i32
      %add3A_794 = arith.addi %mul3A_792, %add3A_793 : i32
      %get3A_795 = arith.index_cast %add3A_794 : i32 to index
      %get3A_796 = arith.constant 32 : index
      %get3A_797 = tpu.vector_load %arg9[%get3A_795, %get3A_796] {strides = array<i32>} : memref<640x64xf32, #tpu.memory_space<vmem>>, vector<16xf32>,
      %add3A_798 = arith.addf %add3A_790, %get3A_797 : vector<16xf32>
      %mul3A_799 = arith.constant 20 : i32
      %mul3A_800 = arith.muli %scan3A_376, %mul3A_799 : i32
      %add3A_801 = arith.constant 10 : i32
      %add3A_802 = arith.addi %mul3A_800, %add3A_801 : i32
      %get3A_803 = arith.index_cast %add3A_802 : i32 to index
      %get3A_804 = arith.constant 32 : index
      %get3A_805 = tpu.vector_load %arg9[%get3A_803, %get3A_804] {strides = array<i32>} : memref<640x64xf32, #tpu.memory_space<vmem>>, vector<16xf32>,
      %add3A_806 = arith.addf %add3A_798, %get3A_805 : vector<16xf32>
      %mul3A_807 = arith.constant 20 : i32
      %mul3A_808 = arith.muli %scan3A_376, %mul3A_807 : i32
      %add3A_809 = arith.constant 11 : i32
      %add3A_810 = arith.addi %mul3A_808, %add3A_809 : i32
      %get3A_811 = arith.index_cast %add3A_810 : i32 to index
      %get3A_812 = arith.constant 32 : index
      %get3A_813 = tpu.vector_load %arg9[%get3A_811, %get3A_812] {strides = array<i32>} : memref<640x64xf32, #tpu.memory_space<vmem>>, vector<16xf32>,
      %add3A_814 = arith.addf %add3A_806, %get3A_813 : vector<16xf32>
      %mul3A_815 = arith.constant 20 : i32
      %mul3A_816 = arith.muli %scan3A_376, %mul3A_815 : i32
      %add3A_817 = arith.constant 12 : i32
      %add3A_818 = arith.addi %mul3A_816, %add3A_817 : i32
      %get3A_819 = arith.index_cast %add3A_818 : i32 to index
      %get3A_820 = arith.constant 32 : index
      %get3A_821 = tpu.vector_load %arg9[%get3A_819, %get3A_820] {strides = array<i32>} : memref<640x64xf32, #tpu.memory_space<vmem>>, vector<16xf32>,
      %add3A_822 = arith.addf %add3A_814, %get3A_821 : vector<16xf32>
      %mul3A_823 = arith.constant 20 : i32
      %mul3A_824 = arith.muli %scan3A_376, %mul3A_823 : i32
      %add3A_825 = arith.constant 13 : i32
      %add3A_826 = arith.addi %mul3A_824, %add3A_825 : i32
      %get3A_827 = arith.index_cast %add3A_826 : i32 to index
      %get3A_828 = arith.constant 32 : index
      %get3A_829 = tpu.vector_load %arg9[%get3A_827, %get3A_828] {strides = array<i32>} : memref<640x64xf32, #tpu.memory_space<vmem>>, vector<16xf32>,
      %add3A_830 = arith.addf %add3A_822, %get3A_829 : vector<16xf32>
      %mul3A_831 = arith.constant 20 : i32
      %mul3A_832 = arith.muli %scan3A_376, %mul3A_831 : i32
      %add3A_833 = arith.constant 14 : i32
      %add3A_834 = arith.addi %mul3A_832, %add3A_833 : i32
      %get3A_835 = arith.index_cast %add3A_834 : i32 to index
      %get3A_836 = arith.constant 32 : index
      %get3A_837 = tpu.vector_load %arg9[%get3A_835, %get3A_836] {strides = array<i32>} : memref<640x64xf32, #tpu.memory_space<vmem>>, vector<16xf32>,
      %add3A_838 = arith.addf %add3A_830, %get3A_837 : vector<16xf32>
      %mul3A_839 = arith.constant 20 : i32
      %mul3A_840 = arith.muli %scan3A_376, %mul3A_839 : i32
      %add3A_841 = arith.constant 15 : i32
      %add3A_842 = arith.addi %mul3A_840, %add3A_841 : i32
      %get3A_843 = arith.index_cast %add3A_842 : i32 to index
      %get3A_844 = arith.constant 32 : index
      %get3A_845 = tpu.vector_load %arg9[%get3A_843, %get3A_844] {strides = array<i32>} : memref<640x64xf32, #tpu.memory_space<vmem>>, vector<16xf32>,
      %add3A_846 = arith.addf %add3A_838, %get3A_845 : vector<16xf32>
      %mul3A_847 = arith.constant 20 : i32
      %mul3A_848 = arith.muli %scan3A_376, %mul3A_847 : i32
      %add3A_849 = arith.constant 16 : i32
      %add3A_850 = arith.addi %mul3A_848, %add3A_849 : i32
      %get3A_851 = arith.index_cast %add3A_850 : i32 to index
      %get3A_852 = arith.constant 32 : index
      %get3A_853 = tpu.vector_load %arg9[%get3A_851, %get3A_852] {strides = array<i32>} : memref<640x64xf32, #tpu.memory_space<vmem>>, vector<16xf32>,
      %add3A_854 = arith.addf %add3A_846, %get3A_853 : vector<16xf32>
      %mul3A_855 = arith.constant 20 : i32
      %mul3A_856 = arith.muli %scan3A_376, %mul3A_855 : i32
      %add3A_857 = arith.constant 17 : i32
      %add3A_858 = arith.addi %mul3A_856, %add3A_857 : i32
      %get3A_859 = arith.index_cast %add3A_858 : i32 to index
      %get3A_860 = arith.constant 32 : index
      %get3A_861 = tpu.vector_load %arg9[%get3A_859, %get3A_860] {strides = array<i32>} : memref<640x64xf32, #tpu.memory_space<vmem>>, vector<16xf32>,
      %add3A_862 = arith.addf %add3A_854, %get3A_861 : vector<16xf32>
      %mul3A_863 = arith.constant 20 : i32
      %mul3A_864 = arith.muli %scan3A_376, %mul3A_863 : i32
      %add3A_865 = arith.constant 18 : i32
      %add3A_866 = arith.addi %mul3A_864, %add3A_865 : i32
      %get3A_867 = arith.index_cast %add3A_866 : i32 to index
      %get3A_868 = arith.constant 32 : index
      %get3A_869 = tpu.vector_load %arg9[%get3A_867, %get3A_868] {strides = array<i32>} : memref<640x64xf32, #tpu.memory_space<vmem>>, vector<16xf32>,
      %add3A_870 = arith.addf %add3A_862, %get3A_869 : vector<16xf32>
      %mul3A_871 = arith.constant 20 : i32
      %mul3A_872 = arith.muli %scan3A_376, %mul3A_871 : i32
      %add3A_873 = arith.constant 19 : i32
      %add3A_874 = arith.addi %mul3A_872, %add3A_873 : i32
      %get3A_875 = arith.index_cast %add3A_874 : i32 to index
      %get3A_876 = arith.constant 32 : index
      %get3A_877 = tpu.vector_load %arg9[%get3A_875, %get3A_876] {strides = array<i32>} : memref<640x64xf32, #tpu.memory_space<vmem>>, vector<16xf32>,
      %add3A_878 = arith.addf %add3A_870, %get3A_877 : vector<16xf32>
      %mul3A_879 = arith.constant 0.0476190485 : f32
      %mul3A_880 = vector.broadcast %mul3A_879 : f32 to vector<16xf32>
      %mul3A_881 = arith.mulf %add3A_878, %mul3A_880 : vector<16xf32>
      %swap3A_882 = arith.index_cast %add3A_379 : i32 to index
      %swap3A_883 = arith.constant 32 : index
      %swap3A_884 = tpu.vector_load %arg13[%swap3A_882, %swap3A_883] {strides = array<i32>} : memref<128x64xf32, #tpu.memory_space<vmem>>, vector<16xf32>,
      tpu.vector_store %arg13[%swap3A_882, %swap3A_883], %mul3A_881 {strides = array<i32>} : memref<128x64xf32, #tpu.memory_space<vmem>>, vector<16xf32>,
      %get3A_885 = arith.index_cast %add3A_379 : i32 to index
      %get3A_886 = arith.constant 48 : index
      %get3A_887 = tpu.vector_load %arg12[%get3A_885, %get3A_886] {strides = array<i32>} : memref<128x64xf32, #tpu.memory_space<vmem>>, vector<16xf32>,
      %mul3A_888 = arith.constant 20 : i32
      %mul3A_889 = arith.muli %scan3A_376, %mul3A_888 : i32
      %add3A_890 = arith.constant 0 : i32
      %add3A_891 = arith.addi %mul3A_889, %add3A_890 : i32
      %get3A_892 = arith.index_cast %add3A_891 : i32 to index
      %get3A_893 = arith.constant 48 : index
      %get3A_894 = tpu.vector_load %arg9[%get3A_892, %get3A_893] {strides = array<i32>} : memref<640x64xf32, #tpu.memory_space<vmem>>, vector<16xf32>,
      %add3A_895 = arith.addf %get3A_887, %get3A_894 : vector<16xf32>
      %mul3A_896 = arith.constant 20 : i32
      %mul3A_897 = arith.muli %scan3A_376, %mul3A_896 : i32
      %add3A_898 = arith.constant 1 : i32
      %add3A_899 = arith.addi %mul3A_897, %add3A_898 : i32
      %get3A_900 = arith.index_cast %add3A_899 : i32 to index
      %get3A_901 = arith.constant 48 : index
      %get3A_902 = tpu.vector_load %arg9[%get3A_900, %get3A_901] {strides = array<i32>} : memref<640x64xf32, #tpu.memory_space<vmem>>, vector<16xf32>,
      %add3A_903 = arith.addf %add3A_895, %get3A_902 : vector<16xf32>
      %mul3A_904 = arith.constant 20 : i32
      %mul3A_905 = arith.muli %scan3A_376, %mul3A_904 : i32
      %add3A_906 = arith.constant 2 : i32
      %add3A_907 = arith.addi %mul3A_905, %add3A_906 : i32
      %get3A_908 = arith.index_cast %add3A_907 : i32 to index
      %get3A_909 = arith.constant 48 : index
      %get3A_910 = tpu.vector_load %arg9[%get3A_908, %get3A_909] {strides = array<i32>} : memref<640x64xf32, #tpu.memory_space<vmem>>, vector<16xf32>,
      %add3A_911 = arith.addf %add3A_903, %get3A_910 : vector<16xf32>
      %mul3A_912 = arith.constant 20 : i32
      %mul3A_913 = arith.muli %scan3A_376, %mul3A_912 : i32
      %add3A_914 = arith.constant 3 : i32
      %add3A_915 = arith.addi %mul3A_913, %add3A_914 : i32
      %get3A_916 = arith.index_cast %add3A_915 : i32 to index
      %get3A_917 = arith.constant 48 : index
      %get3A_918 = tpu.vector_load %arg9[%get3A_916, %get3A_917] {strides = array<i32>} : memref<640x64xf32, #tpu.memory_space<vmem>>, vector<16xf32>,
      %add3A_919 = arith.addf %add3A_911, %get3A_918 : vector<16xf32>
      %mul3A_920 = arith.constant 20 : i32
      %mul3A_921 = arith.muli %scan3A_376, %mul3A_920 : i32
      %add3A_922 = arith.constant 4 : i32
      %add3A_923 = arith.addi %mul3A_921, %add3A_922 : i32
      %get3A_924 = arith.index_cast %add3A_923 : i32 to index
      %get3A_925 = arith.constant 48 : index
      %get3A_926 = tpu.vector_load %arg9[%get3A_924, %get3A_925] {strides = array<i32>} : memref<640x64xf32, #tpu.memory_space<vmem>>, vector<16xf32>,
      %add3A_927 = arith.addf %add3A_919, %get3A_926 : vector<16xf32>
      %mul3A_928 = arith.constant 20 : i32
      %mul3A_929 = arith.muli %scan3A_376, %mul3A_928 : i32
      %add3A_930 = arith.constant 5 : i32
      %add3A_931 = arith.addi %mul3A_929, %add3A_930 : i32
      %get3A_932 = arith.index_cast %add3A_931 : i32 to index
      %get3A_933 = arith.constant 48 : index
      %get3A_934 = tpu.vector_load %arg9[%get3A_932, %get3A_933] {strides = array<i32>} : memref<640x64xf32, #tpu.memory_space<vmem>>, vector<16xf32>,
      %add3A_935 = arith.addf %add3A_927, %get3A_934 : vector<16xf32>
      %mul3A_936 = arith.constant 20 : i32
      %mul3A_937 = arith.muli %scan3A_376, %mul3A_936 : i32
      %add3A_938 = arith.constant 6 : i32
      %add3A_939 = arith.addi %mul3A_937, %add3A_938 : i32
      %get3A_940 = arith.index_cast %add3A_939 : i32 to index
      %get3A_941 = arith.constant 48 : index
      %get3A_942 = tpu.vector_load %arg9[%get3A_940, %get3A_941] {strides = array<i32>} : memref<640x64xf32, #tpu.memory_space<vmem>>, vector<16xf32>,
      %add3A_943 = arith.addf %add3A_935, %get3A_942 : vector<16xf32>
      %mul3A_944 = arith.constant 20 : i32
      %mul3A_945 = arith.muli %scan3A_376, %mul3A_944 : i32
      %add3A_946 = arith.constant 7 : i32
      %add3A_947 = arith.addi %mul3A_945, %add3A_946 : i32
      %get3A_948 = arith.index_cast %add3A_947 : i32 to index
      %get3A_949 = arith.constant 48 : index
      %get3A_950 = tpu.vector_load %arg9[%get3A_948, %get3A_949] {strides = array<i32>} : memref<640x64xf32, #tpu.memory_space<vmem>>, vector<16xf32>,
      %add3A_951 = arith.addf %add3A_943, %get3A_950 : vector<16xf32>
      %mul3A_952 = arith.constant 20 : i32
      %mul3A_953 = arith.muli %scan3A_376, %mul3A_952 : i32
      %add3A_954 = arith.constant 8 : i32
      %add3A_955 = arith.addi %mul3A_953, %add3A_954 : i32
      %get3A_956 = arith.index_cast %add3A_955 : i32 to index
      %get3A_957 = arith.constant 48 : index
      %get3A_958 = tpu.vector_load %arg9[%get3A_956, %get3A_957] {strides = array<i32>} : memref<640x64xf32, #tpu.memory_space<vmem>>, vector<16xf32>,
      %add3A_959 = arith.addf %add3A_951, %get3A_958 : vector<16xf32>
      %mul3A_960 = arith.constant 20 : i32
      %mul3A_961 = arith.muli %scan3A_376, %mul3A_960 : i32
      %add3A_962 = arith.constant 9 : i32
      %add3A_963 = arith.addi %mul3A_961, %add3A_962 : i32
      %get3A_964 = arith.index_cast %add3A_963 : i32 to index
      %get3A_965 = arith.constant 48 : index
      %get3A_966 = tpu.vector_load %arg9[%get3A_964, %get3A_965] {strides = array<i32>} : memref<640x64xf32, #tpu.memory_space<vmem>>, vector<16xf32>,
      %add3A_967 = arith.addf %add3A_959, %get3A_966 : vector<16xf32>
      %mul3A_968 = arith.constant 20 : i32
      %mul3A_969 = arith.muli %scan3A_376, %mul3A_968 : i32
      %add3A_970 = arith.constant 10 : i32
      %add3A_971 = arith.addi %mul3A_969, %add3A_970 : i32
      %get3A_972 = arith.index_cast %add3A_971 : i32 to index
      %get3A_973 = arith.constant 48 : index
      %get3A_974 = tpu.vector_load %arg9[%get3A_972, %get3A_973] {strides = array<i32>} : memref<640x64xf32, #tpu.memory_space<vmem>>, vector<16xf32>,
      %add3A_975 = arith.addf %add3A_967, %get3A_974 : vector<16xf32>
      %mul3A_976 = arith.constant 20 : i32
      %mul3A_977 = arith.muli %scan3A_376, %mul3A_976 : i32
      %add3A_978 = arith.constant 11 : i32
      %add3A_979 = arith.addi %mul3A_977, %add3A_978 : i32
      %get3A_980 = arith.index_cast %add3A_979 : i32 to index
      %get3A_981 = arith.constant 48 : index
      %get3A_982 = tpu.vector_load %arg9[%get3A_980, %get3A_981] {strides = array<i32>} : memref<640x64xf32, #tpu.memory_space<vmem>>, vector<16xf32>,
      %add3A_983 = arith.addf %add3A_975, %get3A_982 : vector<16xf32>
      %mul3A_984 = arith.constant 20 : i32
      %mul3A_985 = arith.muli %scan3A_376, %mul3A_984 : i32
      %add3A_986 = arith.constant 12 : i32
      %add3A_987 = arith.addi %mul3A_985, %add3A_986 : i32
      %get3A_988 = arith.index_cast %add3A_987 : i32 to index
      %get3A_989 = arith.constant 48 : index
      %get3A_990 = tpu.vector_load %arg9[%get3A_988, %get3A_989] {strides = array<i32>} : memref<640x64xf32, #tpu.memory_space<vmem>>, vector<16xf32>,
      %add3A_991 = arith.addf %add3A_983, %get3A_990 : vector<16xf32>
      %mul3A_992 = arith.constant 20 : i32
      %mul3A_993 = arith.muli %scan3A_376, %mul3A_992 : i32
      %add3A_994 = arith.constant 13 : i32
      %add3A_995 = arith.addi %mul3A_993, %add3A_994 : i32
      %get3A_996 = arith.index_cast %add3A_995 : i32 to index
      %get3A_997 = arith.constant 48 : index
      %get3A_998 = tpu.vector_load %arg9[%get3A_996, %get3A_997] {strides = array<i32>} : memref<640x64xf32, #tpu.memory_space<vmem>>, vector<16xf32>,
      %add3A_999 = arith.addf %add3A_991, %get3A_998 : vector<16xf32>
      %mul3A_1000 = arith.constant 20 : i32
      %mul3A_1001 = arith.muli %scan3A_376, %mul3A_1000 : i32
      %add3A_1002 = arith.constant 14 : i32
      %add3A_1003 = arith.addi %mul3A_1001, %add3A_1002 : i32
      %get3A_1004 = arith.index_cast %add3A_1003 : i32 to index
      %get3A_1005 = arith.constant 48 : index
      %get3A_1006 = tpu.vector_load %arg9[%get3A_1004, %get3A_1005] {strides = array<i32>} : memref<640x64xf32, #tpu.memory_space<vmem>>, vector<16xf32>,
      %add3A_1007 = arith.addf %add3A_999, %get3A_1006 : vector<16xf32>
      %mul3A_1008 = arith.constant 20 : i32
      %mul3A_1009 = arith.muli %scan3A_376, %mul3A_1008 : i32
      %add3A_1010 = arith.constant 15 : i32
      %add3A_1011 = arith.addi %mul3A_1009, %add3A_1010 : i32
      %get3A_1012 = arith.index_cast %add3A_1011 : i32 to index
      %get3A_1013 = arith.constant 48 : index
      %get3A_1014 = tpu.vector_load %arg9[%get3A_1012, %get3A_1013] {strides = array<i32>} : memref<640x64xf32, #tpu.memory_space<vmem>>, vector<16xf32>,
      %add3A_1015 = arith.addf %add3A_1007, %get3A_1014 : vector<16xf32>
      %mul3A_1016 = arith.constant 20 : i32
      %mul3A_1017 = arith.muli %scan3A_376, %mul3A_1016 : i32
      %add3A_1018 = arith.constant 16 : i32
      %add3A_1019 = arith.addi %mul3A_1017, %add3A_1018 : i32
      %get3A_1020 = arith.index_cast %add3A_1019 : i32 to index
      %get3A_1021 = arith.constant 48 : index
      %get3A_1022 = tpu.vector_load %arg9[%get3A_1020, %get3A_1021] {strides = array<i32>} : memref<640x64xf32, #tpu.memory_space<vmem>>, vector<16xf32>,
      %add3A_1023 = arith.addf %add3A_1015, %get3A_1022 : vector<16xf32>
      %mul3A_1024 = arith.constant 20 : i32
      %mul3A_1025 = arith.muli %scan3A_376, %mul3A_1024 : i32
      %add3A_1026 = arith.constant 17 : i32
      %add3A_1027 = arith.addi %mul3A_1025, %add3A_1026 : i32
      %get3A_1028 = arith.index_cast %add3A_1027 : i32 to index
      %get3A_1029 = arith.constant 48 : index
      %get3A_1030 = tpu.vector_load %arg9[%get3A_1028, %get3A_1029] {strides = array<i32>} : memref<640x64xf32, #tpu.memory_space<vmem>>, vector<16xf32>,
      %add3A_1031 = arith.addf %add3A_1023, %get3A_1030 : vector<16xf32>
      %mul3A_1032 = arith.constant 20 : i32
      %mul3A_1033 = arith.muli %scan3A_376, %mul3A_1032 : i32
      %add3A_1034 = arith.constant 18 : i32
      %add3A_1035 = arith.addi %mul3A_1033, %add3A_1034 : i32
      %get3A_1036 = arith.index_cast %add3A_1035 : i32 to index
      %get3A_1037 = arith.constant 48 : index
      %get3A_1038 = tpu.vector_load %arg9[%get3A_1036, %get3A_1037] {strides = array<i32>} : memref<640x64xf32, #tpu.memory_space<vmem>>, vector<16xf32>,
      %add3A_1039 = arith.addf %add3A_1031, %get3A_1038 : vector<16xf32>
      %mul3A_1040 = arith.constant 20 : i32
      %mul3A_1041 = arith.muli %scan3A_376, %mul3A_1040 : i32
      %add3A_1042 = arith.constant 19 : i32
      %add3A_1043 = arith.addi %mul3A_1041, %add3A_1042 : i32
      %get3A_1044 = arith.index_cast %add3A_1043 : i32 to index
      %get3A_1045 = arith.constant 48 : index
      %get3A_1046 = tpu.vector_load %arg9[%get3A_1044, %get3A_1045] {strides = array<i32>} : memref<640x64xf32, #tpu.memory_space<vmem>>, vector<16xf32>,
      %add3A_1047 = arith.addf %add3A_1039, %get3A_1046 : vector<16xf32>
      %mul3A_1048 = arith.constant 0.0476190485 : f32
      %mul3A_1049 = vector.broadcast %mul3A_1048 : f32 to vector<16xf32>
      %mul3A_1050 = arith.mulf %add3A_1047, %mul3A_1049 : vector<16xf32>
      %swap3A_1051 = arith.index_cast %add3A_379 : i32 to index
      %swap3A_1052 = arith.constant 48 : index
      %swap3A_1053 = tpu.vector_load %arg13[%swap3A_1051, %swap3A_1052] {strides = array<i32>} : memref<128x64xf32, #tpu.memory_space<vmem>>, vector<16xf32>,
      tpu.vector_store %arg13[%swap3A_1051, %swap3A_1052], %mul3A_1050 {strides = array<i32>} : memref<128x64xf32, #tpu.memory_space<vmem>>, vector<16xf32>,
      %scan3A_1054 = arith.constant 0 : i32
      scf.yield %scan3A_1054 : i32
    }
    %scan3A_328 = arith.constant 32 : i32
    %dma_wait3A_329 = arith.constant 0 : i32
    %dma_wait3A_330 = arith.constant 0 : i32
    %dma_wait3A_331 = tpu.memref_slice %arg10[%dma_wait3A_329, %dma_wait3A_330] : memref<640x64xf32, #tpu.memory_space<vmem>> -> memref<128x64xf32, #tpu.memory_space<vmem>>
    %dma_wait3A_332 = arith.constant 1920 : i32
    %dma_wait3A_333 = tpu.memref_slice %arg16[%dma_wait3A_332] : memref<2560xi32, #tpu.memory_space<vmem>> -> memref<128xi32, #tpu.memory_space<vmem>>
    %dma_wait3A_334 = arith.constant 0 : i32
    %dma_wait3A_335 = arith.constant 0 : i32
    %dma_wait3A_336 = tpu.memref_slice %arg5[%dma_wait3A_334, %dma_wait3A_335] : memref<1000000x64xf32, #tpu.memory_space<hbm>> -> memref<1000000x64xf32, #tpu.memory_space<hbm>>
    tpu.wait_indirect_dma semaphore(%arg18 : memref<!tpu.dma_semaphore, #tpu.memory_space<semaphore_mem>>) src(%dma_wait3A_336 : memref<1000000x64xf32, #tpu.memory_space<hbm>>) dst(%dma_wait3A_331 : memref<128x64xf32, #tpu.memory_space<vmem>>)
    %dma_wait3A_337 = arith.constant 128 : i32
    %dma_wait3A_338 = arith.constant 0 : i32
    %dma_wait3A_339 = tpu.memref_slice %arg10[%dma_wait3A_337, %dma_wait3A_338] : memref<640x64xf32, #tpu.memory_space<vmem>> -> memref<128x64xf32, #tpu.memory_space<vmem>>
    %dma_wait3A_340 = arith.constant 2048 : i32
    %dma_wait3A_341 = tpu.memref_slice %arg16[%dma_wait3A_340] : memref<2560xi32, #tpu.memory_space<vmem>> -> memref<128xi32, #tpu.memory_space<vmem>>
    %dma_wait3A_342 = arith.constant 0 : i32
    %dma_wait3A_343 = arith.constant 0 : i32
    %dma_wait3A_344 = tpu.memref_slice %arg5[%dma_wait3A_342, %dma_wait3A_343] : memref<1000000x64xf32, #tpu.memory_space<hbm>> -> memref<1000000x64xf32, #tpu.memory_space<hbm>>
    tpu.wait_indirect_dma semaphore(%arg18 : memref<!tpu.dma_semaphore, #tpu.memory_space<semaphore_mem>>) src(%dma_wait3A_344 : memref<1000000x64xf32, #tpu.memory_space<hbm>>) dst(%dma_wait3A_339 : memref<128x64xf32, #tpu.memory_space<vmem>>)
    %dma_wait3A_345 = arith.constant 256 : i32
    %dma_wait3A_346 = arith.constant 0 : i32
    %dma_wait3A_347 = tpu.memref_slice %arg10[%dma_wait3A_345, %dma_wait3A_346] : memref<640x64xf32, #tpu.memory_space<vmem>> -> memref<128x64xf32, #tpu.memory_space<vmem>>
    %dma_wait3A_348 = arith.constant 2176 : i32
    %dma_wait3A_349 = tpu.memref_slice %arg16[%dma_wait3A_348] : memref<2560xi32, #tpu.memory_space<vmem>> -> memref<128xi32, #tpu.memory_space<vmem>>
    %dma_wait3A_350 = arith.constant 0 : i32
    %dma_wait3A_351 = arith.constant 0 : i32
    %dma_wait3A_352 = tpu.memref_slice %arg5[%dma_wait3A_350, %dma_wait3A_351] : memref<1000000x64xf32, #tpu.memory_space<hbm>> -> memref<1000000x64xf32, #tpu.memory_space<hbm>>
    tpu.wait_indirect_dma semaphore(%arg18 : memref<!tpu.dma_semaphore, #tpu.memory_space<semaphore_mem>>) src(%dma_wait3A_352 : memref<1000000x64xf32, #tpu.memory_space<hbm>>) dst(%dma_wait3A_347 : memref<128x64xf32, #tpu.memory_space<vmem>>)
    %dma_wait3A_353 = arith.constant 384 : i32
    %dma_wait3A_354 = arith.constant 0 : i32
    %dma_wait3A_355 = tpu.memref_slice %arg10[%dma_wait3A_353, %dma_wait3A_354] : memref<640x64xf32, #tpu.memory_space<vmem>> -> memref<128x64xf32, #tpu.memory_space<vmem>>
    %dma_wait3A_356 = arith.constant 2304 : i32
    %dma_wait3A_357 = tpu.memref_slice %arg16[%dma_wait3A_356] : memref<2560xi32, #tpu.memory_space<vmem>> -> memref<128xi32, #tpu.memory_space<vmem>>
    %dma_wait3A_358 = arith.constant 0 : i32
    %dma_wait3A_359 = arith.constant 0 : i32
    %dma_wait3A_360 = tpu.memref_slice %arg5[%dma_wait3A_358, %dma_wait3A_359] : memref<1000000x64xf32, #tpu.memory_space<hbm>> -> memref<1000000x64xf32, #tpu.memory_space<hbm>>
    tpu.wait_indirect_dma semaphore(%arg18 : memref<!tpu.dma_semaphore, #tpu.memory_space<semaphore_mem>>) src(%dma_wait3A_360 : memref<1000000x64xf32, #tpu.memory_space<hbm>>) dst(%dma_wait3A_355 : memref<128x64xf32, #tpu.memory_space<vmem>>)
    %dma_wait3A_361 = arith.constant 512 : i32
    %dma_wait3A_362 = arith.constant 0 : i32
    %dma_wait3A_363 = tpu.memref_slice %arg10[%dma_wait3A_361, %dma_wait3A_362] : memref<640x64xf32, #tpu.memory_space<vmem>> -> memref<128x64xf32, #tpu.memory_space<vmem>>
    %dma_wait3A_364 = arith.constant 2432 : i32
    %dma_wait3A_365 = tpu.memref_slice %arg16[%dma_wait3A_364] : memref<2560xi32, #tpu.memory_space<vmem>> -> memref<128xi32, #tpu.memory_space<vmem>>
    %dma_wait3A_366 = arith.constant 0 : i32
    %dma_wait3A_367 = arith.constant 0 : i32
    %dma_wait3A_368 = tpu.memref_slice %arg5[%dma_wait3A_366, %dma_wait3A_367] : memref<1000000x64xf32, #tpu.memory_space<hbm>> -> memref<1000000x64xf32, #tpu.memory_space<hbm>>
    tpu.wait_indirect_dma semaphore(%arg18 : memref<!tpu.dma_semaphore, #tpu.memory_space<semaphore_mem>>) src(%dma_wait3A_368 : memref<1000000x64xf32, #tpu.memory_space<hbm>>) dst(%dma_wait3A_363 : memref<128x64xf32, #tpu.memory_space<vmem>>)
    %scan3A_369 = arith.constant 0 : i32
    %scan3A_370 = arith.constant 0 : i32
    %scan3A_371 = arith.constant 32 : i32
    %scan3A_372 = arith.addi %scan3A_370, %scan3A_371 : i32
    %scan3A_373 = arith.constant 1 : i32
    %scan3A_374 = scf.for %scan3A_376 = %scan3A_370 to %scan3A_372 step %scan3A_373 iter_args(%scan3A_377 = %scan3A_369) -> (i32)  : i32 {
      %add3A_378 = arith.constant 96 : i32
      %add3A_379 = arith.addi %add3A_378, %scan3A_376 : i32
      %get3A = arith.index_cast %add3A_379 : i32 to index
      %get3A_380 = arith.constant 0 : index
      %get3A_381 = tpu.vector_load %arg12[%get3A, %get3A_380] {strides = array<i32>} : memref<128x64xf32, #tpu.memory_space<vmem>>, vector<16xf32>,
      %mul3A_382 = arith.constant 20 : i32
      %mul3A_383 = arith.muli %scan3A_376, %mul3A_382 : i32
      %add3A_384 = arith.constant 0 : i32
      %add3A_385 = arith.addi %mul3A_383, %add3A_384 : i32
      %get3A_386 = arith.index_cast %add3A_385 : i32 to index
      %get3A_387 = arith.constant 0 : index
      %get3A_388 = tpu.vector_load %arg10[%get3A_386, %get3A_387] {strides = array<i32>} : memref<640x64xf32, #tpu.memory_space<vmem>>, vector<16xf32>,
      %add3A_389 = arith.addf %get3A_381, %get3A_388 : vector<16xf32>
      %mul3A_390 = arith.constant 20 : i32
      %mul3A_391 = arith.muli %scan3A_376, %mul3A_390 : i32
      %add3A_392 = arith.constant 1 : i32
      %add3A_393 = arith.addi %mul3A_391, %add3A_392 : i32
      %get3A_394 = arith.index_cast %add3A_393 : i32 to index
      %get3A_395 = arith.constant 0 : index
      %get3A_396 = tpu.vector_load %arg10[%get3A_394, %get3A_395] {strides = array<i32>} : memref<640x64xf32, #tpu.memory_space<vmem>>, vector<16xf32>,
      %add3A_397 = arith.addf %add3A_389, %get3A_396 : vector<16xf32>
      %mul3A_398 = arith.constant 20 : i32
      %mul3A_399 = arith.muli %scan3A_376, %mul3A_398 : i32
      %add3A_400 = arith.constant 2 : i32
      %add3A_401 = arith.addi %mul3A_399, %add3A_400 : i32
      %get3A_402 = arith.index_cast %add3A_401 : i32 to index
      %get3A_403 = arith.constant 0 : index
      %get3A_404 = tpu.vector_load %arg10[%get3A_402, %get3A_403] {strides = array<i32>} : memref<640x64xf32, #tpu.memory_space<vmem>>, vector<16xf32>,
      %add3A_405 = arith.addf %add3A_397, %get3A_404 : vector<16xf32>
      %mul3A_406 = arith.constant 20 : i32
      %mul3A_407 = arith.muli %scan3A_376, %mul3A_406 : i32
      %add3A_408 = arith.constant 3 : i32
      %add3A_409 = arith.addi %mul3A_407, %add3A_408 : i32
      %get3A_410 = arith.index_cast %add3A_409 : i32 to index
      %get3A_411 = arith.constant 0 : index
      %get3A_412 = tpu.vector_load %arg10[%get3A_410, %get3A_411] {strides = array<i32>} : memref<640x64xf32, #tpu.memory_space<vmem>>, vector<16xf32>,
      %add3A_413 = arith.addf %add3A_405, %get3A_412 : vector<16xf32>
      %mul3A_414 = arith.constant 20 : i32
      %mul3A_415 = arith.muli %scan3A_376, %mul3A_414 : i32
      %add3A_416 = arith.constant 4 : i32
      %add3A_417 = arith.addi %mul3A_415, %add3A_416 : i32
      %get3A_418 = arith.index_cast %add3A_417 : i32 to index
      %get3A_419 = arith.constant 0 : index
      %get3A_420 = tpu.vector_load %arg10[%get3A_418, %get3A_419] {strides = array<i32>} : memref<640x64xf32, #tpu.memory_space<vmem>>, vector<16xf32>,
      %add3A_421 = arith.addf %add3A_413, %get3A_420 : vector<16xf32>
      %mul3A_422 = arith.constant 20 : i32
      %mul3A_423 = arith.muli %scan3A_376, %mul3A_422 : i32
      %add3A_424 = arith.constant 5 : i32
      %add3A_425 = arith.addi %mul3A_423, %add3A_424 : i32
      %get3A_426 = arith.index_cast %add3A_425 : i32 to index
      %get3A_427 = arith.constant 0 : index
      %get3A_428 = tpu.vector_load %arg10[%get3A_426, %get3A_427] {strides = array<i32>} : memref<640x64xf32, #tpu.memory_space<vmem>>, vector<16xf32>,
      %add3A_429 = arith.addf %add3A_421, %get3A_428 : vector<16xf32>
      %mul3A_430 = arith.constant 20 : i32
      %mul3A_431 = arith.muli %scan3A_376, %mul3A_430 : i32
      %add3A_432 = arith.constant 6 : i32
      %add3A_433 = arith.addi %mul3A_431, %add3A_432 : i32
      %get3A_434 = arith.index_cast %add3A_433 : i32 to index
      %get3A_435 = arith.constant 0 : index
      %get3A_436 = tpu.vector_load %arg10[%get3A_434, %get3A_435] {strides = array<i32>} : memref<640x64xf32, #tpu.memory_space<vmem>>, vector<16xf32>,
      %add3A_437 = arith.addf %add3A_429, %get3A_436 : vector<16xf32>
      %mul3A_438 = arith.constant 20 : i32
      %mul3A_439 = arith.muli %scan3A_376, %mul3A_438 : i32
      %add3A_440 = arith.constant 7 : i32
      %add3A_441 = arith.addi %mul3A_439, %add3A_440 : i32
      %get3A_442 = arith.index_cast %add3A_441 : i32 to index
      %get3A_443 = arith.constant 0 : index
      %get3A_444 = tpu.vector_load %arg10[%get3A_442, %get3A_443] {strides = array<i32>} : memref<640x64xf32, #tpu.memory_space<vmem>>, vector<16xf32>,
      %add3A_445 = arith.addf %add3A_437, %get3A_444 : vector<16xf32>
      %mul3A_446 = arith.constant 20 : i32
      %mul3A_447 = arith.muli %scan3A_376, %mul3A_446 : i32
      %add3A_448 = arith.constant 8 : i32
      %add3A_449 = arith.addi %mul3A_447, %add3A_448 : i32
      %get3A_450 = arith.index_cast %add3A_449 : i32 to index
      %get3A_451 = arith.constant 0 : index
      %get3A_452 = tpu.vector_load %arg10[%get3A_450, %get3A_451] {strides = array<i32>} : memref<640x64xf32, #tpu.memory_space<vmem>>, vector<16xf32>,
      %add3A_453 = arith.addf %add3A_445, %get3A_452 : vector<16xf32>
      %mul3A_454 = arith.constant 20 : i32
      %mul3A_455 = arith.muli %scan3A_376, %mul3A_454 : i32
      %add3A_456 = arith.constant 9 : i32
      %add3A_457 = arith.addi %mul3A_455, %add3A_456 : i32
      %get3A_458 = arith.index_cast %add3A_457 : i32 to index
      %get3A_459 = arith.constant 0 : index
      %get3A_460 = tpu.vector_load %arg10[%get3A_458, %get3A_459] {strides = array<i32>} : memref<640x64xf32, #tpu.memory_space<vmem>>, vector<16xf32>,
      %add3A_461 = arith.addf %add3A_453, %get3A_460 : vector<16xf32>
      %mul3A_462 = arith.constant 20 : i32
      %mul3A_463 = arith.muli %scan3A_376, %mul3A_462 : i32
      %add3A_464 = arith.constant 10 : i32
      %add3A_465 = arith.addi %mul3A_463, %add3A_464 : i32
      %get3A_466 = arith.index_cast %add3A_465 : i32 to index
      %get3A_467 = arith.constant 0 : index
      %get3A_468 = tpu.vector_load %arg10[%get3A_466, %get3A_467] {strides = array<i32>} : memref<640x64xf32, #tpu.memory_space<vmem>>, vector<16xf32>,
      %add3A_469 = arith.addf %add3A_461, %get3A_468 : vector<16xf32>
      %mul3A_470 = arith.constant 20 : i32
      %mul3A_471 = arith.muli %scan3A_376, %mul3A_470 : i32
      %add3A_472 = arith.constant 11 : i32
      %add3A_473 = arith.addi %mul3A_471, %add3A_472 : i32
      %get3A_474 = arith.index_cast %add3A_473 : i32 to index
      %get3A_475 = arith.constant 0 : index
      %get3A_476 = tpu.vector_load %arg10[%get3A_474, %get3A_475] {strides = array<i32>} : memref<640x64xf32, #tpu.memory_space<vmem>>, vector<16xf32>,
      %add3A_477 = arith.addf %add3A_469, %get3A_476 : vector<16xf32>
      %mul3A_478 = arith.constant 20 : i32
      %mul3A_479 = arith.muli %scan3A_376, %mul3A_478 : i32
      %add3A_480 = arith.constant 12 : i32
      %add3A_481 = arith.addi %mul3A_479, %add3A_480 : i32
      %get3A_482 = arith.index_cast %add3A_481 : i32 to index
      %get3A_483 = arith.constant 0 : index
      %get3A_484 = tpu.vector_load %arg10[%get3A_482, %get3A_483] {strides = array<i32>} : memref<640x64xf32, #tpu.memory_space<vmem>>, vector<16xf32>,
      %add3A_485 = arith.addf %add3A_477, %get3A_484 : vector<16xf32>
      %mul3A_486 = arith.constant 20 : i32
      %mul3A_487 = arith.muli %scan3A_376, %mul3A_486 : i32
      %add3A_488 = arith.constant 13 : i32
      %add3A_489 = arith.addi %mul3A_487, %add3A_488 : i32
      %get3A_490 = arith.index_cast %add3A_489 : i32 to index
      %get3A_491 = arith.constant 0 : index
      %get3A_492 = tpu.vector_load %arg10[%get3A_490, %get3A_491] {strides = array<i32>} : memref<640x64xf32, #tpu.memory_space<vmem>>, vector<16xf32>,
      %add3A_493 = arith.addf %add3A_485, %get3A_492 : vector<16xf32>
      %mul3A_494 = arith.constant 20 : i32
      %mul3A_495 = arith.muli %scan3A_376, %mul3A_494 : i32
      %add3A_496 = arith.constant 14 : i32
      %add3A_497 = arith.addi %mul3A_495, %add3A_496 : i32
      %get3A_498 = arith.index_cast %add3A_497 : i32 to index
      %get3A_499 = arith.constant 0 : index
      %get3A_500 = tpu.vector_load %arg10[%get3A_498, %get3A_499] {strides = array<i32>} : memref<640x64xf32, #tpu.memory_space<vmem>>, vector<16xf32>,
      %add3A_501 = arith.addf %add3A_493, %get3A_500 : vector<16xf32>
      %mul3A_502 = arith.constant 20 : i32
      %mul3A_503 = arith.muli %scan3A_376, %mul3A_502 : i32
      %add3A_504 = arith.constant 15 : i32
      %add3A_505 = arith.addi %mul3A_503, %add3A_504 : i32
      %get3A_506 = arith.index_cast %add3A_505 : i32 to index
      %get3A_507 = arith.constant 0 : index
      %get3A_508 = tpu.vector_load %arg10[%get3A_506, %get3A_507] {strides = array<i32>} : memref<640x64xf32, #tpu.memory_space<vmem>>, vector<16xf32>,
      %add3A_509 = arith.addf %add3A_501, %get3A_508 : vector<16xf32>
      %mul3A_510 = arith.constant 20 : i32
      %mul3A_511 = arith.muli %scan3A_376, %mul3A_510 : i32
      %add3A_512 = arith.constant 16 : i32
      %add3A_513 = arith.addi %mul3A_511, %add3A_512 : i32
      %get3A_514 = arith.index_cast %add3A_513 : i32 to index
      %get3A_515 = arith.constant 0 : index
      %get3A_516 = tpu.vector_load %arg10[%get3A_514, %get3A_515] {strides = array<i32>} : memref<640x64xf32, #tpu.memory_space<vmem>>, vector<16xf32>,
      %add3A_517 = arith.addf %add3A_509, %get3A_516 : vector<16xf32>
      %mul3A_518 = arith.constant 20 : i32
      %mul3A_519 = arith.muli %scan3A_376, %mul3A_518 : i32
      %add3A_520 = arith.constant 17 : i32
      %add3A_521 = arith.addi %mul3A_519, %add3A_520 : i32
      %get3A_522 = arith.index_cast %add3A_521 : i32 to index
      %get3A_523 = arith.constant 0 : index
      %get3A_524 = tpu.vector_load %arg10[%get3A_522, %get3A_523] {strides = array<i32>} : memref<640x64xf32, #tpu.memory_space<vmem>>, vector<16xf32>,
      %add3A_525 = arith.addf %add3A_517, %get3A_524 : vector<16xf32>
      %mul3A_526 = arith.constant 20 : i32
      %mul3A_527 = arith.muli %scan3A_376, %mul3A_526 : i32
      %add3A_528 = arith.constant 18 : i32
      %add3A_529 = arith.addi %mul3A_527, %add3A_528 : i32
      %get3A_530 = arith.index_cast %add3A_529 : i32 to index
      %get3A_531 = arith.constant 0 : index
      %get3A_532 = tpu.vector_load %arg10[%get3A_530, %get3A_531] {strides = array<i32>} : memref<640x64xf32, #tpu.memory_space<vmem>>, vector<16xf32>,
      %add3A_533 = arith.addf %add3A_525, %get3A_532 : vector<16xf32>
      %mul3A_534 = arith.constant 20 : i32
      %mul3A_535 = arith.muli %scan3A_376, %mul3A_534 : i32
      %add3A_536 = arith.constant 19 : i32
      %add3A_537 = arith.addi %mul3A_535, %add3A_536 : i32
      %get3A_538 = arith.index_cast %add3A_537 : i32 to index
      %get3A_539 = arith.constant 0 : index
      %get3A_540 = tpu.vector_load %arg10[%get3A_538, %get3A_539] {strides = array<i32>} : memref<640x64xf32, #tpu.memory_space<vmem>>, vector<16xf32>,
      %add3A_541 = arith.addf %add3A_533, %get3A_540 : vector<16xf32>
      %mul3A_542 = arith.constant 0.0476190485 : f32
      %mul3A_543 = vector.broadcast %mul3A_542 : f32 to vector<16xf32>
      %mul3A_544 = arith.mulf %add3A_541, %mul3A_543 : vector<16xf32>
      %swap3A = arith.index_cast %add3A_379 : i32 to index
      %swap3A_545 = arith.constant 0 : index
      %swap3A_546 = tpu.vector_load %arg13[%swap3A, %swap3A_545] {strides = array<i32>} : memref<128x64xf32, #tpu.memory_space<vmem>>, vector<16xf32>,
      tpu.vector_store %arg13[%swap3A, %swap3A_545], %mul3A_544 {strides = array<i32>} : memref<128x64xf32, #tpu.memory_space<vmem>>, vector<16xf32>,
      %get3A_547 = arith.index_cast %add3A_379 : i32 to index
      %get3A_548 = arith.constant 16 : index
      %get3A_549 = tpu.vector_load %arg12[%get3A_547, %get3A_548] {strides = array<i32>} : memref<128x64xf32, #tpu.memory_space<vmem>>, vector<16xf32>,
      %mul3A_550 = arith.constant 20 : i32
      %mul3A_551 = arith.muli %scan3A_376, %mul3A_550 : i32
      %add3A_552 = arith.constant 0 : i32
      %add3A_553 = arith.addi %mul3A_551, %add3A_552 : i32
      %get3A_554 = arith.index_cast %add3A_553 : i32 to index
      %get3A_555 = arith.constant 16 : index
      %get3A_556 = tpu.vector_load %arg10[%get3A_554, %get3A_555] {strides = array<i32>} : memref<640x64xf32, #tpu.memory_space<vmem>>, vector<16xf32>,
      %add3A_557 = arith.addf %get3A_549, %get3A_556 : vector<16xf32>
      %mul3A_558 = arith.constant 20 : i32
      %mul3A_559 = arith.muli %scan3A_376, %mul3A_558 : i32
      %add3A_560 = arith.constant 1 : i32
      %add3A_561 = arith.addi %mul3A_559, %add3A_560 : i32
      %get3A_562 = arith.index_cast %add3A_561 : i32 to index
      %get3A_563 = arith.constant 16 : index
      %get3A_564 = tpu.vector_load %arg10[%get3A_562, %get3A_563] {strides = array<i32>} : memref<640x64xf32, #tpu.memory_space<vmem>>, vector<16xf32>,
      %add3A_565 = arith.addf %add3A_557, %get3A_564 : vector<16xf32>
      %mul3A_566 = arith.constant 20 : i32
      %mul3A_567 = arith.muli %scan3A_376, %mul3A_566 : i32
      %add3A_568 = arith.constant 2 : i32
      %add3A_569 = arith.addi %mul3A_567, %add3A_568 : i32
      %get3A_570 = arith.index_cast %add3A_569 : i32 to index
      %get3A_571 = arith.constant 16 : index
      %get3A_572 = tpu.vector_load %arg10[%get3A_570, %get3A_571] {strides = array<i32>} : memref<640x64xf32, #tpu.memory_space<vmem>>, vector<16xf32>,
      %add3A_573 = arith.addf %add3A_565, %get3A_572 : vector<16xf32>
      %mul3A_574 = arith.constant 20 : i32
      %mul3A_575 = arith.muli %scan3A_376, %mul3A_574 : i32
      %add3A_576 = arith.constant 3 : i32
      %add3A_577 = arith.addi %mul3A_575, %add3A_576 : i32
      %get3A_578 = arith.index_cast %add3A_577 : i32 to index
      %get3A_579 = arith.constant 16 : index
      %get3A_580 = tpu.vector_load %arg10[%get3A_578, %get3A_579] {strides = array<i32>} : memref<640x64xf32, #tpu.memory_space<vmem>>, vector<16xf32>,
      %add3A_581 = arith.addf %add3A_573, %get3A_580 : vector<16xf32>
      %mul3A_582 = arith.constant 20 : i32
      %mul3A_583 = arith.muli %scan3A_376, %mul3A_582 : i32
      %add3A_584 = arith.constant 4 : i32
      %add3A_585 = arith.addi %mul3A_583, %add3A_584 : i32
      %get3A_586 = arith.index_cast %add3A_585 : i32 to index
      %get3A_587 = arith.constant 16 : index
      %get3A_588 = tpu.vector_load %arg10[%get3A_586, %get3A_587] {strides = array<i32>} : memref<640x64xf32, #tpu.memory_space<vmem>>, vector<16xf32>,
      %add3A_589 = arith.addf %add3A_581, %get3A_588 : vector<16xf32>
      %mul3A_590 = arith.constant 20 : i32
      %mul3A_591 = arith.muli %scan3A_376, %mul3A_590 : i32
      %add3A_592 = arith.constant 5 : i32
      %add3A_593 = arith.addi %mul3A_591, %add3A_592 : i32
      %get3A_594 = arith.index_cast %add3A_593 : i32 to index
      %get3A_595 = arith.constant 16 : index
      %get3A_596 = tpu.vector_load %arg10[%get3A_594, %get3A_595] {strides = array<i32>} : memref<640x64xf32, #tpu.memory_space<vmem>>, vector<16xf32>,
      %add3A_597 = arith.addf %add3A_589, %get3A_596 : vector<16xf32>
      %mul3A_598 = arith.constant 20 : i32
      %mul3A_599 = arith.muli %scan3A_376, %mul3A_598 : i32
      %add3A_600 = arith.constant 6 : i32
      %add3A_601 = arith.addi %mul3A_599, %add3A_600 : i32
      %get3A_602 = arith.index_cast %add3A_601 : i32 to index
      %get3A_603 = arith.constant 16 : index
      %get3A_604 = tpu.vector_load %arg10[%get3A_602, %get3A_603] {strides = array<i32>} : memref<640x64xf32, #tpu.memory_space<vmem>>, vector<16xf32>,
      %add3A_605 = arith.addf %add3A_597, %get3A_604 : vector<16xf32>
      %mul3A_606 = arith.constant 20 : i32
      %mul3A_607 = arith.muli %scan3A_376, %mul3A_606 : i32
      %add3A_608 = arith.constant 7 : i32
      %add3A_609 = arith.addi %mul3A_607, %add3A_608 : i32
      %get3A_610 = arith.index_cast %add3A_609 : i32 to index
      %get3A_611 = arith.constant 16 : index
      %get3A_612 = tpu.vector_load %arg10[%get3A_610, %get3A_611] {strides = array<i32>} : memref<640x64xf32, #tpu.memory_space<vmem>>, vector<16xf32>,
      %add3A_613 = arith.addf %add3A_605, %get3A_612 : vector<16xf32>
      %mul3A_614 = arith.constant 20 : i32
      %mul3A_615 = arith.muli %scan3A_376, %mul3A_614 : i32
      %add3A_616 = arith.constant 8 : i32
      %add3A_617 = arith.addi %mul3A_615, %add3A_616 : i32
      %get3A_618 = arith.index_cast %add3A_617 : i32 to index
      %get3A_619 = arith.constant 16 : index
      %get3A_620 = tpu.vector_load %arg10[%get3A_618, %get3A_619] {strides = array<i32>} : memref<640x64xf32, #tpu.memory_space<vmem>>, vector<16xf32>,
      %add3A_621 = arith.addf %add3A_613, %get3A_620 : vector<16xf32>
      %mul3A_622 = arith.constant 20 : i32
      %mul3A_623 = arith.muli %scan3A_376, %mul3A_622 : i32
      %add3A_624 = arith.constant 9 : i32
      %add3A_625 = arith.addi %mul3A_623, %add3A_624 : i32
      %get3A_626 = arith.index_cast %add3A_625 : i32 to index
      %get3A_627 = arith.constant 16 : index
      %get3A_628 = tpu.vector_load %arg10[%get3A_626, %get3A_627] {strides = array<i32>} : memref<640x64xf32, #tpu.memory_space<vmem>>, vector<16xf32>,
      %add3A_629 = arith.addf %add3A_621, %get3A_628 : vector<16xf32>
      %mul3A_630 = arith.constant 20 : i32
      %mul3A_631 = arith.muli %scan3A_376, %mul3A_630 : i32
      %add3A_632 = arith.constant 10 : i32
      %add3A_633 = arith.addi %mul3A_631, %add3A_632 : i32
      %get3A_634 = arith.index_cast %add3A_633 : i32 to index
      %get3A_635 = arith.constant 16 : index
      %get3A_636 = tpu.vector_load %arg10[%get3A_634, %get3A_635] {strides = array<i32>} : memref<640x64xf32, #tpu.memory_space<vmem>>, vector<16xf32>,
      %add3A_637 = arith.addf %add3A_629, %get3A_636 : vector<16xf32>
      %mul3A_638 = arith.constant 20 : i32
      %mul3A_639 = arith.muli %scan3A_376, %mul3A_638 : i32
      %add3A_640 = arith.constant 11 : i32
      %add3A_641 = arith.addi %mul3A_639, %add3A_640 : i32
      %get3A_642 = arith.index_cast %add3A_641 : i32 to index
      %get3A_643 = arith.constant 16 : index
      %get3A_644 = tpu.vector_load %arg10[%get3A_642, %get3A_643] {strides = array<i32>} : memref<640x64xf32, #tpu.memory_space<vmem>>, vector<16xf32>,
      %add3A_645 = arith.addf %add3A_637, %get3A_644 : vector<16xf32>
      %mul3A_646 = arith.constant 20 : i32
      %mul3A_647 = arith.muli %scan3A_376, %mul3A_646 : i32
      %add3A_648 = arith.constant 12 : i32
      %add3A_649 = arith.addi %mul3A_647, %add3A_648 : i32
      %get3A_650 = arith.index_cast %add3A_649 : i32 to index
      %get3A_651 = arith.constant 16 : index
      %get3A_652 = tpu.vector_load %arg10[%get3A_650, %get3A_651] {strides = array<i32>} : memref<640x64xf32, #tpu.memory_space<vmem>>, vector<16xf32>,
      %add3A_653 = arith.addf %add3A_645, %get3A_652 : vector<16xf32>
      %mul3A_654 = arith.constant 20 : i32
      %mul3A_655 = arith.muli %scan3A_376, %mul3A_654 : i32
      %add3A_656 = arith.constant 13 : i32
      %add3A_657 = arith.addi %mul3A_655, %add3A_656 : i32
      %get3A_658 = arith.index_cast %add3A_657 : i32 to index
      %get3A_659 = arith.constant 16 : index
      %get3A_660 = tpu.vector_load %arg10[%get3A_658, %get3A_659] {strides = array<i32>} : memref<640x64xf32, #tpu.memory_space<vmem>>, vector<16xf32>,
      %add3A_661 = arith.addf %add3A_653, %get3A_660 : vector<16xf32>
      %mul3A_662 = arith.constant 20 : i32
      %mul3A_663 = arith.muli %scan3A_376, %mul3A_662 : i32
      %add3A_664 = arith.constant 14 : i32
      %add3A_665 = arith.addi %mul3A_663, %add3A_664 : i32
      %get3A_666 = arith.index_cast %add3A_665 : i32 to index
      %get3A_667 = arith.constant 16 : index
      %get3A_668 = tpu.vector_load %arg10[%get3A_666, %get3A_667] {strides = array<i32>} : memref<640x64xf32, #tpu.memory_space<vmem>>, vector<16xf32>,
      %add3A_669 = arith.addf %add3A_661, %get3A_668 : vector<16xf32>
      %mul3A_670 = arith.constant 20 : i32
      %mul3A_671 = arith.muli %scan3A_376, %mul3A_670 : i32
      %add3A_672 = arith.constant 15 : i32
      %add3A_673 = arith.addi %mul3A_671, %add3A_672 : i32
      %get3A_674 = arith.index_cast %add3A_673 : i32 to index
      %get3A_675 = arith.constant 16 : index
      %get3A_676 = tpu.vector_load %arg10[%get3A_674, %get3A_675] {strides = array<i32>} : memref<640x64xf32, #tpu.memory_space<vmem>>, vector<16xf32>,
      %add3A_677 = arith.addf %add3A_669, %get3A_676 : vector<16xf32>
      %mul3A_678 = arith.constant 20 : i32
      %mul3A_679 = arith.muli %scan3A_376, %mul3A_678 : i32
      %add3A_680 = arith.constant 16 : i32
      %add3A_681 = arith.addi %mul3A_679, %add3A_680 : i32
      %get3A_682 = arith.index_cast %add3A_681 : i32 to index
      %get3A_683 = arith.constant 16 : index
      %get3A_684 = tpu.vector_load %arg10[%get3A_682, %get3A_683] {strides = array<i32>} : memref<640x64xf32, #tpu.memory_space<vmem>>, vector<16xf32>,
      %add3A_685 = arith.addf %add3A_677, %get3A_684 : vector<16xf32>
      %mul3A_686 = arith.constant 20 : i32
      %mul3A_687 = arith.muli %scan3A_376, %mul3A_686 : i32
      %add3A_688 = arith.constant 17 : i32
      %add3A_689 = arith.addi %mul3A_687, %add3A_688 : i32
      %get3A_690 = arith.index_cast %add3A_689 : i32 to index
      %get3A_691 = arith.constant 16 : index
      %get3A_692 = tpu.vector_load %arg10[%get3A_690, %get3A_691] {strides = array<i32>} : memref<640x64xf32, #tpu.memory_space<vmem>>, vector<16xf32>,
      %add3A_693 = arith.addf %add3A_685, %get3A_692 : vector<16xf32>
      %mul3A_694 = arith.constant 20 : i32
      %mul3A_695 = arith.muli %scan3A_376, %mul3A_694 : i32
      %add3A_696 = arith.constant 18 : i32
      %add3A_697 = arith.addi %mul3A_695, %add3A_696 : i32
      %get3A_698 = arith.index_cast %add3A_697 : i32 to index
      %get3A_699 = arith.constant 16 : index
      %get3A_700 = tpu.vector_load %arg10[%get3A_698, %get3A_699] {strides = array<i32>} : memref<640x64xf32, #tpu.memory_space<vmem>>, vector<16xf32>,
      %add3A_701 = arith.addf %add3A_693, %get3A_700 : vector<16xf32>
      %mul3A_702 = arith.constant 20 : i32
      %mul3A_703 = arith.muli %scan3A_376, %mul3A_702 : i32
      %add3A_704 = arith.constant 19 : i32
      %add3A_705 = arith.addi %mul3A_703, %add3A_704 : i32
      %get3A_706 = arith.index_cast %add3A_705 : i32 to index
      %get3A_707 = arith.constant 16 : index
      %get3A_708 = tpu.vector_load %arg10[%get3A_706, %get3A_707] {strides = array<i32>} : memref<640x64xf32, #tpu.memory_space<vmem>>, vector<16xf32>,
      %add3A_709 = arith.addf %add3A_701, %get3A_708 : vector<16xf32>
      %mul3A_710 = arith.constant 0.0476190485 : f32
      %mul3A_711 = vector.broadcast %mul3A_710 : f32 to vector<16xf32>
      %mul3A_712 = arith.mulf %add3A_709, %mul3A_711 : vector<16xf32>
      %swap3A_713 = arith.index_cast %add3A_379 : i32 to index
      %swap3A_714 = arith.constant 16 : index
      %swap3A_715 = tpu.vector_load %arg13[%swap3A_713, %swap3A_714] {strides = array<i32>} : memref<128x64xf32, #tpu.memory_space<vmem>>, vector<16xf32>,
      tpu.vector_store %arg13[%swap3A_713, %swap3A_714], %mul3A_712 {strides = array<i32>} : memref<128x64xf32, #tpu.memory_space<vmem>>, vector<16xf32>,
      %get3A_716 = arith.index_cast %add3A_379 : i32 to index
      %get3A_717 = arith.constant 32 : index
      %get3A_718 = tpu.vector_load %arg12[%get3A_716, %get3A_717] {strides = array<i32>} : memref<128x64xf32, #tpu.memory_space<vmem>>, vector<16xf32>,
      %mul3A_719 = arith.constant 20 : i32
      %mul3A_720 = arith.muli %scan3A_376, %mul3A_719 : i32
      %add3A_721 = arith.constant 0 : i32
      %add3A_722 = arith.addi %mul3A_720, %add3A_721 : i32
      %get3A_723 = arith.index_cast %add3A_722 : i32 to index
      %get3A_724 = arith.constant 32 : index
      %get3A_725 = tpu.vector_load %arg10[%get3A_723, %get3A_724] {strides = array<i32>} : memref<640x64xf32, #tpu.memory_space<vmem>>, vector<16xf32>,
      %add3A_726 = arith.addf %get3A_718, %get3A_725 : vector<16xf32>
      %mul3A_727 = arith.constant 20 : i32
      %mul3A_728 = arith.muli %scan3A_376, %mul3A_727 : i32
      %add3A_729 = arith.constant 1 : i32
      %add3A_730 = arith.addi %mul3A_728, %add3A_729 : i32
      %get3A_731 = arith.index_cast %add3A_730 : i32 to index
      %get3A_732 = arith.constant 32 : index
      %get3A_733 = tpu.vector_load %arg10[%get3A_731, %get3A_732] {strides = array<i32>} : memref<640x64xf32, #tpu.memory_space<vmem>>, vector<16xf32>,
      %add3A_734 = arith.addf %add3A_726, %get3A_733 : vector<16xf32>
      %mul3A_735 = arith.constant 20 : i32
      %mul3A_736 = arith.muli %scan3A_376, %mul3A_735 : i32
      %add3A_737 = arith.constant 2 : i32
      %add3A_738 = arith.addi %mul3A_736, %add3A_737 : i32
      %get3A_739 = arith.index_cast %add3A_738 : i32 to index
      %get3A_740 = arith.constant 32 : index
      %get3A_741 = tpu.vector_load %arg10[%get3A_739, %get3A_740] {strides = array<i32>} : memref<640x64xf32, #tpu.memory_space<vmem>>, vector<16xf32>,
      %add3A_742 = arith.addf %add3A_734, %get3A_741 : vector<16xf32>
      %mul3A_743 = arith.constant 20 : i32
      %mul3A_744 = arith.muli %scan3A_376, %mul3A_743 : i32
      %add3A_745 = arith.constant 3 : i32
      %add3A_746 = arith.addi %mul3A_744, %add3A_745 : i32
      %get3A_747 = arith.index_cast %add3A_746 : i32 to index
      %get3A_748 = arith.constant 32 : index
      %get3A_749 = tpu.vector_load %arg10[%get3A_747, %get3A_748] {strides = array<i32>} : memref<640x64xf32, #tpu.memory_space<vmem>>, vector<16xf32>,
      %add3A_750 = arith.addf %add3A_742, %get3A_749 : vector<16xf32>
      %mul3A_751 = arith.constant 20 : i32
      %mul3A_752 = arith.muli %scan3A_376, %mul3A_751 : i32
      %add3A_753 = arith.constant 4 : i32
      %add3A_754 = arith.addi %mul3A_752, %add3A_753 : i32
      %get3A_755 = arith.index_cast %add3A_754 : i32 to index
      %get3A_756 = arith.constant 32 : index
      %get3A_757 = tpu.vector_load %arg10[%get3A_755, %get3A_756] {strides = array<i32>} : memref<640x64xf32, #tpu.memory_space<vmem>>, vector<16xf32>,
      %add3A_758 = arith.addf %add3A_750, %get3A_757 : vector<16xf32>
      %mul3A_759 = arith.constant 20 : i32
      %mul3A_760 = arith.muli %scan3A_376, %mul3A_759 : i32
      %add3A_761 = arith.constant 5 : i32
      %add3A_762 = arith.addi %mul3A_760, %add3A_761 : i32
      %get3A_763 = arith.index_cast %add3A_762 : i32 to index
      %get3A_764 = arith.constant 32 : index
      %get3A_765 = tpu.vector_load %arg10[%get3A_763, %get3A_764] {strides = array<i32>} : memref<640x64xf32, #tpu.memory_space<vmem>>, vector<16xf32>,
      %add3A_766 = arith.addf %add3A_758, %get3A_765 : vector<16xf32>
      %mul3A_767 = arith.constant 20 : i32
      %mul3A_768 = arith.muli %scan3A_376, %mul3A_767 : i32
      %add3A_769 = arith.constant 6 : i32
      %add3A_770 = arith.addi %mul3A_768, %add3A_769 : i32
      %get3A_771 = arith.index_cast %add3A_770 : i32 to index
      %get3A_772 = arith.constant 32 : index
      %get3A_773 = tpu.vector_load %arg10[%get3A_771, %get3A_772] {strides = array<i32>} : memref<640x64xf32, #tpu.memory_space<vmem>>, vector<16xf32>,
      %add3A_774 = arith.addf %add3A_766, %get3A_773 : vector<16xf32>
      %mul3A_775 = arith.constant 20 : i32
      %mul3A_776 = arith.muli %scan3A_376, %mul3A_775 : i32
      %add3A_777 = arith.constant 7 : i32
      %add3A_778 = arith.addi %mul3A_776, %add3A_777 : i32
      %get3A_779 = arith.index_cast %add3A_778 : i32 to index
      %get3A_780 = arith.constant 32 : index
      %get3A_781 = tpu.vector_load %arg10[%get3A_779, %get3A_780] {strides = array<i32>} : memref<640x64xf32, #tpu.memory_space<vmem>>, vector<16xf32>,
      %add3A_782 = arith.addf %add3A_774, %get3A_781 : vector<16xf32>
      %mul3A_783 = arith.constant 20 : i32
      %mul3A_784 = arith.muli %scan3A_376, %mul3A_783 : i32
      %add3A_785 = arith.constant 8 : i32
      %add3A_786 = arith.addi %mul3A_784, %add3A_785 : i32
      %get3A_787 = arith.index_cast %add3A_786 : i32 to index
      %get3A_788 = arith.constant 32 : index
      %get3A_789 = tpu.vector_load %arg10[%get3A_787, %get3A_788] {strides = array<i32>} : memref<640x64xf32, #tpu.memory_space<vmem>>, vector<16xf32>,
      %add3A_790 = arith.addf %add3A_782, %get3A_789 : vector<16xf32>
      %mul3A_791 = arith.constant 20 : i32
      %mul3A_792 = arith.muli %scan3A_376, %mul3A_791 : i32
      %add3A_793 = arith.constant 9 : i32
      %add3A_794 = arith.addi %mul3A_792, %add3A_793 : i32
      %get3A_795 = arith.index_cast %add3A_794 : i32 to index
      %get3A_796 = arith.constant 32 : index
      %get3A_797 = tpu.vector_load %arg10[%get3A_795, %get3A_796] {strides = array<i32>} : memref<640x64xf32, #tpu.memory_space<vmem>>, vector<16xf32>,
      %add3A_798 = arith.addf %add3A_790, %get3A_797 : vector<16xf32>
      %mul3A_799 = arith.constant 20 : i32
      %mul3A_800 = arith.muli %scan3A_376, %mul3A_799 : i32
      %add3A_801 = arith.constant 10 : i32
      %add3A_802 = arith.addi %mul3A_800, %add3A_801 : i32
      %get3A_803 = arith.index_cast %add3A_802 : i32 to index
      %get3A_804 = arith.constant 32 : index
      %get3A_805 = tpu.vector_load %arg10[%get3A_803, %get3A_804] {strides = array<i32>} : memref<640x64xf32, #tpu.memory_space<vmem>>, vector<16xf32>,
      %add3A_806 = arith.addf %add3A_798, %get3A_805 : vector<16xf32>
      %mul3A_807 = arith.constant 20 : i32
      %mul3A_808 = arith.muli %scan3A_376, %mul3A_807 : i32
      %add3A_809 = arith.constant 11 : i32
      %add3A_810 = arith.addi %mul3A_808, %add3A_809 : i32
      %get3A_811 = arith.index_cast %add3A_810 : i32 to index
      %get3A_812 = arith.constant 32 : index
      %get3A_813 = tpu.vector_load %arg10[%get3A_811, %get3A_812] {strides = array<i32>} : memref<640x64xf32, #tpu.memory_space<vmem>>, vector<16xf32>,
      %add3A_814 = arith.addf %add3A_806, %get3A_813 : vector<16xf32>
      %mul3A_815 = arith.constant 20 : i32
      %mul3A_816 = arith.muli %scan3A_376, %mul3A_815 : i32
      %add3A_817 = arith.constant 12 : i32
      %add3A_818 = arith.addi %mul3A_816, %add3A_817 : i32
      %get3A_819 = arith.index_cast %add3A_818 : i32 to index
      %get3A_820 = arith.constant 32 : index
      %get3A_821 = tpu.vector_load %arg10[%get3A_819, %get3A_820] {strides = array<i32>} : memref<640x64xf32, #tpu.memory_space<vmem>>, vector<16xf32>,
      %add3A_822 = arith.addf %add3A_814, %get3A_821 : vector<16xf32>
      %mul3A_823 = arith.constant 20 : i32
      %mul3A_824 = arith.muli %scan3A_376, %mul3A_823 : i32
      %add3A_825 = arith.constant 13 : i32
      %add3A_826 = arith.addi %mul3A_824, %add3A_825 : i32
      %get3A_827 = arith.index_cast %add3A_826 : i32 to index
      %get3A_828 = arith.constant 32 : index
      %get3A_829 = tpu.vector_load %arg10[%get3A_827, %get3A_828] {strides = array<i32>} : memref<640x64xf32, #tpu.memory_space<vmem>>, vector<16xf32>,
      %add3A_830 = arith.addf %add3A_822, %get3A_829 : vector<16xf32>
      %mul3A_831 = arith.constant 20 : i32
      %mul3A_832 = arith.muli %scan3A_376, %mul3A_831 : i32
      %add3A_833 = arith.constant 14 : i32
      %add3A_834 = arith.addi %mul3A_832, %add3A_833 : i32
      %get3A_835 = arith.index_cast %add3A_834 : i32 to index
      %get3A_836 = arith.constant 32 : index
      %get3A_837 = tpu.vector_load %arg10[%get3A_835, %get3A_836] {strides = array<i32>} : memref<640x64xf32, #tpu.memory_space<vmem>>, vector<16xf32>,
      %add3A_838 = arith.addf %add3A_830, %get3A_837 : vector<16xf32>
      %mul3A_839 = arith.constant 20 : i32
      %mul3A_840 = arith.muli %scan3A_376, %mul3A_839 : i32
      %add3A_841 = arith.constant 15 : i32
      %add3A_842 = arith.addi %mul3A_840, %add3A_841 : i32
      %get3A_843 = arith.index_cast %add3A_842 : i32 to index
      %get3A_844 = arith.constant 32 : index
      %get3A_845 = tpu.vector_load %arg10[%get3A_843, %get3A_844] {strides = array<i32>} : memref<640x64xf32, #tpu.memory_space<vmem>>, vector<16xf32>,
      %add3A_846 = arith.addf %add3A_838, %get3A_845 : vector<16xf32>
      %mul3A_847 = arith.constant 20 : i32
      %mul3A_848 = arith.muli %scan3A_376, %mul3A_847 : i32
      %add3A_849 = arith.constant 16 : i32
      %add3A_850 = arith.addi %mul3A_848, %add3A_849 : i32
      %get3A_851 = arith.index_cast %add3A_850 : i32 to index
      %get3A_852 = arith.constant 32 : index
      %get3A_853 = tpu.vector_load %arg10[%get3A_851, %get3A_852] {strides = array<i32>} : memref<640x64xf32, #tpu.memory_space<vmem>>, vector<16xf32>,
      %add3A_854 = arith.addf %add3A_846, %get3A_853 : vector<16xf32>
      %mul3A_855 = arith.constant 20 : i32
      %mul3A_856 = arith.muli %scan3A_376, %mul3A_855 : i32
      %add3A_857 = arith.constant 17 : i32
      %add3A_858 = arith.addi %mul3A_856, %add3A_857 : i32
      %get3A_859 = arith.index_cast %add3A_858 : i32 to index
      %get3A_860 = arith.constant 32 : index
      %get3A_861 = tpu.vector_load %arg10[%get3A_859, %get3A_860] {strides = array<i32>} : memref<640x64xf32, #tpu.memory_space<vmem>>, vector<16xf32>,
      %add3A_862 = arith.addf %add3A_854, %get3A_861 : vector<16xf32>
      %mul3A_863 = arith.constant 20 : i32
      %mul3A_864 = arith.muli %scan3A_376, %mul3A_863 : i32
      %add3A_865 = arith.constant 18 : i32
      %add3A_866 = arith.addi %mul3A_864, %add3A_865 : i32
      %get3A_867 = arith.index_cast %add3A_866 : i32 to index
      %get3A_868 = arith.constant 32 : index
      %get3A_869 = tpu.vector_load %arg10[%get3A_867, %get3A_868] {strides = array<i32>} : memref<640x64xf32, #tpu.memory_space<vmem>>, vector<16xf32>,
      %add3A_870 = arith.addf %add3A_862, %get3A_869 : vector<16xf32>
      %mul3A_871 = arith.constant 20 : i32
      %mul3A_872 = arith.muli %scan3A_376, %mul3A_871 : i32
      %add3A_873 = arith.constant 19 : i32
      %add3A_874 = arith.addi %mul3A_872, %add3A_873 : i32
      %get3A_875 = arith.index_cast %add3A_874 : i32 to index
      %get3A_876 = arith.constant 32 : index
      %get3A_877 = tpu.vector_load %arg10[%get3A_875, %get3A_876] {strides = array<i32>} : memref<640x64xf32, #tpu.memory_space<vmem>>, vector<16xf32>,
      %add3A_878 = arith.addf %add3A_870, %get3A_877 : vector<16xf32>
      %mul3A_879 = arith.constant 0.0476190485 : f32
      %mul3A_880 = vector.broadcast %mul3A_879 : f32 to vector<16xf32>
      %mul3A_881 = arith.mulf %add3A_878, %mul3A_880 : vector<16xf32>
      %swap3A_882 = arith.index_cast %add3A_379 : i32 to index
      %swap3A_883 = arith.constant 32 : index
      %swap3A_884 = tpu.vector_load %arg13[%swap3A_882, %swap3A_883] {strides = array<i32>} : memref<128x64xf32, #tpu.memory_space<vmem>>, vector<16xf32>,
      tpu.vector_store %arg13[%swap3A_882, %swap3A_883], %mul3A_881 {strides = array<i32>} : memref<128x64xf32, #tpu.memory_space<vmem>>, vector<16xf32>,
      %get3A_885 = arith.index_cast %add3A_379 : i32 to index
      %get3A_886 = arith.constant 48 : index
      %get3A_887 = tpu.vector_load %arg12[%get3A_885, %get3A_886] {strides = array<i32>} : memref<128x64xf32, #tpu.memory_space<vmem>>, vector<16xf32>,
      %mul3A_888 = arith.constant 20 : i32
      %mul3A_889 = arith.muli %scan3A_376, %mul3A_888 : i32
      %add3A_890 = arith.constant 0 : i32
      %add3A_891 = arith.addi %mul3A_889, %add3A_890 : i32
      %get3A_892 = arith.index_cast %add3A_891 : i32 to index
      %get3A_893 = arith.constant 48 : index
      %get3A_894 = tpu.vector_load %arg10[%get3A_892, %get3A_893] {strides = array<i32>} : memref<640x64xf32, #tpu.memory_space<vmem>>, vector<16xf32>,
      %add3A_895 = arith.addf %get3A_887, %get3A_894 : vector<16xf32>
      %mul3A_896 = arith.constant 20 : i32
      %mul3A_897 = arith.muli %scan3A_376, %mul3A_896 : i32
      %add3A_898 = arith.constant 1 : i32
      %add3A_899 = arith.addi %mul3A_897, %add3A_898 : i32
      %get3A_900 = arith.index_cast %add3A_899 : i32 to index
      %get3A_901 = arith.constant 48 : index
      %get3A_902 = tpu.vector_load %arg10[%get3A_900, %get3A_901] {strides = array<i32>} : memref<640x64xf32, #tpu.memory_space<vmem>>, vector<16xf32>,
      %add3A_903 = arith.addf %add3A_895, %get3A_902 : vector<16xf32>
      %mul3A_904 = arith.constant 20 : i32
      %mul3A_905 = arith.muli %scan3A_376, %mul3A_904 : i32
      %add3A_906 = arith.constant 2 : i32
      %add3A_907 = arith.addi %mul3A_905, %add3A_906 : i32
      %get3A_908 = arith.index_cast %add3A_907 : i32 to index
      %get3A_909 = arith.constant 48 : index
      %get3A_910 = tpu.vector_load %arg10[%get3A_908, %get3A_909] {strides = array<i32>} : memref<640x64xf32, #tpu.memory_space<vmem>>, vector<16xf32>,
      %add3A_911 = arith.addf %add3A_903, %get3A_910 : vector<16xf32>
      %mul3A_912 = arith.constant 20 : i32
      %mul3A_913 = arith.muli %scan3A_376, %mul3A_912 : i32
      %add3A_914 = arith.constant 3 : i32
      %add3A_915 = arith.addi %mul3A_913, %add3A_914 : i32
      %get3A_916 = arith.index_cast %add3A_915 : i32 to index
      %get3A_917 = arith.constant 48 : index
      %get3A_918 = tpu.vector_load %arg10[%get3A_916, %get3A_917] {strides = array<i32>} : memref<640x64xf32, #tpu.memory_space<vmem>>, vector<16xf32>,
      %add3A_919 = arith.addf %add3A_911, %get3A_918 : vector<16xf32>
      %mul3A_920 = arith.constant 20 : i32
      %mul3A_921 = arith.muli %scan3A_376, %mul3A_920 : i32
      %add3A_922 = arith.constant 4 : i32
      %add3A_923 = arith.addi %mul3A_921, %add3A_922 : i32
      %get3A_924 = arith.index_cast %add3A_923 : i32 to index
      %get3A_925 = arith.constant 48 : index
      %get3A_926 = tpu.vector_load %arg10[%get3A_924, %get3A_925] {strides = array<i32>} : memref<640x64xf32, #tpu.memory_space<vmem>>, vector<16xf32>,
      %add3A_927 = arith.addf %add3A_919, %get3A_926 : vector<16xf32>
      %mul3A_928 = arith.constant 20 : i32
      %mul3A_929 = arith.muli %scan3A_376, %mul3A_928 : i32
      %add3A_930 = arith.constant 5 : i32
      %add3A_931 = arith.addi %mul3A_929, %add3A_930 : i32
      %get3A_932 = arith.index_cast %add3A_931 : i32 to index
      %get3A_933 = arith.constant 48 : index
      %get3A_934 = tpu.vector_load %arg10[%get3A_932, %get3A_933] {strides = array<i32>} : memref<640x64xf32, #tpu.memory_space<vmem>>, vector<16xf32>,
      %add3A_935 = arith.addf %add3A_927, %get3A_934 : vector<16xf32>
      %mul3A_936 = arith.constant 20 : i32
      %mul3A_937 = arith.muli %scan3A_376, %mul3A_936 : i32
      %add3A_938 = arith.constant 6 : i32
      %add3A_939 = arith.addi %mul3A_937, %add3A_938 : i32
      %get3A_940 = arith.index_cast %add3A_939 : i32 to index
      %get3A_941 = arith.constant 48 : index
      %get3A_942 = tpu.vector_load %arg10[%get3A_940, %get3A_941] {strides = array<i32>} : memref<640x64xf32, #tpu.memory_space<vmem>>, vector<16xf32>,
      %add3A_943 = arith.addf %add3A_935, %get3A_942 : vector<16xf32>
      %mul3A_944 = arith.constant 20 : i32
      %mul3A_945 = arith.muli %scan3A_376, %mul3A_944 : i32
      %add3A_946 = arith.constant 7 : i32
      %add3A_947 = arith.addi %mul3A_945, %add3A_946 : i32
      %get3A_948 = arith.index_cast %add3A_947 : i32 to index
      %get3A_949 = arith.constant 48 : index
      %get3A_950 = tpu.vector_load %arg10[%get3A_948, %get3A_949] {strides = array<i32>} : memref<640x64xf32, #tpu.memory_space<vmem>>, vector<16xf32>,
      %add3A_951 = arith.addf %add3A_943, %get3A_950 : vector<16xf32>
      %mul3A_952 = arith.constant 20 : i32
      %mul3A_953 = arith.muli %scan3A_376, %mul3A_952 : i32
      %add3A_954 = arith.constant 8 : i32
      %add3A_955 = arith.addi %mul3A_953, %add3A_954 : i32
      %get3A_956 = arith.index_cast %add3A_955 : i32 to index
      %get3A_957 = arith.constant 48 : index
      %get3A_958 = tpu.vector_load %arg10[%get3A_956, %get3A_957] {strides = array<i32>} : memref<640x64xf32, #tpu.memory_space<vmem>>, vector<16xf32>,
      %add3A_959 = arith.addf %add3A_951, %get3A_958 : vector<16xf32>
      %mul3A_960 = arith.constant 20 : i32
      %mul3A_961 = arith.muli %scan3A_376, %mul3A_960 : i32
      %add3A_962 = arith.constant 9 : i32
      %add3A_963 = arith.addi %mul3A_961, %add3A_962 : i32
      %get3A_964 = arith.index_cast %add3A_963 : i32 to index
      %get3A_965 = arith.constant 48 : index
      %get3A_966 = tpu.vector_load %arg10[%get3A_964, %get3A_965] {strides = array<i32>} : memref<640x64xf32, #tpu.memory_space<vmem>>, vector<16xf32>,
      %add3A_967 = arith.addf %add3A_959, %get3A_966 : vector<16xf32>
      %mul3A_968 = arith.constant 20 : i32
      %mul3A_969 = arith.muli %scan3A_376, %mul3A_968 : i32
      %add3A_970 = arith.constant 10 : i32
      %add3A_971 = arith.addi %mul3A_969, %add3A_970 : i32
      %get3A_972 = arith.index_cast %add3A_971 : i32 to index
      %get3A_973 = arith.constant 48 : index
      %get3A_974 = tpu.vector_load %arg10[%get3A_972, %get3A_973] {strides = array<i32>} : memref<640x64xf32, #tpu.memory_space<vmem>>, vector<16xf32>,
      %add3A_975 = arith.addf %add3A_967, %get3A_974 : vector<16xf32>
      %mul3A_976 = arith.constant 20 : i32
      %mul3A_977 = arith.muli %scan3A_376, %mul3A_976 : i32
      %add3A_978 = arith.constant 11 : i32
      %add3A_979 = arith.addi %mul3A_977, %add3A_978 : i32
      %get3A_980 = arith.index_cast %add3A_979 : i32 to index
      %get3A_981 = arith.constant 48 : index
      %get3A_982 = tpu.vector_load %arg10[%get3A_980, %get3A_981] {strides = array<i32>} : memref<640x64xf32, #tpu.memory_space<vmem>>, vector<16xf32>,
      %add3A_983 = arith.addf %add3A_975, %get3A_982 : vector<16xf32>
      %mul3A_984 = arith.constant 20 : i32
      %mul3A_985 = arith.muli %scan3A_376, %mul3A_984 : i32
      %add3A_986 = arith.constant 12 : i32
      %add3A_987 = arith.addi %mul3A_985, %add3A_986 : i32
      %get3A_988 = arith.index_cast %add3A_987 : i32 to index
      %get3A_989 = arith.constant 48 : index
      %get3A_990 = tpu.vector_load %arg10[%get3A_988, %get3A_989] {strides = array<i32>} : memref<640x64xf32, #tpu.memory_space<vmem>>, vector<16xf32>,
      %add3A_991 = arith.addf %add3A_983, %get3A_990 : vector<16xf32>
      %mul3A_992 = arith.constant 20 : i32
      %mul3A_993 = arith.muli %scan3A_376, %mul3A_992 : i32
      %add3A_994 = arith.constant 13 : i32
      %add3A_995 = arith.addi %mul3A_993, %add3A_994 : i32
      %get3A_996 = arith.index_cast %add3A_995 : i32 to index
      %get3A_997 = arith.constant 48 : index
      %get3A_998 = tpu.vector_load %arg10[%get3A_996, %get3A_997] {strides = array<i32>} : memref<640x64xf32, #tpu.memory_space<vmem>>, vector<16xf32>,
      %add3A_999 = arith.addf %add3A_991, %get3A_998 : vector<16xf32>
      %mul3A_1000 = arith.constant 20 : i32
      %mul3A_1001 = arith.muli %scan3A_376, %mul3A_1000 : i32
      %add3A_1002 = arith.constant 14 : i32
      %add3A_1003 = arith.addi %mul3A_1001, %add3A_1002 : i32
      %get3A_1004 = arith.index_cast %add3A_1003 : i32 to index
      %get3A_1005 = arith.constant 48 : index
      %get3A_1006 = tpu.vector_load %arg10[%get3A_1004, %get3A_1005] {strides = array<i32>} : memref<640x64xf32, #tpu.memory_space<vmem>>, vector<16xf32>,
      %add3A_1007 = arith.addf %add3A_999, %get3A_1006 : vector<16xf32>
      %mul3A_1008 = arith.constant 20 : i32
      %mul3A_1009 = arith.muli %scan3A_376, %mul3A_1008 : i32
      %add3A_1010 = arith.constant 15 : i32
      %add3A_1011 = arith.addi %mul3A_1009, %add3A_1010 : i32
      %get3A_1012 = arith.index_cast %add3A_1011 : i32 to index
      %get3A_1013 = arith.constant 48 : index
      %get3A_1014 = tpu.vector_load %arg10[%get3A_1012, %get3A_1013] {strides = array<i32>} : memref<640x64xf32, #tpu.memory_space<vmem>>, vector<16xf32>,
      %add3A_1015 = arith.addf %add3A_1007, %get3A_1014 : vector<16xf32>
      %mul3A_1016 = arith.constant 20 : i32
      %mul3A_1017 = arith.muli %scan3A_376, %mul3A_1016 : i32
      %add3A_1018 = arith.constant 16 : i32
      %add3A_1019 = arith.addi %mul3A_1017, %add3A_1018 : i32
      %get3A_1020 = arith.index_cast %add3A_1019 : i32 to index
      %get3A_1021 = arith.constant 48 : index
      %get3A_1022 = tpu.vector_load %arg10[%get3A_1020, %get3A_1021] {strides = array<i32>} : memref<640x64xf32, #tpu.memory_space<vmem>>, vector<16xf32>,
      %add3A_1023 = arith.addf %add3A_1015, %get3A_1022 : vector<16xf32>
      %mul3A_1024 = arith.constant 20 : i32
      %mul3A_1025 = arith.muli %scan3A_376, %mul3A_1024 : i32
      %add3A_1026 = arith.constant 17 : i32
      %add3A_1027 = arith.addi %mul3A_1025, %add3A_1026 : i32
      %get3A_1028 = arith.index_cast %add3A_1027 : i32 to index
      %get3A_1029 = arith.constant 48 : index
      %get3A_1030 = tpu.vector_load %arg10[%get3A_1028, %get3A_1029] {strides = array<i32>} : memref<640x64xf32, #tpu.memory_space<vmem>>, vector<16xf32>,
      %add3A_1031 = arith.addf %add3A_1023, %get3A_1030 : vector<16xf32>
      %mul3A_1032 = arith.constant 20 : i32
      %mul3A_1033 = arith.muli %scan3A_376, %mul3A_1032 : i32
      %add3A_1034 = arith.constant 18 : i32
      %add3A_1035 = arith.addi %mul3A_1033, %add3A_1034 : i32
      %get3A_1036 = arith.index_cast %add3A_1035 : i32 to index
      %get3A_1037 = arith.constant 48 : index
      %get3A_1038 = tpu.vector_load %arg10[%get3A_1036, %get3A_1037] {strides = array<i32>} : memref<640x64xf32, #tpu.memory_space<vmem>>, vector<16xf32>,
      %add3A_1039 = arith.addf %add3A_1031, %get3A_1038 : vector<16xf32>
      %mul3A_1040 = arith.constant 20 : i32
      %mul3A_1041 = arith.muli %scan3A_376, %mul3A_1040 : i32
      %add3A_1042 = arith.constant 19 : i32
      %add3A_1043 = arith.addi %mul3A_1041, %add3A_1042 : i32
      %get3A_1044 = arith.index_cast %add3A_1043 : i32 to index
      %get3A_1045 = arith.constant 48 : index
      %get3A_1046 = tpu.vector_load %arg10[%get3A_1044, %get3A_1045] {strides = array<i32>} : memref<640x64xf32, #tpu.memory_space<vmem>>, vector<16xf32>,
      %add3A_1047 = arith.addf %add3A_1039, %get3A_1046 : vector<16xf32>
      %mul3A_1048 = arith.constant 0.0476190485 : f32
      %mul3A_1049 = vector.broadcast %mul3A_1048 : f32 to vector<16xf32>
      %mul3A_1050 = arith.mulf %add3A_1047, %mul3A_1049 : vector<16xf32>
      %swap3A_1051 = arith.index_cast %add3A_379 : i32 to index
      %swap3A_1052 = arith.constant 48 : index
      %swap3A_1053 = tpu.vector_load %arg13[%swap3A_1051, %swap3A_1052] {strides = array<i32>} : memref<128x64xf32, #tpu.memory_space<vmem>>, vector<16xf32>,
      tpu.vector_store %arg13[%swap3A_1051, %swap3A_1052], %mul3A_1050 {strides = array<i32>} : memref<128x64xf32, #tpu.memory_space<vmem>>, vector<16xf32>,
      %scan3A_1054 = arith.constant 0 : i32
      scf.yield %scan3A_1054 : i32
    }
    %scan3A_375 = arith.constant 32 : i32
    "tpu.region"() ({
      %run_scoped3A = tpu.sem_alloc : memref<!tpu.dma_semaphore, #tpu.memory_space<semaphore_mem>>
      %dma_start3A_376 = arith.constant 0 : i32
      %dma_start3A_377 = tpu.memref_slice %arg6[%mul3A_2, %dma_start3A_376] : memref<4096x64xf32, #tpu.memory_space<hbm>> -> memref<128x64xf32, #tpu.memory_space<hbm>>
      %dma_start3A_378 = arith.constant 0 : i32
      %dma_start3A_379 = tpu.memref_slice %arg6[%mul3A_2, %dma_start3A_378] : memref<4096x64xf32, #tpu.memory_space<hbm>> -> memref<128x64xf32, #tpu.memory_space<hbm>>
      tpu.enqueue_dma source(%arg13 : memref<128x64xf32, #tpu.memory_space<vmem>>) target(%dma_start3A_379 : memref<128x64xf32, #tpu.memory_space<hbm>>) target_semaphore(%run_scoped3A : memref<!tpu.dma_semaphore, #tpu.memory_space<semaphore_mem>>)
      %dma_wait3A_380 = arith.constant 0 : i32
      %dma_wait3A_381 = tpu.memref_slice %arg6[%mul3A_2, %dma_wait3A_380] : memref<4096x64xf32, #tpu.memory_space<hbm>> -> memref<128x64xf32, #tpu.memory_space<hbm>>
      %dma_wait3A_382 = arith.constant 0 : i32
      %dma_wait3A_383 = tpu.memref_slice %arg6[%mul3A_2, %dma_wait3A_382] : memref<4096x64xf32, #tpu.memory_space<hbm>> -> memref<128x64xf32, #tpu.memory_space<hbm>>
      tpu.wait_dma2 semaphore(%run_scoped3A : memref<!tpu.dma_semaphore, #tpu.memory_space<semaphore_mem>>) src(%arg13 : memref<128x64xf32, #tpu.memory_space<vmem>>) dst(%dma_wait3A_383 : memref<128x64xf32, #tpu.memory_space<hbm>>)
      tpu.yield
    }) : () -> ()
    "tpu.region"() ({
      %run_scoped3A = tpu.sem_alloc : memref<!tpu.dma_semaphore, #tpu.memory_space<semaphore_mem>>
      %dma_start3A_376 = arith.constant 0 : i32
      %dma_start3A_377 = tpu.memref_slice %arg7[%mul3A_2, %dma_start3A_376] : memref<4096x64xf32, #tpu.memory_space<hbm>> -> memref<128x64xf32, #tpu.memory_space<hbm>>
      %dma_start3A_378 = arith.constant 0 : i32
      %dma_start3A_379 = tpu.memref_slice %arg7[%mul3A_2, %dma_start3A_378] : memref<4096x64xf32, #tpu.memory_space<hbm>> -> memref<128x64xf32, #tpu.memory_space<hbm>>
      tpu.enqueue_dma source(%arg11 : memref<128x64xf32, #tpu.memory_space<vmem>>) target(%dma_start3A_379 : memref<128x64xf32, #tpu.memory_space<hbm>>) target_semaphore(%run_scoped3A : memref<!tpu.dma_semaphore, #tpu.memory_space<semaphore_mem>>)
      %dma_wait3A_380 = arith.constant 0 : i32
      %dma_wait3A_381 = tpu.memref_slice %arg7[%mul3A_2, %dma_wait3A_380] : memref<4096x64xf32, #tpu.memory_space<hbm>> -> memref<128x64xf32, #tpu.memory_space<hbm>>
      %dma_wait3A_382 = arith.constant 0 : i32
      %dma_wait3A_383 = tpu.memref_slice %arg7[%mul3A_2, %dma_wait3A_382] : memref<4096x64xf32, #tpu.memory_space<hbm>> -> memref<128x64xf32, #tpu.memory_space<hbm>>
      tpu.wait_dma2 semaphore(%run_scoped3A : memref<!tpu.dma_semaphore, #tpu.memory_space<semaphore_mem>>) src(%arg11 : memref<128x64xf32, #tpu.memory_space<vmem>>) dst(%dma_wait3A_383 : memref<128x64xf32, #tpu.memory_space<hbm>>)
      tpu.yield
    }) : () -> ()
    return
  }
}

</mosaic_0001>

<sc_bundles>
// kernel: kernel.4.cloned.1.call-start
scs
__scs_entry_jumppad:
0x0: {  	(pc) =	sbr.rel $0x88, $3  }
0x1: {  	(tag) =	ssettag $0x0;
	lr =	simm.s32 $0x1  }
0x2: {  	[smem:$0x3F9C] =	sst lr;
	_ =	strace $0xD0000000  }
0x3: {  	_ = 	snop  }
0x4: {  	_ = 	snop  }
0x5: {  	_ = 	snop  }
0x6: {  	_ = 	snop  }
0x7: {  	_ = 	snop  }
__scs_overlays_trampoline_lowered:
0x8: {  	[smem:$0x3FAB] =	sst s0  }
0x9: {  	[smem:$0x3FAC] =	sst s1  }
0xa: {  	[smem:$0x3FAD] =	sst s2  }
0xb: {  	[smem:$0x3FAE] =	sst s3  }
0xc: {  	[smem:$0x3FAF] =	sst s4  }
0xd: {  	[smem:$0x3FB0] =	sst s5  }
0xe: {  	[smem:$0x3FB1] =	sst s6  }
0xf: {  	[smem:$0x3FB2] =	sst s7  }
0x10: {  	[smem:$0x3FB3] =	sst s8  }
0x11: {  	[smem:$0x3FB4] =	sst s9;
	s0 =	simm.s32 @!p0 $0x0  }
0x12: {  	s1 =	sld [smem:$0x3F9A];
	s0 =	simm.s32 @p0 $0x1  }
0x13: {  	[smem:$0x3FB5] =	sst s0;
	s0 =	simm.s32 @!p1 $0x0  }
0x14: {  	s2 =	sld [smem:$0x3F99];
	s0 =	simm.s32 @p1 $0x1  }
0x15: {  	[smem:$0x3FB6] =	sst s0;
	s0 =	simm.s32 @!p2 $0x0  }
0x16: {  	s3 =	sld [smem:$0x3FDB];
	s0 =	simm.s32 @p2 $0x1  }
0x17: {  	s4 =	simm.s32 $0x1BF5;
	[smem:$0x3FB8] =	sst s0  }
0x18: {  	s0 =	sld [smem:$0x3F9B];
	_ =	swait.ge [sflag:s4], $0x0  }
0x19: {  	s7 =	sld [smem:$0x3F9C]  }
0x1a: {  	s8 =	sadd.s32 $0xFFFFE003, lr  }
0x1b: {  	s9 =	sadd.s32 $0xFFFFFEF7, lr;
	s5 =	simm.s32 $0xFFFFFFFF;
	p2 =	slt.u32 s8, $0xFFFFF086  }
0x1c: {  	p1 =	slt.u32 s9, $0xF7A;
	s5 =	simm.s32 @!p2 $0x0  }
0x1d: {  	s5 =	simm.s32 @p1 $0x1;
	p0 =	seq.s32 s7, s2  }
0x1e: {  	s7 =	smul.u32 @!p0 $0xF7A, s2;
	p2 =	seq.s32 @!p0 s5, $0x0  }
0x1f: {  	s9 =	smul.u32 $0xF7A, s1;
	s8 =	simm.s32 @!p0 $0x1BF5;
	p2 =	por !p2, p0  }
0x20: {  	[sflag:s8] =	ssyncset.s32 @!p0 $0xFFFFF086;
	s6 =	sadd.s32 @!p0 s3, s7;
	s7 =	simm.s32 @!p0 $0x108  }
0x21: {  	s3 =	sadd.s32 s3, s9;
	s6 =	sadd.s32 @!p0 $0x88, s6;
	s7 =	simm.s32 @p2 $0x1082  }
0x22: {  	[simem:s7], [sflag:s8] =	dma.local @!p0 [hbm:s6], $0xF7A  }
0x23: {  	s9 =	sor.u32 $0xD0000000, s2;
	s6 =	simm.s32 $0x108;
	_ =	swait.ge @!p0 [sflag:s8], $0x0  }
0x24: {  	s3 =	sadd.s32 $0x88, s3;
	s6 =	simm.s32 @!p1 $0x1082;
	[sflag:s4] =	ssyncset.s32 $0xFFFFF086  }
0x25: {  	[simem:s6], [sflag:s4] =	dma.local [hbm:s3], $0xF7A  }
0x26: {  	[smem:$0x3F9C] =	sst s1;
	(tag) =	ssettag s2;
	_ =	strace s9  }
0x27: {  	s1 =	sld [smem:$0x3FAC]  }
0x28: {  	s2 =	sld [smem:$0x3FAD]  }
0x29: {  	s4 =	sld [smem:$0x3FAF]  }
0x2a: {  	p0 =	seq.s32 s5, $0x0;
	s5 =	sld [smem:$0x3FB0]  }
0x2b: {  	s6 =	sld [smem:$0x3FB1]  }
0x2c: {  	s7 =	sld [smem:$0x3FB2]  }
0x2d: {  	s3 =	simm.s32 $0x108;
	s8 =	sld [smem:$0x3FB3]  }
0x2e: {  	s3 =	simm.s32 @!p0 $0x1082;
	s9 =	sld [smem:$0x3FB4]  }
0x2f: {  	lr =	sadd.s32 s0, s3;
	s0 =	sld [smem:$0x3FAB]  }
0x30: {  	s3 =	sld [smem:$0x3FAE]  }
0x31: {  	[smem:$0x3FB7] =	sst s10  }
0x32: {  	s10 =	sld [smem:$0x3FB5];
	_ =	sdelay $0x3  }
0x33: {  	p0 =	seq.s32 s10, $0x1;
	s10 =	sld [smem:$0x3FB7];
	_ =	sdelay $0x3  }
0x34: {  	[smem:$0x3FB7] =	sst s10  }
0x35: {  	s10 =	sld [smem:$0x3FB6];
	_ =	sdelay $0x3  }
0x36: {  	p1 =	seq.s32 s10, $0x1;
	s10 =	sld [smem:$0x3FB7];
	_ =	sdelay $0x3  }
0x37: {  	[smem:$0x3FB7] =	sst s10  }
0x38: {  	s10 =	sld [smem:$0x3FB8]  }
0x39: {  	_ = 	snop;
	(pc) =	sbr.ind lr, $3  }
0x3a: {  	_ = 	snop  }
0x3b: {  	_ = 	snop  }
0x3c: {  	p2 =	seq.s32 s10, $0x1;
	s10 =	sld [smem:$0x3FB7]  }
0x3d: {  	_ =	shalt  }
0x3e: {  	_ =	shalt  }
0x3f: {  	_ =	shalt  }
0x40: {  	_ =	shalt  }
0x41: {  	_ =	shalt  }
0x42: {  	_ =	shalt  }
0x43: {  	_ =	shalt  }
0x44: {  	_ =	shalt  }
0x45: {  	_ =	shalt  }
0x46: {  	_ =	shalt  }
0x47: {  	_ =	shalt  }
0x48: {  	_ =	shalt  }
0x49: {  	_ =	shalt  }
0x4a: {  	_ =	shalt  }
0x4b: {  	_ =	shalt  }
0x4c: {  	_ =	shalt  }
0x4d: {  	_ =	shalt  }
0x4e: {  	_ =	shalt  }
0x4f: {  	_ =	shalt  }
0x50: {  	_ =	shalt  }
0x51: {  	_ =	shalt  }
0x52: {  	_ =	shalt  }
0x53: {  	_ =	shalt  }
0x54: {  	_ =	shalt  }
0x55: {  	_ =	shalt  }
0x56: {  	_ =	shalt  }
0x57: {  	_ =	shalt  }
0x58: {  	_ =	shalt  }
0x59: {  	_ =	shalt  }
0x5a: {  	_ =	shalt  }
0x5b: {  	_ =	shalt  }
0x5c: {  	_ =	shalt  }
0x5d: {  	_ =	shalt  }
0x5e: {  	_ =	shalt  }
0x5f: {  	_ =	shalt  }
0x60: {  	_ =	shalt  }
0x61: {  	_ =	shalt  }
0x62: {  	_ =	shalt  }
0x63: {  	_ =	shalt  }
0x64: {  	_ =	shalt  }
0x65: {  	_ =	shalt  }
0x66: {  	_ =	shalt  }
0x67: {  	_ =	shalt  }
0x68: {  	_ =	shalt  }
0x69: {  	_ =	shalt  }
0x6a: {  	_ =	shalt  }
0x6b: {  	_ =	shalt  }
0x6c: {  	_ =	shalt  }
0x6d: {  	_ =	shalt  }
0x6e: {  	_ =	shalt  }
0x6f: {  	_ =	shalt  }
0x70: {  	_ =	shalt  }
0x71: {  	_ =	shalt  }
0x72: {  	_ =	shalt  }
0x73: {  	_ =	shalt  }
0x74: {  	_ =	shalt  }
0x75: {  	_ =	shalt  }
0x76: {  	_ =	shalt  }
0x77: {  	_ =	shalt  }
0x78: {  	_ =	shalt  }
0x79: {  	_ =	shalt  }
0x7a: {  	_ =	shalt  }
0x7b: {  	_ =	shalt  }
0x7c: {  	_ =	shalt  }
0x7d: {  	_ =	shalt  }
0x7e: {  	_ =	shalt  }
0x7f: {  	_ =	shalt  }
0x80: {  	_ =	shalt  }
0x81: {  	_ =	shalt  }
0x82: {  	_ =	shalt  }
0x83: {  	_ =	shalt  }
0x84: {  	_ =	shalt  }
0x85: {  	_ =	shalt  }
0x86: {  	_ =	shalt  }
0x87: {  	_ =	shalt  }
.Lfunc_end0:
.L_simem_size_0:
called_computation_lowered:
.L_overlay_start_0:
0x88: {  	s2 =	sld [smem:$0x3FD9]  }
0x89: {  	s3 =	sld [smem:$0x3FFE];
	_ =	sdelay $0x1  }
0x8a: {  	s1 =	srdreg.scid  }
0x8b: {  	s0 =	sand.u32 $0x1, s1  }
0x8c: {  	s15 =	sshll.u32 s0, $0xA;
	s2 =	sadd.s32 s3, s2  }
0x8d: {  	s2 =	sadd.s32 s2, s15  }
0x8e: {  	[smem:$0x3FC3] =	sst s2  }
0x8f: {  	_ = 	snop  }
0x90: {  	s16 =	sld [smem:$0x3FD0];
	_ =	sdelay $0x2  }
0x91: {  	s4 =	simm.s32 $0xB;
	s5 =	simm.s32 $0x10;
	s2 =	sld [smem:$0x3FC8]  }
0x92: {  	[smem:s5], [sflag:s4] =	dma.local [hbm:s16], $0x1  }
0x93: {  	_ =	swait.eq [sflag:s4], $0x1  }
0x94: {  	[sflag:s4] =	ssyncset.done $0x0  }
0x95: {  	s17 =	sld [smem:$0x10];
	[sflag:s4] =	ssyncadd.s32 $0xFFFFFFFF  }
0x96: {  	s18 =	sld [smem:$0x11];
	(tm) =	ssettm $0x1  }
0x97: {  	s19 =	sld [smem:$0x3FFB];
	_ =	sdelay $0x3  }
0x98: {  	_ =	strace s19  }
0x99: {  	s3 =	sld [smem:$0x3FFC];
	_ =	sdelay $0x3  }
0x9a: {  	_ =	strace s3  }
0x9b: {  	s3 =	sld [smem:$0x3FFD];
	_ =	sdelay $0x3  }
0x9c: {  	_ =	strace s3  }
0x9d: {  	_ =	strace $0x8FFFFFFF  }
0x9e: {  	s20 =	sld [smem:$0x3FDB];
	_ =	sdelay $0x1  }
0x9f: {  	s6 =	simm.s32 $_scs_section_size  }
0xa0: {  	s7 =	simm.s32 $_size__tile_overlayer_lowered;
	s8 =	simm.s32 $_tile_overlayer_lowered  }
0xa1: {  	s9 =	simm.s32 $0x1BFF;
	s21 =	sshll.u32 s8, $0x1;
	s6 =	sadd.s32 s6, s20  }
0xa2: {  	s22 =	simm.s32 $0x0;
	s7 =	sshll.u32 s7, $0x1;
	s8 =	sadd.s32 s21, s6  }
0xa3: {  	[timem:s22], [sflag:s9] =	dma.local [hbm:s8], s7  }
0xa4: {  	_ =	swait.ge [sflag:s9], s7  }
0xa5: {  	s7 =	ssub.s32 $0x0, s7;
	[sflag:s9] =	ssyncset.done $0x0  }
0xa6: {  	[sflag:s9] =	ssyncadd.s32 s7;
	_ =	sdelay $0x1  }
0xa7: {  	s23 =	simm.s32 $0x1B8B  }
0xa8: {  	_ =	swait.ge [sflag:s23], $0x1  }
0xa9: {  	[sflag:s23] =	ssyncset.done $0x0  }
0xaa: {  	[sflag:s23] =	ssyncadd.s32 $0xFFFFFFFF  }
0xab: {  	s7 =	sld [smem:$0x0]  }
0xac: {  	s8 =	sand.u32 $0xFFFFFFFE, s1  }
0xad: {  	p0 =	sne.s32 s1, s8  }
0xae: {  	s8 =	sshll.u32 @p0 s8, $0xE  }
0xaf: {  	s8 =	sadd.s32 @p0 $0x11B8D, s8;
	s9 =	sshll.u32 @p0 s7, $0x11  }
0xb0: {  	s8 =	sor.u32 @p0 s9, s8  }
0xb1: {  	[sflag:s8] =	ssyncadd.remote.s32 @p0 $0x1;
	_ =	sdelay $0x1  }
0xb2: {  	s8 =	simm.s32 @p0 $0x1B8D  }
0xb3: {  	_ =	swait.eq @p0 [sflag:s8], $0x1  }
0xb4: {  	[sflag:s8] =	ssyncadd.s32 @p0 $0xFFFFFFFF  }
0xb5: {  	s9 =	sshll.u32 @!p0 s1, $0xE  }
0xb6: {  	s9 =	sor.u32 @!p0 $0x4000, s9;
	s8 =	simm.s32 @!p0 $0x1B8D  }
0xb7: {  	s7 =	sshll.u32 @!p0 s7, $0x11;
	s9 =	sadd.s32 @!p0 $0x11B8D, s9;
	_ =	swait.eq @!p0 [sflag:s8], $0x1  }
0xb8: {  	s7 =	sor.u32 @!p0 s7, s9;
	[sflag:s8] =	ssyncadd.s32 @!p0 $0xFFFFFFFF  }
0xb9: {  	s25 =	simm.s32 $0x1B8E;
	s24 =	sld [smem:$0x3FFE];
	[sflag:s7] =	ssyncadd.remote.s32 @!p0 $0x1  }
0xba: {  	s26 =	simm.s32 $execute0_lowered;
	[smem:$0x3FD2] =	sst s25  }
0xbb: {  	s8 =	sshll.u32 s26, $0x1;
	_ =	strace $0x80000049;
	[dreg:$0x1] =	wrdreg $0xFFFFFFFF  }
0xbc: {  	s28 =	simm.s32 $_size_execute0_lowered;
	s6 =	sadd.s32 s6, s8;
	[dreg:$0x0] =	wrdreg $0x0  }
0xbd: {  	s8 =	sshll.u32 s28, $0x1;
	[dreg:$0x2] =	wrdreg s6  }
0xbe: {  	[dreg:$0x3] =	wrdreg s8  }
0xbf: {  	[dreg:$0x4] =	wrdreg $0xC0  }
0xc0: {  	_ =	task [dreg:s22], $0x5FFFF  }
0xc1: {  	[dreg:$0x1] =	wrdreg $0xFFFFFFFF  }
0xc2: {  	[dreg:$0x0] =	wrdreg $0x60  }
0xc3: {  	[dreg:$0x2] =	wrdreg s17  }
0xc4: {  	[dreg:$0x3] =	wrdreg s2  }
0xc5: {  	[dreg:$0x4] =	wrdreg s24  }
0xc6: {  	[dreg:$0x5] =	wrdreg s18  }
0xc7: {  	[dreg:$0x6] =	wrdreg $0x9  }
0xc8: {  	_ =	task.clear_ibuf [dreg:s22], $0x7FFFF;
	_ =	strace $0x90000049  }
0xc9: {  	s29 =	simm.s32 $0x9;
	_ =	strace $0x8000004B  }
0xca: {  	_ =	swait.ge [sflag:s29], $0x1  }
0xcb: {  	[sflag:s29] =	ssyncadd.s32 $0xFFFFFFFF  }
0xcc: {  	_ =	strace $0x9000004B  }
0xcd: {  	_ =	sfence  }
0xce: {  	s30 =	sld [smem:$0x0];
	_ =	sdelay $0x2  }
0xcf: {  	s31 =	sshll.u32 s1, $0xD;
	s1 =	sshrl.u32 s1, $0x2  }
0xd0: {  	s4 =	sand.u32 $0x4000, s31;
	s1 =	sadd.s32 s1, s30  }
0xd1: {  	s0 =	sor.u32 s4, s0;
	s1 =	sshll.u32 s1, $0x11  }
0xd2: {  	s0 =	sor.u32 s1, s0  }
0xd3: {  	s0 =	sadd.s32 $0x8F2B, s0  }
0xd4: {  	[sflag:s0] =	ssyncadd.remote.s32 $0x1  }
0xd5: {  	_ =	sfence.sel $0xFFFF  }
0xd6: {  	[dreg:$0x0] =	wrdreg $0xFFFFFFFF;
	(pc) =	sbr.abs _section_cstart, $3  }
0xd7: {  	[dreg:$0x1] =	wrdreg $0xFFFFFFFF  }
0xd8: {  	_ =	task.clear_ibuf [dreg:s22], $0x2FFFF;
	_ =	strace $0x9FFFFFFF  }
0xd9: {  	(tm) =	ssettm $0x7FFFFFFF  }
tec
execute0_lowered:
.L_overlay_start_1:
0x0: {  	(tag) =	ssettag $0x1  }
0x1: {  	s0 =	rddreg [dreg:$0x0]  }
0x2: {  	s1 =	rddreg [dreg:$0x1]  }
0x3: {  	s5 =	rddreg [dreg:$0x2]  }
0x4: {  	s7 =	rddreg [dreg:$0x3];
	s2 =	simm.s32 $0x0  }
0x5: {  	s3 =	srdreg.scid;
	s6 =	stileid.u32;
	s13 =	simm.s32 $0x1AB00  }
0x6: {  	s12 =	simm.s32 $0x80;
	s14 =	simm.s32 $0x1AA80;
	s17 =	simm.s32 $0xA80  }
0x7: {  	s19 =	simm.s32 $0x2A80;
	s21 =	simm.s32 $0x4A80;
	s23 =	simm.s32 $0x6A80  }
0x8: {  	s25 =	simm.s32 $0x8A80;
	s28 =	simm.s32 $0x1;
	s30 =	simm.s32 $0xAA80  }
0x9: {  	s15 =	simm.s32 $0xEA80;
	s18 =	simm.s32 $0x10A80;
	s22 =	simm.s32 $0x12A80  }
0xa: {  	s24 =	simm.s32 $0x2;
	s31 =	simm.s32 $0x0;
	[smem:$0x7FF] =	sst s2  }
0xb: {  	s4 =	sand.u32 $0x1, s3;
	s6 =	sshll.u32 s6, $0x1;
	s3 =	sadd.s32 $0x1A7400, s5  }
0xc: {  	_ =	strace $0x8000004A;
	s6 =	sor.u32 s4, s6;
	s9 =	ssub.s32 $0x2, s4  }
0xd: {  	s4 =	sadd.s32 $0xF62E00, s5;
	s8 =	sshll.u32 s6, $0xA;
	s10 =	smul.u32 $0x150, s6  }
0xe: {  	v1 =	vimm.s32 $0x36147250;
	s26 =	sshrl.u32 s9, $0x1;
	s29 =	sshll.u32 s6, $0x4;
	s11 =	sadd.s32 s8, s5  }
0xf: {  	v2 =	vunpack.c.l.s4.s8 v1;
	s9 =	ssub.s32 s9, s26;
	s6 =	sadd.s32 s1, s29;
	s7 =	sadd.s32 s7, s8  }
0x10: {  	v0 =	vlaneseq.u32;
	v3 =	vimm.s32 $0x0;
	s26 =	simm.s32 $0x3;
	s5 =	sadd.s32 s0, s10;
	s8 =	sadd.s32 $0x20A00, s11  }
0x11: {  	v1 =	vmul.u32 $0x15, v0;
	v4 =	vadd.s32 $0x1, v0;
	v2 =	vunpack.c.0.s8.s32 v2;
	s9 =	smax.u32 s9, $0x1;
	s10 =	simm.s32 $0x4;
	s0 =	simm.s32 $0xCA80  }
.LBB2_1:
0x12: {  	v5 =	vmov s2  }
0x13: {  	v5 =	vmul.u32 $0x15, v5;
	_ =	sdelay $0x1  }
0x14: {  	v5 =	vbroadcast v5, $0x0  }
0x15: {  	[tilespmem:s2], [sflag:$0x4] =	stream.linear.gather [hbm4b:s5+s2], $0xA80, $0x38;
	[tilespmem:$0x1B580] =	vst v63  }
0x16: {  	s1 =	simm.s32 $0x10;
	_ =	swait.ge [sflag:s10], $0xA80;
	v5 =	vadd.s32 v1, v5  }
0x17: {  	v6 =	vmov s1;
	[sflag:s10] =	ssyncset.done $0x0;
	v5 =	vand.u32 $0xFFFFFFF8, v5  }
0x18: {  	v6 =	vmul.u32 $0x15, v6;
	[sflag:s10] =	ssyncadd.s32 $0xFFFFF580;
	v5 =	vor.u32 v2, v5  }
0x19: {  	[tilespmem:s13], [sflag:$0x4] =	stream.linear.gather [hbm4b:s6+s2], $0x80, $0x38;
	[tilespmem:$0x1B580] =	vst v63  }
0x1a: {  	v6 =	vbroadcast v6, $0x0;
	_ =	swait.ge [sflag:s10], $0x80  }
0x1b: {  	[sflag:s10] =	ssyncset.done $0x0  }
0x1c: {  	s20 =	simm.s32 $0x20;
	v6 =	vadd.s32 v1, v6;
	[sflag:s10] =	ssyncadd.s32 $0xFFFFFF80  }
0x1d: {  	v7 =	vmov s20;
	v6 =	vand.u32 $0xFFFFFFF8, v6;
	v5 =	vld.idx.msk [tilespmem:v5+s2+$0x0], $0xffff  }
0x1e: {  	v7 =	vmul.u32 $0x15, v7;
	v6 =	vor.u32 v2, v6;
	_ =	sdelay $0x1  }
0x1f: {  	v7 =	vbroadcast v7, $0x0;
	_ =	sdelay $0x1  }
0x20: {  	v7 =	vadd.s32 v1, v7;
	[tilespmem:s14+$0x0] =	vst v5  }
0x21: {  	s29 =	simm.s32 $0x30;
	v8 =	vand.u32 $0xFFFFFFF8, v7;
	v5 =	vld.idx.msk [tilespmem:v6+s2+$0x0], $0xffff  }
0x22: {  	s11 =	simm.s32 $0x40;
	s1 =	simm.s32 $0x1AA80;
	v7 =	vmov s29;
	v6 =	vor.u32 v2, v8  }
.LBB2_2:
0x23: {  	p0 =	sne.s32 s11, $0x70;
	v7 =	vmul.u32 $0x15, v7;
	_ =	sdelay $0x1  }
.Ltmp0:
0x24: {  	s1 =	sadd.s32 $0x10, s1;
	v7 =	vbroadcast v7, $0x0;
	(pc) =	sbr.rel @p0 .LBB2_2-.Ltmp0, $4  }
0x25: {  	s16 =	simm.s32 $0x0;
	[tilespmem:s1+$0x0] =	vst v5  }
0x26: {  	v7 =	vadd.s32 v1, v7;
	v5 =	vld.idx.msk [tilespmem:v6+s16+$0x0], $0xffff  }
0x27: {  	v6 =	vand.u32 $0xFFFFFFF8, v7  }
0x28: {  	v7 =	vmov s11;
	s11 =	sadd.s32 $0x10, s11;
	v6 =	vor.u32 v2, v6  }
0x29: {  	v7 =	vmul.u32 $0x15, v7;
	_ =	sdelay $0x1  }
0x2a: {  	v7 =	vbroadcast v7, $0x0  }
0x2b: {  	s1 =	sadd.s32 $0x10, s1  }
0x2c: {  	[tilespmem:s1+$0x0] =	vst v5;
	v5 =	vadd.s32 v1, v7  }
0x2d: {  	v6 =	vld.idx.msk [tilespmem:v6+s16+$0x0], $0xffff;
	v5 =	vand.u32 $0xFFFFFFF8, v5  }
0x2e: {  	v5 =	vor.u32 v2, v5;
	_ =	sdelay $0x2  }
0x2f: {  	s1 =	sadd.s32 $0x10, s1  }
0x30: {  	[tilespmem:s1+$0x0] =	vst v6  }
0x31: {  	p3 =	por $0x1, $0x1;
	v5 =	vld.idx.msk [tilespmem:v5+s16+$0x0], $0xffff  }
.Ltmp1:
0x32: {  	_ = 	snop;
	(pc) =	sbr.rel @!p3 .LBB2_4-.Ltmp1, $3  }
0x33: {  	_ =	sdelay $0x1  }
0x34: {  	s29 =	simm.s32 $0x10;
	p0 =	por $0x0, $0x0;
	s11 =	sadd.s32 $0x10, s1  }
0x35: {  	p1 =	por $0x0, $0x0;
	p2 =	por $0x0, $0x0;
	s1 =	simm.s32 $0x1AB80;
	[tilespmem:s11+$0x0] =	vst v5;
	v5 =	vor.u32 s16, v0  }
0x36: {  	v6 =	vmulhi.u32 $0xCCCCCCCD, v5  }
0x37: {  	p3 =	por $0x1, $0x1  }
.Ltmp2:
0x38: {  	v6 =	vshrl.u32 v6, $0x4;
	(pc) =	sbr.rel @!p3 .LBB2_6-.Ltmp2, $4  }
0x39: {  	v7 =	vmul.u32 $0xFFFFFFEC, v6  }
0x3a: {  	v8 =	vmov s16;
	v5 =	vsub.s32 $0x0, v5  }
0x3b: {  	vm0 =	veq.s32 v8, v0;
	vm1 =	vne.s32 v7, v5  }
0x3c: {  	s20 =	simm.s32 $0x20;
	p0 =	por $0x1, $0x1;
	v5 =	vor.u32 s29, v0;
	vm0 =	vmand vm0, vm1  }
0x3d: {  	v7 =	vmulhi.u32 $0xCCCCCCCD, v5  }
0x3e: {  	v8 =	vsel vm0, $0xFFFFFFFF, v3;
	p3 =	por $0x1, $0x1  }
.Ltmp3:
0x3f: {  	v8 =	vadd.s32 v8, v6;
	v6 =	vshrl.u32 v7, $0x4;
	(pc) =	sbr.rel @!p3 .LBB2_8-.Ltmp3, $4  }
0x40: {  	v7 =	vmul.u32 $0xFFFFFFEC, v6  }
0x41: {  	v9 =	vmov s29;
	v5 =	vsub.s32 $0x0, v5  }
0x42: {  	vm0 =	veq.s32 v9, v0;
	v8 =	vadd.s32 s16, v8;
	vm1 =	vne.s32 v7, v5  }
0x43: {  	p1 =	por $0x1, $0x1;
	s16 =	simm.s32 $0x30;
	v7 =	vadd.s32 v4, v8;
	v5 =	vor.u32 s20, v0;
	vm0 =	vmand vm0, vm1  }
0x44: {  	v8 =	vmulhi.u32 $0xCCCCCCCD, v5  }
0x45: {  	v9 =	vsel vm0, $0xFFFFFFFF, v3  }
0x46: {  	v9 =	vadd.s32 v9, v6;
	v6 =	vshrl.u32 v8, $0x4  }
0x47: {  	v8 =	vmul.u32 $0xFFFFFFEC, v6  }
0x48: {  	v5 =	vsub.s32 $0x0, v5;
	p3 =	por $0x1, $0x1  }
.Ltmp4:
0x49: {  	v9 =	vadd.s32 s29, v9;
	vm1 =	vne.s32 v8, v5;
	v8 =	vld.idx.msk [tilespmem:v7+s2+$0x0], $0xffff;
	(pc) =	sbr.rel @!p3 .LBB2_10-.Ltmp4, $4  }
0x4a: {  	v9 =	vadd.s32 v4, v9  }
0x4b: {  	v10 =	vmov s20  }
0x4c: {  	vm0 =	veq.s32 v10, v0  }
0x4d: {  	p2 =	por $0x1, $0x1;
	s11 =	simm.s32 $0x1AB80;
	s29 =	simm.s32 $0x40;
	v5 =	vor.u32 s16, v0;
	vm0 =	vmand vm0, vm1  }
.LBB2_11:
0x4e: {  	p3 =	sne.s32 s29, $0x9F0;
	v10 =	vmulhi.u32 $0xCCCCCCCD, v5;
	v11 =	vsel vm0, $0xFFFFFFFF, v3;
	[tilespmem:s11+$0x0] =	vst v8  }
0x4f: {  	v11 =	vadd.s32 v11, v6;
	v8 =	vld.idx.msk [tilespmem:v9+s2+$0x0], $0xffff  }
.Ltmp5:
0x50: {  	v6 =	vshrl.u32 v10, $0x4;
	v9 =	vadd.s32 s20, v11;
	s20 =	smov.u32 s16;
	s16 =	smov.u32 s29;
	(pc) =	sbr.rel @p3 .LBB2_11-.Ltmp5, $4  }
0x51: {  	v10 =	vmul.u32 $0xFFFFFFEC, v6;
	v9 =	vadd.s32 v4, v9  }
0x52: {  	v5 =	vsub.s32 $0x0, v5;
	v11 =	vmov s20  }
0x53: {  	vm0 =	veq.s32 v11, v0;
	vm1 =	vne.s32 v10, v5  }
0x54: {  	s11 =	sadd.s32 $0x10, s11;
	s29 =	sadd.s32 $0x10, s29;
	v5 =	vor.u32 s16, v0;
	vm0 =	vmand vm0, vm1  }
0x55: {  	s29 =	smov.u32 s20  }
.LBB2_13:
0x56: {  	_ =	sdelay $0x1  }
0x57: {  	v10 =	vsel @p0 vm0, $0xFFFFFFFF, v3  }
0x58: {  	v11 =	vmulhi.u32 $0xCCCCCCCD, v5;
	[tilespmem:s11+$0x0] =	vst @p2 v8;
	v6 =	vadd.s32 @p0 v10, v6  }
0x59: {  	v8 =	vld.idx.msk @p1 [tilespmem:v9+s2+$0x0], $0xffff;
	v6 =	vadd.s32 @p0 s29, v6  }
0x5a: {  	v38 =	vshrl.u32 v11, $0x4;
	v6 =	vadd.s32 @p0 v4, v6  }
0x5b: {  	v39 =	vmul.u32 $0xFFFFFFEC, v38;
	v6 =	vpsel p0, v6, v7  }
0x5c: {  	v5 =	vsub.s32 $0x0, v5;
	v7 =	vmov s16  }
0x5d: {  	s11 =	sadd.s32 @p2 $0x10, s11;
	s20 =	simm.s32 $0x1AB80;
	vm15 =	veq.s32 v7, v0;
	vm1 =	vne.s32 v39, v5  }
0x5e: {  	s20 =	smov.u32 @p2 s11;
	vm0 =	vmand vm15, vm1;
	v5 =	vpsel p1, v8, v0  }
0x5f: {  	v7 =	vsel vm0, $0xFFFFFFFF, v3;
	[tilespmem:s20+$0x0] =	vst @p1 v5  }
0x60: {  	v5 =	vadd.s32 v7, v38;
	v6 =	vld.idx.msk @p0 [tilespmem:v6+s2+$0x0], $0xffff  }
0x61: {  	v5 =	vadd.s32 s16, v5  }
0x62: {  	v5 =	vadd.s32 v4, v5;
	_ =	sdelay $0x1  }
0x63: {  	s11 =	sadd.s32 @p1 $0x10, s20;
	s16 =	simm.s32 $0x1AB80  }
0x64: {  	s16 =	smov.u32 @p1 s11;
	v6 =	vpsel p0, v6, v0  }
0x65: {  	[tilespmem:s16+$0x0] =	vst @p0 v6  }
0x66: {  	v5 =	vld.idx.msk [tilespmem:v5+s2+$0x0], $0xffff;
	_ =	sdelay $0x2  }
0x67: {  	s11 =	sadd.s32 @p0 $0x10, s16  }
0x68: {  	s1 =	smov.u32 @p0 s11  }
0x69: {  	s20 =	simm.s32 $0x14A80;
	[tilespmem:s1+$0x0] =	vst v5  }
0x6a: {  	[tilespmem:s20], [sflag:$0x3] =	stream.indirect.gather [hbm4b:s4+s12], $0x40, s13, s12, $0xb8;
	[tilespmem:$0x1B580] =	vst v63  }
0x6b: {  	s29 =	simm.s32 $0x16A80  }
0x6c: {  	[tilespmem:s29], [sflag:$0x3] =	stream.indirect.gather [hbm4b:s3+s12], $0x40, s14, s12, $0xb8;
	[tilespmem:$0x1B580] =	vst v63  }
0x6d: {  	s11 =	simm.s32 $0x1AB80  }
0x6e: {  	[tilespmem:s17], [sflag:$0x1] =	stream.indirect.gather [hbm4b:s4+s12], $0x40, s11, s12, $0xb8;
	[tilespmem:$0x1B580] =	vst v63  }
0x6f: {  	s13 =	simm.s32 $0x1AC00  }
0x70: {  	[tilespmem:s19], [sflag:$0x1] =	stream.indirect.gather [hbm4b:s4+s12], $0x40, s13, s12, $0xb8;
	[tilespmem:$0x1B580] =	vst v63  }
0x71: {  	s16 =	simm.s32 $0x1AC80  }
0x72: {  	[tilespmem:s21], [sflag:$0x1] =	stream.indirect.gather [hbm4b:s4+s12], $0x40, s16, s12, $0xb8;
	[tilespmem:$0x1B580] =	vst v63  }
0x73: {  	s20 =	simm.s32 $0x1AD00  }
0x74: {  	[tilespmem:s23], [sflag:$0x1] =	stream.indirect.gather [hbm4b:s4+s12], $0x40, s20, s12, $0xb8;
	[tilespmem:$0x1B580] =	vst v63  }
0x75: {  	s29 =	simm.s32 $0x1AD80  }
0x76: {  	[tilespmem:s25], [sflag:$0x1] =	stream.indirect.gather [hbm4b:s4+s12], $0x40, s29, s12, $0xb8;
	[tilespmem:$0x1B580] =	vst v63  }
0x77: {  	_ =	swait.ge [sflag:s26], $0x2000  }
0x78: {  	[sflag:s26] =	ssyncset.done $0x0  }
0x79: {  	[sflag:s26] =	ssyncadd.s32 $0xFFFFE000  }
0x7a: {  	_ =	swait.ge [sflag:s26], $0x2000  }
0x7b: {  	[sflag:s26] =	ssyncset.done $0x0  }
0x7c: {  	[sflag:s26] =	ssyncadd.s32 $0xFFFFE000  }
0x7d: {  	_ =	swait.ge [sflag:s28], $0x2000  }
0x7e: {  	[sflag:s28] =	ssyncset.done $0x0  }
0x7f: {  	[sflag:s28] =	ssyncadd.s32 $0xFFFFE000  }
0x80: {  	_ =	swait.ge [sflag:s28], $0x2000  }
0x81: {  	[sflag:s28] =	ssyncset.done $0x0  }
0x82: {  	[sflag:s28] =	ssyncadd.s32 $0xFFFFE000  }
0x83: {  	_ =	swait.ge [sflag:s28], $0x2000  }
0x84: {  	[sflag:s28] =	ssyncset.done $0x0  }
0x85: {  	[sflag:s28] =	ssyncadd.s32 $0xFFFFE000  }
0x86: {  	_ =	swait.ge [sflag:s28], $0x2000  }
0x87: {  	[sflag:s28] =	ssyncset.done $0x0  }
0x88: {  	[sflag:s28] =	ssyncadd.s32 $0xFFFFE000  }
0x89: {  	_ =	swait.ge [sflag:s28], $0x2000  }
0x8a: {  	[sflag:s28] =	ssyncset.done $0x0  }
0x8b: {  	s11 =	simm.s32 $0x1AE00;
	[sflag:s28] =	ssyncadd.s32 $0xFFFFE000  }
0x8c: {  	[tilespmem:s30], [sflag:$0x2] =	stream.indirect.gather [hbm4b:s4+s12], $0x40, s11, s12, $0xb8;
	[tilespmem:$0x1B580] =	vst v63  }
0x8d: {  	s13 =	simm.s32 $0x1AE80  }
0x8e: {  	[tilespmem:s0], [sflag:$0x2] =	stream.indirect.gather [hbm4b:s4+s12], $0x40, s13, s12, $0xb8;
	[tilespmem:$0x1B580] =	vst v63  }
0x8f: {  	s16 =	simm.s32 $0x1AF00  }
0x90: {  	[tilespmem:s15], [sflag:$0x2] =	stream.indirect.gather [hbm4b:s4+s12], $0x40, s16, s12, $0xb8;
	[tilespmem:$0x1B580] =	vst v63  }
0x91: {  	s20 =	simm.s32 $0x1AF80  }
0x92: {  	[tilespmem:s18], [sflag:$0x2] =	stream.indirect.gather [hbm4b:s4+s12], $0x40, s20, s12, $0xb8;
	[tilespmem:$0x1B580] =	vst v63  }
0x93: {  	s1 =	simm.s32 $0x0;
	s29 =	simm.s32 $0x1B000  }
0x94: {  	[tilespmem:s22], [sflag:$0x2] =	stream.indirect.gather [hbm4b:s4+s12], $0x40, s29, s12, $0xb8;
	[tilespmem:$0x1B580] =	vst v63  }
0x95: {  	s16 =	simm.s32 $0xD00;
	v5 =	vld [tilespmem:s1+$0x16A80]  }
0x96: {  	v6 =	vld [tilespmem:s16+$0xFFFFFD80];
	_ =	sdelay $0x1  }
0x97: {  	v7 =	vld [tilespmem:s16+$0xFFFFFDC0];
	_ =	sdelay $0x1  }
0x98: {  	v40 =	vld [tilespmem:s16+$0xFFFFFE00]  }
0x99: {  	v5 =	vadd.f32 v6, v5  }
0x9a: {  	v6 =	vld [tilespmem:s16+$0xFFFFFE40]  }
0x9b: {  	v5 =	vadd.f32 v7, v5  }
0x9c: {  	v7 =	vld [tilespmem:s16+$0xFFFFFE80]  }
0x9d: {  	v5 =	vadd.f32 v40, v5  }
0x9e: {  	v41 =	vld [tilespmem:s16+$0xFFFFFEC0]  }
0x9f: {  	v5 =	vadd.f32 v6, v5  }
0xa0: {  	v6 =	vld [tilespmem:s16+$0xFFFFFF00]  }
0xa1: {  	v5 =	vadd.f32 v7, v5  }
0xa2: {  	v7 =	vld [tilespmem:s16+$0xFFFFFF40]  }
0xa3: {  	v5 =	vadd.f32 v41, v5  }
0xa4: {  	v42 =	vld [tilespmem:s16+$0xFFFFFF80]  }
0xa5: {  	v5 =	vadd.f32 v6, v5  }
0xa6: {  	v6 =	vld [tilespmem:s16+$0xFFFFFFC0]  }
0xa7: {  	v5 =	vadd.f32 v7, v5  }
0xa8: {  	v7 =	vld [tilespmem:s16+$0x0]  }
0xa9: {  	v5 =	vadd.f32 v42, v5  }
0xaa: {  	v43 =	vld [tilespmem:s16+$0x40]  }
0xab: {  	v5 =	vadd.f32 v6, v5  }
0xac: {  	v6 =	vld [tilespmem:s16+$0x80]  }
0xad: {  	v5 =	vadd.f32 v7, v5  }
0xae: {  	v7 =	vld [tilespmem:s16+$0xC0]  }
0xaf: {  	v5 =	vadd.f32 v43, v5  }
0xb0: {  	v44 =	vld [tilespmem:s16+$0x100]  }
0xb1: {  	v5 =	vadd.f32 v6, v5  }
0xb2: {  	v6 =	vld [tilespmem:s16+$0x140]  }
0xb3: {  	v5 =	vadd.f32 v7, v5  }
0xb4: {  	v7 =	vld [tilespmem:s16+$0x180]  }
0xb5: {  	v5 =	vadd.f32 v44, v5  }
0xb6: {  	v45 =	vld [tilespmem:s16+$0x1C0]  }
0xb7: {  	v5 =	vadd.f32 v6, v5  }
0xb8: {  	v6 =	vld [tilespmem:s16+$0x200]  }
0xb9: {  	v5 =	vadd.f32 v7, v5  }
0xba: {  	v7 =	vld [tilespmem:s16+$0x240]  }
0xbb: {  	v5 =	vadd.f32 v45, v5;
	_ =	sdelay $0x1  }
0xbc: {  	v5 =	vadd.f32 v6, v5;
	_ =	sdelay $0x1  }
0xbd: {  	v5 =	vadd.f32 v7, v5;
	_ =	sdelay $0x1  }
0xbe: {  	v5 =	vmul.f32 $4.761904850e-02, v5;
	_ =	sdelay $0x1  }
0xbf: {  	[tilespmem:s1+$0x18A80] =	vst v5;
	v5 =	vld [tilespmem:s1+$0x16A90]  }
0xc0: {  	v6 =	vld [tilespmem:s16+$0xFFFFFD90];
	_ =	sdelay $0x1  }
0xc1: {  	v7 =	vld [tilespmem:s16+$0xFFFFFDD0];
	_ =	sdelay $0x1  }
0xc2: {  	v46 =	vld [tilespmem:s16+$0xFFFFFE10]  }
0xc3: {  	v5 =	vadd.f32 v6, v5  }
0xc4: {  	v6 =	vld [tilespmem:s16+$0xFFFFFE50]  }
0xc5: {  	v5 =	vadd.f32 v7, v5  }
0xc6: {  	v7 =	vld [tilespmem:s16+$0xFFFFFE90]  }
0xc7: {  	v5 =	vadd.f32 v46, v5  }
0xc8: {  	v47 =	vld [tilespmem:s16+$0xFFFFFED0]  }
0xc9: {  	v5 =	vadd.f32 v6, v5  }
0xca: {  	v6 =	vld [tilespmem:s16+$0xFFFFFF10]  }
0xcb: {  	v5 =	vadd.f32 v7, v5  }
0xcc: {  	v7 =	vld [tilespmem:s16+$0xFFFFFF50]  }
0xcd: {  	v5 =	vadd.f32 v47, v5  }
0xce: {  	v48 =	vld [tilespmem:s16+$0xFFFFFF90]  }
0xcf: {  	v5 =	vadd.f32 v6, v5  }
0xd0: {  	v6 =	vld [tilespmem:s16+$0xFFFFFFD0]  }
0xd1: {  	v5 =	vadd.f32 v7, v5  }
0xd2: {  	v7 =	vld [tilespmem:s16+$0x10]  }
0xd3: {  	v5 =	vadd.f32 v48, v5  }
0xd4: {  	v49 =	vld [tilespmem:s16+$0x50]  }
0xd5: {  	v5 =	vadd.f32 v6, v5  }
0xd6: {  	v6 =	vld [tilespmem:s16+$0x90]  }
0xd7: {  	v5 =	vadd.f32 v7, v5  }
0xd8: {  	v7 =	vld [tilespmem:s16+$0xD0]  }
0xd9: {  	v5 =	vadd.f32 v49, v5  }
0xda: {  	v50 =	vld [tilespmem:s16+$0x110]  }
0xdb: {  	v5 =	vadd.f32 v6, v5  }
0xdc: {  	v6 =	vld [tilespmem:s16+$0x150]  }
0xdd: {  	v5 =	vadd.f32 v7, v5  }
0xde: {  	v7 =	vld [tilespmem:s16+$0x190]  }
0xdf: {  	v5 =	vadd.f32 v50, v5  }
0xe0: {  	v51 =	vld [tilespmem:s16+$0x1D0]  }
0xe1: {  	v5 =	vadd.f32 v6, v5  }
0xe2: {  	v6 =	vld [tilespmem:s16+$0x210]  }
0xe3: {  	v5 =	vadd.f32 v7, v5  }
0xe4: {  	v7 =	vld [tilespmem:s16+$0x250]  }
0xe5: {  	v5 =	vadd.f32 v51, v5;
	_ =	sdelay $0x1  }
0xe6: {  	v5 =	vadd.f32 v6, v5;
	_ =	sdelay $0x1  }
0xe7: {  	v5 =	vadd.f32 v7, v5;
	_ =	sdelay $0x1  }
0xe8: {  	v5 =	vmul.f32 $4.761904850e-02, v5;
	_ =	sdelay $0x1  }
0xe9: {  	[tilespmem:s1+$0x18A90] =	vst v5;
	v5 =	vld [tilespmem:s1+$0x16AA0]  }
0xea: {  	v6 =	vld [tilespmem:s16+$0xFFFFFDA0];
	_ =	sdelay $0x1  }
0xeb: {  	v7 =	vld [tilespmem:s16+$0xFFFFFDE0];
	_ =	sdelay $0x1  }
0xec: {  	v52 =	vld [tilespmem:s16+$0xFFFFFE20]  }
0xed: {  	v5 =	vadd.f32 v6, v5  }
0xee: {  	v6 =	vld [tilespmem:s16+$0xFFFFFE60]  }
0xef: {  	v5 =	vadd.f32 v7, v5  }
0xf0: {  	v7 =	vld [tilespmem:s16+$0xFFFFFEA0]  }
0xf1: {  	v5 =	vadd.f32 v52, v5  }
0xf2: {  	v53 =	vld [tilespmem:s16+$0xFFFFFEE0]  }
0xf3: {  	v5 =	vadd.f32 v6, v5  }
0xf4: {  	v6 =	vld [tilespmem:s16+$0xFFFFFF20]  }
0xf5: {  	v5 =	vadd.f32 v7, v5  }
0xf6: {  	v7 =	vld [tilespmem:s16+$0xFFFFFF60]  }
0xf7: {  	v5 =	vadd.f32 v53, v5  }
0xf8: {  	v54 =	vld [tilespmem:s16+$0xFFFFFFA0]  }
0xf9: {  	v5 =	vadd.f32 v6, v5  }
0xfa: {  	v6 =	vld [tilespmem:s16+$0xFFFFFFE0]  }
0xfb: {  	v5 =	vadd.f32 v7, v5  }
0xfc: {  	v7 =	vld [tilespmem:s16+$0x20]  }
0xfd: {  	v5 =	vadd.f32 v54, v5  }
0xfe: {  	v55 =	vld [tilespmem:s16+$0x60]  }
0xff: {  	v5 =	vadd.f32 v6, v5  }
0x100: {  	v6 =	vld [tilespmem:s16+$0xA0]  }
0x101: {  	v5 =	vadd.f32 v7, v5  }
0x102: {  	v7 =	vld [tilespmem:s16+$0xE0]  }
0x103: {  	v5 =	vadd.f32 v55, v5  }
0x104: {  	v56 =	vld [tilespmem:s16+$0x120]  }
0x105: {  	v5 =	vadd.f32 v6, v5  }
0x106: {  	v6 =	vld [tilespmem:s16+$0x160]  }
0x107: {  	v5 =	vadd.f32 v7, v5  }
0x108: {  	v7 =	vld [tilespmem:s16+$0x1A0]  }
0x109: {  	v5 =	vadd.f32 v56, v5  }
0x10a: {  	v57 =	vld [tilespmem:s16+$0x1E0]  }
0x10b: {  	v5 =	vadd.f32 v6, v5  }
0x10c: {  	v6 =	vld [tilespmem:s16+$0x220]  }
0x10d: {  	v5 =	vadd.f32 v7, v5  }
0x10e: {  	v7 =	vld [tilespmem:s16+$0x260]  }
0x10f: {  	v5 =	vadd.f32 v57, v5;
	_ =	sdelay $0x1  }
0x110: {  	v5 =	vadd.f32 v6, v5;
	_ =	sdelay $0x1  }
0x111: {  	v5 =	vadd.f32 v7, v5;
	_ =	sdelay $0x1  }
0x112: {  	v5 =	vmul.f32 $4.761904850e-02, v5;
	_ =	sdelay $0x1  }
0x113: {  	[tilespmem:s1+$0x18AA0] =	vst v5;
	v5 =	vld [tilespmem:s1+$0x16AB0]  }
0x114: {  	v6 =	vld [tilespmem:s16+$0xFFFFFDB0];
	_ =	sdelay $0x1  }
0x115: {  	v7 =	vld [tilespmem:s16+$0xFFFFFDF0];
	_ =	sdelay $0x1  }
0x116: {  	v58 =	vld [tilespmem:s16+$0xFFFFFE30]  }
0x117: {  	v5 =	vadd.f32 v6, v5  }
0x118: {  	v6 =	vld [tilespmem:s16+$0xFFFFFE70]  }
0x119: {  	v5 =	vadd.f32 v7, v5  }
0x11a: {  	v7 =	vld [tilespmem:s16+$0xFFFFFEB0]  }
0x11b: {  	v5 =	vadd.f32 v58, v5  }
0x11c: {  	v59 =	vld [tilespmem:s16+$0xFFFFFEF0]  }
0x11d: {  	v5 =	vadd.f32 v6, v5  }
0x11e: {  	v6 =	vld [tilespmem:s16+$0xFFFFFF30]  }
0x11f: {  	v5 =	vadd.f32 v7, v5  }
0x120: {  	v7 =	vld [tilespmem:s16+$0xFFFFFF70]  }
0x121: {  	v5 =	vadd.f32 v59, v5  }
0x122: {  	v60 =	vld [tilespmem:s16+$0xFFFFFFB0]  }
0x123: {  	v5 =	vadd.f32 v6, v5  }
0x124: {  	v6 =	vld [tilespmem:s16+$0xFFFFFFF0]  }
0x125: {  	v5 =	vadd.f32 v7, v5  }
0x126: {  	v7 =	vld [tilespmem:s16+$0x30]  }
0x127: {  	v5 =	vadd.f32 v60, v5  }
0x128: {  	v61 =	vld [tilespmem:s16+$0x70]  }
0x129: {  	v5 =	vadd.f32 v6, v5  }
0x12a: {  	v6 =	vld [tilespmem:s16+$0xB0]  }
0x12b: {  	v5 =	vadd.f32 v7, v5  }
0x12c: {  	v7 =	vld [tilespmem:s16+$0xF0]  }
0x12d: {  	v5 =	vadd.f32 v61, v5  }
0x12e: {  	v62 =	vld [tilespmem:s16+$0x130]  }
0x12f: {  	v5 =	vadd.f32 v6, v5  }
0x130: {  	v6 =	vld [tilespmem:s16+$0x170]  }
0x131: {  	v5 =	vadd.f32 v7, v5  }
0x132: {  	v7 =	vld [tilespmem:s16+$0x1B0]  }
0x133: {  	v5 =	vadd.f32 v62, v5  }
0x134: {  	v63 =	vld [tilespmem:s16+$0x1F0]  }
0x135: {  	v5 =	vadd.f32 v6, v5  }
0x136: {  	v6 =	vld [tilespmem:s16+$0x230]  }
0x137: {  	v5 =	vadd.f32 v7, v5  }
0x138: {  	v7 =	vld [tilespmem:s16+$0x270]  }
0x139: {  	v5 =	vadd.f32 v63, v5;
	_ =	sdelay $0x1  }
0x13a: {  	v5 =	vadd.f32 v6, v5;
	_ =	sdelay $0x1  }
0x13b: {  	v5 =	vadd.f32 v7, v5;
	_ =	sdelay $0x1  }
0x13c: {  	s11 =	simm.s32 $0x200;
	s20 =	simm.s32 $0x100;
	v5 =	vmul.f32 $4.761904850e-02, v5  }
.LBB2_14:
0x13d: {  	s13 =	sshra.s32 s20, $0x2  }
0x13e: {  	s16 =	sadd.s32 $0x500, s16;
	s20 =	smov.u32 s11;
	s29 =	sadd.s32 $0x100, s11  }
0x13f: {  	p0 =	sne.s32 s11, $0x1F00;
	v6 =	vld [tilespmem:s13+$0x16A80];
	[tilespmem:s1+$0x18AB0] =	vst v5;
	s1 =	smov.u32 s13  }
0x140: {  	v5 =	vld [tilespmem:s16+$0xFFFFFD80]  }
0x141: {  	v7 =	vld [tilespmem:s16+$0xFFFFFDC0];
	_ =	sdelay $0x1  }
0x142: {  	v8 =	vld [tilespmem:s16+$0xFFFFFE00];
	_ =	sdelay $0x1  }
0x143: {  	v5 =	vadd.f32 v5, v6;
	v6 =	vld [tilespmem:s16+$0xFFFFFE40];
	_ =	sdelay $0x1  }
0x144: {  	v5 =	vadd.f32 v7, v5;
	v7 =	vld [tilespmem:s16+$0xFFFFFE80];
	_ =	sdelay $0x1  }
0x145: {  	v5 =	vadd.f32 v8, v5;
	v8 =	vld [tilespmem:s16+$0xFFFFFEC0];
	_ =	sdelay $0x1  }
0x146: {  	v5 =	vadd.f32 v6, v5;
	v6 =	vld [tilespmem:s16+$0xFFFFFF00];
	_ =	sdelay $0x1  }
0x147: {  	v5 =	vadd.f32 v7, v5;
	v7 =	vld [tilespmem:s16+$0xFFFFFF40];
	_ =	sdelay $0x1  }
0x148: {  	v5 =	vadd.f32 v8, v5;
	v8 =	vld [tilespmem:s16+$0xFFFFFF80];
	_ =	sdelay $0x1  }
0x149: {  	v5 =	vadd.f32 v6, v5;
	v6 =	vld [tilespmem:s16+$0xFFFFFFC0];
	_ =	sdelay $0x1  }
0x14a: {  	v5 =	vadd.f32 v7, v5;
	v7 =	vld [tilespmem:s16+$0x0];
	_ =	sdelay $0x1  }
0x14b: {  	v5 =	vadd.f32 v8, v5;
	v8 =	vld [tilespmem:s16+$0x40];
	_ =	sdelay $0x1  }
0x14c: {  	v5 =	vadd.f32 v6, v5;
	v6 =	vld [tilespmem:s16+$0x80];
	_ =	sdelay $0x1  }
0x14d: {  	v5 =	vadd.f32 v7, v5;
	v7 =	vld [tilespmem:s16+$0xC0];
	_ =	sdelay $0x1  }
0x14e: {  	v5 =	vadd.f32 v8, v5;
	v8 =	vld [tilespmem:s16+$0x100];
	_ =	sdelay $0x1  }
0x14f: {  	v5 =	vadd.f32 v6, v5;
	v6 =	vld [tilespmem:s16+$0x140];
	_ =	sdelay $0x1  }
0x150: {  	v5 =	vadd.f32 v7, v5;
	v7 =	vld [tilespmem:s16+$0x180];
	_ =	sdelay $0x1  }
0x151: {  	v5 =	vadd.f32 v8, v5;
	v8 =	vld [tilespmem:s16+$0x1C0];
	_ =	sdelay $0x1  }
0x152: {  	v5 =	vadd.f32 v6, v5;
	v6 =	vld [tilespmem:s16+$0x200];
	_ =	sdelay $0x1  }
0x153: {  	v5 =	vadd.f32 v7, v5;
	v7 =	vld [tilespmem:s16+$0x240];
	_ =	sdelay $0x1  }
0x154: {  	v5 =	vadd.f32 v8, v5;
	_ =	sdelay $0x1  }
0x155: {  	v5 =	vadd.f32 v6, v5;
	_ =	sdelay $0x1  }
0x156: {  	v5 =	vadd.f32 v7, v5;
	_ =	sdelay $0x1  }
0x157: {  	v5 =	vmul.f32 $4.761904850e-02, v5;
	_ =	sdelay $0x1  }
0x158: {  	[tilespmem:s1+$0x18A80] =	vst v5;
	v5 =	vld [tilespmem:s1+$0x16A90]  }
0x159: {  	v6 =	vld [tilespmem:s16+$0xFFFFFD90]  }
0x15a: {  	v7 =	vld [tilespmem:s16+$0xFFFFFDD0];
	_ =	sdelay $0x1  }
0x15b: {  	v8 =	vld [tilespmem:s16+$0xFFFFFE10];
	_ =	sdelay $0x1  }
0x15c: {  	v5 =	vadd.f32 v6, v5;
	v6 =	vld [tilespmem:s16+$0xFFFFFE50];
	_ =	sdelay $0x1  }
0x15d: {  	v5 =	vadd.f32 v7, v5;
	v7 =	vld [tilespmem:s16+$0xFFFFFE90];
	_ =	sdelay $0x1  }
0x15e: {  	v5 =	vadd.f32 v8, v5;
	v8 =	vld [tilespmem:s16+$0xFFFFFED0];
	_ =	sdelay $0x1  }
0x15f: {  	v5 =	vadd.f32 v6, v5;
	v6 =	vld [tilespmem:s16+$0xFFFFFF10];
	_ =	sdelay $0x1  }
0x160: {  	v5 =	vadd.f32 v7, v5;
	v7 =	vld [tilespmem:s16+$0xFFFFFF50];
	_ =	sdelay $0x1  }
0x161: {  	v5 =	vadd.f32 v8, v5;
	v8 =	vld [tilespmem:s16+$0xFFFFFF90];
	_ =	sdelay $0x1  }
0x162: {  	v5 =	vadd.f32 v6, v5;
	v6 =	vld [tilespmem:s16+$0xFFFFFFD0];
	_ =	sdelay $0x1  }
0x163: {  	v5 =	vadd.f32 v7, v5;
	v7 =	vld [tilespmem:s16+$0x10];
	_ =	sdelay $0x1  }
0x164: {  	v5 =	vadd.f32 v8, v5;
	v8 =	vld [tilespmem:s16+$0x50];
	_ =	sdelay $0x1  }
0x165: {  	v5 =	vadd.f32 v6, v5;
	v6 =	vld [tilespmem:s16+$0x90];
	_ =	sdelay $0x1  }
0x166: {  	v5 =	vadd.f32 v7, v5;
	v7 =	vld [tilespmem:s16+$0xD0];
	_ =	sdelay $0x1  }
0x167: {  	v5 =	vadd.f32 v8, v5;
	v8 =	vld [tilespmem:s16+$0x110];
	_ =	sdelay $0x1  }
0x168: {  	v5 =	vadd.f32 v6, v5;
	v6 =	vld [tilespmem:s16+$0x150];
	_ =	sdelay $0x1  }
0x169: {  	v5 =	vadd.f32 v7, v5;
	v7 =	vld [tilespmem:s16+$0x190];
	_ =	sdelay $0x1  }
0x16a: {  	v5 =	vadd.f32 v8, v5;
	v8 =	vld [tilespmem:s16+$0x1D0];
	_ =	sdelay $0x1  }
0x16b: {  	v5 =	vadd.f32 v6, v5;
	v6 =	vld [tilespmem:s16+$0x210];
	_ =	sdelay $0x1  }
0x16c: {  	v5 =	vadd.f32 v7, v5;
	v7 =	vld [tilespmem:s16+$0x250];
	_ =	sdelay $0x1  }
0x16d: {  	v5 =	vadd.f32 v8, v5;
	_ =	sdelay $0x1  }
0x16e: {  	v5 =	vadd.f32 v6, v5;
	_ =	sdelay $0x1  }
0x16f: {  	v5 =	vadd.f32 v7, v5;
	_ =	sdelay $0x1  }
0x170: {  	v5 =	vmul.f32 $4.761904850e-02, v5;
	_ =	sdelay $0x1  }
0x171: {  	[tilespmem:s1+$0x18A90] =	vst v5;
	v5 =	vld [tilespmem:s1+$0x16AA0]  }
0x172: {  	v6 =	vld [tilespmem:s16+$0xFFFFFDA0]  }
0x173: {  	v7 =	vld [tilespmem:s16+$0xFFFFFDE0];
	_ =	sdelay $0x1  }
0x174: {  	v8 =	vld [tilespmem:s16+$0xFFFFFE20];
	_ =	sdelay $0x1  }
0x175: {  	v5 =	vadd.f32 v6, v5;
	v6 =	vld [tilespmem:s16+$0xFFFFFE60];
	_ =	sdelay $0x1  }
0x176: {  	v5 =	vadd.f32 v7, v5;
	v7 =	vld [tilespmem:s16+$0xFFFFFEA0];
	_ =	sdelay $0x1  }
0x177: {  	v5 =	vadd.f32 v8, v5;
	v8 =	vld [tilespmem:s16+$0xFFFFFEE0];
	_ =	sdelay $0x1  }
0x178: {  	v5 =	vadd.f32 v6, v5;
	v6 =	vld [tilespmem:s16+$0xFFFFFF20];
	_ =	sdelay $0x1  }
0x179: {  	v5 =	vadd.f32 v7, v5;
	v7 =	vld [tilespmem:s16+$0xFFFFFF60];
	_ =	sdelay $0x1  }
0x17a: {  	v5 =	vadd.f32 v8, v5;
	v8 =	vld [tilespmem:s16+$0xFFFFFFA0];
	_ =	sdelay $0x1  }
0x17b: {  	v5 =	vadd.f32 v6, v5;
	v6 =	vld [tilespmem:s16+$0xFFFFFFE0];
	_ =	sdelay $0x1  }
0x17c: {  	v5 =	vadd.f32 v7, v5;
	v7 =	vld [tilespmem:s16+$0x20];
	_ =	sdelay $0x1  }
0x17d: {  	v5 =	vadd.f32 v8, v5;
	v8 =	vld [tilespmem:s16+$0x60];
	_ =	sdelay $0x1  }
0x17e: {  	v5 =	vadd.f32 v6, v5;
	v6 =	vld [tilespmem:s16+$0xA0];
	_ =	sdelay $0x1  }
0x17f: {  	v5 =	vadd.f32 v7, v5;
	v7 =	vld [tilespmem:s16+$0xE0];
	_ =	sdelay $0x1  }
0x180: {  	v5 =	vadd.f32 v8, v5;
	v8 =	vld [tilespmem:s16+$0x120];
	_ =	sdelay $0x1  }
0x181: {  	v5 =	vadd.f32 v6, v5;
	v6 =	vld [tilespmem:s16+$0x160];
	_ =	sdelay $0x1  }
0x182: {  	v5 =	vadd.f32 v7, v5;
	v7 =	vld [tilespmem:s16+$0x1A0];
	_ =	sdelay $0x1  }
0x183: {  	v5 =	vadd.f32 v8, v5;
	v8 =	vld [tilespmem:s16+$0x1E0];
	_ =	sdelay $0x1  }
0x184: {  	v5 =	vadd.f32 v6, v5;
	v6 =	vld [tilespmem:s16+$0x220];
	_ =	sdelay $0x1  }
0x185: {  	v5 =	vadd.f32 v7, v5;
	v7 =	vld [tilespmem:s16+$0x260];
	_ =	sdelay $0x1  }
0x186: {  	v5 =	vadd.f32 v8, v5;
	_ =	sdelay $0x1  }
0x187: {  	v5 =	vadd.f32 v6, v5;
	_ =	sdelay $0x1  }
0x188: {  	v5 =	vadd.f32 v7, v5;
	_ =	sdelay $0x1  }
0x189: {  	v5 =	vmul.f32 $4.761904850e-02, v5;
	_ =	sdelay $0x1  }
0x18a: {  	[tilespmem:s1+$0x18AA0] =	vst v5;
	v5 =	vld [tilespmem:s1+$0x16AB0]  }
0x18b: {  	v6 =	vld [tilespmem:s16+$0xFFFFFDB0]  }
0x18c: {  	v7 =	vld [tilespmem:s16+$0xFFFFFDF0]  }
0x18d: {  	v8 =	vld [tilespmem:s16+$0xFFFFFE30]  }
0x18e: {  	v9 =	vld [tilespmem:s16+$0xFFFFFE70]  }
0x18f: {  	v10 =	vld [tilespmem:s16+$0xFFFFFEB0]  }
0x190: {  	v5 =	vadd.f32 v6, v5;
	v6 =	vld [tilespmem:s16+$0xFFFFFEF0]  }
0x191: {  	v11 =	vld [tilespmem:s16+$0xFFFFFF30]  }
0x192: {  	v5 =	vadd.f32 v7, v5;
	v7 =	vld [tilespmem:s16+$0xFFFFFF70]  }
0x193: {  	v12 =	vld [tilespmem:s16+$0xFFFFFFB0]  }
0x194: {  	v5 =	vadd.f32 v8, v5;
	v8 =	vld [tilespmem:s16+$0xFFFFFFF0]  }
0x195: {  	v13 =	vld [tilespmem:s16+$0x30]  }
0x196: {  	v5 =	vadd.f32 v9, v5;
	v9 =	vld [tilespmem:s16+$0x70]  }
0x197: {  	v14 =	vld [tilespmem:s16+$0xB0]  }
0x198: {  	v5 =	vadd.f32 v10, v5;
	v10 =	vld [tilespmem:s16+$0xF0]  }
0x199: {  	v15 =	vld [tilespmem:s16+$0x130]  }
0x19a: {  	v5 =	vadd.f32 v6, v5;
	v6 =	vld [tilespmem:s16+$0x170]  }
0x19b: {  	v16 =	vld [tilespmem:s16+$0x1B0]  }
0x19c: {  	v5 =	vadd.f32 v11, v5;
	v11 =	vld [tilespmem:s16+$0x1F0]  }
0x19d: {  	v17 =	vld [tilespmem:s16+$0x230]  }
0x19e: {  	v5 =	vadd.f32 v7, v5;
	v7 =	vld [tilespmem:s16+$0x270];
	_ =	sdelay $0x1  }
0x19f: {  	v5 =	vadd.f32 v12, v5;
	_ =	sdelay $0x1  }
0x1a0: {  	v5 =	vadd.f32 v8, v5;
	_ =	sdelay $0x1  }
0x1a1: {  	v5 =	vadd.f32 v13, v5;
	_ =	sdelay $0x1  }
0x1a2: {  	v5 =	vadd.f32 v9, v5;
	_ =	sdelay $0x1  }
0x1a3: {  	v5 =	vadd.f32 v14, v5;
	_ =	sdelay $0x1  }
0x1a4: {  	v5 =	vadd.f32 v10, v5;
	_ =	sdelay $0x1  }
0x1a5: {  	v5 =	vadd.f32 v15, v5;
	_ =	sdelay $0x1  }
0x1a6: {  	v5 =	vadd.f32 v6, v5;
	_ =	sdelay $0x1  }
0x1a7: {  	v5 =	vadd.f32 v16, v5;
	_ =	sdelay $0x1  }
0x1a8: {  	v5 =	vadd.f32 v11, v5;
	_ =	sdelay $0x1  }
.Ltmp6:
0x1a9: {  	v5 =	vadd.f32 v17, v5;
	(pc) =	sbr.rel @p0 .LBB2_14-.Ltmp6, $3  }
0x1aa: {  	_ = 	snop  }
0x1ab: {  	v5 =	vadd.f32 v7, v5;
	_ =	sdelay $0x1  }
0x1ac: {  	s11 =	smov.u32 s29;
	v5 =	vmul.f32 $4.761904850e-02, v5  }
0x1ad: {  	s20 =	sshra.s32 s20, $0x2  }
0x1ae: {  	s16 =	sadd.s32 $0x500, s16;
	v6 =	vld [tilespmem:s20+$0x16A80];
	[tilespmem:s1+$0x18AB0] =	vst v5  }
0x1af: {  	v5 =	vld [tilespmem:s16+$0xFFFFFD80];
	_ =	sdelay $0x1  }
0x1b0: {  	v7 =	vld [tilespmem:s16+$0xFFFFFDC0];
	_ =	sdelay $0x1  }
0x1b1: {  	v8 =	vld [tilespmem:s16+$0xFFFFFE00]  }
0x1b2: {  	v5 =	vadd.f32 v5, v6  }
0x1b3: {  	v6 =	vld [tilespmem:s16+$0xFFFFFE40]  }
0x1b4: {  	v5 =	vadd.f32 v7, v5  }
0x1b5: {  	v7 =	vld [tilespmem:s16+$0xFFFFFE80]  }
0x1b6: {  	v5 =	vadd.f32 v8, v5  }
0x1b7: {  	v17 =	vld [tilespmem:s16+$0xFFFFFEC0]  }
0x1b8: {  	v5 =	vadd.f32 v6, v5  }
0x1b9: {  	v6 =	vld [tilespmem:s16+$0xFFFFFF00]  }
0x1ba: {  	v5 =	vadd.f32 v7, v5  }
0x1bb: {  	v7 =	vld [tilespmem:s16+$0xFFFFFF40]  }
0x1bc: {  	v5 =	vadd.f32 v17, v5  }
0x1bd: {  	v18 =	vld [tilespmem:s16+$0xFFFFFF80]  }
0x1be: {  	v5 =	vadd.f32 v6, v5  }
0x1bf: {  	v6 =	vld [tilespmem:s16+$0xFFFFFFC0]  }
0x1c0: {  	v5 =	vadd.f32 v7, v5  }
0x1c1: {  	v7 =	vld [tilespmem:s16+$0x0]  }
0x1c2: {  	v5 =	vadd.f32 v18, v5  }
0x1c3: {  	v19 =	vld [tilespmem:s16+$0x40]  }
0x1c4: {  	v5 =	vadd.f32 v6, v5  }
0x1c5: {  	v6 =	vld [tilespmem:s16+$0x80]  }
0x1c6: {  	v5 =	vadd.f32 v7, v5  }
0x1c7: {  	v7 =	vld [tilespmem:s16+$0xC0]  }
0x1c8: {  	v5 =	vadd.f32 v19, v5  }
0x1c9: {  	v20 =	vld [tilespmem:s16+$0x100]  }
0x1ca: {  	v5 =	vadd.f32 v6, v5  }
0x1cb: {  	v6 =	vld [tilespmem:s16+$0x140]  }
0x1cc: {  	v5 =	vadd.f32 v7, v5  }
0x1cd: {  	v7 =	vld [tilespmem:s16+$0x180]  }
0x1ce: {  	v5 =	vadd.f32 v20, v5  }
0x1cf: {  	v21 =	vld [tilespmem:s16+$0x1C0]  }
0x1d0: {  	v5 =	vadd.f32 v6, v5  }
0x1d1: {  	v6 =	vld [tilespmem:s16+$0x200]  }
0x1d2: {  	v5 =	vadd.f32 v7, v5  }
0x1d3: {  	v7 =	vld [tilespmem:s16+$0x240]  }
0x1d4: {  	v5 =	vadd.f32 v21, v5;
	_ =	sdelay $0x1  }
0x1d5: {  	v5 =	vadd.f32 v6, v5;
	_ =	sdelay $0x1  }
0x1d6: {  	v5 =	vadd.f32 v7, v5;
	_ =	sdelay $0x1  }
0x1d7: {  	v5 =	vmul.f32 $4.761904850e-02, v5;
	_ =	sdelay $0x1  }
0x1d8: {  	[tilespmem:s20+$0x18A80] =	vst v5;
	v5 =	vld [tilespmem:s20+$0x16A90]  }
0x1d9: {  	v6 =	vld [tilespmem:s16+$0xFFFFFD90];
	_ =	sdelay $0x1  }
0x1da: {  	v7 =	vld [tilespmem:s16+$0xFFFFFDD0];
	_ =	sdelay $0x1  }
0x1db: {  	v22 =	vld [tilespmem:s16+$0xFFFFFE10]  }
0x1dc: {  	v5 =	vadd.f32 v6, v5  }
0x1dd: {  	v6 =	vld [tilespmem:s16+$0xFFFFFE50]  }
0x1de: {  	v5 =	vadd.f32 v7, v5  }
0x1df: {  	v7 =	vld [tilespmem:s16+$0xFFFFFE90]  }
0x1e0: {  	v5 =	vadd.f32 v22, v5  }
0x1e1: {  	v23 =	vld [tilespmem:s16+$0xFFFFFED0]  }
0x1e2: {  	v5 =	vadd.f32 v6, v5  }
0x1e3: {  	v6 =	vld [tilespmem:s16+$0xFFFFFF10]  }
0x1e4: {  	v5 =	vadd.f32 v7, v5  }
0x1e5: {  	v7 =	vld [tilespmem:s16+$0xFFFFFF50]  }
0x1e6: {  	v5 =	vadd.f32 v23, v5  }
0x1e7: {  	v24 =	vld [tilespmem:s16+$0xFFFFFF90]  }
0x1e8: {  	v5 =	vadd.f32 v6, v5  }
0x1e9: {  	v6 =	vld [tilespmem:s16+$0xFFFFFFD0]  }
0x1ea: {  	v5 =	vadd.f32 v7, v5  }
0x1eb: {  	v7 =	vld [tilespmem:s16+$0x10]  }
0x1ec: {  	v5 =	vadd.f32 v24, v5  }
0x1ed: {  	v25 =	vld [tilespmem:s16+$0x50]  }
0x1ee: {  	v5 =	vadd.f32 v6, v5  }
0x1ef: {  	v6 =	vld [tilespmem:s16+$0x90]  }
0x1f0: {  	v5 =	vadd.f32 v7, v5  }
0x1f1: {  	v7 =	vld [tilespmem:s16+$0xD0]  }
0x1f2: {  	v5 =	vadd.f32 v25, v5  }
0x1f3: {  	v26 =	vld [tilespmem:s16+$0x110]  }
0x1f4: {  	v5 =	vadd.f32 v6, v5  }
0x1f5: {  	v6 =	vld [tilespmem:s16+$0x150]  }
0x1f6: {  	v5 =	vadd.f32 v7, v5  }
0x1f7: {  	v7 =	vld [tilespmem:s16+$0x190]  }
0x1f8: {  	v5 =	vadd.f32 v26, v5  }
0x1f9: {  	v27 =	vld [tilespmem:s16+$0x1D0]  }
0x1fa: {  	v5 =	vadd.f32 v6, v5  }
0x1fb: {  	v6 =	vld [tilespmem:s16+$0x210]  }
0x1fc: {  	v5 =	vadd.f32 v7, v5  }
0x1fd: {  	v7 =	vld [tilespmem:s16+$0x250]  }
0x1fe: {  	v5 =	vadd.f32 v27, v5;
	_ =	sdelay $0x1  }
0x1ff: {  	v5 =	vadd.f32 v6, v5;
	_ =	sdelay $0x1  }
0x200: {  	v5 =	vadd.f32 v7, v5;
	_ =	sdelay $0x1  }
0x201: {  	v5 =	vmul.f32 $4.761904850e-02, v5;
	_ =	sdelay $0x1  }
0x202: {  	[tilespmem:s20+$0x18A90] =	vst v5;
	v5 =	vld [tilespmem:s20+$0x16AA0]  }
0x203: {  	v6 =	vld [tilespmem:s16+$0xFFFFFDA0];
	_ =	sdelay $0x1  }
0x204: {  	v7 =	vld [tilespmem:s16+$0xFFFFFDE0];
	_ =	sdelay $0x1  }
0x205: {  	v28 =	vld [tilespmem:s16+$0xFFFFFE20]  }
0x206: {  	v5 =	vadd.f32 v6, v5  }
0x207: {  	v6 =	vld [tilespmem:s16+$0xFFFFFE60]  }
0x208: {  	v5 =	vadd.f32 v7, v5  }
0x209: {  	v7 =	vld [tilespmem:s16+$0xFFFFFEA0]  }
0x20a: {  	v5 =	vadd.f32 v28, v5  }
0x20b: {  	v29 =	vld [tilespmem:s16+$0xFFFFFEE0]  }
0x20c: {  	v5 =	vadd.f32 v6, v5  }
0x20d: {  	v6 =	vld [tilespmem:s16+$0xFFFFFF20]  }
0x20e: {  	v5 =	vadd.f32 v7, v5  }
0x20f: {  	v7 =	vld [tilespmem:s16+$0xFFFFFF60]  }
0x210: {  	v5 =	vadd.f32 v29, v5  }
0x211: {  	v30 =	vld [tilespmem:s16+$0xFFFFFFA0]  }
0x212: {  	v5 =	vadd.f32 v6, v5  }
0x213: {  	v6 =	vld [tilespmem:s16+$0xFFFFFFE0]  }
0x214: {  	v5 =	vadd.f32 v7, v5  }
0x215: {  	v7 =	vld [tilespmem:s16+$0x20]  }
0x216: {  	v5 =	vadd.f32 v30, v5  }
0x217: {  	v31 =	vld [tilespmem:s16+$0x60]  }
0x218: {  	v5 =	vadd.f32 v6, v5  }
0x219: {  	v6 =	vld [tilespmem:s16+$0xA0]  }
0x21a: {  	v5 =	vadd.f32 v7, v5  }
0x21b: {  	v7 =	vld [tilespmem:s16+$0xE0]  }
0x21c: {  	v5 =	vadd.f32 v31, v5  }
0x21d: {  	v32 =	vld [tilespmem:s16+$0x120]  }
0x21e: {  	v5 =	vadd.f32 v6, v5  }
0x21f: {  	v6 =	vld [tilespmem:s16+$0x160]  }
0x220: {  	v5 =	vadd.f32 v7, v5  }
0x221: {  	v7 =	vld [tilespmem:s16+$0x1A0]  }
0x222: {  	v5 =	vadd.f32 v32, v5  }
0x223: {  	v33 =	vld [tilespmem:s16+$0x1E0]  }
0x224: {  	v5 =	vadd.f32 v6, v5  }
0x225: {  	v6 =	vld [tilespmem:s16+$0x220]  }
0x226: {  	v5 =	vadd.f32 v7, v5  }
0x227: {  	v7 =	vld [tilespmem:s16+$0x260]  }
0x228: {  	v5 =	vadd.f32 v33, v5;
	_ =	sdelay $0x1  }
0x229: {  	v5 =	vadd.f32 v6, v5;
	_ =	sdelay $0x1  }
0x22a: {  	v5 =	vadd.f32 v7, v5;
	_ =	sdelay $0x1  }
0x22b: {  	v5 =	vmul.f32 $4.761904850e-02, v5;
	_ =	sdelay $0x1  }
0x22c: {  	[tilespmem:s20+$0x18AA0] =	vst v5;
	v5 =	vld [tilespmem:s20+$0x16AB0]  }
0x22d: {  	v6 =	vld [tilespmem:s16+$0xFFFFFDB0];
	_ =	sdelay $0x1  }
0x22e: {  	v7 =	vld [tilespmem:s16+$0xFFFFFDF0];
	_ =	sdelay $0x1  }
0x22f: {  	v34 =	vld [tilespmem:s16+$0xFFFFFE30]  }
0x230: {  	v5 =	vadd.f32 v6, v5  }
0x231: {  	v6 =	vld [tilespmem:s16+$0xFFFFFE70]  }
0x232: {  	v5 =	vadd.f32 v7, v5  }
0x233: {  	v7 =	vld [tilespmem:s16+$0xFFFFFEB0]  }
0x234: {  	v5 =	vadd.f32 v34, v5  }
0x235: {  	v35 =	vld [tilespmem:s16+$0xFFFFFEF0]  }
0x236: {  	v5 =	vadd.f32 v6, v5  }
0x237: {  	v6 =	vld [tilespmem:s16+$0xFFFFFF30]  }
0x238: {  	v5 =	vadd.f32 v7, v5  }
0x239: {  	v7 =	vld [tilespmem:s16+$0xFFFFFF70]  }
0x23a: {  	v5 =	vadd.f32 v35, v5  }
0x23b: {  	v36 =	vld [tilespmem:s16+$0xFFFFFFB0]  }
0x23c: {  	v5 =	vadd.f32 v6, v5  }
0x23d: {  	v6 =	vld [tilespmem:s16+$0xFFFFFFF0]  }
0x23e: {  	v5 =	vadd.f32 v7, v5  }
0x23f: {  	v7 =	vld [tilespmem:s16+$0x30]  }
0x240: {  	v5 =	vadd.f32 v36, v5  }
0x241: {  	v37 =	vld [tilespmem:s16+$0x70]  }
0x242: {  	v5 =	vadd.f32 v6, v5  }
0x243: {  	v6 =	vld [tilespmem:s16+$0xB0]  }
0x244: {  	v5 =	vadd.f32 v7, v5  }
0x245: {  	v7 =	vld [tilespmem:s16+$0xF0]  }
0x246: {  	v5 =	vadd.f32 v37, v5  }
0x247: {  	v38 =	vld [tilespmem:s16+$0x130]  }
0x248: {  	v5 =	vadd.f32 v6, v5  }
0x249: {  	v6 =	vld [tilespmem:s16+$0x170]  }
0x24a: {  	v5 =	vadd.f32 v7, v5  }
0x24b: {  	v7 =	vld [tilespmem:s16+$0x1B0]  }
0x24c: {  	v5 =	vadd.f32 v38, v5  }
0x24d: {  	v39 =	vld [tilespmem:s16+$0x1F0]  }
0x24e: {  	v5 =	vadd.f32 v6, v5  }
0x24f: {  	v6 =	vld [tilespmem:s16+$0x230]  }
0x250: {  	v5 =	vadd.f32 v7, v5  }
0x251: {  	v7 =	vld [tilespmem:s16+$0x270]  }
0x252: {  	v5 =	vadd.f32 v39, v5;
	_ =	sdelay $0x1  }
0x253: {  	v5 =	vadd.f32 v6, v5;
	_ =	sdelay $0x1  }
0x254: {  	v5 =	vadd.f32 v7, v5;
	_ =	sdelay $0x1  }
0x255: {  	v5 =	vmul.f32 $4.761904850e-02, v5;
	_ =	sdelay $0x1  }
0x256: {  	[tilespmem:s20+$0x18AB0] =	vst v5  }
0x257: {  	_ =	swait.ge [sflag:s24], $0x2000  }
0x258: {  	[sflag:s24] =	ssyncset.done $0x0  }
0x259: {  	[sflag:s24] =	ssyncadd.s32 $0xFFFFE000  }
0x25a: {  	_ =	swait.ge [sflag:s24], $0x2000  }
0x25b: {  	[sflag:s24] =	ssyncset.done $0x0  }
0x25c: {  	[sflag:s24] =	ssyncadd.s32 $0xFFFFE000  }
0x25d: {  	_ =	swait.ge [sflag:s24], $0x2000  }
0x25e: {  	[sflag:s24] =	ssyncset.done $0x0  }
0x25f: {  	[sflag:s24] =	ssyncadd.s32 $0xFFFFE000  }
0x260: {  	_ =	swait.ge [sflag:s24], $0x2000  }
0x261: {  	[sflag:s24] =	ssyncset.done $0x0  }
0x262: {  	[sflag:s24] =	ssyncadd.s32 $0xFFFFE000  }
0x263: {  	_ =	swait.ge [sflag:s24], $0x2000  }
0x264: {  	[sflag:s24] =	ssyncset.done $0x0  }
0x265: {  	s11 =	simm.s32 $0x1B080;
	[sflag:s24] =	ssyncadd.s32 $0xFFFFE000  }
0x266: {  	[tilespmem:s17], [sflag:$0x1] =	stream.indirect.gather [hbm4b:s4+s12], $0x40, s11, s12, $0xb8;
	[tilespmem:$0x1B580] =	vst v63  }
0x267: {  	s13 =	simm.s32 $0x1B100  }
0x268: {  	[tilespmem:s19], [sflag:$0x1] =	stream.indirect.gather [hbm4b:s4+s12], $0x40, s13, s12, $0xb8;
	[tilespmem:$0x1B580] =	vst v63  }
0x269: {  	s16 =	simm.s32 $0x1B180  }
0x26a: {  	[tilespmem:s21], [sflag:$0x1] =	stream.indirect.gather [hbm4b:s4+s12], $0x40, s16, s12, $0xb8;
	[tilespmem:$0x1B580] =	vst v63  }
0x26b: {  	s20 =	simm.s32 $0x1B200  }
0x26c: {  	[tilespmem:s23], [sflag:$0x1] =	stream.indirect.gather [hbm4b:s4+s12], $0x40, s20, s12, $0xb8;
	[tilespmem:$0x1B580] =	vst v63  }
0x26d: {  	s29 =	simm.s32 $0x1B280;
	s1 =	simm.s32 $0x0  }
0x26e: {  	[tilespmem:s25], [sflag:$0x1] =	stream.indirect.gather [hbm4b:s4+s12], $0x40, s29, s12, $0xb8;
	[tilespmem:$0x1B580] =	vst v63  }
0x26f: {  	s16 =	simm.s32 $0xAD00;
	v5 =	vld [tilespmem:s1+$0x17280]  }
0x270: {  	v6 =	vld [tilespmem:s16+$0xFFFFFD80];
	_ =	sdelay $0x1  }
0x271: {  	v7 =	vld [tilespmem:s16+$0xFFFFFDC0];
	_ =	sdelay $0x1  }
0x272: {  	v40 =	vld [tilespmem:s16+$0xFFFFFE00]  }
0x273: {  	v5 =	vadd.f32 v6, v5  }
0x274: {  	v6 =	vld [tilespmem:s16+$0xFFFFFE40]  }
0x275: {  	v5 =	vadd.f32 v7, v5  }
0x276: {  	v7 =	vld [tilespmem:s16+$0xFFFFFE80]  }
0x277: {  	v5 =	vadd.f32 v40, v5  }
0x278: {  	v41 =	vld [tilespmem:s16+$0xFFFFFEC0]  }
0x279: {  	v5 =	vadd.f32 v6, v5  }
0x27a: {  	v6 =	vld [tilespmem:s16+$0xFFFFFF00]  }
0x27b: {  	v5 =	vadd.f32 v7, v5  }
0x27c: {  	v7 =	vld [tilespmem:s16+$0xFFFFFF40]  }
0x27d: {  	v5 =	vadd.f32 v41, v5  }
0x27e: {  	v42 =	vld [tilespmem:s16+$0xFFFFFF80]  }
0x27f: {  	v5 =	vadd.f32 v6, v5  }
0x280: {  	v6 =	vld [tilespmem:s16+$0xFFFFFFC0]  }
0x281: {  	v5 =	vadd.f32 v7, v5  }
0x282: {  	v7 =	vld [tilespmem:s16+$0x0]  }
0x283: {  	v5 =	vadd.f32 v42, v5  }
0x284: {  	v43 =	vld [tilespmem:s16+$0x40]  }
0x285: {  	v5 =	vadd.f32 v6, v5  }
0x286: {  	v6 =	vld [tilespmem:s16+$0x80]  }
0x287: {  	v5 =	vadd.f32 v7, v5  }
0x288: {  	v7 =	vld [tilespmem:s16+$0xC0]  }
0x289: {  	v5 =	vadd.f32 v43, v5  }
0x28a: {  	v44 =	vld [tilespmem:s16+$0x100]  }
0x28b: {  	v5 =	vadd.f32 v6, v5  }
0x28c: {  	v6 =	vld [tilespmem:s16+$0x140]  }
0x28d: {  	v5 =	vadd.f32 v7, v5  }
0x28e: {  	v7 =	vld [tilespmem:s16+$0x180]  }
0x28f: {  	v5 =	vadd.f32 v44, v5  }
0x290: {  	v45 =	vld [tilespmem:s16+$0x1C0]  }
0x291: {  	v5 =	vadd.f32 v6, v5  }
0x292: {  	v6 =	vld [tilespmem:s16+$0x200]  }
0x293: {  	v5 =	vadd.f32 v7, v5  }
0x294: {  	v7 =	vld [tilespmem:s16+$0x240]  }
0x295: {  	v5 =	vadd.f32 v45, v5;
	_ =	sdelay $0x1  }
0x296: {  	v5 =	vadd.f32 v6, v5;
	_ =	sdelay $0x1  }
0x297: {  	v5 =	vadd.f32 v7, v5;
	_ =	sdelay $0x1  }
0x298: {  	v5 =	vmul.f32 $4.761904850e-02, v5;
	_ =	sdelay $0x1  }
0x299: {  	[tilespmem:s1+$0x19280] =	vst v5;
	v5 =	vld [tilespmem:s1+$0x17290]  }
0x29a: {  	v6 =	vld [tilespmem:s16+$0xFFFFFD90];
	_ =	sdelay $0x1  }
0x29b: {  	v7 =	vld [tilespmem:s16+$0xFFFFFDD0];
	_ =	sdelay $0x1  }
0x29c: {  	v46 =	vld [tilespmem:s16+$0xFFFFFE10]  }
0x29d: {  	v5 =	vadd.f32 v6, v5  }
0x29e: {  	v6 =	vld [tilespmem:s16+$0xFFFFFE50]  }
0x29f: {  	v5 =	vadd.f32 v7, v5  }
0x2a0: {  	v7 =	vld [tilespmem:s16+$0xFFFFFE90]  }
0x2a1: {  	v5 =	vadd.f32 v46, v5  }
0x2a2: {  	v47 =	vld [tilespmem:s16+$0xFFFFFED0]  }
0x2a3: {  	v5 =	vadd.f32 v6, v5  }
0x2a4: {  	v6 =	vld [tilespmem:s16+$0xFFFFFF10]  }
0x2a5: {  	v5 =	vadd.f32 v7, v5  }
0x2a6: {  	v7 =	vld [tilespmem:s16+$0xFFFFFF50]  }
0x2a7: {  	v5 =	vadd.f32 v47, v5  }
0x2a8: {  	v48 =	vld [tilespmem:s16+$0xFFFFFF90]  }
0x2a9: {  	v5 =	vadd.f32 v6, v5  }
0x2aa: {  	v6 =	vld [tilespmem:s16+$0xFFFFFFD0]  }
0x2ab: {  	v5 =	vadd.f32 v7, v5  }
0x2ac: {  	v7 =	vld [tilespmem:s16+$0x10]  }
0x2ad: {  	v5 =	vadd.f32 v48, v5  }
0x2ae: {  	v49 =	vld [tilespmem:s16+$0x50]  }
0x2af: {  	v5 =	vadd.f32 v6, v5  }
0x2b0: {  	v6 =	vld [tilespmem:s16+$0x90]  }
0x2b1: {  	v5 =	vadd.f32 v7, v5  }
0x2b2: {  	v7 =	vld [tilespmem:s16+$0xD0]  }
0x2b3: {  	v5 =	vadd.f32 v49, v5  }
0x2b4: {  	v50 =	vld [tilespmem:s16+$0x110]  }
0x2b5: {  	v5 =	vadd.f32 v6, v5  }
0x2b6: {  	v6 =	vld [tilespmem:s16+$0x150]  }
0x2b7: {  	v5 =	vadd.f32 v7, v5  }
0x2b8: {  	v7 =	vld [tilespmem:s16+$0x190]  }
0x2b9: {  	v5 =	vadd.f32 v50, v5  }
0x2ba: {  	v51 =	vld [tilespmem:s16+$0x1D0]  }
0x2bb: {  	v5 =	vadd.f32 v6, v5  }
0x2bc: {  	v6 =	vld [tilespmem:s16+$0x210]  }
0x2bd: {  	v5 =	vadd.f32 v7, v5  }
0x2be: {  	v7 =	vld [tilespmem:s16+$0x250]  }
0x2bf: {  	v5 =	vadd.f32 v51, v5;
	_ =	sdelay $0x1  }
0x2c0: {  	v5 =	vadd.f32 v6, v5;
	_ =	sdelay $0x1  }
0x2c1: {  	v5 =	vadd.f32 v7, v5;
	_ =	sdelay $0x1  }
0x2c2: {  	v5 =	vmul.f32 $4.761904850e-02, v5;
	_ =	sdelay $0x1  }
0x2c3: {  	[tilespmem:s1+$0x19290] =	vst v5;
	v5 =	vld [tilespmem:s1+$0x172A0]  }
0x2c4: {  	v6 =	vld [tilespmem:s16+$0xFFFFFDA0];
	_ =	sdelay $0x1  }
0x2c5: {  	v7 =	vld [tilespmem:s16+$0xFFFFFDE0];
	_ =	sdelay $0x1  }
0x2c6: {  	v52 =	vld [tilespmem:s16+$0xFFFFFE20]  }
0x2c7: {  	v5 =	vadd.f32 v6, v5  }
0x2c8: {  	v6 =	vld [tilespmem:s16+$0xFFFFFE60]  }
0x2c9: {  	v5 =	vadd.f32 v7, v5  }
0x2ca: {  	v7 =	vld [tilespmem:s16+$0xFFFFFEA0]  }
0x2cb: {  	v5 =	vadd.f32 v52, v5  }
0x2cc: {  	v53 =	vld [tilespmem:s16+$0xFFFFFEE0]  }
0x2cd: {  	v5 =	vadd.f32 v6, v5  }
0x2ce: {  	v6 =	vld [tilespmem:s16+$0xFFFFFF20]  }
0x2cf: {  	v5 =	vadd.f32 v7, v5  }
0x2d0: {  	v7 =	vld [tilespmem:s16+$0xFFFFFF60]  }
0x2d1: {  	v5 =	vadd.f32 v53, v5  }
0x2d2: {  	v54 =	vld [tilespmem:s16+$0xFFFFFFA0]  }
0x2d3: {  	v5 =	vadd.f32 v6, v5  }
0x2d4: {  	v6 =	vld [tilespmem:s16+$0xFFFFFFE0]  }
0x2d5: {  	v5 =	vadd.f32 v7, v5  }
0x2d6: {  	v7 =	vld [tilespmem:s16+$0x20]  }
0x2d7: {  	v5 =	vadd.f32 v54, v5  }
0x2d8: {  	v55 =	vld [tilespmem:s16+$0x60]  }
0x2d9: {  	v5 =	vadd.f32 v6, v5  }
0x2da: {  	v6 =	vld [tilespmem:s16+$0xA0]  }
0x2db: {  	v5 =	vadd.f32 v7, v5  }
0x2dc: {  	v7 =	vld [tilespmem:s16+$0xE0]  }
0x2dd: {  	v5 =	vadd.f32 v55, v5  }
0x2de: {  	v56 =	vld [tilespmem:s16+$0x120]  }
0x2df: {  	v5 =	vadd.f32 v6, v5  }
0x2e0: {  	v6 =	vld [tilespmem:s16+$0x160]  }
0x2e1: {  	v5 =	vadd.f32 v7, v5  }
0x2e2: {  	v7 =	vld [tilespmem:s16+$0x1A0]  }
0x2e3: {  	v5 =	vadd.f32 v56, v5  }
0x2e4: {  	v57 =	vld [tilespmem:s16+$0x1E0]  }
0x2e5: {  	v5 =	vadd.f32 v6, v5  }
0x2e6: {  	v6 =	vld [tilespmem:s16+$0x220]  }
0x2e7: {  	v5 =	vadd.f32 v7, v5  }
0x2e8: {  	v7 =	vld [tilespmem:s16+$0x260]  }
0x2e9: {  	v5 =	vadd.f32 v57, v5;
	_ =	sdelay $0x1  }
0x2ea: {  	v5 =	vadd.f32 v6, v5;
	_ =	sdelay $0x1  }
0x2eb: {  	v5 =	vadd.f32 v7, v5;
	_ =	sdelay $0x1  }
0x2ec: {  	v5 =	vmul.f32 $4.761904850e-02, v5;
	_ =	sdelay $0x1  }
0x2ed: {  	[tilespmem:s1+$0x192A0] =	vst v5;
	v5 =	vld [tilespmem:s1+$0x172B0]  }
0x2ee: {  	v6 =	vld [tilespmem:s16+$0xFFFFFDB0];
	_ =	sdelay $0x1  }
0x2ef: {  	v7 =	vld [tilespmem:s16+$0xFFFFFDF0];
	_ =	sdelay $0x1  }
0x2f0: {  	v58 =	vld [tilespmem:s16+$0xFFFFFE30]  }
0x2f1: {  	v5 =	vadd.f32 v6, v5  }
0x2f2: {  	v6 =	vld [tilespmem:s16+$0xFFFFFE70]  }
0x2f3: {  	v5 =	vadd.f32 v7, v5  }
0x2f4: {  	v7 =	vld [tilespmem:s16+$0xFFFFFEB0]  }
0x2f5: {  	v5 =	vadd.f32 v58, v5  }
0x2f6: {  	v59 =	vld [tilespmem:s16+$0xFFFFFEF0]  }
0x2f7: {  	v5 =	vadd.f32 v6, v5  }
0x2f8: {  	v6 =	vld [tilespmem:s16+$0xFFFFFF30]  }
0x2f9: {  	v5 =	vadd.f32 v7, v5  }
0x2fa: {  	v7 =	vld [tilespmem:s16+$0xFFFFFF70]  }
0x2fb: {  	v5 =	vadd.f32 v59, v5  }
0x2fc: {  	v60 =	vld [tilespmem:s16+$0xFFFFFFB0]  }
0x2fd: {  	v5 =	vadd.f32 v6, v5  }
0x2fe: {  	v6 =	vld [tilespmem:s16+$0xFFFFFFF0]  }
0x2ff: {  	v5 =	vadd.f32 v7, v5  }
0x300: {  	v7 =	vld [tilespmem:s16+$0x30]  }
0x301: {  	v5 =	vadd.f32 v60, v5  }
0x302: {  	v61 =	vld [tilespmem:s16+$0x70]  }
0x303: {  	v5 =	vadd.f32 v6, v5  }
0x304: {  	v6 =	vld [tilespmem:s16+$0xB0]  }
0x305: {  	v5 =	vadd.f32 v7, v5  }
0x306: {  	v7 =	vld [tilespmem:s16+$0xF0]  }
0x307: {  	v5 =	vadd.f32 v61, v5  }
0x308: {  	v62 =	vld [tilespmem:s16+$0x130]  }
0x309: {  	v5 =	vadd.f32 v6, v5  }
0x30a: {  	v6 =	vld [tilespmem:s16+$0x170]  }
0x30b: {  	v5 =	vadd.f32 v7, v5  }
0x30c: {  	v7 =	vld [tilespmem:s16+$0x1B0]  }
0x30d: {  	v5 =	vadd.f32 v62, v5  }
0x30e: {  	v63 =	vld [tilespmem:s16+$0x1F0]  }
0x30f: {  	v5 =	vadd.f32 v6, v5  }
0x310: {  	v6 =	vld [tilespmem:s16+$0x230]  }
0x311: {  	v5 =	vadd.f32 v7, v5  }
0x312: {  	v7 =	vld [tilespmem:s16+$0x270]  }
0x313: {  	v5 =	vadd.f32 v63, v5;
	_ =	sdelay $0x1  }
0x314: {  	v5 =	vadd.f32 v6, v5;
	_ =	sdelay $0x1  }
0x315: {  	v5 =	vadd.f32 v7, v5;
	_ =	sdelay $0x1  }
0x316: {  	s11 =	simm.s32 $0x200;
	s20 =	simm.s32 $0x100;
	v5 =	vmul.f32 $4.761904850e-02, v5  }
.LBB2_16:
0x317: {  	s13 =	sshra.s32 s20, $0x2  }
0x318: {  	s16 =	sadd.s32 $0x500, s16;
	s20 =	smov.u32 s11;
	s29 =	sadd.s32 $0x100, s11  }
0x319: {  	p0 =	sne.s32 s11, $0x1F00;
	v6 =	vld [tilespmem:s13+$0x17280];
	[tilespmem:s1+$0x192B0] =	vst v5;
	s1 =	smov.u32 s13  }
0x31a: {  	v5 =	vld [tilespmem:s16+$0xFFFFFD80]  }
0x31b: {  	v7 =	vld [tilespmem:s16+$0xFFFFFDC0];
	_ =	sdelay $0x1  }
0x31c: {  	v8 =	vld [tilespmem:s16+$0xFFFFFE00];
	_ =	sdelay $0x1  }
0x31d: {  	v5 =	vadd.f32 v5, v6;
	v6 =	vld [tilespmem:s16+$0xFFFFFE40];
	_ =	sdelay $0x1  }
0x31e: {  	v5 =	vadd.f32 v7, v5;
	v7 =	vld [tilespmem:s16+$0xFFFFFE80];
	_ =	sdelay $0x1  }
0x31f: {  	v5 =	vadd.f32 v8, v5;
	v8 =	vld [tilespmem:s16+$0xFFFFFEC0];
	_ =	sdelay $0x1  }
0x320: {  	v5 =	vadd.f32 v6, v5;
	v6 =	vld [tilespmem:s16+$0xFFFFFF00];
	_ =	sdelay $0x1  }
0x321: {  	v5 =	vadd.f32 v7, v5;
	v7 =	vld [tilespmem:s16+$0xFFFFFF40];
	_ =	sdelay $0x1  }
0x322: {  	v5 =	vadd.f32 v8, v5;
	v8 =	vld [tilespmem:s16+$0xFFFFFF80];
	_ =	sdelay $0x1  }
0x323: {  	v5 =	vadd.f32 v6, v5;
	v6 =	vld [tilespmem:s16+$0xFFFFFFC0];
	_ =	sdelay $0x1  }
0x324: {  	v5 =	vadd.f32 v7, v5;
	v7 =	vld [tilespmem:s16+$0x0];
	_ =	sdelay $0x1  }
0x325: {  	v5 =	vadd.f32 v8, v5;
	v8 =	vld [tilespmem:s16+$0x40];
	_ =	sdelay $0x1  }
0x326: {  	v5 =	vadd.f32 v6, v5;
	v6 =	vld [tilespmem:s16+$0x80];
	_ =	sdelay $0x1  }
0x327: {  	v5 =	vadd.f32 v7, v5;
	v7 =	vld [tilespmem:s16+$0xC0];
	_ =	sdelay $0x1  }
0x328: {  	v5 =	vadd.f32 v8, v5;
	v8 =	vld [tilespmem:s16+$0x100];
	_ =	sdelay $0x1  }
0x329: {  	v5 =	vadd.f32 v6, v5;
	v6 =	vld [tilespmem:s16+$0x140];
	_ =	sdelay $0x1  }
0x32a: {  	v5 =	vadd.f32 v7, v5;
	v7 =	vld [tilespmem:s16+$0x180];
	_ =	sdelay $0x1  }
0x32b: {  	v5 =	vadd.f32 v8, v5;
	v8 =	vld [tilespmem:s16+$0x1C0];
	_ =	sdelay $0x1  }
0x32c: {  	v5 =	vadd.f32 v6, v5;
	v6 =	vld [tilespmem:s16+$0x200];
	_ =	sdelay $0x1  }
0x32d: {  	v5 =	vadd.f32 v7, v5;
	v7 =	vld [tilespmem:s16+$0x240];
	_ =	sdelay $0x1  }
0x32e: {  	v5 =	vadd.f32 v8, v5;
	_ =	sdelay $0x1  }
0x32f: {  	v5 =	vadd.f32 v6, v5;
	_ =	sdelay $0x1  }
0x330: {  	v5 =	vadd.f32 v7, v5;
	_ =	sdelay $0x1  }
0x331: {  	v5 =	vmul.f32 $4.761904850e-02, v5;
	_ =	sdelay $0x1  }
0x332: {  	[tilespmem:s1+$0x19280] =	vst v5;
	v5 =	vld [tilespmem:s1+$0x17290]  }
0x333: {  	v6 =	vld [tilespmem:s16+$0xFFFFFD90]  }
0x334: {  	v7 =	vld [tilespmem:s16+$0xFFFFFDD0];
	_ =	sdelay $0x1  }
0x335: {  	v8 =	vld [tilespmem:s16+$0xFFFFFE10];
	_ =	sdelay $0x1  }
0x336: {  	v5 =	vadd.f32 v6, v5;
	v6 =	vld [tilespmem:s16+$0xFFFFFE50];
	_ =	sdelay $0x1  }
0x337: {  	v5 =	vadd.f32 v7, v5;
	v7 =	vld [tilespmem:s16+$0xFFFFFE90];
	_ =	sdelay $0x1  }
0x338: {  	v5 =	vadd.f32 v8, v5;
	v8 =	vld [tilespmem:s16+$0xFFFFFED0];
	_ =	sdelay $0x1  }
0x339: {  	v5 =	vadd.f32 v6, v5;
	v6 =	vld [tilespmem:s16+$0xFFFFFF10];
	_ =	sdelay $0x1  }
0x33a: {  	v5 =	vadd.f32 v7, v5;
	v7 =	vld [tilespmem:s16+$0xFFFFFF50];
	_ =	sdelay $0x1  }
0x33b: {  	v5 =	vadd.f32 v8, v5;
	v8 =	vld [tilespmem:s16+$0xFFFFFF90];
	_ =	sdelay $0x1  }
0x33c: {  	v5 =	vadd.f32 v6, v5;
	v6 =	vld [tilespmem:s16+$0xFFFFFFD0];
	_ =	sdelay $0x1  }
0x33d: {  	v5 =	vadd.f32 v7, v5;
	v7 =	vld [tilespmem:s16+$0x10];
	_ =	sdelay $0x1  }
0x33e: {  	v5 =	vadd.f32 v8, v5;
	v8 =	vld [tilespmem:s16+$0x50];
	_ =	sdelay $0x1  }
0x33f: {  	v5 =	vadd.f32 v6, v5;
	v6 =	vld [tilespmem:s16+$0x90];
	_ =	sdelay $0x1  }
0x340: {  	v5 =	vadd.f32 v7, v5;
	v7 =	vld [tilespmem:s16+$0xD0];
	_ =	sdelay $0x1  }
0x341: {  	v5 =	vadd.f32 v8, v5;
	v8 =	vld [tilespmem:s16+$0x110];
	_ =	sdelay $0x1  }
0x342: {  	v5 =	vadd.f32 v6, v5;
	v6 =	vld [tilespmem:s16+$0x150];
	_ =	sdelay $0x1  }
0x343: {  	v5 =	vadd.f32 v7, v5;
	v7 =	vld [tilespmem:s16+$0x190];
	_ =	sdelay $0x1  }
0x344: {  	v5 =	vadd.f32 v8, v5;
	v8 =	vld [tilespmem:s16+$0x1D0];
	_ =	sdelay $0x1  }
0x345: {  	v5 =	vadd.f32 v6, v5;
	v6 =	vld [tilespmem:s16+$0x210];
	_ =	sdelay $0x1  }
0x346: {  	v5 =	vadd.f32 v7, v5;
	v7 =	vld [tilespmem:s16+$0x250];
	_ =	sdelay $0x1  }
0x347: {  	v5 =	vadd.f32 v8, v5;
	_ =	sdelay $0x1  }
0x348: {  	v5 =	vadd.f32 v6, v5;
	_ =	sdelay $0x1  }
0x349: {  	v5 =	vadd.f32 v7, v5;
	_ =	sdelay $0x1  }
0x34a: {  	v5 =	vmul.f32 $4.761904850e-02, v5;
	_ =	sdelay $0x1  }
0x34b: {  	[tilespmem:s1+$0x19290] =	vst v5;
	v5 =	vld [tilespmem:s1+$0x172A0]  }
0x34c: {  	v6 =	vld [tilespmem:s16+$0xFFFFFDA0]  }
0x34d: {  	v7 =	vld [tilespmem:s16+$0xFFFFFDE0];
	_ =	sdelay $0x1  }
0x34e: {  	v8 =	vld [tilespmem:s16+$0xFFFFFE20];
	_ =	sdelay $0x1  }
0x34f: {  	v5 =	vadd.f32 v6, v5;
	v6 =	vld [tilespmem:s16+$0xFFFFFE60];
	_ =	sdelay $0x1  }
0x350: {  	v5 =	vadd.f32 v7, v5;
	v7 =	vld [tilespmem:s16+$0xFFFFFEA0];
	_ =	sdelay $0x1  }
0x351: {  	v5 =	vadd.f32 v8, v5;
	v8 =	vld [tilespmem:s16+$0xFFFFFEE0];
	_ =	sdelay $0x1  }
0x352: {  	v5 =	vadd.f32 v6, v5;
	v6 =	vld [tilespmem:s16+$0xFFFFFF20];
	_ =	sdelay $0x1  }
0x353: {  	v5 =	vadd.f32 v7, v5;
	v7 =	vld [tilespmem:s16+$0xFFFFFF60];
	_ =	sdelay $0x1  }
0x354: {  	v5 =	vadd.f32 v8, v5;
	v8 =	vld [tilespmem:s16+$0xFFFFFFA0];
	_ =	sdelay $0x1  }
0x355: {  	v5 =	vadd.f32 v6, v5;
	v6 =	vld [tilespmem:s16+$0xFFFFFFE0];
	_ =	sdelay $0x1  }
0x356: {  	v5 =	vadd.f32 v7, v5;
	v7 =	vld [tilespmem:s16+$0x20];
	_ =	sdelay $0x1  }
0x357: {  	v5 =	vadd.f32 v8, v5;
	v8 =	vld [tilespmem:s16+$0x60];
	_ =	sdelay $0x1  }
0x358: {  	v5 =	vadd.f32 v6, v5;
	v6 =	vld [tilespmem:s16+$0xA0];
	_ =	sdelay $0x1  }
0x359: {  	v5 =	vadd.f32 v7, v5;
	v7 =	vld [tilespmem:s16+$0xE0];
	_ =	sdelay $0x1  }
0x35a: {  	v5 =	vadd.f32 v8, v5;
	v8 =	vld [tilespmem:s16+$0x120];
	_ =	sdelay $0x1  }
0x35b: {  	v5 =	vadd.f32 v6, v5;
	v6 =	vld [tilespmem:s16+$0x160];
	_ =	sdelay $0x1  }
0x35c: {  	v5 =	vadd.f32 v7, v5;
	v7 =	vld [tilespmem:s16+$0x1A0];
	_ =	sdelay $0x1  }
0x35d: {  	v5 =	vadd.f32 v8, v5;
	v8 =	vld [tilespmem:s16+$0x1E0];
	_ =	sdelay $0x1  }
0x35e: {  	v5 =	vadd.f32 v6, v5;
	v6 =	vld [tilespmem:s16+$0x220];
	_ =	sdelay $0x1  }
0x35f: {  	v5 =	vadd.f32 v7, v5;
	v7 =	vld [tilespmem:s16+$0x260];
	_ =	sdelay $0x1  }
0x360: {  	v5 =	vadd.f32 v8, v5;
	_ =	sdelay $0x1  }
0x361: {  	v5 =	vadd.f32 v6, v5;
	_ =	sdelay $0x1  }
0x362: {  	v5 =	vadd.f32 v7, v5;
	_ =	sdelay $0x1  }
0x363: {  	v5 =	vmul.f32 $4.761904850e-02, v5;
	_ =	sdelay $0x1  }
0x364: {  	[tilespmem:s1+$0x192A0] =	vst v5;
	v5 =	vld [tilespmem:s1+$0x172B0]  }
0x365: {  	v6 =	vld [tilespmem:s16+$0xFFFFFDB0]  }
0x366: {  	v7 =	vld [tilespmem:s16+$0xFFFFFDF0]  }
0x367: {  	v8 =	vld [tilespmem:s16+$0xFFFFFE30]  }
0x368: {  	v9 =	vld [tilespmem:s16+$0xFFFFFE70]  }
0x369: {  	v10 =	vld [tilespmem:s16+$0xFFFFFEB0]  }
0x36a: {  	v5 =	vadd.f32 v6, v5;
	v6 =	vld [tilespmem:s16+$0xFFFFFEF0]  }
0x36b: {  	v11 =	vld [tilespmem:s16+$0xFFFFFF30]  }
0x36c: {  	v5 =	vadd.f32 v7, v5;
	v7 =	vld [tilespmem:s16+$0xFFFFFF70]  }
0x36d: {  	v12 =	vld [tilespmem:s16+$0xFFFFFFB0]  }
0x36e: {  	v5 =	vadd.f32 v8, v5;
	v8 =	vld [tilespmem:s16+$0xFFFFFFF0]  }
0x36f: {  	v13 =	vld [tilespmem:s16+$0x30]  }
0x370: {  	v5 =	vadd.f32 v9, v5;
	v9 =	vld [tilespmem:s16+$0x70]  }
0x371: {  	v14 =	vld [tilespmem:s16+$0xB0]  }
0x372: {  	v5 =	vadd.f32 v10, v5;
	v10 =	vld [tilespmem:s16+$0xF0]  }
0x373: {  	v15 =	vld [tilespmem:s16+$0x130]  }
0x374: {  	v5 =	vadd.f32 v6, v5;
	v6 =	vld [tilespmem:s16+$0x170]  }
0x375: {  	v16 =	vld [tilespmem:s16+$0x1B0]  }
0x376: {  	v5 =	vadd.f32 v11, v5;
	v11 =	vld [tilespmem:s16+$0x1F0]  }
0x377: {  	v17 =	vld [tilespmem:s16+$0x230]  }
0x378: {  	v5 =	vadd.f32 v7, v5;
	v7 =	vld [tilespmem:s16+$0x270];
	_ =	sdelay $0x1  }
0x379: {  	v5 =	vadd.f32 v12, v5;
	_ =	sdelay $0x1  }
0x37a: {  	v5 =	vadd.f32 v8, v5;
	_ =	sdelay $0x1  }
0x37b: {  	v5 =	vadd.f32 v13, v5;
	_ =	sdelay $0x1  }
0x37c: {  	v5 =	vadd.f32 v9, v5;
	_ =	sdelay $0x1  }
0x37d: {  	v5 =	vadd.f32 v14, v5;
	_ =	sdelay $0x1  }
0x37e: {  	v5 =	vadd.f32 v10, v5;
	_ =	sdelay $0x1  }
0x37f: {  	v5 =	vadd.f32 v15, v5;
	_ =	sdelay $0x1  }
0x380: {  	v5 =	vadd.f32 v6, v5;
	_ =	sdelay $0x1  }
0x381: {  	v5 =	vadd.f32 v16, v5;
	_ =	sdelay $0x1  }
0x382: {  	v5 =	vadd.f32 v11, v5;
	_ =	sdelay $0x1  }
.Ltmp7:
0x383: {  	v5 =	vadd.f32 v17, v5;
	(pc) =	sbr.rel @p0 .LBB2_16-.Ltmp7, $3  }
0x384: {  	_ = 	snop  }
0x385: {  	v5 =	vadd.f32 v7, v5;
	_ =	sdelay $0x1  }
0x386: {  	s11 =	smov.u32 s29;
	v5 =	vmul.f32 $4.761904850e-02, v5  }
0x387: {  	s20 =	sshra.s32 s20, $0x2  }
0x388: {  	s16 =	sadd.s32 $0x500, s16;
	v6 =	vld [tilespmem:s20+$0x17280];
	[tilespmem:s1+$0x192B0] =	vst v5  }
0x389: {  	v5 =	vld [tilespmem:s16+$0xFFFFFD80];
	_ =	sdelay $0x1  }
0x38a: {  	v7 =	vld [tilespmem:s16+$0xFFFFFDC0];
	_ =	sdelay $0x1  }
0x38b: {  	v8 =	vld [tilespmem:s16+$0xFFFFFE00]  }
0x38c: {  	v5 =	vadd.f32 v5, v6  }
0x38d: {  	v6 =	vld [tilespmem:s16+$0xFFFFFE40]  }
0x38e: {  	v5 =	vadd.f32 v7, v5  }
0x38f: {  	v7 =	vld [tilespmem:s16+$0xFFFFFE80]  }
0x390: {  	v5 =	vadd.f32 v8, v5  }
0x391: {  	v17 =	vld [tilespmem:s16+$0xFFFFFEC0]  }
0x392: {  	v5 =	vadd.f32 v6, v5  }
0x393: {  	v6 =	vld [tilespmem:s16+$0xFFFFFF00]  }
0x394: {  	v5 =	vadd.f32 v7, v5  }
0x395: {  	v7 =	vld [tilespmem:s16+$0xFFFFFF40]  }
0x396: {  	v5 =	vadd.f32 v17, v5  }
0x397: {  	v18 =	vld [tilespmem:s16+$0xFFFFFF80]  }
0x398: {  	v5 =	vadd.f32 v6, v5  }
0x399: {  	v6 =	vld [tilespmem:s16+$0xFFFFFFC0]  }
0x39a: {  	v5 =	vadd.f32 v7, v5  }
0x39b: {  	v7 =	vld [tilespmem:s16+$0x0]  }
0x39c: {  	v5 =	vadd.f32 v18, v5  }
0x39d: {  	v19 =	vld [tilespmem:s16+$0x40]  }
0x39e: {  	v5 =	vadd.f32 v6, v5  }
0x39f: {  	v6 =	vld [tilespmem:s16+$0x80]  }
0x3a0: {  	v5 =	vadd.f32 v7, v5  }
0x3a1: {  	v7 =	vld [tilespmem:s16+$0xC0]  }
0x3a2: {  	v5 =	vadd.f32 v19, v5  }
0x3a3: {  	v20 =	vld [tilespmem:s16+$0x100]  }
0x3a4: {  	v5 =	vadd.f32 v6, v5  }
0x3a5: {  	v6 =	vld [tilespmem:s16+$0x140]  }
0x3a6: {  	v5 =	vadd.f32 v7, v5  }
0x3a7: {  	v7 =	vld [tilespmem:s16+$0x180]  }
0x3a8: {  	v5 =	vadd.f32 v20, v5  }
0x3a9: {  	v21 =	vld [tilespmem:s16+$0x1C0]  }
0x3aa: {  	v5 =	vadd.f32 v6, v5  }
0x3ab: {  	v6 =	vld [tilespmem:s16+$0x200]  }
0x3ac: {  	v5 =	vadd.f32 v7, v5  }
0x3ad: {  	v7 =	vld [tilespmem:s16+$0x240]  }
0x3ae: {  	v5 =	vadd.f32 v21, v5;
	_ =	sdelay $0x1  }
0x3af: {  	v5 =	vadd.f32 v6, v5;
	_ =	sdelay $0x1  }
0x3b0: {  	v5 =	vadd.f32 v7, v5;
	_ =	sdelay $0x1  }
0x3b1: {  	v5 =	vmul.f32 $4.761904850e-02, v5;
	_ =	sdelay $0x1  }
0x3b2: {  	[tilespmem:s20+$0x19280] =	vst v5;
	v5 =	vld [tilespmem:s20+$0x17290]  }
0x3b3: {  	v6 =	vld [tilespmem:s16+$0xFFFFFD90];
	_ =	sdelay $0x1  }
0x3b4: {  	v7 =	vld [tilespmem:s16+$0xFFFFFDD0];
	_ =	sdelay $0x1  }
0x3b5: {  	v22 =	vld [tilespmem:s16+$0xFFFFFE10]  }
0x3b6: {  	v5 =	vadd.f32 v6, v5  }
0x3b7: {  	v6 =	vld [tilespmem:s16+$0xFFFFFE50]  }
0x3b8: {  	v5 =	vadd.f32 v7, v5  }
0x3b9: {  	v7 =	vld [tilespmem:s16+$0xFFFFFE90]  }
0x3ba: {  	v5 =	vadd.f32 v22, v5  }
0x3bb: {  	v23 =	vld [tilespmem:s16+$0xFFFFFED0]  }
0x3bc: {  	v5 =	vadd.f32 v6, v5  }
0x3bd: {  	v6 =	vld [tilespmem:s16+$0xFFFFFF10]  }
0x3be: {  	v5 =	vadd.f32 v7, v5  }
0x3bf: {  	v7 =	vld [tilespmem:s16+$0xFFFFFF50]  }
0x3c0: {  	v5 =	vadd.f32 v23, v5  }
0x3c1: {  	v24 =	vld [tilespmem:s16+$0xFFFFFF90]  }
0x3c2: {  	v5 =	vadd.f32 v6, v5  }
0x3c3: {  	v6 =	vld [tilespmem:s16+$0xFFFFFFD0]  }
0x3c4: {  	v5 =	vadd.f32 v7, v5  }
0x3c5: {  	v7 =	vld [tilespmem:s16+$0x10]  }
0x3c6: {  	v5 =	vadd.f32 v24, v5  }
0x3c7: {  	v25 =	vld [tilespmem:s16+$0x50]  }
0x3c8: {  	v5 =	vadd.f32 v6, v5  }
0x3c9: {  	v6 =	vld [tilespmem:s16+$0x90]  }
0x3ca: {  	v5 =	vadd.f32 v7, v5  }
0x3cb: {  	v7 =	vld [tilespmem:s16+$0xD0]  }
0x3cc: {  	v5 =	vadd.f32 v25, v5  }
0x3cd: {  	v26 =	vld [tilespmem:s16+$0x110]  }
0x3ce: {  	v5 =	vadd.f32 v6, v5  }
0x3cf: {  	v6 =	vld [tilespmem:s16+$0x150]  }
0x3d0: {  	v5 =	vadd.f32 v7, v5  }
0x3d1: {  	v7 =	vld [tilespmem:s16+$0x190]  }
0x3d2: {  	v5 =	vadd.f32 v26, v5  }
0x3d3: {  	v27 =	vld [tilespmem:s16+$0x1D0]  }
0x3d4: {  	v5 =	vadd.f32 v6, v5  }
0x3d5: {  	v6 =	vld [tilespmem:s16+$0x210]  }
0x3d6: {  	v5 =	vadd.f32 v7, v5  }
0x3d7: {  	v7 =	vld [tilespmem:s16+$0x250]  }
0x3d8: {  	v5 =	vadd.f32 v27, v5;
	_ =	sdelay $0x1  }
0x3d9: {  	v5 =	vadd.f32 v6, v5;
	_ =	sdelay $0x1  }
0x3da: {  	v5 =	vadd.f32 v7, v5;
	_ =	sdelay $0x1  }
0x3db: {  	v5 =	vmul.f32 $4.761904850e-02, v5;
	_ =	sdelay $0x1  }
0x3dc: {  	[tilespmem:s20+$0x19290] =	vst v5;
	v5 =	vld [tilespmem:s20+$0x172A0]  }
0x3dd: {  	v6 =	vld [tilespmem:s16+$0xFFFFFDA0];
	_ =	sdelay $0x1  }
0x3de: {  	v7 =	vld [tilespmem:s16+$0xFFFFFDE0];
	_ =	sdelay $0x1  }
0x3df: {  	v28 =	vld [tilespmem:s16+$0xFFFFFE20]  }
0x3e0: {  	v5 =	vadd.f32 v6, v5  }
0x3e1: {  	v6 =	vld [tilespmem:s16+$0xFFFFFE60]  }
0x3e2: {  	v5 =	vadd.f32 v7, v5  }
0x3e3: {  	v7 =	vld [tilespmem:s16+$0xFFFFFEA0]  }
0x3e4: {  	v5 =	vadd.f32 v28, v5  }
0x3e5: {  	v29 =	vld [tilespmem:s16+$0xFFFFFEE0]  }
0x3e6: {  	v5 =	vadd.f32 v6, v5  }
0x3e7: {  	v6 =	vld [tilespmem:s16+$0xFFFFFF20]  }
0x3e8: {  	v5 =	vadd.f32 v7, v5  }
0x3e9: {  	v7 =	vld [tilespmem:s16+$0xFFFFFF60]  }
0x3ea: {  	v5 =	vadd.f32 v29, v5  }
0x3eb: {  	v30 =	vld [tilespmem:s16+$0xFFFFFFA0]  }
0x3ec: {  	v5 =	vadd.f32 v6, v5  }
0x3ed: {  	v6 =	vld [tilespmem:s16+$0xFFFFFFE0]  }
0x3ee: {  	v5 =	vadd.f32 v7, v5  }
0x3ef: {  	v7 =	vld [tilespmem:s16+$0x20]  }
0x3f0: {  	v5 =	vadd.f32 v30, v5  }
0x3f1: {  	v31 =	vld [tilespmem:s16+$0x60]  }
0x3f2: {  	v5 =	vadd.f32 v6, v5  }
0x3f3: {  	v6 =	vld [tilespmem:s16+$0xA0]  }
0x3f4: {  	v5 =	vadd.f32 v7, v5  }
0x3f5: {  	v7 =	vld [tilespmem:s16+$0xE0]  }
0x3f6: {  	v5 =	vadd.f32 v31, v5  }
0x3f7: {  	v32 =	vld [tilespmem:s16+$0x120]  }
0x3f8: {  	v5 =	vadd.f32 v6, v5  }
0x3f9: {  	v6 =	vld [tilespmem:s16+$0x160]  }
0x3fa: {  	v5 =	vadd.f32 v7, v5  }
0x3fb: {  	v7 =	vld [tilespmem:s16+$0x1A0]  }
0x3fc: {  	v5 =	vadd.f32 v32, v5  }
0x3fd: {  	v33 =	vld [tilespmem:s16+$0x1E0]  }
0x3fe: {  	v5 =	vadd.f32 v6, v5  }
0x3ff: {  	v6 =	vld [tilespmem:s16+$0x220]  }
0x400: {  	v5 =	vadd.f32 v7, v5  }
0x401: {  	v7 =	vld [tilespmem:s16+$0x260]  }
0x402: {  	v5 =	vadd.f32 v33, v5;
	_ =	sdelay $0x1  }
0x403: {  	v5 =	vadd.f32 v6, v5;
	_ =	sdelay $0x1  }
0x404: {  	v5 =	vadd.f32 v7, v5;
	_ =	sdelay $0x1  }
0x405: {  	v5 =	vmul.f32 $4.761904850e-02, v5;
	_ =	sdelay $0x1  }
0x406: {  	[tilespmem:s20+$0x192A0] =	vst v5;
	v5 =	vld [tilespmem:s20+$0x172B0]  }
0x407: {  	v6 =	vld [tilespmem:s16+$0xFFFFFDB0];
	_ =	sdelay $0x1  }
0x408: {  	v7 =	vld [tilespmem:s16+$0xFFFFFDF0];
	_ =	sdelay $0x1  }
0x409: {  	v34 =	vld [tilespmem:s16+$0xFFFFFE30]  }
0x40a: {  	v5 =	vadd.f32 v6, v5  }
0x40b: {  	v6 =	vld [tilespmem:s16+$0xFFFFFE70]  }
0x40c: {  	v5 =	vadd.f32 v7, v5  }
0x40d: {  	v7 =	vld [tilespmem:s16+$0xFFFFFEB0]  }
0x40e: {  	v5 =	vadd.f32 v34, v5  }
0x40f: {  	v35 =	vld [tilespmem:s16+$0xFFFFFEF0]  }
0x410: {  	v5 =	vadd.f32 v6, v5  }
0x411: {  	v6 =	vld [tilespmem:s16+$0xFFFFFF30]  }
0x412: {  	v5 =	vadd.f32 v7, v5  }
0x413: {  	v7 =	vld [tilespmem:s16+$0xFFFFFF70]  }
0x414: {  	v5 =	vadd.f32 v35, v5  }
0x415: {  	v36 =	vld [tilespmem:s16+$0xFFFFFFB0]  }
0x416: {  	v5 =	vadd.f32 v6, v5  }
0x417: {  	v6 =	vld [tilespmem:s16+$0xFFFFFFF0]  }
0x418: {  	v5 =	vadd.f32 v7, v5  }
0x419: {  	v7 =	vld [tilespmem:s16+$0x30]  }
0x41a: {  	v5 =	vadd.f32 v36, v5  }
0x41b: {  	v37 =	vld [tilespmem:s16+$0x70]  }
0x41c: {  	v5 =	vadd.f32 v6, v5  }
0x41d: {  	v6 =	vld [tilespmem:s16+$0xB0]  }
0x41e: {  	v5 =	vadd.f32 v7, v5  }
0x41f: {  	v7 =	vld [tilespmem:s16+$0xF0]  }
0x420: {  	v5 =	vadd.f32 v37, v5  }
0x421: {  	v38 =	vld [tilespmem:s16+$0x130]  }
0x422: {  	v5 =	vadd.f32 v6, v5  }
0x423: {  	v6 =	vld [tilespmem:s16+$0x170]  }
0x424: {  	v5 =	vadd.f32 v7, v5  }
0x425: {  	v7 =	vld [tilespmem:s16+$0x1B0]  }
0x426: {  	v5 =	vadd.f32 v38, v5  }
0x427: {  	v39 =	vld [tilespmem:s16+$0x1F0]  }
0x428: {  	v5 =	vadd.f32 v6, v5  }
0x429: {  	v6 =	vld [tilespmem:s16+$0x230]  }
0x42a: {  	v5 =	vadd.f32 v7, v5  }
0x42b: {  	v7 =	vld [tilespmem:s16+$0x270]  }
0x42c: {  	v5 =	vadd.f32 v39, v5;
	_ =	sdelay $0x1  }
0x42d: {  	v5 =	vadd.f32 v6, v5;
	_ =	sdelay $0x1  }
0x42e: {  	v5 =	vadd.f32 v7, v5;
	_ =	sdelay $0x1  }
0x42f: {  	v5 =	vmul.f32 $4.761904850e-02, v5;
	_ =	sdelay $0x1  }
0x430: {  	[tilespmem:s20+$0x192B0] =	vst v5  }
0x431: {  	_ =	swait.ge [sflag:s28], $0x2000  }
0x432: {  	[sflag:s28] =	ssyncset.done $0x0  }
0x433: {  	[sflag:s28] =	ssyncadd.s32 $0xFFFFE000  }
0x434: {  	_ =	swait.ge [sflag:s28], $0x2000  }
0x435: {  	[sflag:s28] =	ssyncset.done $0x0  }
0x436: {  	[sflag:s28] =	ssyncadd.s32 $0xFFFFE000  }
0x437: {  	_ =	swait.ge [sflag:s28], $0x2000  }
0x438: {  	[sflag:s28] =	ssyncset.done $0x0  }
0x439: {  	[sflag:s28] =	ssyncadd.s32 $0xFFFFE000  }
0x43a: {  	_ =	swait.ge [sflag:s28], $0x2000  }
0x43b: {  	[sflag:s28] =	ssyncset.done $0x0  }
0x43c: {  	[sflag:s28] =	ssyncadd.s32 $0xFFFFE000  }
0x43d: {  	_ =	swait.ge [sflag:s28], $0x2000  }
0x43e: {  	[sflag:s28] =	ssyncset.done $0x0  }
0x43f: {  	s11 =	simm.s32 $0x1B300;
	[sflag:s28] =	ssyncadd.s32 $0xFFFFE000  }
0x440: {  	[tilespmem:s30], [sflag:$0x2] =	stream.indirect.gather [hbm4b:s4+s12], $0x40, s11, s12, $0xb8;
	[tilespmem:$0x1B580] =	vst v63  }
0x441: {  	s13 =	simm.s32 $0x1B380  }
0x442: {  	[tilespmem:s0], [sflag:$0x2] =	stream.indirect.gather [hbm4b:s4+s12], $0x40, s13, s12, $0xb8;
	[tilespmem:$0x1B580] =	vst v63  }
0x443: {  	s16 =	simm.s32 $0x1B400  }
0x444: {  	[tilespmem:s15], [sflag:$0x2] =	stream.indirect.gather [hbm4b:s4+s12], $0x40, s16, s12, $0xb8;
	[tilespmem:$0x1B580] =	vst v63  }
0x445: {  	s20 =	simm.s32 $0x1B480  }
0x446: {  	[tilespmem:s18], [sflag:$0x2] =	stream.indirect.gather [hbm4b:s4+s12], $0x40, s20, s12, $0xb8;
	[tilespmem:$0x1B580] =	vst v63  }
0x447: {  	s29 =	simm.s32 $0x1B500;
	s1 =	simm.s32 $0x0  }
0x448: {  	[tilespmem:s22], [sflag:$0x2] =	stream.indirect.gather [hbm4b:s4+s12], $0x40, s29, s12, $0xb8;
	[tilespmem:$0x1B580] =	vst v63  }
0x449: {  	s16 =	simm.s32 $0xD00;
	v5 =	vld [tilespmem:s1+$0x17A80]  }
0x44a: {  	v6 =	vld [tilespmem:s16+$0xFFFFFD80];
	_ =	sdelay $0x1  }
0x44b: {  	v7 =	vld [tilespmem:s16+$0xFFFFFDC0];
	_ =	sdelay $0x1  }
0x44c: {  	v40 =	vld [tilespmem:s16+$0xFFFFFE00]  }
0x44d: {  	v5 =	vadd.f32 v6, v5  }
0x44e: {  	v6 =	vld [tilespmem:s16+$0xFFFFFE40]  }
0x44f: {  	v5 =	vadd.f32 v7, v5  }
0x450: {  	v7 =	vld [tilespmem:s16+$0xFFFFFE80]  }
0x451: {  	v5 =	vadd.f32 v40, v5  }
0x452: {  	v41 =	vld [tilespmem:s16+$0xFFFFFEC0]  }
0x453: {  	v5 =	vadd.f32 v6, v5  }
0x454: {  	v6 =	vld [tilespmem:s16+$0xFFFFFF00]  }
0x455: {  	v5 =	vadd.f32 v7, v5  }
0x456: {  	v7 =	vld [tilespmem:s16+$0xFFFFFF40]  }
0x457: {  	v5 =	vadd.f32 v41, v5  }
0x458: {  	v42 =	vld [tilespmem:s16+$0xFFFFFF80]  }
0x459: {  	v5 =	vadd.f32 v6, v5  }
0x45a: {  	v6 =	vld [tilespmem:s16+$0xFFFFFFC0]  }
0x45b: {  	v5 =	vadd.f32 v7, v5  }
0x45c: {  	v7 =	vld [tilespmem:s16+$0x0]  }
0x45d: {  	v5 =	vadd.f32 v42, v5  }
0x45e: {  	v43 =	vld [tilespmem:s16+$0x40]  }
0x45f: {  	v5 =	vadd.f32 v6, v5  }
0x460: {  	v6 =	vld [tilespmem:s16+$0x80]  }
0x461: {  	v5 =	vadd.f32 v7, v5  }
0x462: {  	v7 =	vld [tilespmem:s16+$0xC0]  }
0x463: {  	v5 =	vadd.f32 v43, v5  }
0x464: {  	v44 =	vld [tilespmem:s16+$0x100]  }
0x465: {  	v5 =	vadd.f32 v6, v5  }
0x466: {  	v6 =	vld [tilespmem:s16+$0x140]  }
0x467: {  	v5 =	vadd.f32 v7, v5  }
0x468: {  	v7 =	vld [tilespmem:s16+$0x180]  }
0x469: {  	v5 =	vadd.f32 v44, v5  }
0x46a: {  	v45 =	vld [tilespmem:s16+$0x1C0]  }
0x46b: {  	v5 =	vadd.f32 v6, v5  }
0x46c: {  	v6 =	vld [tilespmem:s16+$0x200]  }
0x46d: {  	v5 =	vadd.f32 v7, v5  }
0x46e: {  	v7 =	vld [tilespmem:s16+$0x240]  }
0x46f: {  	v5 =	vadd.f32 v45, v5;
	_ =	sdelay $0x1  }
0x470: {  	v5 =	vadd.f32 v6, v5;
	_ =	sdelay $0x1  }
0x471: {  	v5 =	vadd.f32 v7, v5;
	_ =	sdelay $0x1  }
0x472: {  	v5 =	vmul.f32 $4.761904850e-02, v5;
	_ =	sdelay $0x1  }
0x473: {  	[tilespmem:s1+$0x19A80] =	vst v5;
	v5 =	vld [tilespmem:s1+$0x17A90]  }
0x474: {  	v6 =	vld [tilespmem:s16+$0xFFFFFD90];
	_ =	sdelay $0x1  }
0x475: {  	v7 =	vld [tilespmem:s16+$0xFFFFFDD0];
	_ =	sdelay $0x1  }
0x476: {  	v46 =	vld [tilespmem:s16+$0xFFFFFE10]  }
0x477: {  	v5 =	vadd.f32 v6, v5  }
0x478: {  	v6 =	vld [tilespmem:s16+$0xFFFFFE50]  }
0x479: {  	v5 =	vadd.f32 v7, v5  }
0x47a: {  	v7 =	vld [tilespmem:s16+$0xFFFFFE90]  }
0x47b: {  	v5 =	vadd.f32 v46, v5  }
0x47c: {  	v47 =	vld [tilespmem:s16+$0xFFFFFED0]  }
0x47d: {  	v5 =	vadd.f32 v6, v5  }
0x47e: {  	v6 =	vld [tilespmem:s16+$0xFFFFFF10]  }
0x47f: {  	v5 =	vadd.f32 v7, v5  }
0x480: {  	v7 =	vld [tilespmem:s16+$0xFFFFFF50]  }
0x481: {  	v5 =	vadd.f32 v47, v5  }
0x482: {  	v48 =	vld [tilespmem:s16+$0xFFFFFF90]  }
0x483: {  	v5 =	vadd.f32 v6, v5  }
0x484: {  	v6 =	vld [tilespmem:s16+$0xFFFFFFD0]  }
0x485: {  	v5 =	vadd.f32 v7, v5  }
0x486: {  	v7 =	vld [tilespmem:s16+$0x10]  }
0x487: {  	v5 =	vadd.f32 v48, v5  }
0x488: {  	v49 =	vld [tilespmem:s16+$0x50]  }
0x489: {  	v5 =	vadd.f32 v6, v5  }
0x48a: {  	v6 =	vld [tilespmem:s16+$0x90]  }
0x48b: {  	v5 =	vadd.f32 v7, v5  }
0x48c: {  	v7 =	vld [tilespmem:s16+$0xD0]  }
0x48d: {  	v5 =	vadd.f32 v49, v5  }
0x48e: {  	v50 =	vld [tilespmem:s16+$0x110]  }
0x48f: {  	v5 =	vadd.f32 v6, v5  }
0x490: {  	v6 =	vld [tilespmem:s16+$0x150]  }
0x491: {  	v5 =	vadd.f32 v7, v5  }
0x492: {  	v7 =	vld [tilespmem:s16+$0x190]  }
0x493: {  	v5 =	vadd.f32 v50, v5  }
0x494: {  	v51 =	vld [tilespmem:s16+$0x1D0]  }
0x495: {  	v5 =	vadd.f32 v6, v5  }
0x496: {  	v6 =	vld [tilespmem:s16+$0x210]  }
0x497: {  	v5 =	vadd.f32 v7, v5  }
0x498: {  	v7 =	vld [tilespmem:s16+$0x250]  }
0x499: {  	v5 =	vadd.f32 v51, v5;
	_ =	sdelay $0x1  }
0x49a: {  	v5 =	vadd.f32 v6, v5;
	_ =	sdelay $0x1  }
0x49b: {  	v5 =	vadd.f32 v7, v5;
	_ =	sdelay $0x1  }
0x49c: {  	v5 =	vmul.f32 $4.761904850e-02, v5;
	_ =	sdelay $0x1  }
0x49d: {  	[tilespmem:s1+$0x19A90] =	vst v5;
	v5 =	vld [tilespmem:s1+$0x17AA0]  }
0x49e: {  	v6 =	vld [tilespmem:s16+$0xFFFFFDA0];
	_ =	sdelay $0x1  }
0x49f: {  	v7 =	vld [tilespmem:s16+$0xFFFFFDE0];
	_ =	sdelay $0x1  }
0x4a0: {  	v52 =	vld [tilespmem:s16+$0xFFFFFE20]  }
0x4a1: {  	v5 =	vadd.f32 v6, v5  }
0x4a2: {  	v6 =	vld [tilespmem:s16+$0xFFFFFE60]  }
0x4a3: {  	v5 =	vadd.f32 v7, v5  }
0x4a4: {  	v7 =	vld [tilespmem:s16+$0xFFFFFEA0]  }
0x4a5: {  	v5 =	vadd.f32 v52, v5  }
0x4a6: {  	v53 =	vld [tilespmem:s16+$0xFFFFFEE0]  }
0x4a7: {  	v5 =	vadd.f32 v6, v5  }
0x4a8: {  	v6 =	vld [tilespmem:s16+$0xFFFFFF20]  }
0x4a9: {  	v5 =	vadd.f32 v7, v5  }
0x4aa: {  	v7 =	vld [tilespmem:s16+$0xFFFFFF60]  }
0x4ab: {  	v5 =	vadd.f32 v53, v5  }
0x4ac: {  	v54 =	vld [tilespmem:s16+$0xFFFFFFA0]  }
0x4ad: {  	v5 =	vadd.f32 v6, v5  }
0x4ae: {  	v6 =	vld [tilespmem:s16+$0xFFFFFFE0]  }
0x4af: {  	v5 =	vadd.f32 v7, v5  }
0x4b0: {  	v7 =	vld [tilespmem:s16+$0x20]  }
0x4b1: {  	v5 =	vadd.f32 v54, v5  }
0x4b2: {  	v55 =	vld [tilespmem:s16+$0x60]  }
0x4b3: {  	v5 =	vadd.f32 v6, v5  }
0x4b4: {  	v6 =	vld [tilespmem:s16+$0xA0]  }
0x4b5: {  	v5 =	vadd.f32 v7, v5  }
0x4b6: {  	v7 =	vld [tilespmem:s16+$0xE0]  }
0x4b7: {  	v5 =	vadd.f32 v55, v5  }
0x4b8: {  	v56 =	vld [tilespmem:s16+$0x120]  }
0x4b9: {  	v5 =	vadd.f32 v6, v5  }
0x4ba: {  	v6 =	vld [tilespmem:s16+$0x160]  }
0x4bb: {  	v5 =	vadd.f32 v7, v5  }
0x4bc: {  	v7 =	vld [tilespmem:s16+$0x1A0]  }
0x4bd: {  	v5 =	vadd.f32 v56, v5  }
0x4be: {  	v57 =	vld [tilespmem:s16+$0x1E0]  }
0x4bf: {  	v5 =	vadd.f32 v6, v5  }
0x4c0: {  	v6 =	vld [tilespmem:s16+$0x220]  }
0x4c1: {  	v5 =	vadd.f32 v7, v5  }
0x4c2: {  	v7 =	vld [tilespmem:s16+$0x260]  }
0x4c3: {  	v5 =	vadd.f32 v57, v5;
	_ =	sdelay $0x1  }
0x4c4: {  	v5 =	vadd.f32 v6, v5;
	_ =	sdelay $0x1  }
0x4c5: {  	v5 =	vadd.f32 v7, v5;
	_ =	sdelay $0x1  }
0x4c6: {  	v5 =	vmul.f32 $4.761904850e-02, v5;
	_ =	sdelay $0x1  }
0x4c7: {  	[tilespmem:s1+$0x19AA0] =	vst v5;
	v5 =	vld [tilespmem:s1+$0x17AB0]  }
0x4c8: {  	v6 =	vld [tilespmem:s16+$0xFFFFFDB0];
	_ =	sdelay $0x1  }
0x4c9: {  	v7 =	vld [tilespmem:s16+$0xFFFFFDF0];
	_ =	sdelay $0x1  }
0x4ca: {  	v58 =	vld [tilespmem:s16+$0xFFFFFE30]  }
0x4cb: {  	v5 =	vadd.f32 v6, v5  }
0x4cc: {  	v6 =	vld [tilespmem:s16+$0xFFFFFE70]  }
0x4cd: {  	v5 =	vadd.f32 v7, v5  }
0x4ce: {  	v7 =	vld [tilespmem:s16+$0xFFFFFEB0]  }
0x4cf: {  	v5 =	vadd.f32 v58, v5  }
0x4d0: {  	v59 =	vld [tilespmem:s16+$0xFFFFFEF0]  }
0x4d1: {  	v5 =	vadd.f32 v6, v5  }
0x4d2: {  	v6 =	vld [tilespmem:s16+$0xFFFFFF30]  }
0x4d3: {  	v5 =	vadd.f32 v7, v5  }
0x4d4: {  	v7 =	vld [tilespmem:s16+$0xFFFFFF70]  }
0x4d5: {  	v5 =	vadd.f32 v59, v5  }
0x4d6: {  	v60 =	vld [tilespmem:s16+$0xFFFFFFB0]  }
0x4d7: {  	v5 =	vadd.f32 v6, v5  }
0x4d8: {  	v6 =	vld [tilespmem:s16+$0xFFFFFFF0]  }
0x4d9: {  	v5 =	vadd.f32 v7, v5  }
0x4da: {  	v7 =	vld [tilespmem:s16+$0x30]  }
0x4db: {  	v5 =	vadd.f32 v60, v5  }
0x4dc: {  	v61 =	vld [tilespmem:s16+$0x70]  }
0x4dd: {  	v5 =	vadd.f32 v6, v5  }
0x4de: {  	v6 =	vld [tilespmem:s16+$0xB0]  }
0x4df: {  	v5 =	vadd.f32 v7, v5  }
0x4e0: {  	v7 =	vld [tilespmem:s16+$0xF0]  }
0x4e1: {  	v5 =	vadd.f32 v61, v5  }
0x4e2: {  	v62 =	vld [tilespmem:s16+$0x130]  }
0x4e3: {  	v5 =	vadd.f32 v6, v5  }
0x4e4: {  	v6 =	vld [tilespmem:s16+$0x170]  }
0x4e5: {  	v5 =	vadd.f32 v7, v5  }
0x4e6: {  	v7 =	vld [tilespmem:s16+$0x1B0]  }
0x4e7: {  	v5 =	vadd.f32 v62, v5  }
0x4e8: {  	v63 =	vld [tilespmem:s16+$0x1F0]  }
0x4e9: {  	v5 =	vadd.f32 v6, v5  }
0x4ea: {  	v6 =	vld [tilespmem:s16+$0x230]  }
0x4eb: {  	v5 =	vadd.f32 v7, v5  }
0x4ec: {  	v7 =	vld [tilespmem:s16+$0x270]  }
0x4ed: {  	v5 =	vadd.f32 v63, v5;
	_ =	sdelay $0x1  }
0x4ee: {  	v5 =	vadd.f32 v6, v5;
	_ =	sdelay $0x1  }
0x4ef: {  	v5 =	vadd.f32 v7, v5;
	_ =	sdelay $0x1  }
0x4f0: {  	s11 =	simm.s32 $0x200;
	s20 =	simm.s32 $0x100;
	v5 =	vmul.f32 $4.761904850e-02, v5  }
.LBB2_18:
0x4f1: {  	s13 =	sshra.s32 s20, $0x2  }
0x4f2: {  	s16 =	sadd.s32 $0x500, s16;
	s20 =	smov.u32 s11;
	s29 =	sadd.s32 $0x100, s11  }
0x4f3: {  	p0 =	sne.s32 s11, $0x1F00;
	v6 =	vld [tilespmem:s13+$0x17A80];
	[tilespmem:s1+$0x19AB0] =	vst v5;
	s1 =	smov.u32 s13  }
0x4f4: {  	v5 =	vld [tilespmem:s16+$0xFFFFFD80]  }
0x4f5: {  	v7 =	vld [tilespmem:s16+$0xFFFFFDC0];
	_ =	sdelay $0x1  }
0x4f6: {  	v8 =	vld [tilespmem:s16+$0xFFFFFE00];
	_ =	sdelay $0x1  }
0x4f7: {  	v5 =	vadd.f32 v5, v6;
	v6 =	vld [tilespmem:s16+$0xFFFFFE40];
	_ =	sdelay $0x1  }
0x4f8: {  	v5 =	vadd.f32 v7, v5;
	v7 =	vld [tilespmem:s16+$0xFFFFFE80];
	_ =	sdelay $0x1  }
0x4f9: {  	v5 =	vadd.f32 v8, v5;
	v8 =	vld [tilespmem:s16+$0xFFFFFEC0];
	_ =	sdelay $0x1  }
0x4fa: {  	v5 =	vadd.f32 v6, v5;
	v6 =	vld [tilespmem:s16+$0xFFFFFF00];
	_ =	sdelay $0x1  }
0x4fb: {  	v5 =	vadd.f32 v7, v5;
	v7 =	vld [tilespmem:s16+$0xFFFFFF40];
	_ =	sdelay $0x1  }
0x4fc: {  	v5 =	vadd.f32 v8, v5;
	v8 =	vld [tilespmem:s16+$0xFFFFFF80];
	_ =	sdelay $0x1  }
0x4fd: {  	v5 =	vadd.f32 v6, v5;
	v6 =	vld [tilespmem:s16+$0xFFFFFFC0];
	_ =	sdelay $0x1  }
0x4fe: {  	v5 =	vadd.f32 v7, v5;
	v7 =	vld [tilespmem:s16+$0x0];
	_ =	sdelay $0x1  }
0x4ff: {  	v5 =	vadd.f32 v8, v5;
	v8 =	vld [tilespmem:s16+$0x40];
	_ =	sdelay $0x1  }
0x500: {  	v5 =	vadd.f32 v6, v5;
	v6 =	vld [tilespmem:s16+$0x80];
	_ =	sdelay $0x1  }
0x501: {  	v5 =	vadd.f32 v7, v5;
	v7 =	vld [tilespmem:s16+$0xC0];
	_ =	sdelay $0x1  }
0x502: {  	v5 =	vadd.f32 v8, v5;
	v8 =	vld [tilespmem:s16+$0x100];
	_ =	sdelay $0x1  }
0x503: {  	v5 =	vadd.f32 v6, v5;
	v6 =	vld [tilespmem:s16+$0x140];
	_ =	sdelay $0x1  }
0x504: {  	v5 =	vadd.f32 v7, v5;
	v7 =	vld [tilespmem:s16+$0x180];
	_ =	sdelay $0x1  }
0x505: {  	v5 =	vadd.f32 v8, v5;
	v8 =	vld [tilespmem:s16+$0x1C0];
	_ =	sdelay $0x1  }
0x506: {  	v5 =	vadd.f32 v6, v5;
	v6 =	vld [tilespmem:s16+$0x200];
	_ =	sdelay $0x1  }
0x507: {  	v5 =	vadd.f32 v7, v5;
	v7 =	vld [tilespmem:s16+$0x240];
	_ =	sdelay $0x1  }
0x508: {  	v5 =	vadd.f32 v8, v5;
	_ =	sdelay $0x1  }
0x509: {  	v5 =	vadd.f32 v6, v5;
	_ =	sdelay $0x1  }
0x50a: {  	v5 =	vadd.f32 v7, v5;
	_ =	sdelay $0x1  }
0x50b: {  	v5 =	vmul.f32 $4.761904850e-02, v5;
	_ =	sdelay $0x1  }
0x50c: {  	[tilespmem:s1+$0x19A80] =	vst v5;
	v5 =	vld [tilespmem:s1+$0x17A90]  }
0x50d: {  	v6 =	vld [tilespmem:s16+$0xFFFFFD90]  }
0x50e: {  	v7 =	vld [tilespmem:s16+$0xFFFFFDD0];
	_ =	sdelay $0x1  }
0x50f: {  	v8 =	vld [tilespmem:s16+$0xFFFFFE10];
	_ =	sdelay $0x1  }
0x510: {  	v5 =	vadd.f32 v6, v5;
	v6 =	vld [tilespmem:s16+$0xFFFFFE50];
	_ =	sdelay $0x1  }
0x511: {  	v5 =	vadd.f32 v7, v5;
	v7 =	vld [tilespmem:s16+$0xFFFFFE90];
	_ =	sdelay $0x1  }
0x512: {  	v5 =	vadd.f32 v8, v5;
	v8 =	vld [tilespmem:s16+$0xFFFFFED0];
	_ =	sdelay $0x1  }
0x513: {  	v5 =	vadd.f32 v6, v5;
	v6 =	vld [tilespmem:s16+$0xFFFFFF10];
	_ =	sdelay $0x1  }
0x514: {  	v5 =	vadd.f32 v7, v5;
	v7 =	vld [tilespmem:s16+$0xFFFFFF50];
	_ =	sdelay $0x1  }
0x515: {  	v5 =	vadd.f32 v8, v5;
	v8 =	vld [tilespmem:s16+$0xFFFFFF90];
	_ =	sdelay $0x1  }
0x516: {  	v5 =	vadd.f32 v6, v5;
	v6 =	vld [tilespmem:s16+$0xFFFFFFD0];
	_ =	sdelay $0x1  }
0x517: {  	v5 =	vadd.f32 v7, v5;
	v7 =	vld [tilespmem:s16+$0x10];
	_ =	sdelay $0x1  }
0x518: {  	v5 =	vadd.f32 v8, v5;
	v8 =	vld [tilespmem:s16+$0x50];
	_ =	sdelay $0x1  }
0x519: {  	v5 =	vadd.f32 v6, v5;
	v6 =	vld [tilespmem:s16+$0x90];
	_ =	sdelay $0x1  }
0x51a: {  	v5 =	vadd.f32 v7, v5;
	v7 =	vld [tilespmem:s16+$0xD0];
	_ =	sdelay $0x1  }
0x51b: {  	v5 =	vadd.f32 v8, v5;
	v8 =	vld [tilespmem:s16+$0x110];
	_ =	sdelay $0x1  }
0x51c: {  	v5 =	vadd.f32 v6, v5;
	v6 =	vld [tilespmem:s16+$0x150];
	_ =	sdelay $0x1  }
0x51d: {  	v5 =	vadd.f32 v7, v5;
	v7 =	vld [tilespmem:s16+$0x190];
	_ =	sdelay $0x1  }
0x51e: {  	v5 =	vadd.f32 v8, v5;
	v8 =	vld [tilespmem:s16+$0x1D0];
	_ =	sdelay $0x1  }
0x51f: {  	v5 =	vadd.f32 v6, v5;
	v6 =	vld [tilespmem:s16+$0x210];
	_ =	sdelay $0x1  }
0x520: {  	v5 =	vadd.f32 v7, v5;
	v7 =	vld [tilespmem:s16+$0x250];
	_ =	sdelay $0x1  }
0x521: {  	v5 =	vadd.f32 v8, v5;
	_ =	sdelay $0x1  }
0x522: {  	v5 =	vadd.f32 v6, v5;
	_ =	sdelay $0x1  }
0x523: {  	v5 =	vadd.f32 v7, v5;
	_ =	sdelay $0x1  }
0x524: {  	v5 =	vmul.f32 $4.761904850e-02, v5;
	_ =	sdelay $0x1  }
0x525: {  	[tilespmem:s1+$0x19A90] =	vst v5;
	v5 =	vld [tilespmem:s1+$0x17AA0]  }
0x526: {  	v6 =	vld [tilespmem:s16+$0xFFFFFDA0]  }
0x527: {  	v7 =	vld [tilespmem:s16+$0xFFFFFDE0];
	_ =	sdelay $0x1  }
0x528: {  	v8 =	vld [tilespmem:s16+$0xFFFFFE20];
	_ =	sdelay $0x1  }
0x529: {  	v5 =	vadd.f32 v6, v5;
	v6 =	vld [tilespmem:s16+$0xFFFFFE60];
	_ =	sdelay $0x1  }
0x52a: {  	v5 =	vadd.f32 v7, v5;
	v7 =	vld [tilespmem:s16+$0xFFFFFEA0];
	_ =	sdelay $0x1  }
0x52b: {  	v5 =	vadd.f32 v8, v5;
	v8 =	vld [tilespmem:s16+$0xFFFFFEE0];
	_ =	sdelay $0x1  }
0x52c: {  	v5 =	vadd.f32 v6, v5;
	v6 =	vld [tilespmem:s16+$0xFFFFFF20];
	_ =	sdelay $0x1  }
0x52d: {  	v5 =	vadd.f32 v7, v5;
	v7 =	vld [tilespmem:s16+$0xFFFFFF60];
	_ =	sdelay $0x1  }
0x52e: {  	v5 =	vadd.f32 v8, v5;
	v8 =	vld [tilespmem:s16+$0xFFFFFFA0];
	_ =	sdelay $0x1  }
0x52f: {  	v5 =	vadd.f32 v6, v5;
	v6 =	vld [tilespmem:s16+$0xFFFFFFE0];
	_ =	sdelay $0x1  }
0x530: {  	v5 =	vadd.f32 v7, v5;
	v7 =	vld [tilespmem:s16+$0x20];
	_ =	sdelay $0x1  }
0x531: {  	v5 =	vadd.f32 v8, v5;
	v8 =	vld [tilespmem:s16+$0x60];
	_ =	sdelay $0x1  }
0x532: {  	v5 =	vadd.f32 v6, v5;
	v6 =	vld [tilespmem:s16+$0xA0];
	_ =	sdelay $0x1  }
0x533: {  	v5 =	vadd.f32 v7, v5;
	v7 =	vld [tilespmem:s16+$0xE0];
	_ =	sdelay $0x1  }
0x534: {  	v5 =	vadd.f32 v8, v5;
	v8 =	vld [tilespmem:s16+$0x120];
	_ =	sdelay $0x1  }
0x535: {  	v5 =	vadd.f32 v6, v5;
	v6 =	vld [tilespmem:s16+$0x160];
	_ =	sdelay $0x1  }
0x536: {  	v5 =	vadd.f32 v7, v5;
	v7 =	vld [tilespmem:s16+$0x1A0];
	_ =	sdelay $0x1  }
0x537: {  	v5 =	vadd.f32 v8, v5;
	v8 =	vld [tilespmem:s16+$0x1E0];
	_ =	sdelay $0x1  }
0x538: {  	v5 =	vadd.f32 v6, v5;
	v6 =	vld [tilespmem:s16+$0x220];
	_ =	sdelay $0x1  }
0x539: {  	v5 =	vadd.f32 v7, v5;
	v7 =	vld [tilespmem:s16+$0x260];
	_ =	sdelay $0x1  }
0x53a: {  	v5 =	vadd.f32 v8, v5;
	_ =	sdelay $0x1  }
0x53b: {  	v5 =	vadd.f32 v6, v5;
	_ =	sdelay $0x1  }
0x53c: {  	v5 =	vadd.f32 v7, v5;
	_ =	sdelay $0x1  }
0x53d: {  	v5 =	vmul.f32 $4.761904850e-02, v5;
	_ =	sdelay $0x1  }
0x53e: {  	[tilespmem:s1+$0x19AA0] =	vst v5;
	v5 =	vld [tilespmem:s1+$0x17AB0]  }
0x53f: {  	v6 =	vld [tilespmem:s16+$0xFFFFFDB0]  }
0x540: {  	v7 =	vld [tilespmem:s16+$0xFFFFFDF0]  }
0x541: {  	v8 =	vld [tilespmem:s16+$0xFFFFFE30]  }
0x542: {  	v9 =	vld [tilespmem:s16+$0xFFFFFE70]  }
0x543: {  	v10 =	vld [tilespmem:s16+$0xFFFFFEB0]  }
0x544: {  	v5 =	vadd.f32 v6, v5;
	v6 =	vld [tilespmem:s16+$0xFFFFFEF0]  }
0x545: {  	v11 =	vld [tilespmem:s16+$0xFFFFFF30]  }
0x546: {  	v5 =	vadd.f32 v7, v5;
	v7 =	vld [tilespmem:s16+$0xFFFFFF70]  }
0x547: {  	v12 =	vld [tilespmem:s16+$0xFFFFFFB0]  }
0x548: {  	v5 =	vadd.f32 v8, v5;
	v8 =	vld [tilespmem:s16+$0xFFFFFFF0]  }
0x549: {  	v13 =	vld [tilespmem:s16+$0x30]  }
0x54a: {  	v5 =	vadd.f32 v9, v5;
	v9 =	vld [tilespmem:s16+$0x70]  }
0x54b: {  	v14 =	vld [tilespmem:s16+$0xB0]  }
0x54c: {  	v5 =	vadd.f32 v10, v5;
	v10 =	vld [tilespmem:s16+$0xF0]  }
0x54d: {  	v15 =	vld [tilespmem:s16+$0x130]  }
0x54e: {  	v5 =	vadd.f32 v6, v5;
	v6 =	vld [tilespmem:s16+$0x170]  }
0x54f: {  	v16 =	vld [tilespmem:s16+$0x1B0]  }
0x550: {  	v5 =	vadd.f32 v11, v5;
	v11 =	vld [tilespmem:s16+$0x1F0]  }
0x551: {  	v17 =	vld [tilespmem:s16+$0x230]  }
0x552: {  	v5 =	vadd.f32 v7, v5;
	v7 =	vld [tilespmem:s16+$0x270];
	_ =	sdelay $0x1  }
0x553: {  	v5 =	vadd.f32 v12, v5;
	_ =	sdelay $0x1  }
0x554: {  	v5 =	vadd.f32 v8, v5;
	_ =	sdelay $0x1  }
0x555: {  	v5 =	vadd.f32 v13, v5;
	_ =	sdelay $0x1  }
0x556: {  	v5 =	vadd.f32 v9, v5;
	_ =	sdelay $0x1  }
0x557: {  	v5 =	vadd.f32 v14, v5;
	_ =	sdelay $0x1  }
0x558: {  	v5 =	vadd.f32 v10, v5;
	_ =	sdelay $0x1  }
0x559: {  	v5 =	vadd.f32 v15, v5;
	_ =	sdelay $0x1  }
0x55a: {  	v5 =	vadd.f32 v6, v5;
	_ =	sdelay $0x1  }
0x55b: {  	v5 =	vadd.f32 v16, v5;
	_ =	sdelay $0x1  }
0x55c: {  	v5 =	vadd.f32 v11, v5;
	_ =	sdelay $0x1  }
.Ltmp8:
0x55d: {  	v5 =	vadd.f32 v17, v5;
	(pc) =	sbr.rel @p0 .LBB2_18-.Ltmp8, $3  }
0x55e: {  	_ = 	snop  }
0x55f: {  	v5 =	vadd.f32 v7, v5;
	_ =	sdelay $0x1  }
0x560: {  	s11 =	smov.u32 s29;
	v5 =	vmul.f32 $4.761904850e-02, v5  }
0x561: {  	s20 =	sshra.s32 s20, $0x2  }
0x562: {  	s16 =	sadd.s32 $0x500, s16;
	v6 =	vld [tilespmem:s20+$0x17A80];
	[tilespmem:s1+$0x19AB0] =	vst v5  }
0x563: {  	v5 =	vld [tilespmem:s16+$0xFFFFFD80];
	_ =	sdelay $0x1  }
0x564: {  	v7 =	vld [tilespmem:s16+$0xFFFFFDC0];
	_ =	sdelay $0x1  }
0x565: {  	v8 =	vld [tilespmem:s16+$0xFFFFFE00]  }
0x566: {  	v5 =	vadd.f32 v5, v6  }
0x567: {  	v6 =	vld [tilespmem:s16+$0xFFFFFE40]  }
0x568: {  	v5 =	vadd.f32 v7, v5  }
0x569: {  	v7 =	vld [tilespmem:s16+$0xFFFFFE80]  }
0x56a: {  	v5 =	vadd.f32 v8, v5  }
0x56b: {  	v17 =	vld [tilespmem:s16+$0xFFFFFEC0]  }
0x56c: {  	v5 =	vadd.f32 v6, v5  }
0x56d: {  	v6 =	vld [tilespmem:s16+$0xFFFFFF00]  }
0x56e: {  	v5 =	vadd.f32 v7, v5  }
0x56f: {  	v7 =	vld [tilespmem:s16+$0xFFFFFF40]  }
0x570: {  	v5 =	vadd.f32 v17, v5  }
0x571: {  	v18 =	vld [tilespmem:s16+$0xFFFFFF80]  }
0x572: {  	v5 =	vadd.f32 v6, v5  }
0x573: {  	v6 =	vld [tilespmem:s16+$0xFFFFFFC0]  }
0x574: {  	v5 =	vadd.f32 v7, v5  }
0x575: {  	v7 =	vld [tilespmem:s16+$0x0]  }
0x576: {  	v5 =	vadd.f32 v18, v5  }
0x577: {  	v19 =	vld [tilespmem:s16+$0x40]  }
0x578: {  	v5 =	vadd.f32 v6, v5  }
0x579: {  	v6 =	vld [tilespmem:s16+$0x80]  }
0x57a: {  	v5 =	vadd.f32 v7, v5  }
0x57b: {  	v7 =	vld [tilespmem:s16+$0xC0]  }
0x57c: {  	v5 =	vadd.f32 v19, v5  }
0x57d: {  	v20 =	vld [tilespmem:s16+$0x100]  }
0x57e: {  	v5 =	vadd.f32 v6, v5  }
0x57f: {  	v6 =	vld [tilespmem:s16+$0x140]  }
0x580: {  	v5 =	vadd.f32 v7, v5  }
0x581: {  	v7 =	vld [tilespmem:s16+$0x180]  }
0x582: {  	v5 =	vadd.f32 v20, v5  }
0x583: {  	v21 =	vld [tilespmem:s16+$0x1C0]  }
0x584: {  	v5 =	vadd.f32 v6, v5  }
0x585: {  	v6 =	vld [tilespmem:s16+$0x200]  }
0x586: {  	v5 =	vadd.f32 v7, v5  }
0x587: {  	v7 =	vld [tilespmem:s16+$0x240]  }
0x588: {  	v5 =	vadd.f32 v21, v5;
	_ =	sdelay $0x1  }
0x589: {  	v5 =	vadd.f32 v6, v5;
	_ =	sdelay $0x1  }
0x58a: {  	v5 =	vadd.f32 v7, v5;
	_ =	sdelay $0x1  }
0x58b: {  	v5 =	vmul.f32 $4.761904850e-02, v5;
	_ =	sdelay $0x1  }
0x58c: {  	[tilespmem:s20+$0x19A80] =	vst v5;
	v5 =	vld [tilespmem:s20+$0x17A90]  }
0x58d: {  	v6 =	vld [tilespmem:s16+$0xFFFFFD90];
	_ =	sdelay $0x1  }
0x58e: {  	v7 =	vld [tilespmem:s16+$0xFFFFFDD0];
	_ =	sdelay $0x1  }
0x58f: {  	v22 =	vld [tilespmem:s16+$0xFFFFFE10]  }
0x590: {  	v5 =	vadd.f32 v6, v5  }
0x591: {  	v6 =	vld [tilespmem:s16+$0xFFFFFE50]  }
0x592: {  	v5 =	vadd.f32 v7, v5  }
0x593: {  	v7 =	vld [tilespmem:s16+$0xFFFFFE90]  }
0x594: {  	v5 =	vadd.f32 v22, v5  }
0x595: {  	v23 =	vld [tilespmem:s16+$0xFFFFFED0]  }
0x596: {  	v5 =	vadd.f32 v6, v5  }
0x597: {  	v6 =	vld [tilespmem:s16+$0xFFFFFF10]  }
0x598: {  	v5 =	vadd.f32 v7, v5  }
0x599: {  	v7 =	vld [tilespmem:s16+$0xFFFFFF50]  }
0x59a: {  	v5 =	vadd.f32 v23, v5  }
0x59b: {  	v24 =	vld [tilespmem:s16+$0xFFFFFF90]  }
0x59c: {  	v5 =	vadd.f32 v6, v5  }
0x59d: {  	v6 =	vld [tilespmem:s16+$0xFFFFFFD0]  }
0x59e: {  	v5 =	vadd.f32 v7, v5  }
0x59f: {  	v7 =	vld [tilespmem:s16+$0x10]  }
0x5a0: {  	v5 =	vadd.f32 v24, v5  }
0x5a1: {  	v25 =	vld [tilespmem:s16+$0x50]  }
0x5a2: {  	v5 =	vadd.f32 v6, v5  }
0x5a3: {  	v6 =	vld [tilespmem:s16+$0x90]  }
0x5a4: {  	v5 =	vadd.f32 v7, v5  }
0x5a5: {  	v7 =	vld [tilespmem:s16+$0xD0]  }
0x5a6: {  	v5 =	vadd.f32 v25, v5  }
0x5a7: {  	v26 =	vld [tilespmem:s16+$0x110]  }
0x5a8: {  	v5 =	vadd.f32 v6, v5  }
0x5a9: {  	v6 =	vld [tilespmem:s16+$0x150]  }
0x5aa: {  	v5 =	vadd.f32 v7, v5  }
0x5ab: {  	v7 =	vld [tilespmem:s16+$0x190]  }
0x5ac: {  	v5 =	vadd.f32 v26, v5  }
0x5ad: {  	v27 =	vld [tilespmem:s16+$0x1D0]  }
0x5ae: {  	v5 =	vadd.f32 v6, v5  }
0x5af: {  	v6 =	vld [tilespmem:s16+$0x210]  }
0x5b0: {  	v5 =	vadd.f32 v7, v5  }
0x5b1: {  	v7 =	vld [tilespmem:s16+$0x250]  }
0x5b2: {  	v5 =	vadd.f32 v27, v5;
	_ =	sdelay $0x1  }
0x5b3: {  	v5 =	vadd.f32 v6, v5;
	_ =	sdelay $0x1  }
0x5b4: {  	v5 =	vadd.f32 v7, v5;
	_ =	sdelay $0x1  }
0x5b5: {  	v5 =	vmul.f32 $4.761904850e-02, v5;
	_ =	sdelay $0x1  }
0x5b6: {  	[tilespmem:s20+$0x19A90] =	vst v5;
	v5 =	vld [tilespmem:s20+$0x17AA0]  }
0x5b7: {  	v6 =	vld [tilespmem:s16+$0xFFFFFDA0];
	_ =	sdelay $0x1  }
0x5b8: {  	v7 =	vld [tilespmem:s16+$0xFFFFFDE0];
	_ =	sdelay $0x1  }
0x5b9: {  	v28 =	vld [tilespmem:s16+$0xFFFFFE20]  }
0x5ba: {  	v5 =	vadd.f32 v6, v5  }
0x5bb: {  	v6 =	vld [tilespmem:s16+$0xFFFFFE60]  }
0x5bc: {  	v5 =	vadd.f32 v7, v5  }
0x5bd: {  	v7 =	vld [tilespmem:s16+$0xFFFFFEA0]  }
0x5be: {  	v5 =	vadd.f32 v28, v5  }
0x5bf: {  	v29 =	vld [tilespmem:s16+$0xFFFFFEE0]  }
0x5c0: {  	v5 =	vadd.f32 v6, v5  }
0x5c1: {  	v6 =	vld [tilespmem:s16+$0xFFFFFF20]  }
0x5c2: {  	v5 =	vadd.f32 v7, v5  }
0x5c3: {  	v7 =	vld [tilespmem:s16+$0xFFFFFF60]  }
0x5c4: {  	v5 =	vadd.f32 v29, v5  }
0x5c5: {  	v30 =	vld [tilespmem:s16+$0xFFFFFFA0]  }
0x5c6: {  	v5 =	vadd.f32 v6, v5  }
0x5c7: {  	v6 =	vld [tilespmem:s16+$0xFFFFFFE0]  }
0x5c8: {  	v5 =	vadd.f32 v7, v5  }
0x5c9: {  	v7 =	vld [tilespmem:s16+$0x20]  }
0x5ca: {  	v5 =	vadd.f32 v30, v5  }
0x5cb: {  	v31 =	vld [tilespmem:s16+$0x60]  }
0x5cc: {  	v5 =	vadd.f32 v6, v5  }
0x5cd: {  	v6 =	vld [tilespmem:s16+$0xA0]  }
0x5ce: {  	v5 =	vadd.f32 v7, v5  }
0x5cf: {  	v7 =	vld [tilespmem:s16+$0xE0]  }
0x5d0: {  	v5 =	vadd.f32 v31, v5  }
0x5d1: {  	v32 =	vld [tilespmem:s16+$0x120]  }
0x5d2: {  	v5 =	vadd.f32 v6, v5  }
0x5d3: {  	v6 =	vld [tilespmem:s16+$0x160]  }
0x5d4: {  	v5 =	vadd.f32 v7, v5  }
0x5d5: {  	v7 =	vld [tilespmem:s16+$0x1A0]  }
0x5d6: {  	v5 =	vadd.f32 v32, v5  }
0x5d7: {  	v33 =	vld [tilespmem:s16+$0x1E0]  }
0x5d8: {  	v5 =	vadd.f32 v6, v5  }
0x5d9: {  	v6 =	vld [tilespmem:s16+$0x220]  }
0x5da: {  	v5 =	vadd.f32 v7, v5  }
0x5db: {  	v7 =	vld [tilespmem:s16+$0x260]  }
0x5dc: {  	v5 =	vadd.f32 v33, v5;
	_ =	sdelay $0x1  }
0x5dd: {  	v5 =	vadd.f32 v6, v5;
	_ =	sdelay $0x1  }
0x5de: {  	v5 =	vadd.f32 v7, v5;
	_ =	sdelay $0x1  }
0x5df: {  	v5 =	vmul.f32 $4.761904850e-02, v5;
	_ =	sdelay $0x1  }
0x5e0: {  	[tilespmem:s20+$0x19AA0] =	vst v5;
	v5 =	vld [tilespmem:s20+$0x17AB0]  }
0x5e1: {  	v6 =	vld [tilespmem:s16+$0xFFFFFDB0];
	_ =	sdelay $0x1  }
0x5e2: {  	v7 =	vld [tilespmem:s16+$0xFFFFFDF0];
	_ =	sdelay $0x1  }
0x5e3: {  	v34 =	vld [tilespmem:s16+$0xFFFFFE30]  }
0x5e4: {  	v5 =	vadd.f32 v6, v5  }
0x5e5: {  	v6 =	vld [tilespmem:s16+$0xFFFFFE70]  }
0x5e6: {  	v5 =	vadd.f32 v7, v5  }
0x5e7: {  	v7 =	vld [tilespmem:s16+$0xFFFFFEB0]  }
0x5e8: {  	v5 =	vadd.f32 v34, v5  }
0x5e9: {  	v35 =	vld [tilespmem:s16+$0xFFFFFEF0]  }
0x5ea: {  	v5 =	vadd.f32 v6, v5  }
0x5eb: {  	v6 =	vld [tilespmem:s16+$0xFFFFFF30]  }
0x5ec: {  	v5 =	vadd.f32 v7, v5  }
0x5ed: {  	v7 =	vld [tilespmem:s16+$0xFFFFFF70]  }
0x5ee: {  	v5 =	vadd.f32 v35, v5  }
0x5ef: {  	v36 =	vld [tilespmem:s16+$0xFFFFFFB0]  }
0x5f0: {  	v5 =	vadd.f32 v6, v5  }
0x5f1: {  	v6 =	vld [tilespmem:s16+$0xFFFFFFF0]  }
0x5f2: {  	v5 =	vadd.f32 v7, v5  }
0x5f3: {  	v7 =	vld [tilespmem:s16+$0x30]  }
0x5f4: {  	v5 =	vadd.f32 v36, v5  }
0x5f5: {  	v37 =	vld [tilespmem:s16+$0x70]  }
0x5f6: {  	v5 =	vadd.f32 v6, v5  }
0x5f7: {  	v6 =	vld [tilespmem:s16+$0xB0]  }
0x5f8: {  	v5 =	vadd.f32 v7, v5  }
0x5f9: {  	v7 =	vld [tilespmem:s16+$0xF0]  }
0x5fa: {  	v5 =	vadd.f32 v37, v5  }
0x5fb: {  	v38 =	vld [tilespmem:s16+$0x130]  }
0x5fc: {  	v5 =	vadd.f32 v6, v5  }
0x5fd: {  	v6 =	vld [tilespmem:s16+$0x170]  }
0x5fe: {  	v5 =	vadd.f32 v7, v5  }
0x5ff: {  	v7 =	vld [tilespmem:s16+$0x1B0]  }
0x600: {  	v5 =	vadd.f32 v38, v5  }
0x601: {  	v39 =	vld [tilespmem:s16+$0x1F0]  }
0x602: {  	v5 =	vadd.f32 v6, v5  }
0x603: {  	v6 =	vld [tilespmem:s16+$0x230]  }
0x604: {  	v5 =	vadd.f32 v7, v5  }
0x605: {  	v7 =	vld [tilespmem:s16+$0x270]  }
0x606: {  	v5 =	vadd.f32 v39, v5;
	_ =	sdelay $0x1  }
0x607: {  	v5 =	vadd.f32 v6, v5;
	_ =	sdelay $0x1  }
0x608: {  	v5 =	vadd.f32 v7, v5;
	_ =	sdelay $0x1  }
0x609: {  	v5 =	vmul.f32 $4.761904850e-02, v5;
	_ =	sdelay $0x1  }
0x60a: {  	[tilespmem:s20+$0x19AB0] =	vst v5  }
0x60b: {  	_ =	swait.ge [sflag:s24], $0x2000  }
0x60c: {  	[sflag:s24] =	ssyncset.done $0x0  }
0x60d: {  	[sflag:s24] =	ssyncadd.s32 $0xFFFFE000  }
0x60e: {  	_ =	swait.ge [sflag:s24], $0x2000  }
0x60f: {  	[sflag:s24] =	ssyncset.done $0x0  }
0x610: {  	[sflag:s24] =	ssyncadd.s32 $0xFFFFE000  }
0x611: {  	_ =	swait.ge [sflag:s24], $0x2000  }
0x612: {  	[sflag:s24] =	ssyncset.done $0x0  }
0x613: {  	[sflag:s24] =	ssyncadd.s32 $0xFFFFE000  }
0x614: {  	_ =	swait.ge [sflag:s24], $0x2000  }
0x615: {  	[sflag:s24] =	ssyncset.done $0x0  }
0x616: {  	[sflag:s24] =	ssyncadd.s32 $0xFFFFE000  }
0x617: {  	_ =	swait.ge [sflag:s24], $0x2000  }
0x618: {  	[sflag:s24] =	ssyncset.done $0x0  }
0x619: {  	s1 =	simm.s32 $0x0;
	[sflag:s24] =	ssyncadd.s32 $0xFFFFE000  }
0x61a: {  	s16 =	simm.s32 $0xAD00;
	v5 =	vld [tilespmem:s1+$0x18280]  }
0x61b: {  	v6 =	vld [tilespmem:s16+$0xFFFFFD80];
	_ =	sdelay $0x1  }
0x61c: {  	v7 =	vld [tilespmem:s16+$0xFFFFFDC0];
	_ =	sdelay $0x1  }
0x61d: {  	v40 =	vld [tilespmem:s16+$0xFFFFFE00]  }
0x61e: {  	v5 =	vadd.f32 v6, v5  }
0x61f: {  	v6 =	vld [tilespmem:s16+$0xFFFFFE40]  }
0x620: {  	v5 =	vadd.f32 v7, v5  }
0x621: {  	v7 =	vld [tilespmem:s16+$0xFFFFFE80]  }
0x622: {  	v5 =	vadd.f32 v40, v5  }
0x623: {  	v41 =	vld [tilespmem:s16+$0xFFFFFEC0]  }
0x624: {  	v5 =	vadd.f32 v6, v5  }
0x625: {  	v6 =	vld [tilespmem:s16+$0xFFFFFF00]  }
0x626: {  	v5 =	vadd.f32 v7, v5  }
0x627: {  	v7 =	vld [tilespmem:s16+$0xFFFFFF40]  }
0x628: {  	v5 =	vadd.f32 v41, v5  }
0x629: {  	v42 =	vld [tilespmem:s16+$0xFFFFFF80]  }
0x62a: {  	v5 =	vadd.f32 v6, v5  }
0x62b: {  	v6 =	vld [tilespmem:s16+$0xFFFFFFC0]  }
0x62c: {  	v5 =	vadd.f32 v7, v5  }
0x62d: {  	v7 =	vld [tilespmem:s16+$0x0]  }
0x62e: {  	v5 =	vadd.f32 v42, v5  }
0x62f: {  	v43 =	vld [tilespmem:s16+$0x40]  }
0x630: {  	v5 =	vadd.f32 v6, v5  }
0x631: {  	v6 =	vld [tilespmem:s16+$0x80]  }
0x632: {  	v5 =	vadd.f32 v7, v5  }
0x633: {  	v7 =	vld [tilespmem:s16+$0xC0]  }
0x634: {  	v5 =	vadd.f32 v43, v5  }
0x635: {  	v44 =	vld [tilespmem:s16+$0x100]  }
0x636: {  	v5 =	vadd.f32 v6, v5  }
0x637: {  	v6 =	vld [tilespmem:s16+$0x140]  }
0x638: {  	v5 =	vadd.f32 v7, v5  }
0x639: {  	v7 =	vld [tilespmem:s16+$0x180]  }
0x63a: {  	v5 =	vadd.f32 v44, v5  }
0x63b: {  	v45 =	vld [tilespmem:s16+$0x1C0]  }
0x63c: {  	v5 =	vadd.f32 v6, v5  }
0x63d: {  	v6 =	vld [tilespmem:s16+$0x200]  }
0x63e: {  	v5 =	vadd.f32 v7, v5  }
0x63f: {  	v7 =	vld [tilespmem:s16+$0x240]  }
0x640: {  	v5 =	vadd.f32 v45, v5;
	_ =	sdelay $0x1  }
0x641: {  	v5 =	vadd.f32 v6, v5;
	_ =	sdelay $0x1  }
0x642: {  	v5 =	vadd.f32 v7, v5;
	_ =	sdelay $0x1  }
0x643: {  	v5 =	vmul.f32 $4.761904850e-02, v5;
	_ =	sdelay $0x1  }
0x644: {  	[tilespmem:s1+$0x1A280] =	vst v5;
	v5 =	vld [tilespmem:s1+$0x18290]  }
0x645: {  	v6 =	vld [tilespmem:s16+$0xFFFFFD90];
	_ =	sdelay $0x1  }
0x646: {  	v7 =	vld [tilespmem:s16+$0xFFFFFDD0];
	_ =	sdelay $0x1  }
0x647: {  	v46 =	vld [tilespmem:s16+$0xFFFFFE10]  }
0x648: {  	v5 =	vadd.f32 v6, v5  }
0x649: {  	v6 =	vld [tilespmem:s16+$0xFFFFFE50]  }
0x64a: {  	v5 =	vadd.f32 v7, v5  }
0x64b: {  	v7 =	vld [tilespmem:s16+$0xFFFFFE90]  }
0x64c: {  	v5 =	vadd.f32 v46, v5  }
0x64d: {  	v47 =	vld [tilespmem:s16+$0xFFFFFED0]  }
0x64e: {  	v5 =	vadd.f32 v6, v5  }
0x64f: {  	v6 =	vld [tilespmem:s16+$0xFFFFFF10]  }
0x650: {  	v5 =	vadd.f32 v7, v5  }
0x651: {  	v7 =	vld [tilespmem:s16+$0xFFFFFF50]  }
0x652: {  	v5 =	vadd.f32 v47, v5  }
0x653: {  	v48 =	vld [tilespmem:s16+$0xFFFFFF90]  }
0x654: {  	v5 =	vadd.f32 v6, v5  }
0x655: {  	v6 =	vld [tilespmem:s16+$0xFFFFFFD0]  }
0x656: {  	v5 =	vadd.f32 v7, v5  }
0x657: {  	v7 =	vld [tilespmem:s16+$0x10]  }
0x658: {  	v5 =	vadd.f32 v48, v5  }
0x659: {  	v49 =	vld [tilespmem:s16+$0x50]  }
0x65a: {  	v5 =	vadd.f32 v6, v5  }
0x65b: {  	v6 =	vld [tilespmem:s16+$0x90]  }
0x65c: {  	v5 =	vadd.f32 v7, v5  }
0x65d: {  	v7 =	vld [tilespmem:s16+$0xD0]  }
0x65e: {  	v5 =	vadd.f32 v49, v5  }
0x65f: {  	v50 =	vld [tilespmem:s16+$0x110]  }
0x660: {  	v5 =	vadd.f32 v6, v5  }
0x661: {  	v6 =	vld [tilespmem:s16+$0x150]  }
0x662: {  	v5 =	vadd.f32 v7, v5  }
0x663: {  	v7 =	vld [tilespmem:s16+$0x190]  }
0x664: {  	v5 =	vadd.f32 v50, v5  }
0x665: {  	v51 =	vld [tilespmem:s16+$0x1D0]  }
0x666: {  	v5 =	vadd.f32 v6, v5  }
0x667: {  	v6 =	vld [tilespmem:s16+$0x210]  }
0x668: {  	v5 =	vadd.f32 v7, v5  }
0x669: {  	v7 =	vld [tilespmem:s16+$0x250]  }
0x66a: {  	v5 =	vadd.f32 v51, v5;
	_ =	sdelay $0x1  }
0x66b: {  	v5 =	vadd.f32 v6, v5;
	_ =	sdelay $0x1  }
0x66c: {  	v5 =	vadd.f32 v7, v5;
	_ =	sdelay $0x1  }
0x66d: {  	v5 =	vmul.f32 $4.761904850e-02, v5;
	_ =	sdelay $0x1  }
0x66e: {  	[tilespmem:s1+$0x1A290] =	vst v5;
	v5 =	vld [tilespmem:s1+$0x182A0]  }
0x66f: {  	v6 =	vld [tilespmem:s16+$0xFFFFFDA0];
	_ =	sdelay $0x1  }
0x670: {  	v7 =	vld [tilespmem:s16+$0xFFFFFDE0];
	_ =	sdelay $0x1  }
0x671: {  	v52 =	vld [tilespmem:s16+$0xFFFFFE20]  }
0x672: {  	v5 =	vadd.f32 v6, v5  }
0x673: {  	v6 =	vld [tilespmem:s16+$0xFFFFFE60]  }
0x674: {  	v5 =	vadd.f32 v7, v5  }
0x675: {  	v7 =	vld [tilespmem:s16+$0xFFFFFEA0]  }
0x676: {  	v5 =	vadd.f32 v52, v5  }
0x677: {  	v53 =	vld [tilespmem:s16+$0xFFFFFEE0]  }
0x678: {  	v5 =	vadd.f32 v6, v5  }
0x679: {  	v6 =	vld [tilespmem:s16+$0xFFFFFF20]  }
0x67a: {  	v5 =	vadd.f32 v7, v5  }
0x67b: {  	v7 =	vld [tilespmem:s16+$0xFFFFFF60]  }
0x67c: {  	v5 =	vadd.f32 v53, v5  }
0x67d: {  	v54 =	vld [tilespmem:s16+$0xFFFFFFA0]  }
0x67e: {  	v5 =	vadd.f32 v6, v5  }
0x67f: {  	v6 =	vld [tilespmem:s16+$0xFFFFFFE0]  }
0x680: {  	v5 =	vadd.f32 v7, v5  }
0x681: {  	v7 =	vld [tilespmem:s16+$0x20]  }
0x682: {  	v5 =	vadd.f32 v54, v5  }
0x683: {  	v55 =	vld [tilespmem:s16+$0x60]  }
0x684: {  	v5 =	vadd.f32 v6, v5  }
0x685: {  	v6 =	vld [tilespmem:s16+$0xA0]  }
0x686: {  	v5 =	vadd.f32 v7, v5  }
0x687: {  	v7 =	vld [tilespmem:s16+$0xE0]  }
0x688: {  	v5 =	vadd.f32 v55, v5  }
0x689: {  	v56 =	vld [tilespmem:s16+$0x120]  }
0x68a: {  	v5 =	vadd.f32 v6, v5  }
0x68b: {  	v6 =	vld [tilespmem:s16+$0x160]  }
0x68c: {  	v5 =	vadd.f32 v7, v5  }
0x68d: {  	v7 =	vld [tilespmem:s16+$0x1A0]  }
0x68e: {  	v5 =	vadd.f32 v56, v5  }
0x68f: {  	v57 =	vld [tilespmem:s16+$0x1E0]  }
0x690: {  	v5 =	vadd.f32 v6, v5  }
0x691: {  	v6 =	vld [tilespmem:s16+$0x220]  }
0x692: {  	v5 =	vadd.f32 v7, v5  }
0x693: {  	v7 =	vld [tilespmem:s16+$0x260]  }
0x694: {  	v5 =	vadd.f32 v57, v5;
	_ =	sdelay $0x1  }
0x695: {  	v5 =	vadd.f32 v6, v5;
	_ =	sdelay $0x1  }
0x696: {  	v5 =	vadd.f32 v7, v5;
	_ =	sdelay $0x1  }
0x697: {  	v5 =	vmul.f32 $4.761904850e-02, v5;
	_ =	sdelay $0x1  }
0x698: {  	[tilespmem:s1+$0x1A2A0] =	vst v5;
	v5 =	vld [tilespmem:s1+$0x182B0]  }
0x699: {  	v6 =	vld [tilespmem:s16+$0xFFFFFDB0];
	_ =	sdelay $0x1  }
0x69a: {  	v7 =	vld [tilespmem:s16+$0xFFFFFDF0];
	_ =	sdelay $0x1  }
0x69b: {  	v58 =	vld [tilespmem:s16+$0xFFFFFE30]  }
0x69c: {  	v5 =	vadd.f32 v6, v5  }
0x69d: {  	v6 =	vld [tilespmem:s16+$0xFFFFFE70]  }
0x69e: {  	v5 =	vadd.f32 v7, v5  }
0x69f: {  	v7 =	vld [tilespmem:s16+$0xFFFFFEB0]  }
0x6a0: {  	v5 =	vadd.f32 v58, v5  }
0x6a1: {  	v59 =	vld [tilespmem:s16+$0xFFFFFEF0]  }
0x6a2: {  	v5 =	vadd.f32 v6, v5  }
0x6a3: {  	v6 =	vld [tilespmem:s16+$0xFFFFFF30]  }
0x6a4: {  	v5 =	vadd.f32 v7, v5  }
0x6a5: {  	v7 =	vld [tilespmem:s16+$0xFFFFFF70]  }
0x6a6: {  	v5 =	vadd.f32 v59, v5  }
0x6a7: {  	v60 =	vld [tilespmem:s16+$0xFFFFFFB0]  }
0x6a8: {  	v5 =	vadd.f32 v6, v5  }
0x6a9: {  	v6 =	vld [tilespmem:s16+$0xFFFFFFF0]  }
0x6aa: {  	v5 =	vadd.f32 v7, v5  }
0x6ab: {  	v7 =	vld [tilespmem:s16+$0x30]  }
0x6ac: {  	v5 =	vadd.f32 v60, v5  }
0x6ad: {  	v61 =	vld [tilespmem:s16+$0x70]  }
0x6ae: {  	v5 =	vadd.f32 v6, v5  }
0x6af: {  	v6 =	vld [tilespmem:s16+$0xB0]  }
0x6b0: {  	v5 =	vadd.f32 v7, v5  }
0x6b1: {  	v7 =	vld [tilespmem:s16+$0xF0]  }
0x6b2: {  	v5 =	vadd.f32 v61, v5  }
0x6b3: {  	v62 =	vld [tilespmem:s16+$0x130]  }
0x6b4: {  	v5 =	vadd.f32 v6, v5  }
0x6b5: {  	v6 =	vld [tilespmem:s16+$0x170]  }
0x6b6: {  	v5 =	vadd.f32 v7, v5  }
0x6b7: {  	v7 =	vld [tilespmem:s16+$0x1B0]  }
0x6b8: {  	v5 =	vadd.f32 v62, v5  }
0x6b9: {  	v63 =	vld [tilespmem:s16+$0x1F0]  }
0x6ba: {  	v5 =	vadd.f32 v6, v5  }
0x6bb: {  	v6 =	vld [tilespmem:s16+$0x230]  }
0x6bc: {  	v5 =	vadd.f32 v7, v5  }
0x6bd: {  	v7 =	vld [tilespmem:s16+$0x270]  }
0x6be: {  	v5 =	vadd.f32 v63, v5;
	_ =	sdelay $0x1  }
0x6bf: {  	v5 =	vadd.f32 v6, v5;
	_ =	sdelay $0x1  }
0x6c0: {  	v5 =	vadd.f32 v7, v5;
	_ =	sdelay $0x1  }
0x6c1: {  	s11 =	simm.s32 $0x200;
	s20 =	simm.s32 $0x100;
	v5 =	vmul.f32 $4.761904850e-02, v5  }
.LBB2_20:
0x6c2: {  	s13 =	sshra.s32 s20, $0x2  }
0x6c3: {  	s16 =	sadd.s32 $0x500, s16;
	s20 =	smov.u32 s11;
	s29 =	sadd.s32 $0x100, s11  }
0x6c4: {  	p0 =	sne.s32 s11, $0x1F00;
	v6 =	vld [tilespmem:s13+$0x18280];
	[tilespmem:s1+$0x1A2B0] =	vst v5;
	s1 =	smov.u32 s13  }
0x6c5: {  	v5 =	vld [tilespmem:s16+$0xFFFFFD80]  }
0x6c6: {  	v7 =	vld [tilespmem:s16+$0xFFFFFDC0];
	_ =	sdelay $0x1  }
0x6c7: {  	v8 =	vld [tilespmem:s16+$0xFFFFFE00];
	_ =	sdelay $0x1  }
0x6c8: {  	v5 =	vadd.f32 v5, v6;
	v6 =	vld [tilespmem:s16+$0xFFFFFE40];
	_ =	sdelay $0x1  }
0x6c9: {  	v5 =	vadd.f32 v7, v5;
	v7 =	vld [tilespmem:s16+$0xFFFFFE80];
	_ =	sdelay $0x1  }
0x6ca: {  	v5 =	vadd.f32 v8, v5;
	v8 =	vld [tilespmem:s16+$0xFFFFFEC0];
	_ =	sdelay $0x1  }
0x6cb: {  	v5 =	vadd.f32 v6, v5;
	v6 =	vld [tilespmem:s16+$0xFFFFFF00];
	_ =	sdelay $0x1  }
0x6cc: {  	v5 =	vadd.f32 v7, v5;
	v7 =	vld [tilespmem:s16+$0xFFFFFF40];
	_ =	sdelay $0x1  }
0x6cd: {  	v5 =	vadd.f32 v8, v5;
	v8 =	vld [tilespmem:s16+$0xFFFFFF80];
	_ =	sdelay $0x1  }
0x6ce: {  	v5 =	vadd.f32 v6, v5;
	v6 =	vld [tilespmem:s16+$0xFFFFFFC0];
	_ =	sdelay $0x1  }
0x6cf: {  	v5 =	vadd.f32 v7, v5;
	v7 =	vld [tilespmem:s16+$0x0];
	_ =	sdelay $0x1  }
0x6d0: {  	v5 =	vadd.f32 v8, v5;
	v8 =	vld [tilespmem:s16+$0x40];
	_ =	sdelay $0x1  }
0x6d1: {  	v5 =	vadd.f32 v6, v5;
	v6 =	vld [tilespmem:s16+$0x80];
	_ =	sdelay $0x1  }
0x6d2: {  	v5 =	vadd.f32 v7, v5;
	v7 =	vld [tilespmem:s16+$0xC0];
	_ =	sdelay $0x1  }
0x6d3: {  	v5 =	vadd.f32 v8, v5;
	v8 =	vld [tilespmem:s16+$0x100];
	_ =	sdelay $0x1  }
0x6d4: {  	v5 =	vadd.f32 v6, v5;
	v6 =	vld [tilespmem:s16+$0x140];
	_ =	sdelay $0x1  }
0x6d5: {  	v5 =	vadd.f32 v7, v5;
	v7 =	vld [tilespmem:s16+$0x180];
	_ =	sdelay $0x1  }
0x6d6: {  	v5 =	vadd.f32 v8, v5;
	v8 =	vld [tilespmem:s16+$0x1C0];
	_ =	sdelay $0x1  }
0x6d7: {  	v5 =	vadd.f32 v6, v5;
	v6 =	vld [tilespmem:s16+$0x200];
	_ =	sdelay $0x1  }
0x6d8: {  	v5 =	vadd.f32 v7, v5;
	v7 =	vld [tilespmem:s16+$0x240];
	_ =	sdelay $0x1  }
0x6d9: {  	v5 =	vadd.f32 v8, v5;
	_ =	sdelay $0x1  }
0x6da: {  	v5 =	vadd.f32 v6, v5;
	_ =	sdelay $0x1  }
0x6db: {  	v5 =	vadd.f32 v7, v5;
	_ =	sdelay $0x1  }
0x6dc: {  	v5 =	vmul.f32 $4.761904850e-02, v5;
	_ =	sdelay $0x1  }
0x6dd: {  	[tilespmem:s1+$0x1A280] =	vst v5;
	v5 =	vld [tilespmem:s1+$0x18290]  }
0x6de: {  	v6 =	vld [tilespmem:s16+$0xFFFFFD90]  }
0x6df: {  	v7 =	vld [tilespmem:s16+$0xFFFFFDD0];
	_ =	sdelay $0x1  }
0x6e0: {  	v8 =	vld [tilespmem:s16+$0xFFFFFE10];
	_ =	sdelay $0x1  }
0x6e1: {  	v5 =	vadd.f32 v6, v5;
	v6 =	vld [tilespmem:s16+$0xFFFFFE50];
	_ =	sdelay $0x1  }
0x6e2: {  	v5 =	vadd.f32 v7, v5;
	v7 =	vld [tilespmem:s16+$0xFFFFFE90];
	_ =	sdelay $0x1  }
0x6e3: {  	v5 =	vadd.f32 v8, v5;
	v8 =	vld [tilespmem:s16+$0xFFFFFED0];
	_ =	sdelay $0x1  }
0x6e4: {  	v5 =	vadd.f32 v6, v5;
	v6 =	vld [tilespmem:s16+$0xFFFFFF10];
	_ =	sdelay $0x1  }
0x6e5: {  	v5 =	vadd.f32 v7, v5;
	v7 =	vld [tilespmem:s16+$0xFFFFFF50];
	_ =	sdelay $0x1  }
0x6e6: {  	v5 =	vadd.f32 v8, v5;
	v8 =	vld [tilespmem:s16+$0xFFFFFF90];
	_ =	sdelay $0x1  }
0x6e7: {  	v5 =	vadd.f32 v6, v5;
	v6 =	vld [tilespmem:s16+$0xFFFFFFD0];
	_ =	sdelay $0x1  }
0x6e8: {  	v5 =	vadd.f32 v7, v5;
	v7 =	vld [tilespmem:s16+$0x10];
	_ =	sdelay $0x1  }
0x6e9: {  	v5 =	vadd.f32 v8, v5;
	v8 =	vld [tilespmem:s16+$0x50];
	_ =	sdelay $0x1  }
0x6ea: {  	v5 =	vadd.f32 v6, v5;
	v6 =	vld [tilespmem:s16+$0x90];
	_ =	sdelay $0x1  }
0x6eb: {  	v5 =	vadd.f32 v7, v5;
	v7 =	vld [tilespmem:s16+$0xD0];
	_ =	sdelay $0x1  }
0x6ec: {  	v5 =	vadd.f32 v8, v5;
	v8 =	vld [tilespmem:s16+$0x110];
	_ =	sdelay $0x1  }
0x6ed: {  	v5 =	vadd.f32 v6, v5;
	v6 =	vld [tilespmem:s16+$0x150];
	_ =	sdelay $0x1  }
0x6ee: {  	v5 =	vadd.f32 v7, v5;
	v7 =	vld [tilespmem:s16+$0x190];
	_ =	sdelay $0x1  }
0x6ef: {  	v5 =	vadd.f32 v8, v5;
	v8 =	vld [tilespmem:s16+$0x1D0];
	_ =	sdelay $0x1  }
0x6f0: {  	v5 =	vadd.f32 v6, v5;
	v6 =	vld [tilespmem:s16+$0x210];
	_ =	sdelay $0x1  }
0x6f1: {  	v5 =	vadd.f32 v7, v5;
	v7 =	vld [tilespmem:s16+$0x250];
	_ =	sdelay $0x1  }
0x6f2: {  	v5 =	vadd.f32 v8, v5;
	_ =	sdelay $0x1  }
0x6f3: {  	v5 =	vadd.f32 v6, v5;
	_ =	sdelay $0x1  }
0x6f4: {  	v5 =	vadd.f32 v7, v5;
	_ =	sdelay $0x1  }
0x6f5: {  	v5 =	vmul.f32 $4.761904850e-02, v5;
	_ =	sdelay $0x1  }
0x6f6: {  	[tilespmem:s1+$0x1A290] =	vst v5;
	v5 =	vld [tilespmem:s1+$0x182A0]  }
0x6f7: {  	v6 =	vld [tilespmem:s16+$0xFFFFFDA0]  }
0x6f8: {  	v7 =	vld [tilespmem:s16+$0xFFFFFDE0];
	_ =	sdelay $0x1  }
0x6f9: {  	v8 =	vld [tilespmem:s16+$0xFFFFFE20];
	_ =	sdelay $0x1  }
0x6fa: {  	v5 =	vadd.f32 v6, v5;
	v6 =	vld [tilespmem:s16+$0xFFFFFE60];
	_ =	sdelay $0x1  }
0x6fb: {  	v5 =	vadd.f32 v7, v5;
	v7 =	vld [tilespmem:s16+$0xFFFFFEA0];
	_ =	sdelay $0x1  }
0x6fc: {  	v5 =	vadd.f32 v8, v5;
	v8 =	vld [tilespmem:s16+$0xFFFFFEE0];
	_ =	sdelay $0x1  }
0x6fd: {  	v5 =	vadd.f32 v6, v5;
	v6 =	vld [tilespmem:s16+$0xFFFFFF20];
	_ =	sdelay $0x1  }
0x6fe: {  	v5 =	vadd.f32 v7, v5;
	v7 =	vld [tilespmem:s16+$0xFFFFFF60];
	_ =	sdelay $0x1  }
0x6ff: {  	v5 =	vadd.f32 v8, v5;
	v8 =	vld [tilespmem:s16+$0xFFFFFFA0];
	_ =	sdelay $0x1  }
0x700: {  	v5 =	vadd.f32 v6, v5;
	v6 =	vld [tilespmem:s16+$0xFFFFFFE0];
	_ =	sdelay $0x1  }
0x701: {  	v5 =	vadd.f32 v7, v5;
	v7 =	vld [tilespmem:s16+$0x20];
	_ =	sdelay $0x1  }
0x702: {  	v5 =	vadd.f32 v8, v5;
	v8 =	vld [tilespmem:s16+$0x60];
	_ =	sdelay $0x1  }
0x703: {  	v5 =	vadd.f32 v6, v5;
	v6 =	vld [tilespmem:s16+$0xA0];
	_ =	sdelay $0x1  }
0x704: {  	v5 =	vadd.f32 v7, v5;
	v7 =	vld [tilespmem:s16+$0xE0];
	_ =	sdelay $0x1  }
0x705: {  	v5 =	vadd.f32 v8, v5;
	v8 =	vld [tilespmem:s16+$0x120];
	_ =	sdelay $0x1  }
0x706: {  	v5 =	vadd.f32 v6, v5;
	v6 =	vld [tilespmem:s16+$0x160];
	_ =	sdelay $0x1  }
0x707: {  	v5 =	vadd.f32 v7, v5;
	v7 =	vld [tilespmem:s16+$0x1A0];
	_ =	sdelay $0x1  }
0x708: {  	v5 =	vadd.f32 v8, v5;
	v8 =	vld [tilespmem:s16+$0x1E0];
	_ =	sdelay $0x1  }
0x709: {  	v5 =	vadd.f32 v6, v5;
	v6 =	vld [tilespmem:s16+$0x220];
	_ =	sdelay $0x1  }
0x70a: {  	v5 =	vadd.f32 v7, v5;
	v7 =	vld [tilespmem:s16+$0x260];
	_ =	sdelay $0x1  }
0x70b: {  	v5 =	vadd.f32 v8, v5;
	_ =	sdelay $0x1  }
0x70c: {  	v5 =	vadd.f32 v6, v5;
	_ =	sdelay $0x1  }
0x70d: {  	v5 =	vadd.f32 v7, v5;
	_ =	sdelay $0x1  }
0x70e: {  	v5 =	vmul.f32 $4.761904850e-02, v5;
	_ =	sdelay $0x1  }
0x70f: {  	[tilespmem:s1+$0x1A2A0] =	vst v5;
	v5 =	vld [tilespmem:s1+$0x182B0]  }
0x710: {  	v6 =	vld [tilespmem:s16+$0xFFFFFDB0]  }
0x711: {  	v7 =	vld [tilespmem:s16+$0xFFFFFDF0]  }
0x712: {  	v8 =	vld [tilespmem:s16+$0xFFFFFE30]  }
0x713: {  	v9 =	vld [tilespmem:s16+$0xFFFFFE70]  }
0x714: {  	v10 =	vld [tilespmem:s16+$0xFFFFFEB0]  }
0x715: {  	v5 =	vadd.f32 v6, v5;
	v6 =	vld [tilespmem:s16+$0xFFFFFEF0]  }
0x716: {  	v11 =	vld [tilespmem:s16+$0xFFFFFF30]  }
0x717: {  	v5 =	vadd.f32 v7, v5;
	v7 =	vld [tilespmem:s16+$0xFFFFFF70]  }
0x718: {  	v12 =	vld [tilespmem:s16+$0xFFFFFFB0]  }
0x719: {  	v5 =	vadd.f32 v8, v5;
	v8 =	vld [tilespmem:s16+$0xFFFFFFF0]  }
0x71a: {  	v13 =	vld [tilespmem:s16+$0x30]  }
0x71b: {  	v5 =	vadd.f32 v9, v5;
	v9 =	vld [tilespmem:s16+$0x70]  }
0x71c: {  	v14 =	vld [tilespmem:s16+$0xB0]  }
0x71d: {  	v5 =	vadd.f32 v10, v5;
	v10 =	vld [tilespmem:s16+$0xF0]  }
0x71e: {  	v15 =	vld [tilespmem:s16+$0x130]  }
0x71f: {  	v5 =	vadd.f32 v6, v5;
	v6 =	vld [tilespmem:s16+$0x170]  }
0x720: {  	v16 =	vld [tilespmem:s16+$0x1B0]  }
0x721: {  	v5 =	vadd.f32 v11, v5;
	v11 =	vld [tilespmem:s16+$0x1F0]  }
0x722: {  	v17 =	vld [tilespmem:s16+$0x230]  }
0x723: {  	v5 =	vadd.f32 v7, v5;
	v7 =	vld [tilespmem:s16+$0x270];
	_ =	sdelay $0x1  }
0x724: {  	v5 =	vadd.f32 v12, v5;
	_ =	sdelay $0x1  }
0x725: {  	v5 =	vadd.f32 v8, v5;
	_ =	sdelay $0x1  }
0x726: {  	v5 =	vadd.f32 v13, v5;
	_ =	sdelay $0x1  }
0x727: {  	v5 =	vadd.f32 v9, v5;
	_ =	sdelay $0x1  }
0x728: {  	v5 =	vadd.f32 v14, v5;
	_ =	sdelay $0x1  }
0x729: {  	v5 =	vadd.f32 v10, v5;
	_ =	sdelay $0x1  }
0x72a: {  	v5 =	vadd.f32 v15, v5;
	_ =	sdelay $0x1  }
0x72b: {  	v5 =	vadd.f32 v6, v5;
	_ =	sdelay $0x1  }
0x72c: {  	v5 =	vadd.f32 v16, v5;
	_ =	sdelay $0x1  }
0x72d: {  	v5 =	vadd.f32 v11, v5;
	_ =	sdelay $0x1  }
.Ltmp9:
0x72e: {  	v5 =	vadd.f32 v17, v5;
	(pc) =	sbr.rel @p0 .LBB2_20-.Ltmp9, $3  }
0x72f: {  	_ = 	snop  }
0x730: {  	v5 =	vadd.f32 v7, v5;
	_ =	sdelay $0x1  }
0x731: {  	s11 =	smov.u32 s29;
	v5 =	vmul.f32 $4.761904850e-02, v5  }
0x732: {  	s20 =	sshra.s32 s20, $0x2  }
0x733: {  	s16 =	sadd.s32 $0x500, s16;
	v6 =	vld [tilespmem:s20+$0x18280];
	[tilespmem:s1+$0x1A2B0] =	vst v5  }
0x734: {  	v5 =	vld [tilespmem:s16+$0xFFFFFD80];
	_ =	sdelay $0x1  }
0x735: {  	v7 =	vld [tilespmem:s16+$0xFFFFFDC0];
	_ =	sdelay $0x1  }
0x736: {  	v8 =	vld [tilespmem:s16+$0xFFFFFE00]  }
0x737: {  	v5 =	vadd.f32 v5, v6  }
0x738: {  	v6 =	vld [tilespmem:s16+$0xFFFFFE40]  }
0x739: {  	v5 =	vadd.f32 v7, v5  }
0x73a: {  	v7 =	vld [tilespmem:s16+$0xFFFFFE80]  }
0x73b: {  	v5 =	vadd.f32 v8, v5  }
0x73c: {  	v41 =	vld [tilespmem:s16+$0xFFFFFEC0]  }
0x73d: {  	v5 =	vadd.f32 v6, v5  }
0x73e: {  	v6 =	vld [tilespmem:s16+$0xFFFFFF00]  }
0x73f: {  	v5 =	vadd.f32 v7, v5  }
0x740: {  	v7 =	vld [tilespmem:s16+$0xFFFFFF40]  }
0x741: {  	v5 =	vadd.f32 v41, v5  }
0x742: {  	v42 =	vld [tilespmem:s16+$0xFFFFFF80]  }
0x743: {  	v5 =	vadd.f32 v6, v5  }
0x744: {  	v6 =	vld [tilespmem:s16+$0xFFFFFFC0]  }
0x745: {  	v5 =	vadd.f32 v7, v5  }
0x746: {  	v7 =	vld [tilespmem:s16+$0x0]  }
0x747: {  	v5 =	vadd.f32 v42, v5  }
0x748: {  	v43 =	vld [tilespmem:s16+$0x40]  }
0x749: {  	v5 =	vadd.f32 v6, v5  }
0x74a: {  	v6 =	vld [tilespmem:s16+$0x80]  }
0x74b: {  	v5 =	vadd.f32 v7, v5  }
0x74c: {  	v7 =	vld [tilespmem:s16+$0xC0]  }
0x74d: {  	v5 =	vadd.f32 v43, v5  }
0x74e: {  	v44 =	vld [tilespmem:s16+$0x100]  }
0x74f: {  	v5 =	vadd.f32 v6, v5  }
0x750: {  	v6 =	vld [tilespmem:s16+$0x140]  }
0x751: {  	v5 =	vadd.f32 v7, v5  }
0x752: {  	v7 =	vld [tilespmem:s16+$0x180]  }
0x753: {  	v5 =	vadd.f32 v44, v5  }
0x754: {  	v45 =	vld [tilespmem:s16+$0x1C0]  }
0x755: {  	v5 =	vadd.f32 v6, v5  }
0x756: {  	v6 =	vld [tilespmem:s16+$0x200]  }
0x757: {  	v5 =	vadd.f32 v7, v5  }
0x758: {  	v7 =	vld [tilespmem:s16+$0x240]  }
0x759: {  	v5 =	vadd.f32 v45, v5;
	_ =	sdelay $0x1  }
0x75a: {  	v5 =	vadd.f32 v6, v5;
	_ =	sdelay $0x1  }
0x75b: {  	v5 =	vadd.f32 v7, v5;
	_ =	sdelay $0x1  }
0x75c: {  	v5 =	vmul.f32 $4.761904850e-02, v5;
	_ =	sdelay $0x1  }
0x75d: {  	[tilespmem:s20+$0x1A280] =	vst v5;
	v5 =	vld [tilespmem:s20+$0x18290]  }
0x75e: {  	v6 =	vld [tilespmem:s16+$0xFFFFFD90];
	_ =	sdelay $0x1  }
0x75f: {  	v7 =	vld [tilespmem:s16+$0xFFFFFDD0];
	_ =	sdelay $0x1  }
0x760: {  	v46 =	vld [tilespmem:s16+$0xFFFFFE10]  }
0x761: {  	v5 =	vadd.f32 v6, v5  }
0x762: {  	v6 =	vld [tilespmem:s16+$0xFFFFFE50]  }
0x763: {  	v5 =	vadd.f32 v7, v5  }
0x764: {  	v7 =	vld [tilespmem:s16+$0xFFFFFE90]  }
0x765: {  	v5 =	vadd.f32 v46, v5  }
0x766: {  	v47 =	vld [tilespmem:s16+$0xFFFFFED0]  }
0x767: {  	v5 =	vadd.f32 v6, v5  }
0x768: {  	v6 =	vld [tilespmem:s16+$0xFFFFFF10]  }
0x769: {  	v5 =	vadd.f32 v7, v5  }
0x76a: {  	v7 =	vld [tilespmem:s16+$0xFFFFFF50]  }
0x76b: {  	v5 =	vadd.f32 v47, v5  }
0x76c: {  	v48 =	vld [tilespmem:s16+$0xFFFFFF90]  }
0x76d: {  	v5 =	vadd.f32 v6, v5  }
0x76e: {  	v6 =	vld [tilespmem:s16+$0xFFFFFFD0]  }
0x76f: {  	v5 =	vadd.f32 v7, v5  }
0x770: {  	v7 =	vld [tilespmem:s16+$0x10]  }
0x771: {  	v5 =	vadd.f32 v48, v5  }
0x772: {  	v49 =	vld [tilespmem:s16+$0x50]  }
0x773: {  	v5 =	vadd.f32 v6, v5  }
0x774: {  	v6 =	vld [tilespmem:s16+$0x90]  }
0x775: {  	v5 =	vadd.f32 v7, v5  }
0x776: {  	v7 =	vld [tilespmem:s16+$0xD0]  }
0x777: {  	v5 =	vadd.f32 v49, v5  }
0x778: {  	v50 =	vld [tilespmem:s16+$0x110]  }
0x779: {  	v5 =	vadd.f32 v6, v5  }
0x77a: {  	v6 =	vld [tilespmem:s16+$0x150]  }
0x77b: {  	v5 =	vadd.f32 v7, v5  }
0x77c: {  	v7 =	vld [tilespmem:s16+$0x190]  }
0x77d: {  	v5 =	vadd.f32 v50, v5  }
0x77e: {  	v51 =	vld [tilespmem:s16+$0x1D0]  }
0x77f: {  	v5 =	vadd.f32 v6, v5  }
0x780: {  	v6 =	vld [tilespmem:s16+$0x210]  }
0x781: {  	v5 =	vadd.f32 v7, v5  }
0x782: {  	v7 =	vld [tilespmem:s16+$0x250]  }
0x783: {  	v5 =	vadd.f32 v51, v5;
	_ =	sdelay $0x1  }
0x784: {  	v5 =	vadd.f32 v6, v5;
	_ =	sdelay $0x1  }
0x785: {  	v5 =	vadd.f32 v7, v5;
	_ =	sdelay $0x1  }
0x786: {  	v5 =	vmul.f32 $4.761904850e-02, v5;
	_ =	sdelay $0x1  }
0x787: {  	[tilespmem:s20+$0x1A290] =	vst v5;
	v5 =	vld [tilespmem:s20+$0x182A0]  }
0x788: {  	v6 =	vld [tilespmem:s16+$0xFFFFFDA0];
	_ =	sdelay $0x1  }
0x789: {  	v7 =	vld [tilespmem:s16+$0xFFFFFDE0];
	_ =	sdelay $0x1  }
0x78a: {  	v52 =	vld [tilespmem:s16+$0xFFFFFE20]  }
0x78b: {  	v5 =	vadd.f32 v6, v5  }
0x78c: {  	v6 =	vld [tilespmem:s16+$0xFFFFFE60]  }
0x78d: {  	v5 =	vadd.f32 v7, v5  }
0x78e: {  	v7 =	vld [tilespmem:s16+$0xFFFFFEA0]  }
0x78f: {  	v5 =	vadd.f32 v52, v5  }
0x790: {  	v53 =	vld [tilespmem:s16+$0xFFFFFEE0]  }
0x791: {  	v5 =	vadd.f32 v6, v5  }
0x792: {  	v6 =	vld [tilespmem:s16+$0xFFFFFF20]  }
0x793: {  	v5 =	vadd.f32 v7, v5  }
0x794: {  	v7 =	vld [tilespmem:s16+$0xFFFFFF60]  }
0x795: {  	v5 =	vadd.f32 v53, v5  }
0x796: {  	v54 =	vld [tilespmem:s16+$0xFFFFFFA0]  }
0x797: {  	v5 =	vadd.f32 v6, v5  }
0x798: {  	v6 =	vld [tilespmem:s16+$0xFFFFFFE0]  }
0x799: {  	v5 =	vadd.f32 v7, v5  }
0x79a: {  	v7 =	vld [tilespmem:s16+$0x20]  }
0x79b: {  	v5 =	vadd.f32 v54, v5  }
0x79c: {  	v55 =	vld [tilespmem:s16+$0x60]  }
0x79d: {  	v5 =	vadd.f32 v6, v5  }
0x79e: {  	v6 =	vld [tilespmem:s16+$0xA0]  }
0x79f: {  	v5 =	vadd.f32 v7, v5  }
0x7a0: {  	v7 =	vld [tilespmem:s16+$0xE0]  }
0x7a1: {  	v5 =	vadd.f32 v55, v5  }
0x7a2: {  	v56 =	vld [tilespmem:s16+$0x120]  }
0x7a3: {  	v5 =	vadd.f32 v6, v5  }
0x7a4: {  	v6 =	vld [tilespmem:s16+$0x160]  }
0x7a5: {  	v5 =	vadd.f32 v7, v5  }
0x7a6: {  	v7 =	vld [tilespmem:s16+$0x1A0]  }
0x7a7: {  	v5 =	vadd.f32 v56, v5  }
0x7a8: {  	v57 =	vld [tilespmem:s16+$0x1E0]  }
0x7a9: {  	v5 =	vadd.f32 v6, v5  }
0x7aa: {  	v6 =	vld [tilespmem:s16+$0x220]  }
0x7ab: {  	v5 =	vadd.f32 v7, v5  }
0x7ac: {  	v7 =	vld [tilespmem:s16+$0x260]  }
0x7ad: {  	v5 =	vadd.f32 v57, v5;
	_ =	sdelay $0x1  }
0x7ae: {  	v5 =	vadd.f32 v6, v5;
	_ =	sdelay $0x1  }
0x7af: {  	v5 =	vadd.f32 v7, v5;
	_ =	sdelay $0x1  }
0x7b0: {  	v5 =	vmul.f32 $4.761904850e-02, v5;
	_ =	sdelay $0x1  }
0x7b1: {  	[tilespmem:s20+$0x1A2A0] =	vst v5;
	v5 =	vld [tilespmem:s20+$0x182B0]  }
0x7b2: {  	v6 =	vld [tilespmem:s16+$0xFFFFFDB0];
	_ =	sdelay $0x1  }
0x7b3: {  	v7 =	vld [tilespmem:s16+$0xFFFFFDF0];
	_ =	sdelay $0x1  }
0x7b4: {  	v58 =	vld [tilespmem:s16+$0xFFFFFE30]  }
0x7b5: {  	v5 =	vadd.f32 v6, v5  }
0x7b6: {  	v6 =	vld [tilespmem:s16+$0xFFFFFE70]  }
0x7b7: {  	v5 =	vadd.f32 v7, v5  }
0x7b8: {  	v7 =	vld [tilespmem:s16+$0xFFFFFEB0]  }
0x7b9: {  	v5 =	vadd.f32 v58, v5  }
0x7ba: {  	v59 =	vld [tilespmem:s16+$0xFFFFFEF0]  }
0x7bb: {  	v5 =	vadd.f32 v6, v5  }
0x7bc: {  	v6 =	vld [tilespmem:s16+$0xFFFFFF30]  }
0x7bd: {  	v5 =	vadd.f32 v7, v5  }
0x7be: {  	v7 =	vld [tilespmem:s16+$0xFFFFFF70]  }
0x7bf: {  	v5 =	vadd.f32 v59, v5  }
0x7c0: {  	v60 =	vld [tilespmem:s16+$0xFFFFFFB0]  }
0x7c1: {  	v5 =	vadd.f32 v6, v5  }
0x7c2: {  	v6 =	vld [tilespmem:s16+$0xFFFFFFF0]  }
0x7c3: {  	v5 =	vadd.f32 v7, v5  }
0x7c4: {  	v7 =	vld [tilespmem:s16+$0x30]  }
0x7c5: {  	v5 =	vadd.f32 v60, v5  }
0x7c6: {  	v61 =	vld [tilespmem:s16+$0x70]  }
0x7c7: {  	v5 =	vadd.f32 v6, v5  }
0x7c8: {  	v6 =	vld [tilespmem:s16+$0xB0]  }
0x7c9: {  	v5 =	vadd.f32 v7, v5  }
0x7ca: {  	v7 =	vld [tilespmem:s16+$0xF0]  }
0x7cb: {  	v5 =	vadd.f32 v61, v5  }
0x7cc: {  	v62 =	vld [tilespmem:s16+$0x130]  }
0x7cd: {  	v5 =	vadd.f32 v6, v5  }
0x7ce: {  	v6 =	vld [tilespmem:s16+$0x170]  }
0x7cf: {  	v5 =	vadd.f32 v7, v5  }
0x7d0: {  	v7 =	vld [tilespmem:s16+$0x1B0]  }
0x7d1: {  	v5 =	vadd.f32 v62, v5  }
0x7d2: {  	v63 =	vld [tilespmem:s16+$0x1F0]  }
0x7d3: {  	v5 =	vadd.f32 v6, v5  }
0x7d4: {  	v6 =	vld [tilespmem:s16+$0x230]  }
0x7d5: {  	v5 =	vadd.f32 v7, v5  }
0x7d6: {  	v7 =	vld [tilespmem:s16+$0x270]  }
0x7d7: {  	v5 =	vadd.f32 v63, v5;
	_ =	sdelay $0x1  }
0x7d8: {  	v5 =	vadd.f32 v6, v5;
	_ =	sdelay $0x1  }
0x7d9: {  	v5 =	vadd.f32 v7, v5;
	_ =	sdelay $0x1  }
0x7da: {  	v5 =	vmul.f32 $4.761904850e-02, v5;
	_ =	sdelay $0x1  }
0x7db: {  	[tilespmem:s20+$0x1A2B0] =	vst v5;
	s20 =	simm.s32 $0x18A80  }
0x7dc: {  	[hbm4b:s7+s2] =	stream.linear.scatter [tilespmem:s20], [sflag:$0x4], $0x2000, $0x38;
	[tilespmem:$0x1B580] =	vst v63  }
0x7dd: {  	_ =	swait.ge [sflag:s10], $0x2000  }
0x7de: {  	s31 =	sadd.s32 $0x1, s31;
	[sflag:s10] =	ssyncset.done $0x0  }
0x7df: {  	s29 =	simm.s32 $0x14A80;
	p0 =	sne.s32 s31, s9;
	[sflag:s10] =	ssyncadd.s32 $0xFFFFE000  }
0x7e0: {  	[hbm4b:s8+s2] =	stream.linear.scatter [tilespmem:s29], [sflag:$0x4], $0x2000, $0x38;
	[tilespmem:$0x1B580] =	vst v63  }
.Ltmp10:
0x7e1: {  	_ = 	snop;
	(pc) =	sbr.rel @p0 .LBB2_1-.Ltmp10, $4  }
.Ltmp11:
0x7e2: {  	_ = 	snop;
	(pc) =	sbr.rel @!p0 .LBB2_22-.Ltmp11, $4  }
0x7e3: {  	_ =	swait.ge [sflag:s10], $0x2000  }
0x7e4: {  	[sflag:s10] =	ssyncset.done $0x0  }
0x7e5: {  	s13 =	simm.s32 $0x1AB00;
	[sflag:s10] =	ssyncadd.s32 $0xFFFFE000  }
0x7e6: {  	_ = 	snop  }
.LBB2_4:
.Ltmp12:
0x7e7: {  	(pc) =	sbr.rel .LBB2_13-.Ltmp12, $2  }
0x7e8: {  	_ =	sdelay $0x2  }
0x7e9: {  	s11 =	simm.s32 $0x1AB80  }
.LBB2_6:
.Ltmp13:
0x7ea: {  	(pc) =	sbr.rel .LBB2_13-.Ltmp13, $2  }
0x7eb: {  	_ =	sdelay $0x2  }
0x7ec: {  	s11 =	simm.s32 $0x1AB80;
	s29 =	simm.s32 $0x0;
	s16 =	simm.s32 $0x10  }
.LBB2_8:
.Ltmp14:
0x7ed: {  	(pc) =	sbr.rel .LBB2_13-.Ltmp14, $2  }
0x7ee: {  	_ =	sdelay $0x2  }
0x7ef: {  	s11 =	simm.s32 $0x1AB80;
	v9 =	vmov v7;
	s16 =	simm.s32 $0x20  }
.LBB2_10:
.Ltmp15:
0x7f0: {  	(pc) =	sbr.rel .LBB2_13-.Ltmp15, $2  }
0x7f1: {  	_ =	sdelay $0x2  }
0x7f2: {  	s11 =	simm.s32 $0x1AB80;
	s29 =	simm.s32 $0x20  }
.LBB2_22:
0x7f3: {  	_ =	sfence.sel $0x180000  }
0x7f4: {  	[bflag:$0x0] =	sbarrier.arrive $0xFFFF  }
0x7f5: {  	_ =	strace $0x9000004A  }
0x7f6: {  	s0 =	stileid.u32;
	[bflag:$0x2] =	sbarrier.arrive $0xFFFF  }
0x7f7: {  	p0 =	sne.s32 s0, $0x0;
	s0 =	rddreg [dreg:$0x4]  }
0x7f8: {  	s0 =	sadd.s32 @!p0 $0x100000, s0  }
0x7f9: {  	[sflag:s0] =	ssyncadd.tile.s32 @!p0 $0x1;
	_ =	shalt  }
.Lfunc_end2:
_tile_overlayer_lowered:
.L_overlay_start_2:
0x7fa: {  	(tag) =	ssettag $0x2  }
0x7fb: {  	s0 =	rddreg [dreg:$0x0];
	s2 =	stileid.u32  }
0x7fc: {  	s1 =	rddreg [dreg:$0x1];
	p0 =	sne.s32 s2, $0x0  }
0x7fd: {  	s3 =	rddreg [dreg:$0x2];
	[bflag:$0x3] =	sbarrier.arrive $0xFFFF;
	s2 =	simm.s32 @!p0 $0x1C04  }
0x7fe: {  	[timem:s3], [sflag:s2] =	dma.local @!p0 [hbm:s0], s1  }
0x7ff: {  	s0 =	simm.s32 @!p0 $0x4  }
0x800: {  	_ =	swait.ge @!p0 [sflag:s0], s1  }
0x801: {  	s1 =	ssub.s32 @!p0 $0x0, s1;
	[sflag:s0] =	ssyncset.done @!p0 $0x0  }
0x802: {  	[sflag:s0] =	ssyncadd.s32 @!p0 s1  }
0x803: {  	[bflag:$0x3] =	sbarrier.arrive $0xFFFF  }
0x804: {  	_ =	shalt  }

// kernel: kernel.7.cloned.1.call-start
scs
__scs_entry_jumppad:
0x0: {  	(pc) =	sbr.rel $0x88, $3  }
0x1: {  	(tag) =	ssettag $0x0;
	lr =	simm.s32 $0x1  }
0x2: {  	[smem:$0x3F9C] =	sst lr;
	_ =	strace $0xD0000000  }
0x3: {  	_ = 	snop  }
0x4: {  	_ = 	snop  }
0x5: {  	_ = 	snop  }
0x6: {  	_ = 	snop  }
0x7: {  	_ = 	snop  }
__scs_overlays_trampoline_lowered:
0x8: {  	[smem:$0x3FAB] =	sst s0  }
0x9: {  	[smem:$0x3FAC] =	sst s1  }
0xa: {  	[smem:$0x3FAD] =	sst s2  }
0xb: {  	[smem:$0x3FAE] =	sst s3  }
0xc: {  	[smem:$0x3FAF] =	sst s4  }
0xd: {  	[smem:$0x3FB0] =	sst s5  }
0xe: {  	[smem:$0x3FB1] =	sst s6  }
0xf: {  	[smem:$0x3FB2] =	sst s7  }
0x10: {  	[smem:$0x3FB3] =	sst s8  }
0x11: {  	[smem:$0x3FB4] =	sst s9;
	s0 =	simm.s32 @!p0 $0x0  }
0x12: {  	s1 =	sld [smem:$0x3F9A];
	s0 =	simm.s32 @p0 $0x1  }
0x13: {  	[smem:$0x3FB5] =	sst s0;
	s0 =	simm.s32 @!p1 $0x0  }
0x14: {  	s2 =	sld [smem:$0x3F99];
	s0 =	simm.s32 @p1 $0x1  }
0x15: {  	[smem:$0x3FB6] =	sst s0;
	s0 =	simm.s32 @!p2 $0x0  }
0x16: {  	s3 =	sld [smem:$0x3FDB];
	s0 =	simm.s32 @p2 $0x1  }
0x17: {  	s4 =	simm.s32 $0x1BF5;
	[smem:$0x3FB8] =	sst s0  }
0x18: {  	s0 =	sld [smem:$0x3F9B];
	_ =	swait.ge [sflag:s4], $0x0  }
0x19: {  	s7 =	sld [smem:$0x3F9C]  }
0x1a: {  	s8 =	sadd.s32 $0xFFFFE003, lr  }
0x1b: {  	s9 =	sadd.s32 $0xFFFFFEF7, lr;
	s5 =	simm.s32 $0xFFFFFFFF;
	p2 =	slt.u32 s8, $0xFFFFF086  }
0x1c: {  	p1 =	slt.u32 s9, $0xF7A;
	s5 =	simm.s32 @!p2 $0x0  }
0x1d: {  	s5 =	simm.s32 @p1 $0x1;
	p0 =	seq.s32 s7, s2  }
0x1e: {  	s7 =	smul.u32 @!p0 $0xF7A, s2;
	p2 =	seq.s32 @!p0 s5, $0x0  }
0x1f: {  	s9 =	smul.u32 $0xF7A, s1;
	s8 =	simm.s32 @!p0 $0x1BF5;
	p2 =	por !p2, p0  }
0x20: {  	[sflag:s8] =	ssyncset.s32 @!p0 $0xFFFFF086;
	s6 =	sadd.s32 @!p0 s3, s7;
	s7 =	simm.s32 @!p0 $0x108  }
0x21: {  	s3 =	sadd.s32 s3, s9;
	s6 =	sadd.s32 @!p0 $0x88, s6;
	s7 =	simm.s32 @p2 $0x1082  }
0x22: {  	[simem:s7], [sflag:s8] =	dma.local @!p0 [hbm:s6], $0xF7A  }
0x23: {  	s9 =	sor.u32 $0xD0000000, s2;
	s6 =	simm.s32 $0x108;
	_ =	swait.ge @!p0 [sflag:s8], $0x0  }
0x24: {  	s3 =	sadd.s32 $0x88, s3;
	s6 =	simm.s32 @!p1 $0x1082;
	[sflag:s4] =	ssyncset.s32 $0xFFFFF086  }
0x25: {  	[simem:s6], [sflag:s4] =	dma.local [hbm:s3], $0xF7A  }
0x26: {  	[smem:$0x3F9C] =	sst s1;
	(tag) =	ssettag s2;
	_ =	strace s9  }
0x27: {  	s1 =	sld [smem:$0x3FAC]  }
0x28: {  	s2 =	sld [smem:$0x3FAD]  }
0x29: {  	s4 =	sld [smem:$0x3FAF]  }
0x2a: {  	p0 =	seq.s32 s5, $0x0;
	s5 =	sld [smem:$0x3FB0]  }
0x2b: {  	s6 =	sld [smem:$0x3FB1]  }
0x2c: {  	s7 =	sld [smem:$0x3FB2]  }
0x2d: {  	s3 =	simm.s32 $0x108;
	s8 =	sld [smem:$0x3FB3]  }
0x2e: {  	s3 =	simm.s32 @!p0 $0x1082;
	s9 =	sld [smem:$0x3FB4]  }
0x2f: {  	lr =	sadd.s32 s0, s3;
	s0 =	sld [smem:$0x3FAB]  }
0x30: {  	s3 =	sld [smem:$0x3FAE]  }
0x31: {  	[smem:$0x3FB7] =	sst s10  }
0x32: {  	s10 =	sld [smem:$0x3FB5];
	_ =	sdelay $0x3  }
0x33: {  	p0 =	seq.s32 s10, $0x1;
	s10 =	sld [smem:$0x3FB7];
	_ =	sdelay $0x3  }
0x34: {  	[smem:$0x3FB7] =	sst s10  }
0x35: {  	s10 =	sld [smem:$0x3FB6];
	_ =	sdelay $0x3  }
0x36: {  	p1 =	seq.s32 s10, $0x1;
	s10 =	sld [smem:$0x3FB7];
	_ =	sdelay $0x3  }
0x37: {  	[smem:$0x3FB7] =	sst s10  }
0x38: {  	s10 =	sld [smem:$0x3FB8]  }
0x39: {  	_ = 	snop;
	(pc) =	sbr.ind lr, $3  }
0x3a: {  	_ = 	snop  }
0x3b: {  	_ = 	snop  }
0x3c: {  	p2 =	seq.s32 s10, $0x1;
	s10 =	sld [smem:$0x3FB7]  }
0x3d: {  	_ =	shalt  }
0x3e: {  	_ =	shalt  }
0x3f: {  	_ =	shalt  }
0x40: {  	_ =	shalt  }
0x41: {  	_ =	shalt  }
0x42: {  	_ =	shalt  }
0x43: {  	_ =	shalt  }
0x44: {  	_ =	shalt  }
0x45: {  	_ =	shalt  }
0x46: {  	_ =	shalt  }
0x47: {  	_ =	shalt  }
0x48: {  	_ =	shalt  }
0x49: {  	_ =	shalt  }
0x4a: {  	_ =	shalt  }
0x4b: {  	_ =	shalt  }
0x4c: {  	_ =	shalt  }
0x4d: {  	_ =	shalt  }
0x4e: {  	_ =	shalt  }
0x4f: {  	_ =	shalt  }
0x50: {  	_ =	shalt  }
0x51: {  	_ =	shalt  }
0x52: {  	_ =	shalt  }
0x53: {  	_ =	shalt  }
0x54: {  	_ =	shalt  }
0x55: {  	_ =	shalt  }
0x56: {  	_ =	shalt  }
0x57: {  	_ =	shalt  }
0x58: {  	_ =	shalt  }
0x59: {  	_ =	shalt  }
0x5a: {  	_ =	shalt  }
0x5b: {  	_ =	shalt  }
0x5c: {  	_ =	shalt  }
0x5d: {  	_ =	shalt  }
0x5e: {  	_ =	shalt  }
0x5f: {  	_ =	shalt  }
0x60: {  	_ =	shalt  }
0x61: {  	_ =	shalt  }
0x62: {  	_ =	shalt  }
0x63: {  	_ =	shalt  }
0x64: {  	_ =	shalt  }
0x65: {  	_ =	shalt  }
0x66: {  	_ =	shalt  }
0x67: {  	_ =	shalt  }
0x68: {  	_ =	shalt  }
0x69: {  	_ =	shalt  }
0x6a: {  	_ =	shalt  }
0x6b: {  	_ =	shalt  }
0x6c: {  	_ =	shalt  }
0x6d: {  	_ =	shalt  }
0x6e: {  	_ =	shalt  }
0x6f: {  	_ =	shalt  }
0x70: {  	_ =	shalt  }
0x71: {  	_ =	shalt  }
0x72: {  	_ =	shalt  }
0x73: {  	_ =	shalt  }
0x74: {  	_ =	shalt  }
0x75: {  	_ =	shalt  }
0x76: {  	_ =	shalt  }
0x77: {  	_ =	shalt  }
0x78: {  	_ =	shalt  }
0x79: {  	_ =	shalt  }
0x7a: {  	_ =	shalt  }
0x7b: {  	_ =	shalt  }
0x7c: {  	_ =	shalt  }
0x7d: {  	_ =	shalt  }
0x7e: {  	_ =	shalt  }
0x7f: {  	_ =	shalt  }
0x80: {  	_ =	shalt  }
0x81: {  	_ =	shalt  }
0x82: {  	_ =	shalt  }
0x83: {  	_ =	shalt  }
0x84: {  	_ =	shalt  }
0x85: {  	_ =	shalt  }
0x86: {  	_ =	shalt  }
0x87: {  	_ =	shalt  }
.Lfunc_end0:
.L_simem_size_0:
called_computation.1_lowered:
.L_overlay_start_0:
0x88: {  	s2 =	sld [smem:$0x3FD9]  }
0x89: {  	s3 =	sld [smem:$0x3FFE];
	_ =	sdelay $0x1  }
0x8a: {  	s1 =	srdreg.scid  }
0x8b: {  	s0 =	sand.u32 $0x1, s1  }
0x8c: {  	s14 =	sshll.u32 s0, $0xA;
	s2 =	sadd.s32 s3, s2  }
0x8d: {  	s2 =	sadd.s32 s2, s14  }
0x8e: {  	[smem:$0x3FC3] =	sst s2  }
0x8f: {  	_ = 	snop  }
0x90: {  	s2 =	sld [smem:$0x3FD0];
	_ =	sdelay $0x2  }
0x91: {  	s15 =	simm.s32 $0xB;
	s4 =	simm.s32 $0x10  }
0x92: {  	[smem:s4], [sflag:s15] =	dma.local [hbm:s2], $0x1  }
0x93: {  	_ =	swait.eq [sflag:s15], $0x1  }
0x94: {  	[sflag:s15] =	ssyncset.done $0x0  }
0x95: {  	[sflag:s15] =	ssyncadd.s32 $0xFFFFFFFF  }
0x96: {  	s16 =	sld [smem:$0x12];
	(tm) =	ssettm $0x1  }
0x97: {  	s17 =	sld [smem:$0x3FFB];
	_ =	sdelay $0x3  }
0x98: {  	_ =	strace s17  }
0x99: {  	s3 =	sld [smem:$0x3FFC];
	_ =	sdelay $0x3  }
0x9a: {  	_ =	strace s3  }
0x9b: {  	s3 =	sld [smem:$0x3FFD];
	_ =	sdelay $0x3  }
0x9c: {  	_ =	strace s3  }
0x9d: {  	_ =	strace $0x8FFFFFFF  }
0x9e: {  	s18 =	sld [smem:$0x3FDB];
	_ =	sdelay $0x1  }
0x9f: {  	s19 =	simm.s32 $_scs_section_size  }
0xa0: {  	s5 =	simm.s32 $_size__tile_overlayer_lowered;
	s6 =	simm.s32 $_tile_overlayer_lowered  }
0xa1: {  	s22 =	simm.s32 $0x1BFF;
	s21 =	sshll.u32 s6, $0x1;
	s3 =	sadd.s32 s19, s18  }
0xa2: {  	s7 =	simm.s32 $0x0;
	s20 =	sshll.u32 s5, $0x1;
	s5 =	sadd.s32 s21, s3  }
0xa3: {  	[timem:s7], [sflag:s22] =	dma.local [hbm:s5], s20  }
0xa4: {  	_ =	swait.ge [sflag:s22], s20  }
0xa5: {  	s4 =	ssub.s32 $0x0, s20;
	[sflag:s22] =	ssyncset.done $0x0  }
0xa6: {  	[sflag:s22] =	ssyncadd.s32 s4;
	_ =	sdelay $0x1  }
0xa7: {  	s23 =	simm.s32 $0x1B8B  }
0xa8: {  	_ =	swait.ge [sflag:s23], $0x1  }
0xa9: {  	[sflag:s23] =	ssyncset.done $0x0  }
0xaa: {  	s25 =	simm.s32 $0x1B8E;
	s24 =	sld [smem:$0x3FFE];
	[sflag:s23] =	ssyncadd.s32 $0xFFFFFFFF  }
0xab: {  	s26 =	simm.s32 $execute0_lowered;
	[smem:$0x3FD2] =	sst s25  }
0xac: {  	s5 =	sshll.u32 s26, $0x1;
	_ =	strace $0x80000046;
	[dreg:$0x1] =	wrdreg $0xFFFFFFFF  }
0xad: {  	s28 =	simm.s32 $_size_execute0_lowered;
	s3 =	sadd.s32 s3, s5;
	[dreg:$0x0] =	wrdreg $0x0  }
0xae: {  	s5 =	sshll.u32 s28, $0x1;
	[dreg:$0x2] =	wrdreg s3  }
0xaf: {  	[dreg:$0x3] =	wrdreg s5  }
0xb0: {  	[dreg:$0x4] =	wrdreg $0xC0  }
0xb1: {  	_ =	task [dreg:s7], $0x5FFFF  }
0xb2: {  	[dreg:$0x1] =	wrdreg $0xFFFFFFFF  }
0xb3: {  	[dreg:$0x0] =	wrdreg $0x60  }
0xb4: {  	[dreg:$0x2] =	wrdreg s24  }
0xb5: {  	[dreg:$0x3] =	wrdreg s16  }
0xb6: {  	[dreg:$0x4] =	wrdreg $0x144000  }
0xb7: {  	[dreg:$0x5] =	wrdreg $0xA  }
0xb8: {  	_ =	task.clear_ibuf [dreg:s7], $0x6FFFF;
	_ =	strace $0x90000046  }
0xb9: {  	s29 =	simm.s32 $0xA;
	_ =	strace $0x80000048  }
0xba: {  	_ =	swait.ge [sflag:s29], $0x1  }
0xbb: {  	[sflag:s29] =	ssyncadd.s32 $0xFFFFFFFF  }
0xbc: {  	_ =	strace $0x90000048  }
0xbd: {  	_ =	sfence  }
0xbe: {  	s30 =	sld [smem:$0x0];
	_ =	sdelay $0x2  }
0xbf: {  	s31 =	sshll.u32 s1, $0xD;
	s1 =	sshrl.u32 s1, $0x2  }
0xc0: {  	s3 =	sand.u32 $0x4000, s31;
	s1 =	sadd.s32 s1, s30  }
0xc1: {  	s0 =	sor.u32 s3, s0;
	s1 =	sshll.u32 s1, $0x11  }
0xc2: {  	s0 =	sor.u32 s1, s0  }
0xc3: {  	s0 =	sadd.s32 $0x8F2B, s0  }
0xc4: {  	[sflag:s0] =	ssyncadd.remote.s32 $0x1  }
0xc5: {  	_ =	sfence.sel $0xFFFF  }
0xc6: {  	[dreg:$0x0] =	wrdreg $0xFFFFFFFF;
	(pc) =	sbr.abs _section_cstart, $3  }
0xc7: {  	[dreg:$0x1] =	wrdreg $0xFFFFFFFF  }
0xc8: {  	_ =	task.clear_ibuf [dreg:s7], $0x2FFFF;
	_ =	strace $0x9FFFFFFF  }
0xc9: {  	(tm) =	ssettm $0x7FFFFFFF  }
tec
execute0_lowered:
.L_overlay_start_1:
0x0: {  	(tag) =	ssettag $0x1  }
0x1: {  	s0 =	rddreg [dreg:$0x0]  }
0x2: {  	s1 =	rddreg [dreg:$0x1]  }
0x3: {  	s11 =	rddreg [dreg:$0x2];
	s3 =	simm.s32 $0x0;
	s2 =	srdreg.scid  }
0x4: {  	s12 =	stileid.u32;
	s14 =	simm.s32 $0x3;
	s15 =	simm.s32 $0x1  }
0x5: {  	s16 =	simm.s32 $0x2;
	s17 =	simm.s32 $0x10000;
	s18 =	simm.s32 $0x10400  }
0x6: {  	s19 =	simm.s32 $0x80;
	s20 =	simm.s32 $0x14800;
	s22 =	simm.s32 $0x16800  }
0x7: {  	s24 =	simm.s32 $0x18800;
	s29 =	simm.s32 $0x1C800;
	s30 =	simm.s32 $0x1ED00  }
0x8: {  	s31 =	simm.s32 $0x1ED80;
	s13 =	simm.s32 $0x0;
	[smem:$0x7FF] =	sst s3  }
0x9: {  	s2 =	sand.u32 $0x1, s2;
	s6 =	sshll.u32 s12, $0x1;
	s4 =	sadd.s32 $0xA00, s0  }
0xa: {  	s5 =	sadd.s32 $0xF62E00, s0;
	s26 =	sshll.u32 s12, $0xD;
	s28 =	sshll.u32 s12, $0xA  }
0xb: {  	s12 =	simm.s32 $0x8000;
	_ =	strace $0x80000047;
	s7 =	sor.u32 s2, s6  }
0xc: {  	v1 =	vimm.s32 $0x1FFF;
	s2 =	ssub.s32 $0x2, s2;
	s6 =	sadd.s32 s4, s26;
	s8 =	smul.u32 $0x50, s7  }
0xd: {  	s26 =	simm.s32 $0x1A800;
	s9 =	sshrl.u32 s2, $0x1;
	s10 =	smul.u32 $0x1400, s7  }
0xe: {  	s7 =	sadd.s32 $0x1000, s6;
	s2 =	ssub.s32 s2, s9;
	s9 =	sadd.s32 s28, s11  }
0xf: {  	v0 =	vlaneseq.u32;
	v2 =	vimm.s32 $0x0;
	v3 =	vimm.s32 $0xFFF;
	s8 =	sadd.s32 s0, s8;
	s10 =	sadd.s32 s1, s10;
	s11 =	smax.u32 s2, $0x1  }
0x10: {  	v4 =	vimm.s32 $0x1F;
	v5 =	vimm.s32 $0xF;
	v0 =	vmul.u32 $0x40, v0;
	s0 =	simm.s32 $0x1EE00;
	s2 =	simm.s32 $0x1EE80;
	s1 =	simm.s32 $0x1EF00  }
.LBB2_1:
0x11: {  	[tilespmem:s3], [sflag:$0x1] =	stream.linear.gather [hbm4b:s6+s3], $0x8000, $0x38;
	[tilespmem:$0x1EF80] =	vst v63  }
0x12: {  	_ = 	snop  }
0x13: {  	[tilespmem:s12], [sflag:$0x2] =	stream.linear.gather [hbm4b:s7+s3], $0x8000, $0x38;
	[tilespmem:$0x1EF80] =	vst v63  }
0x14: {  	v6 =	vmov s3;
	s21 =	simm.s32 $0x1E800  }
0x15: {  	v6 =	vshll.u32 v6, $0x6;
	[tilespmem:s21], [sflag:$0x3] =	stream.linear.gather [hbm4b:s8+s3], $0x280, $0x38;
	[tilespmem:$0x1EF80] =	vst v63  }
0x16: {  	v6 =	vor.u32 v0, v6;
	_ =	swait.ge [sflag:s14], $0x280  }
0x17: {  	v6 =	vor.u32 $0x3F, v6;
	[sflag:s14] =	ssyncset.done $0x0  }
0x18: {  	[sflag:s14] =	ssyncadd.s32 $0xFFFFFD80  }
0x19: {  	_ =	swait.ge [sflag:s15], $0x8000  }
0x1a: {  	[sflag:s15] =	ssyncset.done $0x0  }
0x1b: {  	s25 =	simm.s32 $0x10;
	[sflag:s15] =	ssyncadd.s32 $0xFFFF8000  }
0x1c: {  	v8 =	vld.idx.msk [tilespmem:v6+s3+$0x0], $0xffff;
	v6 =	vmov s25  }
0x1d: {  	v6 =	vshll.u32 v6, $0x6  }
0x1e: {  	v6 =	vor.u32 v0, v6  }
0x1f: {  	v6 =	vor.u32 $0x3F, v6;
	_ =	sdelay $0x2  }
0x20: {  	s28 =	simm.s32 $0x20  }
0x21: {  	s23 =	simm.s32 $0x30;
	v7 =	vmov s28;
	s21 =	simm.s32 $0x10000;
	[tilespmem:s17+$0x0] =	vst v8  }
.LBB2_2:
0x22: {  	p0 =	sne.s32 s23, $0x1F0;
	v7 =	vshll.u32 v7, $0x6;
	v8 =	vld.idx.msk [tilespmem:v6+s3+$0x0], $0xffff  }
0x23: {  	v6 =	vor.u32 v0, v7  }
.Ltmp0:
0x24: {  	v6 =	vor.u32 $0x3F, v6;
	(pc) =	sbr.rel @p0 .LBB2_2-.Ltmp0, $3  }
0x25: {  	_ =	sdelay $0x1  }
0x26: {  	s21 =	sadd.s32 $0x10, s21  }
0x27: {  	v7 =	vmov s23;
	s23 =	sadd.s32 $0x10, s23;
	[tilespmem:s21+$0x0] =	vst v8  }
0x28: {  	_ =	sdelay $0x2  }
0x29: {  	v7 =	vshll.u32 v7, $0x6  }
0x2a: {  	v6 =	vld.idx.msk [tilespmem:v6+s3+$0x0], $0xffff;
	v7 =	vor.u32 v0, v7  }
0x2b: {  	v7 =	vor.u32 $0x3F, v7;
	_ =	sdelay $0x2  }
0x2c: {  	s21 =	sadd.s32 $0x10, s21  }
0x2d: {  	[tilespmem:s21+$0x0] =	vst v6  }
0x2e: {  	s23 =	simm.s32 $0x0;
	v6 =	vld.idx.msk [tilespmem:v7+s3+$0x0], $0xffff  }
0x2f: {  	v7 =	vmov s23  }
0x30: {  	v7 =	vshll.u32 v7, $0x6  }
0x31: {  	v7 =	vor.u32 v0, v7  }
0x32: {  	s21 =	sadd.s32 $0x10, s21;
	v7 =	vor.u32 $0x3F, v7  }
0x33: {  	[tilespmem:s21+$0x0] =	vst v6  }
0x34: {  	s25 =	simm.s32 $0x10;
	_ =	swait.ge [sflag:s16], $0x8000  }
0x35: {  	v6 =	vmov s25;
	[sflag:s16] =	ssyncset.done $0x0  }
0x36: {  	v6 =	vshll.u32 v6, $0x6;
	[sflag:s16] =	ssyncadd.s32 $0xFFFF8000  }
0x37: {  	v6 =	vor.u32 v0, v6;
	v8 =	vld.idx.msk [tilespmem:v7+s12+$0x0], $0xffff  }
0x38: {  	v6 =	vor.u32 $0x3F, v6;
	_ =	sdelay $0x2  }
0x39: {  	s28 =	simm.s32 $0x20;
	s21 =	simm.s32 $0x10200  }
0x3a: {  	s23 =	simm.s32 $0x30;
	v7 =	vmov s28;
	[tilespmem:s21+$0x0] =	vst v8  }
.LBB2_4:
0x3b: {  	p0 =	sne.s32 s23, $0x1F0;
	v7 =	vshll.u32 v7, $0x6;
	v8 =	vld.idx.msk [tilespmem:v6+s12+$0x0], $0xffff  }
0x3c: {  	v6 =	vor.u32 v0, v7  }
.Ltmp1:
0x3d: {  	v6 =	vor.u32 $0x3F, v6;
	(pc) =	sbr.rel @p0 .LBB2_4-.Ltmp1, $3  }
0x3e: {  	_ =	sdelay $0x1  }
0x3f: {  	s21 =	sadd.s32 $0x10, s21  }
0x40: {  	v7 =	vmov s23;
	s23 =	sadd.s32 $0x10, s23;
	[tilespmem:s21+$0x0] =	vst v8  }
0x41: {  	_ =	sdelay $0x2  }
0x42: {  	v7 =	vshll.u32 v7, $0x6  }
0x43: {  	v6 =	vld.idx.msk [tilespmem:v6+s12+$0x0], $0xffff;
	v7 =	vor.u32 v0, v7  }
0x44: {  	v7 =	vor.u32 $0x3F, v7;
	_ =	sdelay $0x2  }
0x45: {  	s21 =	sadd.s32 $0x10, s21  }
0x46: {  	[tilespmem:s21+$0x0] =	vst v6  }
0x47: {  	v6 =	vld.idx.msk [tilespmem:v7+s12+$0x0], $0xffff;
	_ =	sdelay $0x3  }
0x48: {  	s21 =	sadd.s32 $0x10, s21  }
0x49: {  	[tilespmem:s21+$0x0] =	vst v6  }
0x4a: {  	[spmem:s9] =	stream.linear.scatter [tilespmem:s17], [sflag:$0x3], $0x400, $0x38;
	[tilespmem:$0x1EF80] =	vst v63  }
0x4b: {  	_ =	swait.ge [sflag:s14], $0x400  }
0x4c: {  	[sflag:s14] =	ssyncset.done $0x0  }
0x4d: {  	[sflag:s14] =	ssyncadd.s32 $0xFFFFFC00  }
0x4e: {  	[bflag:$0x0] =	sbarrier.arrive $0xFFFF  }
0x4f: {  	s28 =	rddreg [dreg:$0x2]  }
0x50: {  	[tilespmem:s18], [sflag:$0x3] =	stream.linear.gather [spmem:s28], $0x4000, $0x38;
	[tilespmem:$0x1EF80] =	vst v63  }
0x51: {  	_ =	swait.ge [sflag:s14], $0x4000  }
0x52: {  	[sflag:s14] =	ssyncset.done $0x0  }
0x53: {  	s21 =	simm.s32 $0x0;
	[sflag:s14] =	ssyncadd.s32 $0xFFFFC000  }
.LBB2_6:
0x54: {  	s23 =	sshra.s32 s21, $0x2;
	v7 =	vld.idx.msk [tilespmem:v1+s18+$0x0], $0xffff  }
0x55: {  	v6 =	vld [tilespmem:s23+$0x1E800];
	_ =	sdelay $0x4  }
0x56: {  	vm0 =	vlt.f32 v7, v6  }
0x57: {  	v7 =	vsel vm0, $0x2FFF, v3;
	_ =	sdelay $0x4  }
0x58: {  	v8 =	vld.idx.msk [tilespmem:v7+s18+$0x0], $0xffff;
	_ =	sdelay $0x4  }
0x59: {  	v9 =	vsel vm0, $0x3FFF, v1;
	vm1 =	vlt.f32 v8, v6  }
0x5a: {  	v41 =	vsel vm0, $0x2000, v2;
	v10 =	vadd.s32 $0x1, v7;
	v7 =	vsel vm1, v9, v7  }
0x5b: {  	v8 =	vsel vm1, v10, v41;
	v9 =	vadd.s32 $0xFFFFFFFF, v7  }
0x5c: {  	v9 =	vadd.s32 v9, v8  }
0x5d: {  	v9 =	vshrl.u32 v9, $0x1;
	_ =	sdelay $0x4  }
0x5e: {  	v42 =	vld.idx.msk [tilespmem:v9+s18+$0x0], $0xffff;
	_ =	sdelay $0x4  }
0x5f: {  	vm4 =	vlt.f32 v42, v6  }
0x60: {  	v43 =	vadd.s32 $0x1, v9;
	v7 =	vsel vm4, v7, v9  }
0x61: {  	v8 =	vsel vm4, v43, v8;
	v9 =	vadd.s32 $0xFFFFFFFF, v7  }
0x62: {  	v10 =	vxor.u32 v9, v8  }
0x63: {  	v9 =	vor.u32 v9, v8;
	v10 =	vshrl.u32 v10, $0x1  }
0x64: {  	v9 =	vsub.s32 v9, v10;
	_ =	sdelay $0x4  }
0x65: {  	v10 =	vld.idx.msk [tilespmem:v9+s18+$0x0], $0xffff;
	_ =	sdelay $0x4  }
0x66: {  	v44 =	vadd.s32 $0x1, v9;
	vm5 =	vlt.f32 v10, v6  }
0x67: {  	v8 =	vsel vm5, v44, v8;
	v7 =	vsel vm5, v7, v9  }
0x68: {  	v9 =	vadd.s32 v7, v8  }
0x69: {  	v9 =	vshrl.u32 v9, $0x1;
	_ =	sdelay $0x4  }
0x6a: {  	v45 =	vld.idx.msk [tilespmem:v9+s18+$0x0], $0xffff;
	_ =	sdelay $0x4  }
0x6b: {  	v46 =	vadd.s32 $0x1, v9;
	vm6 =	vlt.f32 v45, v6  }
0x6c: {  	v8 =	vsel vm6, v46, v8;
	v7 =	vsel vm6, v7, v9  }
0x6d: {  	v9 =	vadd.s32 v7, v8  }
0x6e: {  	v9 =	vshrl.u32 v9, $0x1;
	_ =	sdelay $0x4  }
0x6f: {  	v47 =	vld.idx.msk [tilespmem:v9+s18+$0x0], $0xffff;
	_ =	sdelay $0x4  }
0x70: {  	v48 =	vadd.s32 $0x1, v9;
	vm7 =	vlt.f32 v47, v6  }
0x71: {  	v8 =	vsel vm7, v48, v8;
	v7 =	vsel vm7, v7, v9  }
0x72: {  	v9 =	vadd.s32 v7, v8  }
0x73: {  	v9 =	vshrl.u32 v9, $0x1;
	_ =	sdelay $0x4  }
0x74: {  	v49 =	vld.idx.msk [tilespmem:v9+s18+$0x0], $0xffff;
	_ =	sdelay $0x4  }
0x75: {  	v50 =	vadd.s32 $0x1, v9;
	vm8 =	vlt.f32 v49, v6  }
0x76: {  	v8 =	vsel vm8, v50, v8;
	v7 =	vsel vm8, v7, v9  }
0x77: {  	v9 =	vadd.s32 v7, v8  }
0x78: {  	v9 =	vshrl.u32 v9, $0x1;
	_ =	sdelay $0x4  }
0x79: {  	v51 =	vld.idx.msk [tilespmem:v9+s18+$0x0], $0xffff;
	_ =	sdelay $0x4  }
0x7a: {  	v52 =	vadd.s32 $0x1, v9;
	vm9 =	vlt.f32 v51, v6  }
0x7b: {  	v8 =	vsel vm9, v52, v8;
	v7 =	vsel vm9, v7, v9  }
0x7c: {  	v9 =	vadd.s32 v7, v8  }
0x7d: {  	v9 =	vshrl.u32 v9, $0x1;
	_ =	sdelay $0x4  }
0x7e: {  	v53 =	vld.idx.msk [tilespmem:v9+s18+$0x0], $0xffff;
	_ =	sdelay $0x4  }
0x7f: {  	v54 =	vadd.s32 $0x1, v9;
	vm10 =	vlt.f32 v53, v6  }
0x80: {  	v8 =	vsel vm10, v54, v8;
	v7 =	vsel vm10, v7, v9  }
0x81: {  	v9 =	vadd.s32 v7, v8  }
0x82: {  	v9 =	vshrl.u32 v9, $0x1;
	_ =	sdelay $0x4  }
0x83: {  	v55 =	vld.idx.msk [tilespmem:v9+s18+$0x0], $0xffff;
	_ =	sdelay $0x4  }
0x84: {  	v56 =	vadd.s32 $0x1, v9;
	vm11 =	vlt.f32 v55, v6  }
0x85: {  	v8 =	vsel vm11, v56, v8;
	v7 =	vsel vm11, v7, v9  }
0x86: {  	v9 =	vadd.s32 v7, v8  }
0x87: {  	v9 =	vshrl.u32 v9, $0x1;
	_ =	sdelay $0x4  }
0x88: {  	v57 =	vld.idx.msk [tilespmem:v9+s18+$0x0], $0xffff;
	_ =	sdelay $0x4  }
0x89: {  	v58 =	vadd.s32 $0x1, v9;
	vm12 =	vlt.f32 v57, v6  }
0x8a: {  	v8 =	vsel vm12, v58, v8;
	v7 =	vsel vm12, v7, v9  }
0x8b: {  	v9 =	vadd.s32 v7, v8  }
0x8c: {  	v9 =	vshrl.u32 v9, $0x1;
	_ =	sdelay $0x4  }
0x8d: {  	v59 =	vld.idx.msk [tilespmem:v9+s18+$0x0], $0xffff;
	_ =	sdelay $0x4  }
0x8e: {  	v60 =	vadd.s32 $0x1, v9;
	vm13 =	vlt.f32 v59, v6  }
0x8f: {  	v8 =	vsel vm13, v60, v8;
	v7 =	vsel vm13, v7, v9  }
0x90: {  	v9 =	vadd.s32 v7, v8  }
0x91: {  	v9 =	vshrl.u32 v9, $0x1;
	_ =	sdelay $0x4  }
0x92: {  	v61 =	vld.idx.msk [tilespmem:v9+s18+$0x0], $0xffff;
	_ =	sdelay $0x4  }
0x93: {  	v62 =	vadd.s32 $0x1, v9;
	vm14 =	vlt.f32 v61, v6  }
0x94: {  	v8 =	vsel vm14, v62, v8;
	v7 =	vsel vm14, v7, v9  }
0x95: {  	v7 =	vadd.s32 v7, v8  }
0x96: {  	v7 =	vshrl.u32 v7, $0x1;
	_ =	sdelay $0x4  }
0x97: {  	v63 =	vld.idx.msk [tilespmem:v7+s18+$0x0], $0xffff;
	_ =	sdelay $0x1  }
0x98: {  	p0 =	sne.s32 s21, $0x9C0  }
.Ltmp2:
0x99: {  	_ = 	snop;
	(pc) =	sbr.rel @p0 .LBB2_6-.Ltmp2, $4  }
0x9a: {  	_ = 	snop  }
0x9b: {  	vm15 =	vlt.f32 v63, v6;
	v6 =	vadd.s32 $0x1, v7  }
0x9c: {  	v6 =	vsel vm15, v6, v8  }
0x9d: {  	s21 =	sadd.s32 $0x40, s21;
	[tilespmem:s23+$0x1EA80] =	vst v6  }
0x9e: {  	s21 =	simm.s32 $0x1EA80  }
0x9f: {  	[tilespmem:s20], [sflag:$0x1] =	stream.indirect.gather [hbm4b:s4+s19], $0x40, s21, s19, $0xb8;
	[tilespmem:$0x1EF80] =	vst v63  }
0xa0: {  	s23 =	simm.s32 $0x1EB00  }
0xa1: {  	[tilespmem:s22], [sflag:$0x1] =	stream.indirect.gather [hbm4b:s4+s19], $0x40, s23, s19, $0xb8;
	[tilespmem:$0x1EF80] =	vst v63  }
0xa2: {  	s25 =	simm.s32 $0x1EB80  }
0xa3: {  	[tilespmem:s24], [sflag:$0x1] =	stream.indirect.gather [hbm4b:s4+s19], $0x40, s25, s19, $0xb8;
	[tilespmem:$0x1EF80] =	vst v63  }
0xa4: {  	s25 =	simm.s32 $0x1EC00  }
0xa5: {  	[tilespmem:s26], [sflag:$0x1] =	stream.indirect.gather [hbm4b:s4+s19], $0x40, s25, s19, $0xb8;
	[tilespmem:$0x1EF80] =	vst v63  }
0xa6: {  	s25 =	simm.s32 $0x1EC80  }
0xa7: {  	[tilespmem:s29], [sflag:$0x1] =	stream.indirect.gather [hbm4b:s4+s19], $0x40, s25, s19, $0xb8;
	[tilespmem:$0x1EF80] =	vst v63  }
0xa8: {  	_ =	swait.ge [sflag:s15], $0x2000  }
0xa9: {  	[sflag:s15] =	ssyncset.done $0x0  }
0xaa: {  	[sflag:s15] =	ssyncadd.s32 $0xFFFFE000  }
0xab: {  	_ =	swait.ge [sflag:s15], $0x2000  }
0xac: {  	[sflag:s15] =	ssyncset.done $0x0  }
0xad: {  	[sflag:s15] =	ssyncadd.s32 $0xFFFFE000  }
0xae: {  	_ =	swait.ge [sflag:s15], $0x2000  }
0xaf: {  	[sflag:s15] =	ssyncset.done $0x0  }
0xb0: {  	[sflag:s15] =	ssyncadd.s32 $0xFFFFE000  }
0xb1: {  	_ =	swait.ge [sflag:s15], $0x2000  }
0xb2: {  	[sflag:s15] =	ssyncset.done $0x0  }
0xb3: {  	[sflag:s15] =	ssyncadd.s32 $0xFFFFE000  }
0xb4: {  	_ =	swait.ge [sflag:s15], $0x2000  }
0xb5: {  	s28 =	simm.s32 $0x1ED00;
	[sflag:s15] =	ssyncset.done $0x0  }
0xb6: {  	s23 =	simm.s32 $0x0;
	s25 =	simm.s32 $0x1E800;
	[sflag:s15] =	ssyncadd.s32 $0xFFFFE000  }
.LBB2_8:
0xb7: {  	v6 =	vmov s23  }
0xb8: {  	v6 =	vshll.u32 v6, $0x6  }
0xb9: {  	v6 =	vor.u32 v0, v6  }
0xba: {  	v7 =	vor.u32 $0x1F, v6;
	_ =	sdelay $0x3  }
0xbb: {  	v8 =	vld [tilespmem:s25+$0x0]  }
0xbc: {  	v7 =	vld.idx.msk [tilespmem:v7+s20+$0x0], $0xffff;
	_ =	sdelay $0x4  }
0xbd: {  	vm0 =	vlt.f32 v7, v8  }
0xbe: {  	v7 =	vsel vm0, $0x2F, v5  }
0xbf: {  	v9 =	vor.u32 v6, v7;
	_ =	sdelay $0x4  }
0xc0: {  	v9 =	vld.idx.msk [tilespmem:v9+s20+$0x0], $0xffff;
	_ =	sdelay $0x4  }
0xc1: {  	v10 =	vsel vm0, $0x3F, v4;
	vm1 =	vlt.f32 v9, v8  }
0xc2: {  	v54 =	vsel vm0, $0x20, v2;
	v11 =	vadd.s32 $0x1, v7;
	v7 =	vsel vm1, v10, v7  }
0xc3: {  	v9 =	vsel vm1, v11, v54;
	v10 =	vadd.s32 $0xFFFFFFFF, v7  }
0xc4: {  	v10 =	vadd.s32 v10, v9  }
0xc5: {  	v10 =	vshrl.u32 v10, $0x1  }
0xc6: {  	v55 =	vand.u32 $0x38, v10  }
0xc7: {  	v11 =	vor.u32 v55, v6  }
0xc8: {  	v11 =	vor.u32 $0x7, v11;
	_ =	sdelay $0x4  }
0xc9: {  	v11 =	vld.idx.msk [tilespmem:v11+s20+$0x0], $0xffff;
	_ =	sdelay $0x4  }
0xca: {  	vm11 =	vlt.f32 v11, v8  }
0xcb: {  	v56 =	vadd.s32 $0x1, v10;
	v7 =	vsel vm11, v7, v10  }
0xcc: {  	v9 =	vsel vm11, v56, v9;
	v10 =	vadd.s32 $0xFFFFFFFF, v7  }
0xcd: {  	v11 =	vxor.u32 v10, v9  }
0xce: {  	v10 =	vor.u32 v10, v9;
	v11 =	vshrl.u32 v11, $0x1  }
0xcf: {  	v10 =	vsub.s32 v10, v11  }
0xd0: {  	v11 =	vand.u32 $0x7FFFFFF8, v10  }
0xd1: {  	v12 =	vand.u32 $0x7, v10;
	v11 =	vadd.s32 v6, v11  }
0xd2: {  	v11 =	vor.u32 v12, v11;
	_ =	sdelay $0x4  }
0xd3: {  	v11 =	vld.idx.msk [tilespmem:v11+s20+$0x0], $0xffff;
	_ =	sdelay $0x4  }
0xd4: {  	v57 =	vadd.s32 $0x1, v10;
	vm12 =	vlt.f32 v11, v8  }
0xd5: {  	v9 =	vsel vm12, v57, v9;
	v7 =	vsel vm12, v7, v10  }
0xd6: {  	v10 =	vadd.s32 v7, v9  }
0xd7: {  	v10 =	vshrl.u32 v10, $0x1  }
0xd8: {  	v58 =	vand.u32 $0x7FFFFFF8, v10  }
0xd9: {  	v59 =	vand.u32 $0x7, v10;
	v11 =	vadd.s32 v6, v58  }
0xda: {  	v11 =	vor.u32 v59, v11;
	_ =	sdelay $0x4  }
0xdb: {  	v11 =	vld.idx.msk [tilespmem:v11+s20+$0x0], $0xffff;
	_ =	sdelay $0x4  }
0xdc: {  	v60 =	vadd.s32 $0x1, v10;
	vm13 =	vlt.f32 v11, v8  }
0xdd: {  	v9 =	vsel vm13, v60, v9;
	v7 =	vsel vm13, v7, v10  }
0xde: {  	v7 =	vadd.s32 v7, v9  }
0xdf: {  	v7 =	vshrl.u32 v7, $0x1  }
0xe0: {  	v61 =	vand.u32 $0x7FFFFFF8, v7  }
0xe1: {  	v62 =	vand.u32 $0x7, v7;
	v6 =	vadd.s32 v6, v61  }
0xe2: {  	v6 =	vor.u32 v62, v6;
	_ =	sdelay $0x4  }
0xe3: {  	v6 =	vld.idx.msk [tilespmem:v6+s20+$0x0], $0xffff  }
0xe4: {  	v63 =	vld [tilespmem:s21+$0x0];
	_ =	sdelay $0x3  }
0xe5: {  	p0 =	sne.s32 s23, $0x270;
	vm14 =	vlt.f32 v6, v8;
	v6 =	vadd.s32 $0x1, v7  }
.Ltmp3:
0xe6: {  	v7 =	vshll.u32 v63, $0x6;
	v6 =	vsel vm14, v6, v9;
	(pc) =	sbr.rel @p0 .LBB2_8-.Ltmp3, $4  }
0xe7: {  	v6 =	vadd.s32 v7, v6  }
0xe8: {  	vm15 =	vlt.s32 v6, $0xF423F  }
0xe9: {  	s25 =	sadd.s32 $0x10, s25;
	v6 =	vnsel vm15, $0xF423F, v6  }
0xea: {  	s21 =	sadd.s32 $0x10, s21;
	s23 =	sadd.s32 $0x10, s23;
	[tilespmem:s28+$0x0] =	vst v6;
	s28 =	sadd.s32 $0x10, s28  }
0xeb: {  	[tilespmem:s20], [sflag:$0x2] =	stream.indirect.gather [hbm4b:s5+s19], $0x40, s30, s19, $0xb8;
	[tilespmem:$0x1EF80] =	vst v63  }
0xec: {  	_ = 	snop  }
0xed: {  	[tilespmem:s22], [sflag:$0x2] =	stream.indirect.gather [hbm4b:s5+s19], $0x40, s31, s19, $0xb8;
	[tilespmem:$0x1EF80] =	vst v63  }
0xee: {  	_ = 	snop  }
0xef: {  	[tilespmem:s24], [sflag:$0x2] =	stream.indirect.gather [hbm4b:s5+s19], $0x40, s0, s19, $0xb8;
	[tilespmem:$0x1EF80] =	vst v63  }
0xf0: {  	_ = 	snop  }
0xf1: {  	[tilespmem:s26], [sflag:$0x2] =	stream.indirect.gather [hbm4b:s5+s19], $0x40, s2, s19, $0xb8;
	[tilespmem:$0x1EF80] =	vst v63  }
0xf2: {  	_ = 	snop  }
0xf3: {  	[tilespmem:s29], [sflag:$0x2] =	stream.indirect.gather [hbm4b:s5+s19], $0x40, s1, s19, $0xb8;
	[tilespmem:$0x1EF80] =	vst v63  }
0xf4: {  	_ =	swait.ge [sflag:s16], $0x2000  }
0xf5: {  	[sflag:s16] =	ssyncset.done $0x0  }
0xf6: {  	[sflag:s16] =	ssyncadd.s32 $0xFFFFE000  }
0xf7: {  	_ =	swait.ge [sflag:s16], $0x2000  }
0xf8: {  	[sflag:s16] =	ssyncset.done $0x0  }
0xf9: {  	[sflag:s16] =	ssyncadd.s32 $0xFFFFE000  }
0xfa: {  	_ =	swait.ge [sflag:s16], $0x2000  }
0xfb: {  	[sflag:s16] =	ssyncset.done $0x0  }
0xfc: {  	[sflag:s16] =	ssyncadd.s32 $0xFFFFE000  }
0xfd: {  	_ =	swait.ge [sflag:s16], $0x2000  }
0xfe: {  	[sflag:s16] =	ssyncset.done $0x0  }
0xff: {  	[sflag:s16] =	ssyncadd.s32 $0xFFFFE000  }
0x100: {  	_ =	swait.ge [sflag:s16], $0x2000  }
0x101: {  	[sflag:s16] =	ssyncset.done $0x0  }
0x102: {  	s21 =	simm.s32 $0x0;
	[sflag:s16] =	ssyncadd.s32 $0xFFFFE000  }
0x103: {  	v6 =	vld [tilespmem:s21+$0x14800]  }
0x104: {  	v8 =	vld [tilespmem:s21+$0x14810]  }
0x105: {  	s23 =	simm.s32 $0x100;
	v7 =	vld [tilespmem:s21+$0x14820]  }
.LBB2_10:
0x106: {  	p0 =	sne.s32 s23, $0x27F00;
	v9 =	vld [tilespmem:s21+$0x14830];
	_ =	sdelay $0x1  }
0x107: {  	v6 =	vsub.f32 $0.0e+00, v6  }
.Ltmp4:
0x108: {  	v8 =	vsub.f32 $0.0e+00, v8;
	(pc) =	sbr.rel @p0 .LBB2_10-.Ltmp4, $4  }
0x109: {  	s25 =	sshra.s32 s23, $0x2;
	[tilespmem:s21+$0x14800] =	vst v6;
	v7 =	vsub.f32 $0.0e+00, v7  }
0x10a: {  	v6 =	vld [tilespmem:s25+$0x14800];
	[tilespmem:s21+$0x14810] =	vst v8;
	v9 =	vsub.f32 $0.0e+00, v9  }
0x10b: {  	v8 =	vld [tilespmem:s25+$0x14810];
	[tilespmem:s21+$0x14820] =	vst v7  }
0x10c: {  	s23 =	sadd.s32 $0x100, s23;
	v7 =	vld [tilespmem:s25+$0x14820];
	[tilespmem:s21+$0x14830] =	vst v9;
	s21 =	smov.u32 s25  }
0x10d: {  	v9 =	vld [tilespmem:s21+$0x14830];
	_ =	sdelay $0x1  }
0x10e: {  	v6 =	vsub.f32 $0.0e+00, v6  }
0x10f: {  	v8 =	vsub.f32 $0.0e+00, v8  }
0x110: {  	[tilespmem:s21+$0x14800] =	vst v6;
	v6 =	vsub.f32 $0.0e+00, v7  }
0x111: {  	s13 =	sadd.s32 $0x1, s13;
	[tilespmem:s21+$0x14810] =	vst v8;
	v7 =	vsub.f32 $0.0e+00, v9  }
0x112: {  	p0 =	sne.s32 s13, s11;
	[tilespmem:s21+$0x14820] =	vst v6  }
.Ltmp5:
0x113: {  	[tilespmem:s21+$0x14830] =	vst v7;
	(pc) =	sbr.rel @p0 .LBB2_1-.Ltmp5, $4  }
0x114: {  	[hbm4b:s10+s3] =	stream.linear.scatter [tilespmem:s20], [sflag:$0x3], $0xA000, $0x38;
	[tilespmem:$0x1EF80] =	vst v63  }
0x115: {  	_ =	swait.ge [sflag:s14], $0xA000  }
0x116: {  	[sflag:s14] =	ssyncset.done $0x0  }
0x117: {  	[sflag:s14] =	ssyncadd.s32 $0xFFFF6000  }
0x118: {  	_ =	sfence.sel $0x180000  }
0x119: {  	[bflag:$0x0] =	sbarrier.arrive $0xFFFF  }
0x11a: {  	_ =	strace $0x90000047  }
0x11b: {  	s0 =	stileid.u32;
	[bflag:$0x2] =	sbarrier.arrive $0xFFFF  }
0x11c: {  	p0 =	sne.s32 s0, $0x0;
	s0 =	rddreg [dreg:$0x3]  }
0x11d: {  	s0 =	sadd.s32 @!p0 $0x100000, s0  }
0x11e: {  	[sflag:s0] =	ssyncadd.tile.s32 @!p0 $0x1;
	_ =	shalt  }
.Lfunc_end2:
_tile_overlayer_lowered:
.L_overlay_start_2:
0x11f: {  	(tag) =	ssettag $0x2  }
0x120: {  	s0 =	rddreg [dreg:$0x0];
	s2 =	stileid.u32  }
0x121: {  	s1 =	rddreg [dreg:$0x1];
	p0 =	sne.s32 s2, $0x0  }
0x122: {  	s3 =	rddreg [dreg:$0x2];
	[bflag:$0x3] =	sbarrier.arrive $0xFFFF;
	s2 =	simm.s32 @!p0 $0x1C03  }
0x123: {  	[timem:s3], [sflag:s2] =	dma.local @!p0 [hbm:s0], s1  }
0x124: {  	s0 =	simm.s32 @!p0 $0x3  }
0x125: {  	_ =	swait.ge @!p0 [sflag:s0], s1  }
0x126: {  	s1 =	ssub.s32 @!p0 $0x0, s1;
	[sflag:s0] =	ssyncset.done @!p0 $0x0  }
0x127: {  	[sflag:s0] =	ssyncadd.s32 @!p0 s1  }
0x128: {  	[bflag:$0x3] =	sbarrier.arrive $0xFFFF  }
0x129: {  	_ =	shalt  }

</sc_bundles>
